<compile_context>
chip_gen: v7x
topology: tpu7x:2x2x1
jax: 0.10.2.dev20260603
libtpu: 0.0.44.dev20260713+nightly
codegen_flags: <defaults>
</compile_context>

<pallas_src>
import jax
import jax.numpy as jnp
from jax import lax
from jax.experimental import pallas as pl
from jax.experimental.pallas import tpu as pltpu
from jax.experimental.pallas import tpu_sc as plsc

N = 10000
D = 128
E = 320000

NCORES = 2
NSUB = 16
NW = NCORES * NSUB

NPAD = 10240
ROWS_PER_TILE = NPAD // NSUB
EPW = E // NW
EB = 64
NBC = 40
NCHUNK = 4
NB = NBC * NCHUNK
EPW_PAD = NB * EB
BN = 512
GRID = NPAD // BN

_f32 = jnp.float32



def _project_body(h_ref, w_ref, out_ref):
    out_ref[...] = lax.dot_general(
        h_ref[...], w_ref[...], (((0,), (0,)), ((), ())),
        preferred_element_type=_f32)


def _project(h, w):
    return pl.pallas_call(
        _project_body,
        grid=(GRID,),
        in_specs=[
            pl.BlockSpec((D, BN), lambda i: (0, i)),
            pl.BlockSpec((D, D), lambda i: (0, 0)),
        ],
        out_specs=pl.BlockSpec((BN, D), lambda i: (i, 0)),
        out_shape=jax.ShapeDtypeStruct((NPAD, D), _f32),
    )(h, w)


def _combine1_body(h_ref, agg_ref, deg_ref, w_self_ref, b_ref, w_next_ref,
                   x1_ref, y2_ref, dinv_ref):
    xb = lax.dot_general(h_ref[...], w_self_ref[...], (((0,), (0,)), ((), ())),
                         preferred_element_type=_f32)
    aggb = agg_ref[0] + agg_ref[1]
    deg = deg_ref[0, :, 0] + deg_ref[1, :, 0]
    dinv = 1.0 / jnp.maximum(deg, 1.0)
    x1 = jnp.maximum(xb + aggb * dinv[:, None] + b_ref[0][None, :], 0.0)
    x1_ref[...] = x1
    y2_ref[...] = jnp.dot(x1, w_next_ref[...], preferred_element_type=_f32)
    dinv_ref[...] = dinv[None, :]


def _combine1(h, agg, deg, w_self, b, w_next):
    return pl.pallas_call(
        _combine1_body,
        grid=(GRID,),
        in_specs=[
            pl.BlockSpec((D, BN), lambda i: (0, i)),
            pl.BlockSpec((NCORES, BN, D), lambda i: (0, i, 0)),
            pl.BlockSpec((NCORES, BN, D), lambda i: (0, i, 0)),
            pl.BlockSpec((D, D), lambda i: (0, 0)),
            pl.BlockSpec((1, D), lambda i: (0, 0)),
            pl.BlockSpec((D, D), lambda i: (0, 0)),
        ],
        out_specs=[
            pl.BlockSpec((BN, D), lambda i: (i, 0)),
            pl.BlockSpec((BN, D), lambda i: (i, 0)),
            pl.BlockSpec((1, BN), lambda i: (0, i)),
        ],
        out_shape=[
            jax.ShapeDtypeStruct((NPAD, D), _f32),
            jax.ShapeDtypeStruct((NPAD, D), _f32),
            jax.ShapeDtypeStruct((1, NPAD), _f32),
        ],
    )(h, agg, deg, w_self, b, w_next)


def _combine2_body(x1_ref, agg_ref, dinv_ref, w_self_ref, b_ref, x2t_ref):
    xb = jnp.dot(x1_ref[...], w_self_ref[...], preferred_element_type=_f32)
    aggb = agg_ref[0] + agg_ref[1]
    dinv = dinv_ref[0]
    x2 = xb + aggb * dinv[:, None] + b_ref[0][None, :]
    x2t_ref[...] = x2.T


def _combine2(x1, agg, dinv, w_self, b):
    return pl.pallas_call(
        _combine2_body,
        grid=(GRID,),
        in_specs=[
            pl.BlockSpec((BN, D), lambda i: (i, 0)),
            pl.BlockSpec((NCORES, BN, D), lambda i: (0, i, 0)),
            pl.BlockSpec((1, BN), lambda i: (0, i)),
            pl.BlockSpec((D, D), lambda i: (0, 0)),
            pl.BlockSpec((1, D), lambda i: (0, 0)),
        ],
        out_specs=pl.BlockSpec((D, BN), lambda i: (0, i)),
        out_shape=jax.ShapeDtypeStruct((D, NPAD), _f32),
    )(x1, agg, dinv, w_self, b)



_sc_mesh = plsc.VectorSubcoreMesh(core_axis_name="c", subcore_axis_name="s",
                                  num_cores=NCORES, num_subcores=NSUB)


def _fill_rows(rows_v, nrows, value16):
    def frow(r, _):
        for j in range(D // 16):
            rows_v[r, pl.ds(j * 16, 16)] = value16
        return 0

    lax.fori_loop(0, nrows, frow, 0)


def _make_sc_scatter(with_deg):
    scratch = [
        pltpu.VMEM_SHARED((NPAD, D), _f32),
        pltpu.VMEM((NBC, EB), jnp.int32),
        pltpu.VMEM((NBC, EB), jnp.int32),
        pltpu.VMEM((EB, D), _f32),
        pltpu.VMEM((EB, D), _f32),
        pltpu.VMEM((EB, D), _f32),
        pltpu.VMEM((EB, D), _f32),
        pltpu.SemaphoreType.DMA,
        pltpu.SemaphoreType.DMA,
        pltpu.SemaphoreType.DMA,
        pltpu.SemaphoreType.DMA,
    ]

    def body(*refs):
        if with_deg:
            (y_hbm, src_hbm, dst_hbm, agg_hbm, deg_hbm, acc_sh, src_v, dst_v,
             rows0, rows1, rows2, rows3, sem0, sem1, sem2, sem3) = refs
        else:
            deg_hbm = None
            (y_hbm, src_hbm, dst_hbm, agg_hbm, acc_sh, src_v, dst_v,
             rows0, rows1, rows2, rows3, sem0, sem1, sem2, sem3) = refs
        c = lax.axis_index("c")
        s = lax.axis_index("s")
        w = c * NSUB + s
        base = s * ROWS_PER_TILE

        _fill_rows(rows0, EB, jnp.zeros((16,), _f32))
        for j in range(ROWS_PER_TILE // EB):
            pltpu.sync_copy(rows0, acc_sh.at[pl.ds(base + j * EB, EB)])

        plsc.subcore_barrier()

        def gstart(i, buf, sem):
            pltpu.async_copy(y_hbm.at[src_v.at[i]], buf, sem)

        def gwait(buf, sem):
            pltpu.make_async_copy(y_hbm.at[src_v.at[0]], buf, sem).wait()

        def scat(i, buf):
            pltpu.sync_copy(buf, acc_sh.at[dst_v.at[i]], add=True)

        def chunk(k, _):
            pltpu.sync_copy(src_hbm.at[w, pl.ds(k * NBC, NBC)], src_v)
            pltpu.sync_copy(dst_hbm.at[w, pl.ds(k * NBC, NBC)], dst_v)

            gstart(0, rows0, sem0)
            gstart(1, rows1, sem1)
            gstart(2, rows2, sem2)

            def quad(t, _):
                i = t * 4
                gstart(i + 3, rows3, sem3)
                gwait(rows0, sem0)
                scat(i, rows0)
                gstart(i + 4, rows0, sem0)
                gwait(rows1, sem1)
                scat(i + 1, rows1)
                gstart(i + 5, rows1, sem1)
                gwait(rows2, sem2)
                scat(i + 2, rows2)
                gstart(i + 6, rows2, sem2)
                gwait(rows3, sem3)
                scat(i + 3, rows3)
                return 0

            lax.fori_loop(0, (NBC - 8) // 4, quad, 0)

            i = NBC - 8
            gstart(i + 3, rows3, sem3)
            gwait(rows0, sem0)
            scat(i, rows0)
            gstart(i + 4, rows0, sem0)
            gwait(rows1, sem1)
            scat(i + 1, rows1)
            gstart(i + 5, rows1, sem1)
            gwait(rows2, sem2)
            scat(i + 2, rows2)
            gstart(i + 6, rows2, sem2)
            gwait(rows3, sem3)
            scat(i + 3, rows3)
            gstart(i + 7, rows3, sem3)
            gwait(rows0, sem0)
            scat(i + 4, rows0)
            gwait(rows1, sem1)
            scat(i + 5, rows1)
            gwait(rows2, sem2)
            scat(i + 6, rows2)
            gwait(rows3, sem3)
            scat(i + 7, rows3)
            return 0

        lax.fori_loop(0, NCHUNK, chunk, 0)

        plsc.subcore_barrier()

        for j in range(ROWS_PER_TILE // EB):
            o = base + j * EB
            pltpu.sync_copy(acc_sh.at[pl.ds(o, EB)], rows0)
            pltpu.sync_copy(rows0, agg_hbm.at[c, pl.ds(o, EB)])

        if with_deg:
            _fill_rows(rows0, EB, jnp.zeros((16,), _f32))
            plsc.subcore_barrier()
            for j in range(ROWS_PER_TILE // EB):
                pltpu.sync_copy(rows0, acc_sh.at[pl.ds(base + j * EB, EB)])
            _fill_rows(rows1, EB, jnp.ones((16,), _f32))

            plsc.subcore_barrier()

            def dchunk(k, _):
                pltpu.sync_copy(dst_hbm.at[w, pl.ds(k * NBC, NBC)], dst_v)

                def batch(i, _):
                    pltpu.sync_copy(rows1, acc_sh.at[dst_v.at[i]], add=True)
                    return 0

                lax.fori_loop(0, NBC, batch, 0)
                return 0

            lax.fori_loop(0, NCHUNK, dchunk, 0)

            plsc.subcore_barrier()

            for j in range(ROWS_PER_TILE // EB):
                o = base + j * EB
                pltpu.sync_copy(acc_sh.at[pl.ds(o, EB)], rows0)
                pltpu.sync_copy(rows0, deg_hbm.at[c, pl.ds(o, EB)])

    out_type = [jax.ShapeDtypeStruct((NCORES, NPAD, D), _f32)]
    if with_deg:
        out_type.append(jax.ShapeDtypeStruct((NCORES, NPAD, D), _f32))
    return pl.kernel(body, out_type=out_type, mesh=_sc_mesh,
                     scratch_types=scratch)


_sc_scatter_deg = _make_sc_scatter(with_deg=True)
_sc_scatter = _make_sc_scatter(with_deg=False)



@jax.jit
def kernel(h, edge_index, W1_self, W1_neigh, b1, W2_self, W2_neigh, b2):
    src = edge_index[0].reshape(NW, EPW)
    dst = edge_index[1].reshape(NW, EPW)
    padlen = EPW_PAD - EPW
    pad_idx = (N + (jnp.arange(padlen, dtype=jnp.int32) % 8))[None, :]
    pad_blk = jnp.broadcast_to(pad_idx, (NW, padlen))
    src_p = jnp.concatenate([src, pad_blk], axis=1).reshape(NW, NB, EB)
    dst_p = jnp.concatenate([dst, pad_blk], axis=1).reshape(NW, NB, EB)

    b1r = b1[None, :]
    b2r = b2[None, :]

    y1 = _project(h, W1_neigh)
    agg1, deg = _sc_scatter_deg(y1, src_p, dst_p)
    x1, y2, dinv = _combine1(h, agg1, deg, W1_self, b1r, W2_neigh)
    (agg2,) = _sc_scatter(y2, src_p, dst_p)
    x2t = _combine2(x1, agg2, dinv, W2_self, b2r)
    return x2t[:, :N]

# --- scband reference (transcript-rebuilt; emitter-appended) ---
"""Pipeline reference for scband-graph-sage-16776142258592 (READ-ONLY COPY).

The authoritative reference and input builder live on the scoring server;
editing this copy changes nothing except your own understanding.
"""

import jax, jax.numpy as jnp
import numpy as np

N = 10000
E = 320000
D_IN = 128
D_HID = 128
D_OUT = 128


def setup_inputs(seed: int = 0):
    key = jax.random.key(seed)
    ks = jax.random.split(key, 6)
    h = jax.random.normal(ks[0], (D_IN, N), dtype=jnp.float32)
    edge_index = jax.random.randint(ks[1], (2, E), 0, N, dtype=jnp.int32)
    s1 = 1.0 / np.sqrt(D_IN)
    s2 = 1.0 / np.sqrt(D_HID)
    W1_self = jax.random.normal(ks[2], (D_IN, D_HID), dtype=jnp.float32) * s1
    W1_neigh = jax.random.normal(ks[3], (D_IN, D_HID), dtype=jnp.float32) * s1
    b1 = jnp.zeros((D_HID,), dtype=jnp.float32)
    W2_self = jax.random.normal(ks[4], (D_HID, D_OUT), dtype=jnp.float32) * s2
    W2_neigh = jax.random.normal(ks[5], (D_HID, D_OUT), dtype=jnp.float32) * s2
    b2 = jnp.zeros((D_OUT,), dtype=jnp.float32)
    return {"h": h, "edge_index": edge_index, "W1_self": W1_self, "W1_neigh": W1_neigh,
            "b1": b1, "W2_self": W2_self, "W2_neigh": W2_neigh, "b2": b2}


def _sage_conv(X, src, dst, deg_inv, W_self, W_neigh, b):
    # mean aggregator: gather neighbor (src) features, scatter-add to dst, normalize by degree
    msg = jnp.take(X, src, axis=0)
    agg = jax.ops.segment_sum(msg, dst, num_segments=N) * deg_inv[:, None]
    return X @ W_self + agg @ W_neigh + b


def reference(h, edge_index, W1_self, W1_neigh, b1, W2_self, W2_neigh, b2):
    # GraphSAGE.forward: h is [d, N]; transpose to [N, d], run convs, transpose back
    X = h.T
    src = edge_index[0]
    dst = edge_index[1]
    deg = jax.ops.segment_sum(jnp.ones((E,), dtype=jnp.float32), dst, num_segments=N)
    deg_inv = 1.0 / jnp.maximum(deg, 1.0)
    X1 = jax.nn.relu(_sage_conv(X, src, dst, deg_inv, W1_self, W1_neigh, b1))
    # dropout p=0 -> identity; last layer no activation (l_act=None)
    X2 = _sage_conv(X1, src, dst, deg_inv, W2_self, W2_neigh, b2)
    return X2.T

if __name__ == "__main__":
    import jax
    _d = setup_inputs()
    print(jax.jit(kernel)(*tuple(_d.values())))

</pallas_src>

<mosaic_0001>
#map = affine_map<(d0, d1) -> (0, 0)>
#map1 = affine_map<(d0, d1) -> (0, 0, 0)>
module attributes {stable_mosaic.version = 14 : i64} {
  func.func @body(%arg0: i32, %arg1: i32, %arg2: memref<10240x128xf32, #tpu.memory_space<hbm>>, %arg3: memref<32x160x64xi32, #tpu.memory_space<hbm>>, %arg4: memref<32x160x64xi32, #tpu.memory_space<hbm>>, %arg5: memref<2x10240x128xf32, #tpu.memory_space<hbm>>, %arg6: memref<2x10240x128xf32, #tpu.memory_space<hbm>>, %arg7: memref<10240x128xf32, #tpu.memory_space<vmem_shared>>, %arg8: memref<40x64xi32, #tpu.memory_space<vmem>>, %arg9: memref<40x64xi32, #tpu.memory_space<vmem>>, %arg10: memref<64x128xf32, #tpu.memory_space<vmem>>, %arg11: memref<64x128xf32, #tpu.memory_space<vmem>>, %arg12: memref<64x128xf32, #tpu.memory_space<vmem>>, %arg13: memref<64x128xf32, #tpu.memory_space<vmem>>, %arg14: memref<!tpu.dma_semaphore, #tpu.memory_space<semaphore_mem>>, %arg15: memref<!tpu.dma_semaphore, #tpu.memory_space<semaphore_mem>>, %arg16: memref<!tpu.dma_semaphore, #tpu.memory_space<semaphore_mem>>, %arg17: memref<!tpu.dma_semaphore, #tpu.memory_space<semaphore_mem>>) attributes {dimension_semantics = [#tpu.dimension_semantics<core_parallel>, #tpu.dimension_semantics<subcore_parallel>], iteration_bounds = array<i64: 2, 16>, scalar_prefetch = 0 : i64, scratch_operands = 11 : i64, tpu.core_type = #tpu.core_type<sc_vector_subcore>, window_params = [{transform_indices = #map}, {transform_indices = #map1}, {transform_indices = #map1}, {transform_indices = #map1}, {transform_indices = #map1}]} {
    %mul3A = arith.constant 16 : i32
    %mul3A_0 = arith.muli %arg0, %mul3A : i32
    %add3A = arith.addi %mul3A_0, %arg1 : i32
    %mul3A_1 = arith.constant 640 : i32
    %mul3A_2 = arith.muli %arg1, %mul3A_1 : i32
    %broadcast_in_dim3A = arith.constant 0.000000e+00 : f32
    %broadcast_in_dim3A_3 = vector.broadcast %broadcast_in_dim3A : f32 to vector<16xf32>
    %scan3A = arith.constant 0 : i32
    %scan3A_4 = arith.constant 0 : i32
    %scan3A_5 = arith.constant 64 : i32
    %scan3A_6 = arith.addi %scan3A_4, %scan3A_5 : i32
    %scan3A_7 = arith.constant 1 : i32
    %scan3A_8 = scf.for %scan3A_126 = %scan3A_4 to %scan3A_6 step %scan3A_7 iter_args(%scan3A_127 = %scan3A) -> (i32)  : i32 {
      %swap3A = arith.index_cast %scan3A_126 : i32 to index
      %swap3A_128 = arith.constant 0 : index
      %swap3A_129 = tpu.vector_load %arg10[%swap3A, %swap3A_128] {strides = array<i32>} : memref<64x128xf32, #tpu.memory_space<vmem>>, vector<1x16xf32>,
      %swap3A_130 = vector.shape_cast %swap3A_129 : vector<1x16xf32> to vector<16xf32>
      %swap3A_131 = vector.shape_cast %broadcast_in_dim3A_3 : vector<16xf32> to vector<1x16xf32>
      tpu.vector_store %arg10[%swap3A, %swap3A_128], %swap3A_131 {strides = array<i32>} : memref<64x128xf32, #tpu.memory_space<vmem>>, vector<1x16xf32>,
      %swap3A_132 = arith.index_cast %scan3A_126 : i32 to index
      %swap3A_133 = arith.constant 16 : index
      %swap3A_134 = tpu.vector_load %arg10[%swap3A_132, %swap3A_133] {strides = array<i32>} : memref<64x128xf32, #tpu.memory_space<vmem>>, vector<1x16xf32>,
      %swap3A_135 = vector.shape_cast %swap3A_134 : vector<1x16xf32> to vector<16xf32>
      %swap3A_136 = vector.shape_cast %broadcast_in_dim3A_3 : vector<16xf32> to vector<1x16xf32>
      tpu.vector_store %arg10[%swap3A_132, %swap3A_133], %swap3A_136 {strides = array<i32>} : memref<64x128xf32, #tpu.memory_space<vmem>>, vector<1x16xf32>,
      %swap3A_137 = arith.index_cast %scan3A_126 : i32 to index
      %swap3A_138 = arith.constant 32 : index
      %swap3A_139 = tpu.vector_load %arg10[%swap3A_137, %swap3A_138] {strides = array<i32>} : memref<64x128xf32, #tpu.memory_space<vmem>>, vector<1x16xf32>,
      %swap3A_140 = vector.shape_cast %swap3A_139 : vector<1x16xf32> to vector<16xf32>
      %swap3A_141 = vector.shape_cast %broadcast_in_dim3A_3 : vector<16xf32> to vector<1x16xf32>
      tpu.vector_store %arg10[%swap3A_137, %swap3A_138], %swap3A_141 {strides = array<i32>} : memref<64x128xf32, #tpu.memory_space<vmem>>, vector<1x16xf32>,
      %swap3A_142 = arith.index_cast %scan3A_126 : i32 to index
      %swap3A_143 = arith.constant 48 : index
      %swap3A_144 = tpu.vector_load %arg10[%swap3A_142, %swap3A_143] {strides = array<i32>} : memref<64x128xf32, #tpu.memory_space<vmem>>, vector<1x16xf32>,
      %swap3A_145 = vector.shape_cast %swap3A_144 : vector<1x16xf32> to vector<16xf32>
      %swap3A_146 = vector.shape_cast %broadcast_in_dim3A_3 : vector<16xf32> to vector<1x16xf32>
      tpu.vector_store %arg10[%swap3A_142, %swap3A_143], %swap3A_146 {strides = array<i32>} : memref<64x128xf32, #tpu.memory_space<vmem>>, vector<1x16xf32>,
      %swap3A_147 = arith.index_cast %scan3A_126 : i32 to index
      %swap3A_148 = arith.constant 64 : index
      %swap3A_149 = tpu.vector_load %arg10[%swap3A_147, %swap3A_148] {strides = array<i32>} : memref<64x128xf32, #tpu.memory_space<vmem>>, vector<1x16xf32>,
      %swap3A_150 = vector.shape_cast %swap3A_149 : vector<1x16xf32> to vector<16xf32>
      %swap3A_151 = vector.shape_cast %broadcast_in_dim3A_3 : vector<16xf32> to vector<1x16xf32>
      tpu.vector_store %arg10[%swap3A_147, %swap3A_148], %swap3A_151 {strides = array<i32>} : memref<64x128xf32, #tpu.memory_space<vmem>>, vector<1x16xf32>,
      %swap3A_152 = arith.index_cast %scan3A_126 : i32 to index
      %swap3A_153 = arith.constant 80 : index
      %swap3A_154 = tpu.vector_load %arg10[%swap3A_152, %swap3A_153] {strides = array<i32>} : memref<64x128xf32, #tpu.memory_space<vmem>>, vector<1x16xf32>,
      %swap3A_155 = vector.shape_cast %swap3A_154 : vector<1x16xf32> to vector<16xf32>
      %swap3A_156 = vector.shape_cast %broadcast_in_dim3A_3 : vector<16xf32> to vector<1x16xf32>
      tpu.vector_store %arg10[%swap3A_152, %swap3A_153], %swap3A_156 {strides = array<i32>} : memref<64x128xf32, #tpu.memory_space<vmem>>, vector<1x16xf32>,
      %swap3A_157 = arith.index_cast %scan3A_126 : i32 to index
      %swap3A_158 = arith.constant 96 : index
      %swap3A_159 = tpu.vector_load %arg10[%swap3A_157, %swap3A_158] {strides = array<i32>} : memref<64x128xf32, #tpu.memory_space<vmem>>, vector<1x16xf32>,
      %swap3A_160 = vector.shape_cast %swap3A_159 : vector<1x16xf32> to vector<16xf32>
      %swap3A_161 = vector.shape_cast %broadcast_in_dim3A_3 : vector<16xf32> to vector<1x16xf32>
      tpu.vector_store %arg10[%swap3A_157, %swap3A_158], %swap3A_161 {strides = array<i32>} : memref<64x128xf32, #tpu.memory_space<vmem>>, vector<1x16xf32>,
      %swap3A_162 = arith.index_cast %scan3A_126 : i32 to index
      %swap3A_163 = arith.constant 112 : index
      %swap3A_164 = tpu.vector_load %arg10[%swap3A_162, %swap3A_163] {strides = array<i32>} : memref<64x128xf32, #tpu.memory_space<vmem>>, vector<1x16xf32>,
      %swap3A_165 = vector.shape_cast %swap3A_164 : vector<1x16xf32> to vector<16xf32>
      %swap3A_166 = vector.shape_cast %broadcast_in_dim3A_3 : vector<16xf32> to vector<1x16xf32>
      tpu.vector_store %arg10[%swap3A_162, %swap3A_163], %swap3A_166 {strides = array<i32>} : memref<64x128xf32, #tpu.memory_space<vmem>>, vector<1x16xf32>,
      %scan3A_167 = arith.constant 0 : i32
      scf.yield %scan3A_167 : i32
    }
    %scan3A_9 = arith.constant 64 : i32
    %add3A_10 = arith.constant 0 : i32
    %add3A_11 = arith.addi %mul3A_2, %add3A_10 : i32
    "tpu.region"() ({
      %run_scoped3A = tpu.sem_alloc : memref<!tpu.dma_semaphore, #tpu.memory_space<semaphore_mem>>
      %dma_start3A = arith.constant 0 : i32
      %dma_start3A_126 = tpu.memref_slice %arg7[%add3A_11, %dma_start3A] : memref<10240x128xf32, #tpu.memory_space<vmem_shared>> -> memref<64x128xf32, #tpu.memory_space<vmem_shared>>
      %dma_start3A_127 = arith.constant 0 : i32
      %dma_start3A_128 = tpu.memref_slice %arg7[%add3A_11, %dma_start3A_127] : memref<10240x128xf32, #tpu.memory_space<vmem_shared>> -> memref<64x128xf32, #tpu.memory_space<vmem_shared>>
      tpu.enqueue_dma source(%arg10 : memref<64x128xf32, #tpu.memory_space<vmem>>) target(%dma_start3A_128 : memref<64x128xf32, #tpu.memory_space<vmem_shared>>) target_semaphore(%run_scoped3A : memref<!tpu.dma_semaphore, #tpu.memory_space<semaphore_mem>>)
      %dma_wait3A = arith.constant 0 : i32
      %dma_wait3A_129 = tpu.memref_slice %arg7[%add3A_11, %dma_wait3A] : memref<10240x128xf32, #tpu.memory_space<vmem_shared>> -> memref<64x128xf32, #tpu.memory_space<vmem_shared>>
      %dma_wait3A_130 = arith.constant 0 : i32
      %dma_wait3A_131 = tpu.memref_slice %arg7[%add3A_11, %dma_wait3A_130] : memref<10240x128xf32, #tpu.memory_space<vmem_shared>> -> memref<64x128xf32, #tpu.memory_space<vmem_shared>>
      tpu.wait_dma2 semaphore(%run_scoped3A : memref<!tpu.dma_semaphore, #tpu.memory_space<semaphore_mem>>) src(%arg10 : memref<64x128xf32, #tpu.memory_space<vmem>>) dst(%dma_wait3A_131 : memref<64x128xf32, #tpu.memory_space<vmem_shared>>)
      tpu.yield
    }) : () -> ()
    %add3A_12 = arith.constant 64 : i32
    %add3A_13 = arith.addi %mul3A_2, %add3A_12 : i32
    "tpu.region"() ({
      %run_scoped3A = tpu.sem_alloc : memref<!tpu.dma_semaphore, #tpu.memory_space<semaphore_mem>>
      %dma_start3A = arith.constant 0 : i32
      %dma_start3A_126 = tpu.memref_slice %arg7[%add3A_13, %dma_start3A] : memref<10240x128xf32, #tpu.memory_space<vmem_shared>> -> memref<64x128xf32, #tpu.memory_space<vmem_shared>>
      %dma_start3A_127 = arith.constant 0 : i32
      %dma_start3A_128 = tpu.memref_slice %arg7[%add3A_13, %dma_start3A_127] : memref<10240x128xf32, #tpu.memory_space<vmem_shared>> -> memref<64x128xf32, #tpu.memory_space<vmem_shared>>
      tpu.enqueue_dma source(%arg10 : memref<64x128xf32, #tpu.memory_space<vmem>>) target(%dma_start3A_128 : memref<64x128xf32, #tpu.memory_space<vmem_shared>>) target_semaphore(%run_scoped3A : memref<!tpu.dma_semaphore, #tpu.memory_space<semaphore_mem>>)
      %dma_wait3A = arith.constant 0 : i32
      %dma_wait3A_129 = tpu.memref_slice %arg7[%add3A_13, %dma_wait3A] : memref<10240x128xf32, #tpu.memory_space<vmem_shared>> -> memref<64x128xf32, #tpu.memory_space<vmem_shared>>
      %dma_wait3A_130 = arith.constant 0 : i32
      %dma_wait3A_131 = tpu.memref_slice %arg7[%add3A_13, %dma_wait3A_130] : memref<10240x128xf32, #tpu.memory_space<vmem_shared>> -> memref<64x128xf32, #tpu.memory_space<vmem_shared>>
      tpu.wait_dma2 semaphore(%run_scoped3A : memref<!tpu.dma_semaphore, #tpu.memory_space<semaphore_mem>>) src(%arg10 : memref<64x128xf32, #tpu.memory_space<vmem>>) dst(%dma_wait3A_131 : memref<64x128xf32, #tpu.memory_space<vmem_shared>>)
      tpu.yield
    }) : () -> ()
    %add3A_14 = arith.constant 128 : i32
    %add3A_15 = arith.addi %mul3A_2, %add3A_14 : i32
    "tpu.region"() ({
      %run_scoped3A = tpu.sem_alloc : memref<!tpu.dma_semaphore, #tpu.memory_space<semaphore_mem>>
      %dma_start3A = arith.constant 0 : i32
      %dma_start3A_126 = tpu.memref_slice %arg7[%add3A_15, %dma_start3A] : memref<10240x128xf32, #tpu.memory_space<vmem_shared>> -> memref<64x128xf32, #tpu.memory_space<vmem_shared>>
      %dma_start3A_127 = arith.constant 0 : i32
      %dma_start3A_128 = tpu.memref_slice %arg7[%add3A_15, %dma_start3A_127] : memref<10240x128xf32, #tpu.memory_space<vmem_shared>> -> memref<64x128xf32, #tpu.memory_space<vmem_shared>>
      tpu.enqueue_dma source(%arg10 : memref<64x128xf32, #tpu.memory_space<vmem>>) target(%dma_start3A_128 : memref<64x128xf32, #tpu.memory_space<vmem_shared>>) target_semaphore(%run_scoped3A : memref<!tpu.dma_semaphore, #tpu.memory_space<semaphore_mem>>)
      %dma_wait3A = arith.constant 0 : i32
      %dma_wait3A_129 = tpu.memref_slice %arg7[%add3A_15, %dma_wait3A] : memref<10240x128xf32, #tpu.memory_space<vmem_shared>> -> memref<64x128xf32, #tpu.memory_space<vmem_shared>>
      %dma_wait3A_130 = arith.constant 0 : i32
      %dma_wait3A_131 = tpu.memref_slice %arg7[%add3A_15, %dma_wait3A_130] : memref<10240x128xf32, #tpu.memory_space<vmem_shared>> -> memref<64x128xf32, #tpu.memory_space<vmem_shared>>
      tpu.wait_dma2 semaphore(%run_scoped3A : memref<!tpu.dma_semaphore, #tpu.memory_space<semaphore_mem>>) src(%arg10 : memref<64x128xf32, #tpu.memory_space<vmem>>) dst(%dma_wait3A_131 : memref<64x128xf32, #tpu.memory_space<vmem_shared>>)
      tpu.yield
    }) : () -> ()
    %add3A_16 = arith.constant 192 : i32
    %add3A_17 = arith.addi %mul3A_2, %add3A_16 : i32
    "tpu.region"() ({
      %run_scoped3A = tpu.sem_alloc : memref<!tpu.dma_semaphore, #tpu.memory_space<semaphore_mem>>
      %dma_start3A = arith.constant 0 : i32
      %dma_start3A_126 = tpu.memref_slice %arg7[%add3A_17, %dma_start3A] : memref<10240x128xf32, #tpu.memory_space<vmem_shared>> -> memref<64x128xf32, #tpu.memory_space<vmem_shared>>
      %dma_start3A_127 = arith.constant 0 : i32
      %dma_start3A_128 = tpu.memref_slice %arg7[%add3A_17, %dma_start3A_127] : memref<10240x128xf32, #tpu.memory_space<vmem_shared>> -> memref<64x128xf32, #tpu.memory_space<vmem_shared>>
      tpu.enqueue_dma source(%arg10 : memref<64x128xf32, #tpu.memory_space<vmem>>) target(%dma_start3A_128 : memref<64x128xf32, #tpu.memory_space<vmem_shared>>) target_semaphore(%run_scoped3A : memref<!tpu.dma_semaphore, #tpu.memory_space<semaphore_mem>>)
      %dma_wait3A = arith.constant 0 : i32
      %dma_wait3A_129 = tpu.memref_slice %arg7[%add3A_17, %dma_wait3A] : memref<10240x128xf32, #tpu.memory_space<vmem_shared>> -> memref<64x128xf32, #tpu.memory_space<vmem_shared>>
      %dma_wait3A_130 = arith.constant 0 : i32
      %dma_wait3A_131 = tpu.memref_slice %arg7[%add3A_17, %dma_wait3A_130] : memref<10240x128xf32, #tpu.memory_space<vmem_shared>> -> memref<64x128xf32, #tpu.memory_space<vmem_shared>>
      tpu.wait_dma2 semaphore(%run_scoped3A : memref<!tpu.dma_semaphore, #tpu.memory_space<semaphore_mem>>) src(%arg10 : memref<64x128xf32, #tpu.memory_space<vmem>>) dst(%dma_wait3A_131 : memref<64x128xf32, #tpu.memory_space<vmem_shared>>)
      tpu.yield
    }) : () -> ()
    %add3A_18 = arith.constant 256 : i32
    %add3A_19 = arith.addi %mul3A_2, %add3A_18 : i32
    "tpu.region"() ({
      %run_scoped3A = tpu.sem_alloc : memref<!tpu.dma_semaphore, #tpu.memory_space<semaphore_mem>>
      %dma_start3A = arith.constant 0 : i32
      %dma_start3A_126 = tpu.memref_slice %arg7[%add3A_19, %dma_start3A] : memref<10240x128xf32, #tpu.memory_space<vmem_shared>> -> memref<64x128xf32, #tpu.memory_space<vmem_shared>>
      %dma_start3A_127 = arith.constant 0 : i32
      %dma_start3A_128 = tpu.memref_slice %arg7[%add3A_19, %dma_start3A_127] : memref<10240x128xf32, #tpu.memory_space<vmem_shared>> -> memref<64x128xf32, #tpu.memory_space<vmem_shared>>
      tpu.enqueue_dma source(%arg10 : memref<64x128xf32, #tpu.memory_space<vmem>>) target(%dma_start3A_128 : memref<64x128xf32, #tpu.memory_space<vmem_shared>>) target_semaphore(%run_scoped3A : memref<!tpu.dma_semaphore, #tpu.memory_space<semaphore_mem>>)
      %dma_wait3A = arith.constant 0 : i32
      %dma_wait3A_129 = tpu.memref_slice %arg7[%add3A_19, %dma_wait3A] : memref<10240x128xf32, #tpu.memory_space<vmem_shared>> -> memref<64x128xf32, #tpu.memory_space<vmem_shared>>
      %dma_wait3A_130 = arith.constant 0 : i32
      %dma_wait3A_131 = tpu.memref_slice %arg7[%add3A_19, %dma_wait3A_130] : memref<10240x128xf32, #tpu.memory_space<vmem_shared>> -> memref<64x128xf32, #tpu.memory_space<vmem_shared>>
      tpu.wait_dma2 semaphore(%run_scoped3A : memref<!tpu.dma_semaphore, #tpu.memory_space<semaphore_mem>>) src(%arg10 : memref<64x128xf32, #tpu.memory_space<vmem>>) dst(%dma_wait3A_131 : memref<64x128xf32, #tpu.memory_space<vmem_shared>>)
      tpu.yield
    }) : () -> ()
    %add3A_20 = arith.constant 320 : i32
    %add3A_21 = arith.addi %mul3A_2, %add3A_20 : i32
    "tpu.region"() ({
      %run_scoped3A = tpu.sem_alloc : memref<!tpu.dma_semaphore, #tpu.memory_space<semaphore_mem>>
      %dma_start3A = arith.constant 0 : i32
      %dma_start3A_126 = tpu.memref_slice %arg7[%add3A_21, %dma_start3A] : memref<10240x128xf32, #tpu.memory_space<vmem_shared>> -> memref<64x128xf32, #tpu.memory_space<vmem_shared>>
      %dma_start3A_127 = arith.constant 0 : i32
      %dma_start3A_128 = tpu.memref_slice %arg7[%add3A_21, %dma_start3A_127] : memref<10240x128xf32, #tpu.memory_space<vmem_shared>> -> memref<64x128xf32, #tpu.memory_space<vmem_shared>>
      tpu.enqueue_dma source(%arg10 : memref<64x128xf32, #tpu.memory_space<vmem>>) target(%dma_start3A_128 : memref<64x128xf32, #tpu.memory_space<vmem_shared>>) target_semaphore(%run_scoped3A : memref<!tpu.dma_semaphore, #tpu.memory_space<semaphore_mem>>)
      %dma_wait3A = arith.constant 0 : i32
      %dma_wait3A_129 = tpu.memref_slice %arg7[%add3A_21, %dma_wait3A] : memref<10240x128xf32, #tpu.memory_space<vmem_shared>> -> memref<64x128xf32, #tpu.memory_space<vmem_shared>>
      %dma_wait3A_130 = arith.constant 0 : i32
      %dma_wait3A_131 = tpu.memref_slice %arg7[%add3A_21, %dma_wait3A_130] : memref<10240x128xf32, #tpu.memory_space<vmem_shared>> -> memref<64x128xf32, #tpu.memory_space<vmem_shared>>
      tpu.wait_dma2 semaphore(%run_scoped3A : memref<!tpu.dma_semaphore, #tpu.memory_space<semaphore_mem>>) src(%arg10 : memref<64x128xf32, #tpu.memory_space<vmem>>) dst(%dma_wait3A_131 : memref<64x128xf32, #tpu.memory_space<vmem_shared>>)
      tpu.yield
    }) : () -> ()
    %add3A_22 = arith.constant 384 : i32
    %add3A_23 = arith.addi %mul3A_2, %add3A_22 : i32
    "tpu.region"() ({
      %run_scoped3A = tpu.sem_alloc : memref<!tpu.dma_semaphore, #tpu.memory_space<semaphore_mem>>
      %dma_start3A = arith.constant 0 : i32
      %dma_start3A_126 = tpu.memref_slice %arg7[%add3A_23, %dma_start3A] : memref<10240x128xf32, #tpu.memory_space<vmem_shared>> -> memref<64x128xf32, #tpu.memory_space<vmem_shared>>
      %dma_start3A_127 = arith.constant 0 : i32
      %dma_start3A_128 = tpu.memref_slice %arg7[%add3A_23, %dma_start3A_127] : memref<10240x128xf32, #tpu.memory_space<vmem_shared>> -> memref<64x128xf32, #tpu.memory_space<vmem_shared>>
      tpu.enqueue_dma source(%arg10 : memref<64x128xf32, #tpu.memory_space<vmem>>) target(%dma_start3A_128 : memref<64x128xf32, #tpu.memory_space<vmem_shared>>) target_semaphore(%run_scoped3A : memref<!tpu.dma_semaphore, #tpu.memory_space<semaphore_mem>>)
      %dma_wait3A = arith.constant 0 : i32
      %dma_wait3A_129 = tpu.memref_slice %arg7[%add3A_23, %dma_wait3A] : memref<10240x128xf32, #tpu.memory_space<vmem_shared>> -> memref<64x128xf32, #tpu.memory_space<vmem_shared>>
      %dma_wait3A_130 = arith.constant 0 : i32
      %dma_wait3A_131 = tpu.memref_slice %arg7[%add3A_23, %dma_wait3A_130] : memref<10240x128xf32, #tpu.memory_space<vmem_shared>> -> memref<64x128xf32, #tpu.memory_space<vmem_shared>>
      tpu.wait_dma2 semaphore(%run_scoped3A : memref<!tpu.dma_semaphore, #tpu.memory_space<semaphore_mem>>) src(%arg10 : memref<64x128xf32, #tpu.memory_space<vmem>>) dst(%dma_wait3A_131 : memref<64x128xf32, #tpu.memory_space<vmem_shared>>)
      tpu.yield
    }) : () -> ()
    %add3A_24 = arith.constant 448 : i32
    %add3A_25 = arith.addi %mul3A_2, %add3A_24 : i32
    "tpu.region"() ({
      %run_scoped3A = tpu.sem_alloc : memref<!tpu.dma_semaphore, #tpu.memory_space<semaphore_mem>>
      %dma_start3A = arith.constant 0 : i32
      %dma_start3A_126 = tpu.memref_slice %arg7[%add3A_25, %dma_start3A] : memref<10240x128xf32, #tpu.memory_space<vmem_shared>> -> memref<64x128xf32, #tpu.memory_space<vmem_shared>>
      %dma_start3A_127 = arith.constant 0 : i32
      %dma_start3A_128 = tpu.memref_slice %arg7[%add3A_25, %dma_start3A_127] : memref<10240x128xf32, #tpu.memory_space<vmem_shared>> -> memref<64x128xf32, #tpu.memory_space<vmem_shared>>
      tpu.enqueue_dma source(%arg10 : memref<64x128xf32, #tpu.memory_space<vmem>>) target(%dma_start3A_128 : memref<64x128xf32, #tpu.memory_space<vmem_shared>>) target_semaphore(%run_scoped3A : memref<!tpu.dma_semaphore, #tpu.memory_space<semaphore_mem>>)
      %dma_wait3A = arith.constant 0 : i32
      %dma_wait3A_129 = tpu.memref_slice %arg7[%add3A_25, %dma_wait3A] : memref<10240x128xf32, #tpu.memory_space<vmem_shared>> -> memref<64x128xf32, #tpu.memory_space<vmem_shared>>
      %dma_wait3A_130 = arith.constant 0 : i32
      %dma_wait3A_131 = tpu.memref_slice %arg7[%add3A_25, %dma_wait3A_130] : memref<10240x128xf32, #tpu.memory_space<vmem_shared>> -> memref<64x128xf32, #tpu.memory_space<vmem_shared>>
      tpu.wait_dma2 semaphore(%run_scoped3A : memref<!tpu.dma_semaphore, #tpu.memory_space<semaphore_mem>>) src(%arg10 : memref<64x128xf32, #tpu.memory_space<vmem>>) dst(%dma_wait3A_131 : memref<64x128xf32, #tpu.memory_space<vmem_shared>>)
      tpu.yield
    }) : () -> ()
    %add3A_26 = arith.constant 512 : i32
    %add3A_27 = arith.addi %mul3A_2, %add3A_26 : i32
    "tpu.region"() ({
      %run_scoped3A = tpu.sem_alloc : memref<!tpu.dma_semaphore, #tpu.memory_space<semaphore_mem>>
      %dma_start3A = arith.constant 0 : i32
      %dma_start3A_126 = tpu.memref_slice %arg7[%add3A_27, %dma_start3A] : memref<10240x128xf32, #tpu.memory_space<vmem_shared>> -> memref<64x128xf32, #tpu.memory_space<vmem_shared>>
      %dma_start3A_127 = arith.constant 0 : i32
      %dma_start3A_128 = tpu.memref_slice %arg7[%add3A_27, %dma_start3A_127] : memref<10240x128xf32, #tpu.memory_space<vmem_shared>> -> memref<64x128xf32, #tpu.memory_space<vmem_shared>>
      tpu.enqueue_dma source(%arg10 : memref<64x128xf32, #tpu.memory_space<vmem>>) target(%dma_start3A_128 : memref<64x128xf32, #tpu.memory_space<vmem_shared>>) target_semaphore(%run_scoped3A : memref<!tpu.dma_semaphore, #tpu.memory_space<semaphore_mem>>)
      %dma_wait3A = arith.constant 0 : i32
      %dma_wait3A_129 = tpu.memref_slice %arg7[%add3A_27, %dma_wait3A] : memref<10240x128xf32, #tpu.memory_space<vmem_shared>> -> memref<64x128xf32, #tpu.memory_space<vmem_shared>>
      %dma_wait3A_130 = arith.constant 0 : i32
      %dma_wait3A_131 = tpu.memref_slice %arg7[%add3A_27, %dma_wait3A_130] : memref<10240x128xf32, #tpu.memory_space<vmem_shared>> -> memref<64x128xf32, #tpu.memory_space<vmem_shared>>
      tpu.wait_dma2 semaphore(%run_scoped3A : memref<!tpu.dma_semaphore, #tpu.memory_space<semaphore_mem>>) src(%arg10 : memref<64x128xf32, #tpu.memory_space<vmem>>) dst(%dma_wait3A_131 : memref<64x128xf32, #tpu.memory_space<vmem_shared>>)
      tpu.yield
    }) : () -> ()
    %add3A_28 = arith.constant 576 : i32
    %add3A_29 = arith.addi %mul3A_2, %add3A_28 : i32
    "tpu.region"() ({
      %run_scoped3A = tpu.sem_alloc : memref<!tpu.dma_semaphore, #tpu.memory_space<semaphore_mem>>
      %dma_start3A = arith.constant 0 : i32
      %dma_start3A_126 = tpu.memref_slice %arg7[%add3A_29, %dma_start3A] : memref<10240x128xf32, #tpu.memory_space<vmem_shared>> -> memref<64x128xf32, #tpu.memory_space<vmem_shared>>
      %dma_start3A_127 = arith.constant 0 : i32
      %dma_start3A_128 = tpu.memref_slice %arg7[%add3A_29, %dma_start3A_127] : memref<10240x128xf32, #tpu.memory_space<vmem_shared>> -> memref<64x128xf32, #tpu.memory_space<vmem_shared>>
      tpu.enqueue_dma source(%arg10 : memref<64x128xf32, #tpu.memory_space<vmem>>) target(%dma_start3A_128 : memref<64x128xf32, #tpu.memory_space<vmem_shared>>) target_semaphore(%run_scoped3A : memref<!tpu.dma_semaphore, #tpu.memory_space<semaphore_mem>>)
      %dma_wait3A = arith.constant 0 : i32
      %dma_wait3A_129 = tpu.memref_slice %arg7[%add3A_29, %dma_wait3A] : memref<10240x128xf32, #tpu.memory_space<vmem_shared>> -> memref<64x128xf32, #tpu.memory_space<vmem_shared>>
      %dma_wait3A_130 = arith.constant 0 : i32
      %dma_wait3A_131 = tpu.memref_slice %arg7[%add3A_29, %dma_wait3A_130] : memref<10240x128xf32, #tpu.memory_space<vmem_shared>> -> memref<64x128xf32, #tpu.memory_space<vmem_shared>>
      tpu.wait_dma2 semaphore(%run_scoped3A : memref<!tpu.dma_semaphore, #tpu.memory_space<semaphore_mem>>) src(%arg10 : memref<64x128xf32, #tpu.memory_space<vmem>>) dst(%dma_wait3A_131 : memref<64x128xf32, #tpu.memory_space<vmem_shared>>)
      tpu.yield
    }) : () -> ()
    %barrier3A = arith.constant 0 : index
    tpu.barrier barrier_id(%barrier3A)
    %scan3A_30 = arith.constant 0 : i32
    %scan3A_31 = arith.constant 0 : i32
    %scan3A_32 = arith.constant 4 : i32
    %scan3A_33 = arith.addi %scan3A_31, %scan3A_32 : i32
    %scan3A_34 = arith.constant 1 : i32
    %scan3A_35 = scf.for %scan3A_126 = %scan3A_31 to %scan3A_33 step %scan3A_34 iter_args(%scan3A_127 = %scan3A_30) -> (i32)  : i32 {
      %mul3A_128 = arith.constant 40 : i32
      %mul3A_129 = arith.muli %scan3A_126, %mul3A_128 : i32
      "tpu.region"() ({
        %run_scoped3A_257 = tpu.sem_alloc : memref<!tpu.dma_semaphore, #tpu.memory_space<semaphore_mem>>
        %dma_start3A_258 = arith.constant 0 : i32
        %dma_start3A_259 = tpu.memref_slice %arg3[%add3A, %mul3A_129, %dma_start3A_258] : memref<32x160x64xi32, #tpu.memory_space<hbm>> -> memref<1x40x64xi32, #tpu.memory_space<hbm>>
        %dma_start3A_260 = tpu.memref_squeeze %dma_start3A_259 : memref<1x40x64xi32, #tpu.memory_space<hbm>> -> memref<40x64xi32, #tpu.memory_space<hbm>>
        %dma_start3A_261 = arith.constant 0 : i32
        %dma_start3A_262 = tpu.memref_slice %arg3[%add3A, %mul3A_129, %dma_start3A_261] : memref<32x160x64xi32, #tpu.memory_space<hbm>> -> memref<1x40x64xi32, #tpu.memory_space<hbm>>
        %dma_start3A_263 = tpu.memref_squeeze %dma_start3A_262 : memref<1x40x64xi32, #tpu.memory_space<hbm>> -> memref<40x64xi32, #tpu.memory_space<hbm>>
        tpu.enqueue_dma source(%dma_start3A_263 : memref<40x64xi32, #tpu.memory_space<hbm>>) target(%arg8 : memref<40x64xi32, #tpu.memory_space<vmem>>) target_semaphore(%run_scoped3A_257 : memref<!tpu.dma_semaphore, #tpu.memory_space<semaphore_mem>>)
        %dma_wait3A_264 = arith.constant 0 : i32
        %dma_wait3A_265 = tpu.memref_slice %arg3[%add3A, %mul3A_129, %dma_wait3A_264] : memref<32x160x64xi32, #tpu.memory_space<hbm>> -> memref<1x40x64xi32, #tpu.memory_space<hbm>>
        %dma_wait3A_266 = tpu.memref_squeeze %dma_wait3A_265 : memref<1x40x64xi32, #tpu.memory_space<hbm>> -> memref<40x64xi32, #tpu.memory_space<hbm>>
        %dma_wait3A_267 = arith.constant 0 : i32
        %dma_wait3A_268 = tpu.memref_slice %arg3[%add3A, %mul3A_129, %dma_wait3A_267] : memref<32x160x64xi32, #tpu.memory_space<hbm>> -> memref<1x40x64xi32, #tpu.memory_space<hbm>>
        %dma_wait3A_269 = tpu.memref_squeeze %dma_wait3A_268 : memref<1x40x64xi32, #tpu.memory_space<hbm>> -> memref<40x64xi32, #tpu.memory_space<hbm>>
        tpu.wait_dma2 semaphore(%run_scoped3A_257 : memref<!tpu.dma_semaphore, #tpu.memory_space<semaphore_mem>>) src(%dma_wait3A_269 : memref<40x64xi32, #tpu.memory_space<hbm>>) dst(%arg8 : memref<40x64xi32, #tpu.memory_space<vmem>>)
        tpu.yield
      }) : () -> ()
      %mul3A_130 = arith.constant 40 : i32
      %mul3A_131 = arith.muli %scan3A_126, %mul3A_130 : i32
      "tpu.region"() ({
        %run_scoped3A_257 = tpu.sem_alloc : memref<!tpu.dma_semaphore, #tpu.memory_space<semaphore_mem>>
        %dma_start3A_258 = arith.constant 0 : i32
        %dma_start3A_259 = tpu.memref_slice %arg4[%add3A, %mul3A_131, %dma_start3A_258] : memref<32x160x64xi32, #tpu.memory_space<hbm>> -> memref<1x40x64xi32, #tpu.memory_space<hbm>>
        %dma_start3A_260 = tpu.memref_squeeze %dma_start3A_259 : memref<1x40x64xi32, #tpu.memory_space<hbm>> -> memref<40x64xi32, #tpu.memory_space<hbm>>
        %dma_start3A_261 = arith.constant 0 : i32
        %dma_start3A_262 = tpu.memref_slice %arg4[%add3A, %mul3A_131, %dma_start3A_261] : memref<32x160x64xi32, #tpu.memory_space<hbm>> -> memref<1x40x64xi32, #tpu.memory_space<hbm>>
        %dma_start3A_263 = tpu.memref_squeeze %dma_start3A_262 : memref<1x40x64xi32, #tpu.memory_space<hbm>> -> memref<40x64xi32, #tpu.memory_space<hbm>>
        tpu.enqueue_dma source(%dma_start3A_263 : memref<40x64xi32, #tpu.memory_space<hbm>>) target(%arg9 : memref<40x64xi32, #tpu.memory_space<vmem>>) target_semaphore(%run_scoped3A_257 : memref<!tpu.dma_semaphore, #tpu.memory_space<semaphore_mem>>)
        %dma_wait3A_264 = arith.constant 0 : i32
        %dma_wait3A_265 = tpu.memref_slice %arg4[%add3A, %mul3A_131, %dma_wait3A_264] : memref<32x160x64xi32, #tpu.memory_space<hbm>> -> memref<1x40x64xi32, #tpu.memory_space<hbm>>
        %dma_wait3A_266 = tpu.memref_squeeze %dma_wait3A_265 : memref<1x40x64xi32, #tpu.memory_space<hbm>> -> memref<40x64xi32, #tpu.memory_space<hbm>>
        %dma_wait3A_267 = arith.constant 0 : i32
        %dma_wait3A_268 = tpu.memref_slice %arg4[%add3A, %mul3A_131, %dma_wait3A_267] : memref<32x160x64xi32, #tpu.memory_space<hbm>> -> memref<1x40x64xi32, #tpu.memory_space<hbm>>
        %dma_wait3A_269 = tpu.memref_squeeze %dma_wait3A_268 : memref<1x40x64xi32, #tpu.memory_space<hbm>> -> memref<40x64xi32, #tpu.memory_space<hbm>>
        tpu.wait_dma2 semaphore(%run_scoped3A_257 : memref<!tpu.dma_semaphore, #tpu.memory_space<semaphore_mem>>) src(%dma_wait3A_269 : memref<40x64xi32, #tpu.memory_space<hbm>>) dst(%arg9 : memref<40x64xi32, #tpu.memory_space<vmem>>)
        tpu.yield
      }) : () -> ()
      %dma_start3A = arith.constant 0 : i32
      %dma_start3A_132 = arith.constant 0 : i32
      %dma_start3A_133 = tpu.memref_slice %arg8[%dma_start3A, %dma_start3A_132] : memref<40x64xi32, #tpu.memory_space<vmem>> -> memref<1x64xi32, #tpu.memory_space<vmem>>
      %dma_start3A_134 = tpu.memref_squeeze %dma_start3A_133 : memref<1x64xi32, #tpu.memory_space<vmem>> -> memref<64xi32, #tpu.memory_space<vmem>>
      %dma_start3A_135 = arith.constant 0 : i32
      %dma_start3A_136 = arith.constant 0 : i32
      %dma_start3A_137 = tpu.memref_slice %arg2[%dma_start3A_135, %dma_start3A_136] : memref<10240x128xf32, #tpu.memory_space<hbm>> -> memref<10240x128xf32, #tpu.memory_space<hbm>>
      tpu.enqueue_indirect_dma source(%dma_start3A_137 : memref<10240x128xf32, #tpu.memory_space<hbm>>) target(%arg10 : memref<64x128xf32, #tpu.memory_space<vmem>>) offsets(%dma_start3A_134 : memref<64xi32, #tpu.memory_space<vmem>>) semaphore(%arg14 : memref<!tpu.dma_semaphore, #tpu.memory_space<semaphore_mem>>)
      %dma_start3A_138 = arith.constant 1 : i32
      %dma_start3A_139 = arith.constant 0 : i32
      %dma_start3A_140 = tpu.memref_slice %arg8[%dma_start3A_138, %dma_start3A_139] : memref<40x64xi32, #tpu.memory_space<vmem>> -> memref<1x64xi32, #tpu.memory_space<vmem>>
      %dma_start3A_141 = tpu.memref_squeeze %dma_start3A_140 : memref<1x64xi32, #tpu.memory_space<vmem>> -> memref<64xi32, #tpu.memory_space<vmem>>
      %dma_start3A_142 = arith.constant 0 : i32
      %dma_start3A_143 = arith.constant 0 : i32
      %dma_start3A_144 = tpu.memref_slice %arg2[%dma_start3A_142, %dma_start3A_143] : memref<10240x128xf32, #tpu.memory_space<hbm>> -> memref<10240x128xf32, #tpu.memory_space<hbm>>
      tpu.enqueue_indirect_dma source(%dma_start3A_144 : memref<10240x128xf32, #tpu.memory_space<hbm>>) target(%arg11 : memref<64x128xf32, #tpu.memory_space<vmem>>) offsets(%dma_start3A_141 : memref<64xi32, #tpu.memory_space<vmem>>) semaphore(%arg15 : memref<!tpu.dma_semaphore, #tpu.memory_space<semaphore_mem>>)
      %dma_start3A_145 = arith.constant 2 : i32
      %dma_start3A_146 = arith.constant 0 : i32
      %dma_start3A_147 = tpu.memref_slice %arg8[%dma_start3A_145, %dma_start3A_146] : memref<40x64xi32, #tpu.memory_space<vmem>> -> memref<1x64xi32, #tpu.memory_space<vmem>>
      %dma_start3A_148 = tpu.memref_squeeze %dma_start3A_147 : memref<1x64xi32, #tpu.memory_space<vmem>> -> memref<64xi32, #tpu.memory_space<vmem>>
      %dma_start3A_149 = arith.constant 0 : i32
      %dma_start3A_150 = arith.constant 0 : i32
      %dma_start3A_151 = tpu.memref_slice %arg2[%dma_start3A_149, %dma_start3A_150] : memref<10240x128xf32, #tpu.memory_space<hbm>> -> memref<10240x128xf32, #tpu.memory_space<hbm>>
      tpu.enqueue_indirect_dma source(%dma_start3A_151 : memref<10240x128xf32, #tpu.memory_space<hbm>>) target(%arg12 : memref<64x128xf32, #tpu.memory_space<vmem>>) offsets(%dma_start3A_148 : memref<64xi32, #tpu.memory_space<vmem>>) semaphore(%arg16 : memref<!tpu.dma_semaphore, #tpu.memory_space<semaphore_mem>>)
      %scan3A_152 = arith.constant 0 : i32
      %scan3A_153 = arith.constant 0 : i32
      %scan3A_154 = arith.constant 8 : i32
      %scan3A_155 = arith.addi %scan3A_153, %scan3A_154 : i32
      %scan3A_156 = arith.constant 1 : i32
      %scan3A_157 = scf.for %scan3A_257 = %scan3A_153 to %scan3A_155 step %scan3A_156 iter_args(%scan3A_258 = %scan3A_152) -> (i32)  : i32 {
        %mul3A_259 = arith.constant 4 : i32
        %mul3A_260 = arith.muli %scan3A_257, %mul3A_259 : i32
        %add3A_261 = arith.constant 3 : i32
        %add3A_262 = arith.addi %mul3A_260, %add3A_261 : i32
        %dma_start3A_263 = arith.constant 0 : i32
        %dma_start3A_264 = tpu.memref_slice %arg8[%add3A_262, %dma_start3A_263] : memref<40x64xi32, #tpu.memory_space<vmem>> -> memref<1x64xi32, #tpu.memory_space<vmem>>
        %dma_start3A_265 = tpu.memref_squeeze %dma_start3A_264 : memref<1x64xi32, #tpu.memory_space<vmem>> -> memref<64xi32, #tpu.memory_space<vmem>>
        %dma_start3A_266 = arith.constant 0 : i32
        %dma_start3A_267 = arith.constant 0 : i32
        %dma_start3A_268 = tpu.memref_slice %arg2[%dma_start3A_266, %dma_start3A_267] : memref<10240x128xf32, #tpu.memory_space<hbm>> -> memref<10240x128xf32, #tpu.memory_space<hbm>>
        tpu.enqueue_indirect_dma source(%dma_start3A_268 : memref<10240x128xf32, #tpu.memory_space<hbm>>) target(%arg13 : memref<64x128xf32, #tpu.memory_space<vmem>>) offsets(%dma_start3A_265 : memref<64xi32, #tpu.memory_space<vmem>>) semaphore(%arg17 : memref<!tpu.dma_semaphore, #tpu.memory_space<semaphore_mem>>)
        %dma_wait3A_269 = arith.constant 0 : i32
        %dma_wait3A_270 = arith.constant 0 : i32
        %dma_wait3A_271 = tpu.memref_slice %arg8[%dma_wait3A_269, %dma_wait3A_270] : memref<40x64xi32, #tpu.memory_space<vmem>> -> memref<1x64xi32, #tpu.memory_space<vmem>>
        %dma_wait3A_272 = tpu.memref_squeeze %dma_wait3A_271 : memref<1x64xi32, #tpu.memory_space<vmem>> -> memref<64xi32, #tpu.memory_space<vmem>>
        %dma_wait3A_273 = arith.constant 0 : i32
        %dma_wait3A_274 = arith.constant 0 : i32
        %dma_wait3A_275 = tpu.memref_slice %arg2[%dma_wait3A_273, %dma_wait3A_274] : memref<10240x128xf32, #tpu.memory_space<hbm>> -> memref<10240x128xf32, #tpu.memory_space<hbm>>
        tpu.wait_indirect_dma semaphore(%arg14 : memref<!tpu.dma_semaphore, #tpu.memory_space<semaphore_mem>>) src(%dma_wait3A_275 : memref<10240x128xf32, #tpu.memory_space<hbm>>) dst(%arg10 : memref<64x128xf32, #tpu.memory_space<vmem>>)
        "tpu.region"() ({
          %run_scoped3A_328 = tpu.sem_alloc : memref<!tpu.dma_semaphore, #tpu.memory_space<semaphore_mem>>
          %dma_start3A_329 = arith.constant 0 : i32
          %dma_start3A_330 = tpu.memref_slice %arg9[%mul3A_260, %dma_start3A_329] : memref<40x64xi32, #tpu.memory_space<vmem>> -> memref<1x64xi32, #tpu.memory_space<vmem>>
          %dma_start3A_331 = tpu.memref_squeeze %dma_start3A_330 : memref<1x64xi32, #tpu.memory_space<vmem>> -> memref<64xi32, #tpu.memory_space<vmem>>
          %dma_start3A_332 = arith.constant 0 : i32
          %dma_start3A_333 = arith.constant 0 : i32
          %dma_start3A_334 = tpu.memref_slice %arg7[%dma_start3A_332, %dma_start3A_333] : memref<10240x128xf32, #tpu.memory_space<vmem_shared>> -> memref<10240x128xf32, #tpu.memory_space<vmem_shared>>
          tpu.enqueue_indirect_dma source(%arg10 : memref<64x128xf32, #tpu.memory_space<vmem>>) target(%dma_start3A_334 : memref<10240x128xf32, #tpu.memory_space<vmem_shared>>) offsets(%dma_start3A_331 : memref<64xi32, #tpu.memory_space<vmem>>) semaphore(%run_scoped3A_328 : memref<!tpu.dma_semaphore, #tpu.memory_space<semaphore_mem>>) {add = true}
          %dma_wait3A_335 = arith.constant 0 : i32
          %dma_wait3A_336 = tpu.memref_slice %arg9[%mul3A_260, %dma_wait3A_335] : memref<40x64xi32, #tpu.memory_space<vmem>> -> memref<1x64xi32, #tpu.memory_space<vmem>>
          %dma_wait3A_337 = tpu.memref_squeeze %dma_wait3A_336 : memref<1x64xi32, #tpu.memory_space<vmem>> -> memref<64xi32, #tpu.memory_space<vmem>>
          %dma_wait3A_338 = arith.constant 0 : i32
          %dma_wait3A_339 = arith.constant 0 : i32
          %dma_wait3A_340 = tpu.memref_slice %arg7[%dma_wait3A_338, %dma_wait3A_339] : memref<10240x128xf32, #tpu.memory_space<vmem_shared>> -> memref<10240x128xf32, #tpu.memory_space<vmem_shared>>
          tpu.wait_indirect_dma semaphore(%run_scoped3A_328 : memref<!tpu.dma_semaphore, #tpu.memory_space<semaphore_mem>>) src(%arg10 : memref<64x128xf32, #tpu.memory_space<vmem>>) dst(%dma_wait3A_340 : memref<10240x128xf32, #tpu.memory_space<vmem_shared>>)
          tpu.yield
        }) : () -> ()
        %add3A_276 = arith.constant 4 : i32
        %add3A_277 = arith.addi %mul3A_260, %add3A_276 : i32
        %dma_start3A_278 = arith.constant 0 : i32
        %dma_start3A_279 = tpu.memref_slice %arg8[%add3A_277, %dma_start3A_278] : memref<40x64xi32, #tpu.memory_space<vmem>> -> memref<1x64xi32, #tpu.memory_space<vmem>>
        %dma_start3A_280 = tpu.memref_squeeze %dma_start3A_279 : memref<1x64xi32, #tpu.memory_space<vmem>> -> memref<64xi32, #tpu.memory_space<vmem>>
        %dma_start3A_281 = arith.constant 0 : i32
        %dma_start3A_282 = arith.constant 0 : i32
        %dma_start3A_283 = tpu.memref_slice %arg2[%dma_start3A_281, %dma_start3A_282] : memref<10240x128xf32, #tpu.memory_space<hbm>> -> memref<10240x128xf32, #tpu.memory_space<hbm>>
        tpu.enqueue_indirect_dma source(%dma_start3A_283 : memref<10240x128xf32, #tpu.memory_space<hbm>>) target(%arg10 : memref<64x128xf32, #tpu.memory_space<vmem>>) offsets(%dma_start3A_280 : memref<64xi32, #tpu.memory_space<vmem>>) semaphore(%arg14 : memref<!tpu.dma_semaphore, #tpu.memory_space<semaphore_mem>>)
        %dma_wait3A_284 = arith.constant 0 : i32
        %dma_wait3A_285 = arith.constant 0 : i32
        %dma_wait3A_286 = tpu.memref_slice %arg8[%dma_wait3A_284, %dma_wait3A_285] : memref<40x64xi32, #tpu.memory_space<vmem>> -> memref<1x64xi32, #tpu.memory_space<vmem>>
        %dma_wait3A_287 = tpu.memref_squeeze %dma_wait3A_286 : memref<1x64xi32, #tpu.memory_space<vmem>> -> memref<64xi32, #tpu.memory_space<vmem>>
        %dma_wait3A_288 = arith.constant 0 : i32
        %dma_wait3A_289 = arith.constant 0 : i32
        %dma_wait3A_290 = tpu.memref_slice %arg2[%dma_wait3A_288, %dma_wait3A_289] : memref<10240x128xf32, #tpu.memory_space<hbm>> -> memref<10240x128xf32, #tpu.memory_space<hbm>>
        tpu.wait_indirect_dma semaphore(%arg15 : memref<!tpu.dma_semaphore, #tpu.memory_space<semaphore_mem>>) src(%dma_wait3A_290 : memref<10240x128xf32, #tpu.memory_space<hbm>>) dst(%arg11 : memref<64x128xf32, #tpu.memory_space<vmem>>)
        %add3A_291 = arith.constant 1 : i32
        %add3A_292 = arith.addi %mul3A_260, %add3A_291 : i32
        "tpu.region"() ({
          %run_scoped3A_328 = tpu.sem_alloc : memref<!tpu.dma_semaphore, #tpu.memory_space<semaphore_mem>>
          %dma_start3A_329 = arith.constant 0 : i32
          %dma_start3A_330 = tpu.memref_slice %arg9[%add3A_292, %dma_start3A_329] : memref<40x64xi32, #tpu.memory_space<vmem>> -> memref<1x64xi32, #tpu.memory_space<vmem>>
          %dma_start3A_331 = tpu.memref_squeeze %dma_start3A_330 : memref<1x64xi32, #tpu.memory_space<vmem>> -> memref<64xi32, #tpu.memory_space<vmem>>
          %dma_start3A_332 = arith.constant 0 : i32
          %dma_start3A_333 = arith.constant 0 : i32
          %dma_start3A_334 = tpu.memref_slice %arg7[%dma_start3A_332, %dma_start3A_333] : memref<10240x128xf32, #tpu.memory_space<vmem_shared>> -> memref<10240x128xf32, #tpu.memory_space<vmem_shared>>
          tpu.enqueue_indirect_dma source(%arg11 : memref<64x128xf32, #tpu.memory_space<vmem>>) target(%dma_start3A_334 : memref<10240x128xf32, #tpu.memory_space<vmem_shared>>) offsets(%dma_start3A_331 : memref<64xi32, #tpu.memory_space<vmem>>) semaphore(%run_scoped3A_328 : memref<!tpu.dma_semaphore, #tpu.memory_space<semaphore_mem>>) {add = true}
          %dma_wait3A_335 = arith.constant 0 : i32
          %dma_wait3A_336 = tpu.memref_slice %arg9[%add3A_292, %dma_wait3A_335] : memref<40x64xi32, #tpu.memory_space<vmem>> -> memref<1x64xi32, #tpu.memory_space<vmem>>
          %dma_wait3A_337 = tpu.memref_squeeze %dma_wait3A_336 : memref<1x64xi32, #tpu.memory_space<vmem>> -> memref<64xi32, #tpu.memory_space<vmem>>
          %dma_wait3A_338 = arith.constant 0 : i32
          %dma_wait3A_339 = arith.constant 0 : i32
          %dma_wait3A_340 = tpu.memref_slice %arg7[%dma_wait3A_338, %dma_wait3A_339] : memref<10240x128xf32, #tpu.memory_space<vmem_shared>> -> memref<10240x128xf32, #tpu.memory_space<vmem_shared>>
          tpu.wait_indirect_dma semaphore(%run_scoped3A_328 : memref<!tpu.dma_semaphore, #tpu.memory_space<semaphore_mem>>) src(%arg11 : memref<64x128xf32, #tpu.memory_space<vmem>>) dst(%dma_wait3A_340 : memref<10240x128xf32, #tpu.memory_space<vmem_shared>>)
          tpu.yield
        }) : () -> ()
        %add3A_293 = arith.constant 5 : i32
        %add3A_294 = arith.addi %mul3A_260, %add3A_293 : i32
        %dma_start3A_295 = arith.constant 0 : i32
        %dma_start3A_296 = tpu.memref_slice %arg8[%add3A_294, %dma_start3A_295] : memref<40x64xi32, #tpu.memory_space<vmem>> -> memref<1x64xi32, #tpu.memory_space<vmem>>
        %dma_start3A_297 = tpu.memref_squeeze %dma_start3A_296 : memref<1x64xi32, #tpu.memory_space<vmem>> -> memref<64xi32, #tpu.memory_space<vmem>>
        %dma_start3A_298 = arith.constant 0 : i32
        %dma_start3A_299 = arith.constant 0 : i32
        %dma_start3A_300 = tpu.memref_slice %arg2[%dma_start3A_298, %dma_start3A_299] : memref<10240x128xf32, #tpu.memory_space<hbm>> -> memref<10240x128xf32, #tpu.memory_space<hbm>>
        tpu.enqueue_indirect_dma source(%dma_start3A_300 : memref<10240x128xf32, #tpu.memory_space<hbm>>) target(%arg11 : memref<64x128xf32, #tpu.memory_space<vmem>>) offsets(%dma_start3A_297 : memref<64xi32, #tpu.memory_space<vmem>>) semaphore(%arg15 : memref<!tpu.dma_semaphore, #tpu.memory_space<semaphore_mem>>)
        %dma_wait3A_301 = arith.constant 0 : i32
        %dma_wait3A_302 = arith.constant 0 : i32
        %dma_wait3A_303 = tpu.memref_slice %arg8[%dma_wait3A_301, %dma_wait3A_302] : memref<40x64xi32, #tpu.memory_space<vmem>> -> memref<1x64xi32, #tpu.memory_space<vmem>>
        %dma_wait3A_304 = tpu.memref_squeeze %dma_wait3A_303 : memref<1x64xi32, #tpu.memory_space<vmem>> -> memref<64xi32, #tpu.memory_space<vmem>>
        %dma_wait3A_305 = arith.constant 0 : i32
        %dma_wait3A_306 = arith.constant 0 : i32
        %dma_wait3A_307 = tpu.memref_slice %arg2[%dma_wait3A_305, %dma_wait3A_306] : memref<10240x128xf32, #tpu.memory_space<hbm>> -> memref<10240x128xf32, #tpu.memory_space<hbm>>
        tpu.wait_indirect_dma semaphore(%arg16 : memref<!tpu.dma_semaphore, #tpu.memory_space<semaphore_mem>>) src(%dma_wait3A_307 : memref<10240x128xf32, #tpu.memory_space<hbm>>) dst(%arg12 : memref<64x128xf32, #tpu.memory_space<vmem>>)
        %add3A_308 = arith.constant 2 : i32
        %add3A_309 = arith.addi %mul3A_260, %add3A_308 : i32
        "tpu.region"() ({
          %run_scoped3A_328 = tpu.sem_alloc : memref<!tpu.dma_semaphore, #tpu.memory_space<semaphore_mem>>
          %dma_start3A_329 = arith.constant 0 : i32
          %dma_start3A_330 = tpu.memref_slice %arg9[%add3A_309, %dma_start3A_329] : memref<40x64xi32, #tpu.memory_space<vmem>> -> memref<1x64xi32, #tpu.memory_space<vmem>>
          %dma_start3A_331 = tpu.memref_squeeze %dma_start3A_330 : memref<1x64xi32, #tpu.memory_space<vmem>> -> memref<64xi32, #tpu.memory_space<vmem>>
          %dma_start3A_332 = arith.constant 0 : i32
          %dma_start3A_333 = arith.constant 0 : i32
          %dma_start3A_334 = tpu.memref_slice %arg7[%dma_start3A_332, %dma_start3A_333] : memref<10240x128xf32, #tpu.memory_space<vmem_shared>> -> memref<10240x128xf32, #tpu.memory_space<vmem_shared>>
          tpu.enqueue_indirect_dma source(%arg12 : memref<64x128xf32, #tpu.memory_space<vmem>>) target(%dma_start3A_334 : memref<10240x128xf32, #tpu.memory_space<vmem_shared>>) offsets(%dma_start3A_331 : memref<64xi32, #tpu.memory_space<vmem>>) semaphore(%run_scoped3A_328 : memref<!tpu.dma_semaphore, #tpu.memory_space<semaphore_mem>>) {add = true}
          %dma_wait3A_335 = arith.constant 0 : i32
          %dma_wait3A_336 = tpu.memref_slice %arg9[%add3A_309, %dma_wait3A_335] : memref<40x64xi32, #tpu.memory_space<vmem>> -> memref<1x64xi32, #tpu.memory_space<vmem>>
          %dma_wait3A_337 = tpu.memref_squeeze %dma_wait3A_336 : memref<1x64xi32, #tpu.memory_space<vmem>> -> memref<64xi32, #tpu.memory_space<vmem>>
          %dma_wait3A_338 = arith.constant 0 : i32
          %dma_wait3A_339 = arith.constant 0 : i32
          %dma_wait3A_340 = tpu.memref_slice %arg7[%dma_wait3A_338, %dma_wait3A_339] : memref<10240x128xf32, #tpu.memory_space<vmem_shared>> -> memref<10240x128xf32, #tpu.memory_space<vmem_shared>>
          tpu.wait_indirect_dma semaphore(%run_scoped3A_328 : memref<!tpu.dma_semaphore, #tpu.memory_space<semaphore_mem>>) src(%arg12 : memref<64x128xf32, #tpu.memory_space<vmem>>) dst(%dma_wait3A_340 : memref<10240x128xf32, #tpu.memory_space<vmem_shared>>)
          tpu.yield
        }) : () -> ()
        %add3A_310 = arith.constant 6 : i32
        %add3A_311 = arith.addi %mul3A_260, %add3A_310 : i32
        %dma_start3A_312 = arith.constant 0 : i32
        %dma_start3A_313 = tpu.memref_slice %arg8[%add3A_311, %dma_start3A_312] : memref<40x64xi32, #tpu.memory_space<vmem>> -> memref<1x64xi32, #tpu.memory_space<vmem>>
        %dma_start3A_314 = tpu.memref_squeeze %dma_start3A_313 : memref<1x64xi32, #tpu.memory_space<vmem>> -> memref<64xi32, #tpu.memory_space<vmem>>
        %dma_start3A_315 = arith.constant 0 : i32
        %dma_start3A_316 = arith.constant 0 : i32
        %dma_start3A_317 = tpu.memref_slice %arg2[%dma_start3A_315, %dma_start3A_316] : memref<10240x128xf32, #tpu.memory_space<hbm>> -> memref<10240x128xf32, #tpu.memory_space<hbm>>
        tpu.enqueue_indirect_dma source(%dma_start3A_317 : memref<10240x128xf32, #tpu.memory_space<hbm>>) target(%arg12 : memref<64x128xf32, #tpu.memory_space<vmem>>) offsets(%dma_start3A_314 : memref<64xi32, #tpu.memory_space<vmem>>) semaphore(%arg16 : memref<!tpu.dma_semaphore, #tpu.memory_space<semaphore_mem>>)
        %dma_wait3A_318 = arith.constant 0 : i32
        %dma_wait3A_319 = arith.constant 0 : i32
        %dma_wait3A_320 = tpu.memref_slice %arg8[%dma_wait3A_318, %dma_wait3A_319] : memref<40x64xi32, #tpu.memory_space<vmem>> -> memref<1x64xi32, #tpu.memory_space<vmem>>
        %dma_wait3A_321 = tpu.memref_squeeze %dma_wait3A_320 : memref<1x64xi32, #tpu.memory_space<vmem>> -> memref<64xi32, #tpu.memory_space<vmem>>
        %dma_wait3A_322 = arith.constant 0 : i32
        %dma_wait3A_323 = arith.constant 0 : i32
        %dma_wait3A_324 = tpu.memref_slice %arg2[%dma_wait3A_322, %dma_wait3A_323] : memref<10240x128xf32, #tpu.memory_space<hbm>> -> memref<10240x128xf32, #tpu.memory_space<hbm>>
        tpu.wait_indirect_dma semaphore(%arg17 : memref<!tpu.dma_semaphore, #tpu.memory_space<semaphore_mem>>) src(%dma_wait3A_324 : memref<10240x128xf32, #tpu.memory_space<hbm>>) dst(%arg13 : memref<64x128xf32, #tpu.memory_space<vmem>>)
        %add3A_325 = arith.constant 3 : i32
        %add3A_326 = arith.addi %mul3A_260, %add3A_325 : i32
        "tpu.region"() ({
          %run_scoped3A_328 = tpu.sem_alloc : memref<!tpu.dma_semaphore, #tpu.memory_space<semaphore_mem>>
          %dma_start3A_329 = arith.constant 0 : i32
          %dma_start3A_330 = tpu.memref_slice %arg9[%add3A_326, %dma_start3A_329] : memref<40x64xi32, #tpu.memory_space<vmem>> -> memref<1x64xi32, #tpu.memory_space<vmem>>
          %dma_start3A_331 = tpu.memref_squeeze %dma_start3A_330 : memref<1x64xi32, #tpu.memory_space<vmem>> -> memref<64xi32, #tpu.memory_space<vmem>>
          %dma_start3A_332 = arith.constant 0 : i32
          %dma_start3A_333 = arith.constant 0 : i32
          %dma_start3A_334 = tpu.memref_slice %arg7[%dma_start3A_332, %dma_start3A_333] : memref<10240x128xf32, #tpu.memory_space<vmem_shared>> -> memref<10240x128xf32, #tpu.memory_space<vmem_shared>>
          tpu.enqueue_indirect_dma source(%arg13 : memref<64x128xf32, #tpu.memory_space<vmem>>) target(%dma_start3A_334 : memref<10240x128xf32, #tpu.memory_space<vmem_shared>>) offsets(%dma_start3A_331 : memref<64xi32, #tpu.memory_space<vmem>>) semaphore(%run_scoped3A_328 : memref<!tpu.dma_semaphore, #tpu.memory_space<semaphore_mem>>) {add = true}
          %dma_wait3A_335 = arith.constant 0 : i32
          %dma_wait3A_336 = tpu.memref_slice %arg9[%add3A_326, %dma_wait3A_335] : memref<40x64xi32, #tpu.memory_space<vmem>> -> memref<1x64xi32, #tpu.memory_space<vmem>>
          %dma_wait3A_337 = tpu.memref_squeeze %dma_wait3A_336 : memref<1x64xi32, #tpu.memory_space<vmem>> -> memref<64xi32, #tpu.memory_space<vmem>>
          %dma_wait3A_338 = arith.constant 0 : i32
          %dma_wait3A_339 = arith.constant 0 : i32
          %dma_wait3A_340 = tpu.memref_slice %arg7[%dma_wait3A_338, %dma_wait3A_339] : memref<10240x128xf32, #tpu.memory_space<vmem_shared>> -> memref<10240x128xf32, #tpu.memory_space<vmem_shared>>
          tpu.wait_indirect_dma semaphore(%run_scoped3A_328 : memref<!tpu.dma_semaphore, #tpu.memory_space<semaphore_mem>>) src(%arg13 : memref<64x128xf32, #tpu.memory_space<vmem>>) dst(%dma_wait3A_340 : memref<10240x128xf32, #tpu.memory_space<vmem_shared>>)
          tpu.yield
        }) : () -> ()
        %scan3A_327 = arith.constant 0 : i32
        scf.yield %scan3A_327 : i32
      }
      %scan3A_158 = arith.constant 8 : i32
      %dma_start3A_159 = arith.constant 35 : i32
      %dma_start3A_160 = arith.constant 0 : i32
      %dma_start3A_161 = tpu.memref_slice %arg8[%dma_start3A_159, %dma_start3A_160] : memref<40x64xi32, #tpu.memory_space<vmem>> -> memref<1x64xi32, #tpu.memory_space<vmem>>
      %dma_start3A_162 = tpu.memref_squeeze %dma_start3A_161 : memref<1x64xi32, #tpu.memory_space<vmem>> -> memref<64xi32, #tpu.memory_space<vmem>>
      %dma_start3A_163 = arith.constant 0 : i32
      %dma_start3A_164 = arith.constant 0 : i32
      %dma_start3A_165 = tpu.memref_slice %arg2[%dma_start3A_163, %dma_start3A_164] : memref<10240x128xf32, #tpu.memory_space<hbm>> -> memref<10240x128xf32, #tpu.memory_space<hbm>>
      tpu.enqueue_indirect_dma source(%dma_start3A_165 : memref<10240x128xf32, #tpu.memory_space<hbm>>) target(%arg13 : memref<64x128xf32, #tpu.memory_space<vmem>>) offsets(%dma_start3A_162 : memref<64xi32, #tpu.memory_space<vmem>>) semaphore(%arg17 : memref<!tpu.dma_semaphore, #tpu.memory_space<semaphore_mem>>)
      %dma_wait3A = arith.constant 0 : i32
      %dma_wait3A_166 = arith.constant 0 : i32
      %dma_wait3A_167 = tpu.memref_slice %arg8[%dma_wait3A, %dma_wait3A_166] : memref<40x64xi32, #tpu.memory_space<vmem>> -> memref<1x64xi32, #tpu.memory_space<vmem>>
      %dma_wait3A_168 = tpu.memref_squeeze %dma_wait3A_167 : memref<1x64xi32, #tpu.memory_space<vmem>> -> memref<64xi32, #tpu.memory_space<vmem>>
      %dma_wait3A_169 = arith.constant 0 : i32
      %dma_wait3A_170 = arith.constant 0 : i32
      %dma_wait3A_171 = tpu.memref_slice %arg2[%dma_wait3A_169, %dma_wait3A_170] : memref<10240x128xf32, #tpu.memory_space<hbm>> -> memref<10240x128xf32, #tpu.memory_space<hbm>>
      tpu.wait_indirect_dma semaphore(%arg14 : memref<!tpu.dma_semaphore, #tpu.memory_space<semaphore_mem>>) src(%dma_wait3A_171 : memref<10240x128xf32, #tpu.memory_space<hbm>>) dst(%arg10 : memref<64x128xf32, #tpu.memory_space<vmem>>)
      %run_scoped3A = arith.constant 32 : i32
      "tpu.region"() ({
        %run_scoped3A_257 = tpu.sem_alloc : memref<!tpu.dma_semaphore, #tpu.memory_space<semaphore_mem>>
        %dma_start3A_258 = arith.constant 0 : i32
        %dma_start3A_259 = tpu.memref_slice %arg9[%run_scoped3A, %dma_start3A_258] : memref<40x64xi32, #tpu.memory_space<vmem>> -> memref<1x64xi32, #tpu.memory_space<vmem>>
        %dma_start3A_260 = tpu.memref_squeeze %dma_start3A_259 : memref<1x64xi32, #tpu.memory_space<vmem>> -> memref<64xi32, #tpu.memory_space<vmem>>
        %dma_start3A_261 = arith.constant 0 : i32
        %dma_start3A_262 = arith.constant 0 : i32
        %dma_start3A_263 = tpu.memref_slice %arg7[%dma_start3A_261, %dma_start3A_262] : memref<10240x128xf32, #tpu.memory_space<vmem_shared>> -> memref<10240x128xf32, #tpu.memory_space<vmem_shared>>
        tpu.enqueue_indirect_dma source(%arg10 : memref<64x128xf32, #tpu.memory_space<vmem>>) target(%dma_start3A_263 : memref<10240x128xf32, #tpu.memory_space<vmem_shared>>) offsets(%dma_start3A_260 : memref<64xi32, #tpu.memory_space<vmem>>) semaphore(%run_scoped3A_257 : memref<!tpu.dma_semaphore, #tpu.memory_space<semaphore_mem>>) {add = true}
        %dma_wait3A_264 = arith.constant 0 : i32
        %dma_wait3A_265 = tpu.memref_slice %arg9[%run_scoped3A, %dma_wait3A_264] : memref<40x64xi32, #tpu.memory_space<vmem>> -> memref<1x64xi32, #tpu.memory_space<vmem>>
        %dma_wait3A_266 = tpu.memref_squeeze %dma_wait3A_265 : memref<1x64xi32, #tpu.memory_space<vmem>> -> memref<64xi32, #tpu.memory_space<vmem>>
        %dma_wait3A_267 = arith.constant 0 : i32
        %dma_wait3A_268 = arith.constant 0 : i32
        %dma_wait3A_269 = tpu.memref_slice %arg7[%dma_wait3A_267, %dma_wait3A_268] : memref<10240x128xf32, #tpu.memory_space<vmem_shared>> -> memref<10240x128xf32, #tpu.memory_space<vmem_shared>>
        tpu.wait_indirect_dma semaphore(%run_scoped3A_257 : memref<!tpu.dma_semaphore, #tpu.memory_space<semaphore_mem>>) src(%arg10 : memref<64x128xf32, #tpu.memory_space<vmem>>) dst(%dma_wait3A_269 : memref<10240x128xf32, #tpu.memory_space<vmem_shared>>)
        tpu.yield
      }) : () -> ()
      %dma_start3A_172 = arith.constant 36 : i32
      %dma_start3A_173 = arith.constant 0 : i32
      %dma_start3A_174 = tpu.memref_slice %arg8[%dma_start3A_172, %dma_start3A_173] : memref<40x64xi32, #tpu.memory_space<vmem>> -> memref<1x64xi32, #tpu.memory_space<vmem>>
      %dma_start3A_175 = tpu.memref_squeeze %dma_start3A_174 : memref<1x64xi32, #tpu.memory_space<vmem>> -> memref<64xi32, #tpu.memory_space<vmem>>
      %dma_start3A_176 = arith.constant 0 : i32
      %dma_start3A_177 = arith.constant 0 : i32
      %dma_start3A_178 = tpu.memref_slice %arg2[%dma_start3A_176, %dma_start3A_177] : memref<10240x128xf32, #tpu.memory_space<hbm>> -> memref<10240x128xf32, #tpu.memory_space<hbm>>
      tpu.enqueue_indirect_dma source(%dma_start3A_178 : memref<10240x128xf32, #tpu.memory_space<hbm>>) target(%arg10 : memref<64x128xf32, #tpu.memory_space<vmem>>) offsets(%dma_start3A_175 : memref<64xi32, #tpu.memory_space<vmem>>) semaphore(%arg14 : memref<!tpu.dma_semaphore, #tpu.memory_space<semaphore_mem>>)
      %dma_wait3A_179 = arith.constant 0 : i32
      %dma_wait3A_180 = arith.constant 0 : i32
      %dma_wait3A_181 = tpu.memref_slice %arg8[%dma_wait3A_179, %dma_wait3A_180] : memref<40x64xi32, #tpu.memory_space<vmem>> -> memref<1x64xi32, #tpu.memory_space<vmem>>
      %dma_wait3A_182 = tpu.memref_squeeze %dma_wait3A_181 : memref<1x64xi32, #tpu.memory_space<vmem>> -> memref<64xi32, #tpu.memory_space<vmem>>
      %dma_wait3A_183 = arith.constant 0 : i32
      %dma_wait3A_184 = arith.constant 0 : i32
      %dma_wait3A_185 = tpu.memref_slice %arg2[%dma_wait3A_183, %dma_wait3A_184] : memref<10240x128xf32, #tpu.memory_space<hbm>> -> memref<10240x128xf32, #tpu.memory_space<hbm>>
      tpu.wait_indirect_dma semaphore(%arg15 : memref<!tpu.dma_semaphore, #tpu.memory_space<semaphore_mem>>) src(%dma_wait3A_185 : memref<10240x128xf32, #tpu.memory_space<hbm>>) dst(%arg11 : memref<64x128xf32, #tpu.memory_space<vmem>>)
      %run_scoped3A_186 = arith.constant 33 : i32
      "tpu.region"() ({
        %run_scoped3A_257 = tpu.sem_alloc : memref<!tpu.dma_semaphore, #tpu.memory_space<semaphore_mem>>
        %dma_start3A_258 = arith.constant 0 : i32
        %dma_start3A_259 = tpu.memref_slice %arg9[%run_scoped3A_186, %dma_start3A_258] : memref<40x64xi32, #tpu.memory_space<vmem>> -> memref<1x64xi32, #tpu.memory_space<vmem>>
        %dma_start3A_260 = tpu.memref_squeeze %dma_start3A_259 : memref<1x64xi32, #tpu.memory_space<vmem>> -> memref<64xi32, #tpu.memory_space<vmem>>
        %dma_start3A_261 = arith.constant 0 : i32
        %dma_start3A_262 = arith.constant 0 : i32
        %dma_start3A_263 = tpu.memref_slice %arg7[%dma_start3A_261, %dma_start3A_262] : memref<10240x128xf32, #tpu.memory_space<vmem_shared>> -> memref<10240x128xf32, #tpu.memory_space<vmem_shared>>
        tpu.enqueue_indirect_dma source(%arg11 : memref<64x128xf32, #tpu.memory_space<vmem>>) target(%dma_start3A_263 : memref<10240x128xf32, #tpu.memory_space<vmem_shared>>) offsets(%dma_start3A_260 : memref<64xi32, #tpu.memory_space<vmem>>) semaphore(%run_scoped3A_257 : memref<!tpu.dma_semaphore, #tpu.memory_space<semaphore_mem>>) {add = true}
        %dma_wait3A_264 = arith.constant 0 : i32
        %dma_wait3A_265 = tpu.memref_slice %arg9[%run_scoped3A_186, %dma_wait3A_264] : memref<40x64xi32, #tpu.memory_space<vmem>> -> memref<1x64xi32, #tpu.memory_space<vmem>>
        %dma_wait3A_266 = tpu.memref_squeeze %dma_wait3A_265 : memref<1x64xi32, #tpu.memory_space<vmem>> -> memref<64xi32, #tpu.memory_space<vmem>>
        %dma_wait3A_267 = arith.constant 0 : i32
        %dma_wait3A_268 = arith.constant 0 : i32
        %dma_wait3A_269 = tpu.memref_slice %arg7[%dma_wait3A_267, %dma_wait3A_268] : memref<10240x128xf32, #tpu.memory_space<vmem_shared>> -> memref<10240x128xf32, #tpu.memory_space<vmem_shared>>
        tpu.wait_indirect_dma semaphore(%run_scoped3A_257 : memref<!tpu.dma_semaphore, #tpu.memory_space<semaphore_mem>>) src(%arg11 : memref<64x128xf32, #tpu.memory_space<vmem>>) dst(%dma_wait3A_269 : memref<10240x128xf32, #tpu.memory_space<vmem_shared>>)
        tpu.yield
      }) : () -> ()
      %dma_start3A_187 = arith.constant 37 : i32
      %dma_start3A_188 = arith.constant 0 : i32
      %dma_start3A_189 = tpu.memref_slice %arg8[%dma_start3A_187, %dma_start3A_188] : memref<40x64xi32, #tpu.memory_space<vmem>> -> memref<1x64xi32, #tpu.memory_space<vmem>>
      %dma_start3A_190 = tpu.memref_squeeze %dma_start3A_189 : memref<1x64xi32, #tpu.memory_space<vmem>> -> memref<64xi32, #tpu.memory_space<vmem>>
      %dma_start3A_191 = arith.constant 0 : i32
      %dma_start3A_192 = arith.constant 0 : i32
      %dma_start3A_193 = tpu.memref_slice %arg2[%dma_start3A_191, %dma_start3A_192] : memref<10240x128xf32, #tpu.memory_space<hbm>> -> memref<10240x128xf32, #tpu.memory_space<hbm>>
      tpu.enqueue_indirect_dma source(%dma_start3A_193 : memref<10240x128xf32, #tpu.memory_space<hbm>>) target(%arg11 : memref<64x128xf32, #tpu.memory_space<vmem>>) offsets(%dma_start3A_190 : memref<64xi32, #tpu.memory_space<vmem>>) semaphore(%arg15 : memref<!tpu.dma_semaphore, #tpu.memory_space<semaphore_mem>>)
      %dma_wait3A_194 = arith.constant 0 : i32
      %dma_wait3A_195 = arith.constant 0 : i32
      %dma_wait3A_196 = tpu.memref_slice %arg8[%dma_wait3A_194, %dma_wait3A_195] : memref<40x64xi32, #tpu.memory_space<vmem>> -> memref<1x64xi32, #tpu.memory_space<vmem>>
      %dma_wait3A_197 = tpu.memref_squeeze %dma_wait3A_196 : memref<1x64xi32, #tpu.memory_space<vmem>> -> memref<64xi32, #tpu.memory_space<vmem>>
      %dma_wait3A_198 = arith.constant 0 : i32
      %dma_wait3A_199 = arith.constant 0 : i32
      %dma_wait3A_200 = tpu.memref_slice %arg2[%dma_wait3A_198, %dma_wait3A_199] : memref<10240x128xf32, #tpu.memory_space<hbm>> -> memref<10240x128xf32, #tpu.memory_space<hbm>>
      tpu.wait_indirect_dma semaphore(%arg16 : memref<!tpu.dma_semaphore, #tpu.memory_space<semaphore_mem>>) src(%dma_wait3A_200 : memref<10240x128xf32, #tpu.memory_space<hbm>>) dst(%arg12 : memref<64x128xf32, #tpu.memory_space<vmem>>)
      %run_scoped3A_201 = arith.constant 34 : i32
      "tpu.region"() ({
        %run_scoped3A_257 = tpu.sem_alloc : memref<!tpu.dma_semaphore, #tpu.memory_space<semaphore_mem>>
        %dma_start3A_258 = arith.constant 0 : i32
        %dma_start3A_259 = tpu.memref_slice %arg9[%run_scoped3A_201, %dma_start3A_258] : memref<40x64xi32, #tpu.memory_space<vmem>> -> memref<1x64xi32, #tpu.memory_space<vmem>>
        %dma_start3A_260 = tpu.memref_squeeze %dma_start3A_259 : memref<1x64xi32, #tpu.memory_space<vmem>> -> memref<64xi32, #tpu.memory_space<vmem>>
        %dma_start3A_261 = arith.constant 0 : i32
        %dma_start3A_262 = arith.constant 0 : i32
        %dma_start3A_263 = tpu.memref_slice %arg7[%dma_start3A_261, %dma_start3A_262] : memref<10240x128xf32, #tpu.memory_space<vmem_shared>> -> memref<10240x128xf32, #tpu.memory_space<vmem_shared>>
        tpu.enqueue_indirect_dma source(%arg12 : memref<64x128xf32, #tpu.memory_space<vmem>>) target(%dma_start3A_263 : memref<10240x128xf32, #tpu.memory_space<vmem_shared>>) offsets(%dma_start3A_260 : memref<64xi32, #tpu.memory_space<vmem>>) semaphore(%run_scoped3A_257 : memref<!tpu.dma_semaphore, #tpu.memory_space<semaphore_mem>>) {add = true}
        %dma_wait3A_264 = arith.constant 0 : i32
        %dma_wait3A_265 = tpu.memref_slice %arg9[%run_scoped3A_201, %dma_wait3A_264] : memref<40x64xi32, #tpu.memory_space<vmem>> -> memref<1x64xi32, #tpu.memory_space<vmem>>
        %dma_wait3A_266 = tpu.memref_squeeze %dma_wait3A_265 : memref<1x64xi32, #tpu.memory_space<vmem>> -> memref<64xi32, #tpu.memory_space<vmem>>
        %dma_wait3A_267 = arith.constant 0 : i32
        %dma_wait3A_268 = arith.constant 0 : i32
        %dma_wait3A_269 = tpu.memref_slice %arg7[%dma_wait3A_267, %dma_wait3A_268] : memref<10240x128xf32, #tpu.memory_space<vmem_shared>> -> memref<10240x128xf32, #tpu.memory_space<vmem_shared>>
        tpu.wait_indirect_dma semaphore(%run_scoped3A_257 : memref<!tpu.dma_semaphore, #tpu.memory_space<semaphore_mem>>) src(%arg12 : memref<64x128xf32, #tpu.memory_space<vmem>>) dst(%dma_wait3A_269 : memref<10240x128xf32, #tpu.memory_space<vmem_shared>>)
        tpu.yield
      }) : () -> ()
      %dma_start3A_202 = arith.constant 38 : i32
      %dma_start3A_203 = arith.constant 0 : i32
      %dma_start3A_204 = tpu.memref_slice %arg8[%dma_start3A_202, %dma_start3A_203] : memref<40x64xi32, #tpu.memory_space<vmem>> -> memref<1x64xi32, #tpu.memory_space<vmem>>
      %dma_start3A_205 = tpu.memref_squeeze %dma_start3A_204 : memref<1x64xi32, #tpu.memory_space<vmem>> -> memref<64xi32, #tpu.memory_space<vmem>>
      %dma_start3A_206 = arith.constant 0 : i32
      %dma_start3A_207 = arith.constant 0 : i32
      %dma_start3A_208 = tpu.memref_slice %arg2[%dma_start3A_206, %dma_start3A_207] : memref<10240x128xf32, #tpu.memory_space<hbm>> -> memref<10240x128xf32, #tpu.memory_space<hbm>>
      tpu.enqueue_indirect_dma source(%dma_start3A_208 : memref<10240x128xf32, #tpu.memory_space<hbm>>) target(%arg12 : memref<64x128xf32, #tpu.memory_space<vmem>>) offsets(%dma_start3A_205 : memref<64xi32, #tpu.memory_space<vmem>>) semaphore(%arg16 : memref<!tpu.dma_semaphore, #tpu.memory_space<semaphore_mem>>)
      %dma_wait3A_209 = arith.constant 0 : i32
      %dma_wait3A_210 = arith.constant 0 : i32
      %dma_wait3A_211 = tpu.memref_slice %arg8[%dma_wait3A_209, %dma_wait3A_210] : memref<40x64xi32, #tpu.memory_space<vmem>> -> memref<1x64xi32, #tpu.memory_space<vmem>>
      %dma_wait3A_212 = tpu.memref_squeeze %dma_wait3A_211 : memref<1x64xi32, #tpu.memory_space<vmem>> -> memref<64xi32, #tpu.memory_space<vmem>>
      %dma_wait3A_213 = arith.constant 0 : i32
      %dma_wait3A_214 = arith.constant 0 : i32
      %dma_wait3A_215 = tpu.memref_slice %arg2[%dma_wait3A_213, %dma_wait3A_214] : memref<10240x128xf32, #tpu.memory_space<hbm>> -> memref<10240x128xf32, #tpu.memory_space<hbm>>
      tpu.wait_indirect_dma semaphore(%arg17 : memref<!tpu.dma_semaphore, #tpu.memory_space<semaphore_mem>>) src(%dma_wait3A_215 : memref<10240x128xf32, #tpu.memory_space<hbm>>) dst(%arg13 : memref<64x128xf32, #tpu.memory_space<vmem>>)
      %run_scoped3A_216 = arith.constant 35 : i32
      "tpu.region"() ({
        %run_scoped3A_257 = tpu.sem_alloc : memref<!tpu.dma_semaphore, #tpu.memory_space<semaphore_mem>>
        %dma_start3A_258 = arith.constant 0 : i32
        %dma_start3A_259 = tpu.memref_slice %arg9[%run_scoped3A_216, %dma_start3A_258] : memref<40x64xi32, #tpu.memory_space<vmem>> -> memref<1x64xi32, #tpu.memory_space<vmem>>
        %dma_start3A_260 = tpu.memref_squeeze %dma_start3A_259 : memref<1x64xi32, #tpu.memory_space<vmem>> -> memref<64xi32, #tpu.memory_space<vmem>>
        %dma_start3A_261 = arith.constant 0 : i32
        %dma_start3A_262 = arith.constant 0 : i32
        %dma_start3A_263 = tpu.memref_slice %arg7[%dma_start3A_261, %dma_start3A_262] : memref<10240x128xf32, #tpu.memory_space<vmem_shared>> -> memref<10240x128xf32, #tpu.memory_space<vmem_shared>>
        tpu.enqueue_indirect_dma source(%arg13 : memref<64x128xf32, #tpu.memory_space<vmem>>) target(%dma_start3A_263 : memref<10240x128xf32, #tpu.memory_space<vmem_shared>>) offsets(%dma_start3A_260 : memref<64xi32, #tpu.memory_space<vmem>>) semaphore(%run_scoped3A_257 : memref<!tpu.dma_semaphore, #tpu.memory_space<semaphore_mem>>) {add = true}
        %dma_wait3A_264 = arith.constant 0 : i32
        %dma_wait3A_265 = tpu.memref_slice %arg9[%run_scoped3A_216, %dma_wait3A_264] : memref<40x64xi32, #tpu.memory_space<vmem>> -> memref<1x64xi32, #tpu.memory_space<vmem>>
        %dma_wait3A_266 = tpu.memref_squeeze %dma_wait3A_265 : memref<1x64xi32, #tpu.memory_space<vmem>> -> memref<64xi32, #tpu.memory_space<vmem>>
        %dma_wait3A_267 = arith.constant 0 : i32
        %dma_wait3A_268 = arith.constant 0 : i32
        %dma_wait3A_269 = tpu.memref_slice %arg7[%dma_wait3A_267, %dma_wait3A_268] : memref<10240x128xf32, #tpu.memory_space<vmem_shared>> -> memref<10240x128xf32, #tpu.memory_space<vmem_shared>>
        tpu.wait_indirect_dma semaphore(%run_scoped3A_257 : memref<!tpu.dma_semaphore, #tpu.memory_space<semaphore_mem>>) src(%arg13 : memref<64x128xf32, #tpu.memory_space<vmem>>) dst(%dma_wait3A_269 : memref<10240x128xf32, #tpu.memory_space<vmem_shared>>)
        tpu.yield
      }) : () -> ()
      %dma_start3A_217 = arith.constant 39 : i32
      %dma_start3A_218 = arith.constant 0 : i32
      %dma_start3A_219 = tpu.memref_slice %arg8[%dma_start3A_217, %dma_start3A_218] : memref<40x64xi32, #tpu.memory_space<vmem>> -> memref<1x64xi32, #tpu.memory_space<vmem>>
      %dma_start3A_220 = tpu.memref_squeeze %dma_start3A_219 : memref<1x64xi32, #tpu.memory_space<vmem>> -> memref<64xi32, #tpu.memory_space<vmem>>
      %dma_start3A_221 = arith.constant 0 : i32
      %dma_start3A_222 = arith.constant 0 : i32
      %dma_start3A_223 = tpu.memref_slice %arg2[%dma_start3A_221, %dma_start3A_222] : memref<10240x128xf32, #tpu.memory_space<hbm>> -> memref<10240x128xf32, #tpu.memory_space<hbm>>
      tpu.enqueue_indirect_dma source(%dma_start3A_223 : memref<10240x128xf32, #tpu.memory_space<hbm>>) target(%arg13 : memref<64x128xf32, #tpu.memory_space<vmem>>) offsets(%dma_start3A_220 : memref<64xi32, #tpu.memory_space<vmem>>) semaphore(%arg17 : memref<!tpu.dma_semaphore, #tpu.memory_space<semaphore_mem>>)
      %dma_wait3A_224 = arith.constant 0 : i32
      %dma_wait3A_225 = arith.constant 0 : i32
      %dma_wait3A_226 = tpu.memref_slice %arg8[%dma_wait3A_224, %dma_wait3A_225] : memref<40x64xi32, #tpu.memory_space<vmem>> -> memref<1x64xi32, #tpu.memory_space<vmem>>
      %dma_wait3A_227 = tpu.memref_squeeze %dma_wait3A_226 : memref<1x64xi32, #tpu.memory_space<vmem>> -> memref<64xi32, #tpu.memory_space<vmem>>
      %dma_wait3A_228 = arith.constant 0 : i32
      %dma_wait3A_229 = arith.constant 0 : i32
      %dma_wait3A_230 = tpu.memref_slice %arg2[%dma_wait3A_228, %dma_wait3A_229] : memref<10240x128xf32, #tpu.memory_space<hbm>> -> memref<10240x128xf32, #tpu.memory_space<hbm>>
      tpu.wait_indirect_dma semaphore(%arg14 : memref<!tpu.dma_semaphore, #tpu.memory_space<semaphore_mem>>) src(%dma_wait3A_230 : memref<10240x128xf32, #tpu.memory_space<hbm>>) dst(%arg10 : memref<64x128xf32, #tpu.memory_space<vmem>>)
      %run_scoped3A_231 = arith.constant 36 : i32
      "tpu.region"() ({
        %run_scoped3A_257 = tpu.sem_alloc : memref<!tpu.dma_semaphore, #tpu.memory_space<semaphore_mem>>
        %dma_start3A_258 = arith.constant 0 : i32
        %dma_start3A_259 = tpu.memref_slice %arg9[%run_scoped3A_231, %dma_start3A_258] : memref<40x64xi32, #tpu.memory_space<vmem>> -> memref<1x64xi32, #tpu.memory_space<vmem>>
        %dma_start3A_260 = tpu.memref_squeeze %dma_start3A_259 : memref<1x64xi32, #tpu.memory_space<vmem>> -> memref<64xi32, #tpu.memory_space<vmem>>
        %dma_start3A_261 = arith.constant 0 : i32
        %dma_start3A_262 = arith.constant 0 : i32
        %dma_start3A_263 = tpu.memref_slice %arg7[%dma_start3A_261, %dma_start3A_262] : memref<10240x128xf32, #tpu.memory_space<vmem_shared>> -> memref<10240x128xf32, #tpu.memory_space<vmem_shared>>
        tpu.enqueue_indirect_dma source(%arg10 : memref<64x128xf32, #tpu.memory_space<vmem>>) target(%dma_start3A_263 : memref<10240x128xf32, #tpu.memory_space<vmem_shared>>) offsets(%dma_start3A_260 : memref<64xi32, #tpu.memory_space<vmem>>) semaphore(%run_scoped3A_257 : memref<!tpu.dma_semaphore, #tpu.memory_space<semaphore_mem>>) {add = true}
        %dma_wait3A_264 = arith.constant 0 : i32
        %dma_wait3A_265 = tpu.memref_slice %arg9[%run_scoped3A_231, %dma_wait3A_264] : memref<40x64xi32, #tpu.memory_space<vmem>> -> memref<1x64xi32, #tpu.memory_space<vmem>>
        %dma_wait3A_266 = tpu.memref_squeeze %dma_wait3A_265 : memref<1x64xi32, #tpu.memory_space<vmem>> -> memref<64xi32, #tpu.memory_space<vmem>>
        %dma_wait3A_267 = arith.constant 0 : i32
        %dma_wait3A_268 = arith.constant 0 : i32
        %dma_wait3A_269 = tpu.memref_slice %arg7[%dma_wait3A_267, %dma_wait3A_268] : memref<10240x128xf32, #tpu.memory_space<vmem_shared>> -> memref<10240x128xf32, #tpu.memory_space<vmem_shared>>
        tpu.wait_indirect_dma semaphore(%run_scoped3A_257 : memref<!tpu.dma_semaphore, #tpu.memory_space<semaphore_mem>>) src(%arg10 : memref<64x128xf32, #tpu.memory_space<vmem>>) dst(%dma_wait3A_269 : memref<10240x128xf32, #tpu.memory_space<vmem_shared>>)
        tpu.yield
      }) : () -> ()
      %dma_wait3A_232 = arith.constant 0 : i32
      %dma_wait3A_233 = arith.constant 0 : i32
      %dma_wait3A_234 = tpu.memref_slice %arg8[%dma_wait3A_232, %dma_wait3A_233] : memref<40x64xi32, #tpu.memory_space<vmem>> -> memref<1x64xi32, #tpu.memory_space<vmem>>
      %dma_wait3A_235 = tpu.memref_squeeze %dma_wait3A_234 : memref<1x64xi32, #tpu.memory_space<vmem>> -> memref<64xi32, #tpu.memory_space<vmem>>
      %dma_wait3A_236 = arith.constant 0 : i32
      %dma_wait3A_237 = arith.constant 0 : i32
      %dma_wait3A_238 = tpu.memref_slice %arg2[%dma_wait3A_236, %dma_wait3A_237] : memref<10240x128xf32, #tpu.memory_space<hbm>> -> memref<10240x128xf32, #tpu.memory_space<hbm>>
      tpu.wait_indirect_dma semaphore(%arg15 : memref<!tpu.dma_semaphore, #tpu.memory_space<semaphore_mem>>) src(%dma_wait3A_238 : memref<10240x128xf32, #tpu.memory_space<hbm>>) dst(%arg11 : memref<64x128xf32, #tpu.memory_space<vmem>>)
      %run_scoped3A_239 = arith.constant 37 : i32
      "tpu.region"() ({
        %run_scoped3A_257 = tpu.sem_alloc : memref<!tpu.dma_semaphore, #tpu.memory_space<semaphore_mem>>
        %dma_start3A_258 = arith.constant 0 : i32
        %dma_start3A_259 = tpu.memref_slice %arg9[%run_scoped3A_239, %dma_start3A_258] : memref<40x64xi32, #tpu.memory_space<vmem>> -> memref<1x64xi32, #tpu.memory_space<vmem>>
        %dma_start3A_260 = tpu.memref_squeeze %dma_start3A_259 : memref<1x64xi32, #tpu.memory_space<vmem>> -> memref<64xi32, #tpu.memory_space<vmem>>
        %dma_start3A_261 = arith.constant 0 : i32
        %dma_start3A_262 = arith.constant 0 : i32
        %dma_start3A_263 = tpu.memref_slice %arg7[%dma_start3A_261, %dma_start3A_262] : memref<10240x128xf32, #tpu.memory_space<vmem_shared>> -> memref<10240x128xf32, #tpu.memory_space<vmem_shared>>
        tpu.enqueue_indirect_dma source(%arg11 : memref<64x128xf32, #tpu.memory_space<vmem>>) target(%dma_start3A_263 : memref<10240x128xf32, #tpu.memory_space<vmem_shared>>) offsets(%dma_start3A_260 : memref<64xi32, #tpu.memory_space<vmem>>) semaphore(%run_scoped3A_257 : memref<!tpu.dma_semaphore, #tpu.memory_space<semaphore_mem>>) {add = true}
        %dma_wait3A_264 = arith.constant 0 : i32
        %dma_wait3A_265 = tpu.memref_slice %arg9[%run_scoped3A_239, %dma_wait3A_264] : memref<40x64xi32, #tpu.memory_space<vmem>> -> memref<1x64xi32, #tpu.memory_space<vmem>>
        %dma_wait3A_266 = tpu.memref_squeeze %dma_wait3A_265 : memref<1x64xi32, #tpu.memory_space<vmem>> -> memref<64xi32, #tpu.memory_space<vmem>>
        %dma_wait3A_267 = arith.constant 0 : i32
        %dma_wait3A_268 = arith.constant 0 : i32
        %dma_wait3A_269 = tpu.memref_slice %arg7[%dma_wait3A_267, %dma_wait3A_268] : memref<10240x128xf32, #tpu.memory_space<vmem_shared>> -> memref<10240x128xf32, #tpu.memory_space<vmem_shared>>
        tpu.wait_indirect_dma semaphore(%run_scoped3A_257 : memref<!tpu.dma_semaphore, #tpu.memory_space<semaphore_mem>>) src(%arg11 : memref<64x128xf32, #tpu.memory_space<vmem>>) dst(%dma_wait3A_269 : memref<10240x128xf32, #tpu.memory_space<vmem_shared>>)
        tpu.yield
      }) : () -> ()
      %dma_wait3A_240 = arith.constant 0 : i32
      %dma_wait3A_241 = arith.constant 0 : i32
      %dma_wait3A_242 = tpu.memref_slice %arg8[%dma_wait3A_240, %dma_wait3A_241] : memref<40x64xi32, #tpu.memory_space<vmem>> -> memref<1x64xi32, #tpu.memory_space<vmem>>
      %dma_wait3A_243 = tpu.memref_squeeze %dma_wait3A_242 : memref<1x64xi32, #tpu.memory_space<vmem>> -> memref<64xi32, #tpu.memory_space<vmem>>
      %dma_wait3A_244 = arith.constant 0 : i32
      %dma_wait3A_245 = arith.constant 0 : i32
      %dma_wait3A_246 = tpu.memref_slice %arg2[%dma_wait3A_244, %dma_wait3A_245] : memref<10240x128xf32, #tpu.memory_space<hbm>> -> memref<10240x128xf32, #tpu.memory_space<hbm>>
      tpu.wait_indirect_dma semaphore(%arg16 : memref<!tpu.dma_semaphore, #tpu.memory_space<semaphore_mem>>) src(%dma_wait3A_246 : memref<10240x128xf32, #tpu.memory_space<hbm>>) dst(%arg12 : memref<64x128xf32, #tpu.memory_space<vmem>>)
      %run_scoped3A_247 = arith.constant 38 : i32
      "tpu.region"() ({
        %run_scoped3A_257 = tpu.sem_alloc : memref<!tpu.dma_semaphore, #tpu.memory_space<semaphore_mem>>
        %dma_start3A_258 = arith.constant 0 : i32
        %dma_start3A_259 = tpu.memref_slice %arg9[%run_scoped3A_247, %dma_start3A_258] : memref<40x64xi32, #tpu.memory_space<vmem>> -> memref<1x64xi32, #tpu.memory_space<vmem>>
        %dma_start3A_260 = tpu.memref_squeeze %dma_start3A_259 : memref<1x64xi32, #tpu.memory_space<vmem>> -> memref<64xi32, #tpu.memory_space<vmem>>
        %dma_start3A_261 = arith.constant 0 : i32
        %dma_start3A_262 = arith.constant 0 : i32
        %dma_start3A_263 = tpu.memref_slice %arg7[%dma_start3A_261, %dma_start3A_262] : memref<10240x128xf32, #tpu.memory_space<vmem_shared>> -> memref<10240x128xf32, #tpu.memory_space<vmem_shared>>
        tpu.enqueue_indirect_dma source(%arg12 : memref<64x128xf32, #tpu.memory_space<vmem>>) target(%dma_start3A_263 : memref<10240x128xf32, #tpu.memory_space<vmem_shared>>) offsets(%dma_start3A_260 : memref<64xi32, #tpu.memory_space<vmem>>) semaphore(%run_scoped3A_257 : memref<!tpu.dma_semaphore, #tpu.memory_space<semaphore_mem>>) {add = true}
        %dma_wait3A_264 = arith.constant 0 : i32
        %dma_wait3A_265 = tpu.memref_slice %arg9[%run_scoped3A_247, %dma_wait3A_264] : memref<40x64xi32, #tpu.memory_space<vmem>> -> memref<1x64xi32, #tpu.memory_space<vmem>>
        %dma_wait3A_266 = tpu.memref_squeeze %dma_wait3A_265 : memref<1x64xi32, #tpu.memory_space<vmem>> -> memref<64xi32, #tpu.memory_space<vmem>>
        %dma_wait3A_267 = arith.constant 0 : i32
        %dma_wait3A_268 = arith.constant 0 : i32
        %dma_wait3A_269 = tpu.memref_slice %arg7[%dma_wait3A_267, %dma_wait3A_268] : memref<10240x128xf32, #tpu.memory_space<vmem_shared>> -> memref<10240x128xf32, #tpu.memory_space<vmem_shared>>
        tpu.wait_indirect_dma semaphore(%run_scoped3A_257 : memref<!tpu.dma_semaphore, #tpu.memory_space<semaphore_mem>>) src(%arg12 : memref<64x128xf32, #tpu.memory_space<vmem>>) dst(%dma_wait3A_269 : memref<10240x128xf32, #tpu.memory_space<vmem_shared>>)
        tpu.yield
      }) : () -> ()
      %dma_wait3A_248 = arith.constant 0 : i32
      %dma_wait3A_249 = arith.constant 0 : i32
      %dma_wait3A_250 = tpu.memref_slice %arg8[%dma_wait3A_248, %dma_wait3A_249] : memref<40x64xi32, #tpu.memory_space<vmem>> -> memref<1x64xi32, #tpu.memory_space<vmem>>
      %dma_wait3A_251 = tpu.memref_squeeze %dma_wait3A_250 : memref<1x64xi32, #tpu.memory_space<vmem>> -> memref<64xi32, #tpu.memory_space<vmem>>
      %dma_wait3A_252 = arith.constant 0 : i32
      %dma_wait3A_253 = arith.constant 0 : i32
      %dma_wait3A_254 = tpu.memref_slice %arg2[%dma_wait3A_252, %dma_wait3A_253] : memref<10240x128xf32, #tpu.memory_space<hbm>> -> memref<10240x128xf32, #tpu.memory_space<hbm>>
      tpu.wait_indirect_dma semaphore(%arg17 : memref<!tpu.dma_semaphore, #tpu.memory_space<semaphore_mem>>) src(%dma_wait3A_254 : memref<10240x128xf32, #tpu.memory_space<hbm>>) dst(%arg13 : memref<64x128xf32, #tpu.memory_space<vmem>>)
      %run_scoped3A_255 = arith.constant 39 : i32
      "tpu.region"() ({
        %run_scoped3A_257 = tpu.sem_alloc : memref<!tpu.dma_semaphore, #tpu.memory_space<semaphore_mem>>
        %dma_start3A_258 = arith.constant 0 : i32
        %dma_start3A_259 = tpu.memref_slice %arg9[%run_scoped3A_255, %dma_start3A_258] : memref<40x64xi32, #tpu.memory_space<vmem>> -> memref<1x64xi32, #tpu.memory_space<vmem>>
        %dma_start3A_260 = tpu.memref_squeeze %dma_start3A_259 : memref<1x64xi32, #tpu.memory_space<vmem>> -> memref<64xi32, #tpu.memory_space<vmem>>
        %dma_start3A_261 = arith.constant 0 : i32
        %dma_start3A_262 = arith.constant 0 : i32
        %dma_start3A_263 = tpu.memref_slice %arg7[%dma_start3A_261, %dma_start3A_262] : memref<10240x128xf32, #tpu.memory_space<vmem_shared>> -> memref<10240x128xf32, #tpu.memory_space<vmem_shared>>
        tpu.enqueue_indirect_dma source(%arg13 : memref<64x128xf32, #tpu.memory_space<vmem>>) target(%dma_start3A_263 : memref<10240x128xf32, #tpu.memory_space<vmem_shared>>) offsets(%dma_start3A_260 : memref<64xi32, #tpu.memory_space<vmem>>) semaphore(%run_scoped3A_257 : memref<!tpu.dma_semaphore, #tpu.memory_space<semaphore_mem>>) {add = true}
        %dma_wait3A_264 = arith.constant 0 : i32
        %dma_wait3A_265 = tpu.memref_slice %arg9[%run_scoped3A_255, %dma_wait3A_264] : memref<40x64xi32, #tpu.memory_space<vmem>> -> memref<1x64xi32, #tpu.memory_space<vmem>>
        %dma_wait3A_266 = tpu.memref_squeeze %dma_wait3A_265 : memref<1x64xi32, #tpu.memory_space<vmem>> -> memref<64xi32, #tpu.memory_space<vmem>>
        %dma_wait3A_267 = arith.constant 0 : i32
        %dma_wait3A_268 = arith.constant 0 : i32
        %dma_wait3A_269 = tpu.memref_slice %arg7[%dma_wait3A_267, %dma_wait3A_268] : memref<10240x128xf32, #tpu.memory_space<vmem_shared>> -> memref<10240x128xf32, #tpu.memory_space<vmem_shared>>
        tpu.wait_indirect_dma semaphore(%run_scoped3A_257 : memref<!tpu.dma_semaphore, #tpu.memory_space<semaphore_mem>>) src(%arg13 : memref<64x128xf32, #tpu.memory_space<vmem>>) dst(%dma_wait3A_269 : memref<10240x128xf32, #tpu.memory_space<vmem_shared>>)
        tpu.yield
      }) : () -> ()
      %scan3A_256 = arith.constant 0 : i32
      scf.yield %scan3A_256 : i32
    }
    %scan3A_36 = arith.constant 4 : i32
    %barrier3A_37 = arith.constant 0 : index
    tpu.barrier barrier_id(%barrier3A_37)
    %add3A_38 = arith.constant 0 : i32
    %add3A_39 = arith.addi %mul3A_2, %add3A_38 : i32
    "tpu.region"() ({
      %run_scoped3A = tpu.sem_alloc : memref<!tpu.dma_semaphore, #tpu.memory_space<semaphore_mem>>
      %dma_start3A = arith.constant 0 : i32
      %dma_start3A_126 = tpu.memref_slice %arg7[%add3A_39, %dma_start3A] : memref<10240x128xf32, #tpu.memory_space<vmem_shared>> -> memref<64x128xf32, #tpu.memory_space<vmem_shared>>
      %dma_start3A_127 = arith.constant 0 : i32
      %dma_start3A_128 = tpu.memref_slice %arg7[%add3A_39, %dma_start3A_127] : memref<10240x128xf32, #tpu.memory_space<vmem_shared>> -> memref<64x128xf32, #tpu.memory_space<vmem_shared>>
      tpu.enqueue_dma source(%dma_start3A_128 : memref<64x128xf32, #tpu.memory_space<vmem_shared>>) target(%arg10 : memref<64x128xf32, #tpu.memory_space<vmem>>) target_semaphore(%run_scoped3A : memref<!tpu.dma_semaphore, #tpu.memory_space<semaphore_mem>>)
      %dma_wait3A = arith.constant 0 : i32
      %dma_wait3A_129 = tpu.memref_slice %arg7[%add3A_39, %dma_wait3A] : memref<10240x128xf32, #tpu.memory_space<vmem_shared>> -> memref<64x128xf32, #tpu.memory_space<vmem_shared>>
      %dma_wait3A_130 = arith.constant 0 : i32
      %dma_wait3A_131 = tpu.memref_slice %arg7[%add3A_39, %dma_wait3A_130] : memref<10240x128xf32, #tpu.memory_space<vmem_shared>> -> memref<64x128xf32, #tpu.memory_space<vmem_shared>>
      tpu.wait_dma2 semaphore(%run_scoped3A : memref<!tpu.dma_semaphore, #tpu.memory_space<semaphore_mem>>) src(%dma_wait3A_131 : memref<64x128xf32, #tpu.memory_space<vmem_shared>>) dst(%arg10 : memref<64x128xf32, #tpu.memory_space<vmem>>)
      tpu.yield
    }) : () -> ()
    "tpu.region"() ({
      %run_scoped3A = tpu.sem_alloc : memref<!tpu.dma_semaphore, #tpu.memory_space<semaphore_mem>>
      %dma_start3A = arith.constant 0 : i32
      %dma_start3A_126 = tpu.memref_slice %arg5[%arg0, %add3A_39, %dma_start3A] : memref<2x10240x128xf32, #tpu.memory_space<hbm>> -> memref<1x64x128xf32, #tpu.memory_space<hbm>>
      %dma_start3A_127 = tpu.memref_squeeze %dma_start3A_126 : memref<1x64x128xf32, #tpu.memory_space<hbm>> -> memref<64x128xf32, #tpu.memory_space<hbm>>
      %dma_start3A_128 = arith.constant 0 : i32
      %dma_start3A_129 = tpu.memref_slice %arg5[%arg0, %add3A_39, %dma_start3A_128] : memref<2x10240x128xf32, #tpu.memory_space<hbm>> -> memref<1x64x128xf32, #tpu.memory_space<hbm>>
      %dma_start3A_130 = tpu.memref_squeeze %dma_start3A_129 : memref<1x64x128xf32, #tpu.memory_space<hbm>> -> memref<64x128xf32, #tpu.memory_space<hbm>>
      tpu.enqueue_dma source(%arg10 : memref<64x128xf32, #tpu.memory_space<vmem>>) target(%dma_start3A_130 : memref<64x128xf32, #tpu.memory_space<hbm>>) target_semaphore(%run_scoped3A : memref<!tpu.dma_semaphore, #tpu.memory_space<semaphore_mem>>)
      %dma_wait3A = arith.constant 0 : i32
      %dma_wait3A_131 = tpu.memref_slice %arg5[%arg0, %add3A_39, %dma_wait3A] : memref<2x10240x128xf32, #tpu.memory_space<hbm>> -> memref<1x64x128xf32, #tpu.memory_space<hbm>>
      %dma_wait3A_132 = tpu.memref_squeeze %dma_wait3A_131 : memref<1x64x128xf32, #tpu.memory_space<hbm>> -> memref<64x128xf32, #tpu.memory_space<hbm>>
      %dma_wait3A_133 = arith.constant 0 : i32
      %dma_wait3A_134 = tpu.memref_slice %arg5[%arg0, %add3A_39, %dma_wait3A_133] : memref<2x10240x128xf32, #tpu.memory_space<hbm>> -> memref<1x64x128xf32, #tpu.memory_space<hbm>>
      %dma_wait3A_135 = tpu.memref_squeeze %dma_wait3A_134 : memref<1x64x128xf32, #tpu.memory_space<hbm>> -> memref<64x128xf32, #tpu.memory_space<hbm>>
      tpu.wait_dma2 semaphore(%run_scoped3A : memref<!tpu.dma_semaphore, #tpu.memory_space<semaphore_mem>>) src(%arg10 : memref<64x128xf32, #tpu.memory_space<vmem>>) dst(%dma_wait3A_135 : memref<64x128xf32, #tpu.memory_space<hbm>>)
      tpu.yield
    }) : () -> ()
    %add3A_40 = arith.constant 64 : i32
    %add3A_41 = arith.addi %mul3A_2, %add3A_40 : i32
    "tpu.region"() ({
      %run_scoped3A = tpu.sem_alloc : memref<!tpu.dma_semaphore, #tpu.memory_space<semaphore_mem>>
      %dma_start3A = arith.constant 0 : i32
      %dma_start3A_126 = tpu.memref_slice %arg7[%add3A_41, %dma_start3A] : memref<10240x128xf32, #tpu.memory_space<vmem_shared>> -> memref<64x128xf32, #tpu.memory_space<vmem_shared>>
      %dma_start3A_127 = arith.constant 0 : i32
      %dma_start3A_128 = tpu.memref_slice %arg7[%add3A_41, %dma_start3A_127] : memref<10240x128xf32, #tpu.memory_space<vmem_shared>> -> memref<64x128xf32, #tpu.memory_space<vmem_shared>>
      tpu.enqueue_dma source(%dma_start3A_128 : memref<64x128xf32, #tpu.memory_space<vmem_shared>>) target(%arg10 : memref<64x128xf32, #tpu.memory_space<vmem>>) target_semaphore(%run_scoped3A : memref<!tpu.dma_semaphore, #tpu.memory_space<semaphore_mem>>)
      %dma_wait3A = arith.constant 0 : i32
      %dma_wait3A_129 = tpu.memref_slice %arg7[%add3A_41, %dma_wait3A] : memref<10240x128xf32, #tpu.memory_space<vmem_shared>> -> memref<64x128xf32, #tpu.memory_space<vmem_shared>>
      %dma_wait3A_130 = arith.constant 0 : i32
      %dma_wait3A_131 = tpu.memref_slice %arg7[%add3A_41, %dma_wait3A_130] : memref<10240x128xf32, #tpu.memory_space<vmem_shared>> -> memref<64x128xf32, #tpu.memory_space<vmem_shared>>
      tpu.wait_dma2 semaphore(%run_scoped3A : memref<!tpu.dma_semaphore, #tpu.memory_space<semaphore_mem>>) src(%dma_wait3A_131 : memref<64x128xf32, #tpu.memory_space<vmem_shared>>) dst(%arg10 : memref<64x128xf32, #tpu.memory_space<vmem>>)
      tpu.yield
    }) : () -> ()
    "tpu.region"() ({
      %run_scoped3A = tpu.sem_alloc : memref<!tpu.dma_semaphore, #tpu.memory_space<semaphore_mem>>
      %dma_start3A = arith.constant 0 : i32
      %dma_start3A_126 = tpu.memref_slice %arg5[%arg0, %add3A_41, %dma_start3A] : memref<2x10240x128xf32, #tpu.memory_space<hbm>> -> memref<1x64x128xf32, #tpu.memory_space<hbm>>
      %dma_start3A_127 = tpu.memref_squeeze %dma_start3A_126 : memref<1x64x128xf32, #tpu.memory_space<hbm>> -> memref<64x128xf32, #tpu.memory_space<hbm>>
      %dma_start3A_128 = arith.constant 0 : i32
      %dma_start3A_129 = tpu.memref_slice %arg5[%arg0, %add3A_41, %dma_start3A_128] : memref<2x10240x128xf32, #tpu.memory_space<hbm>> -> memref<1x64x128xf32, #tpu.memory_space<hbm>>
      %dma_start3A_130 = tpu.memref_squeeze %dma_start3A_129 : memref<1x64x128xf32, #tpu.memory_space<hbm>> -> memref<64x128xf32, #tpu.memory_space<hbm>>
      tpu.enqueue_dma source(%arg10 : memref<64x128xf32, #tpu.memory_space<vmem>>) target(%dma_start3A_130 : memref<64x128xf32, #tpu.memory_space<hbm>>) target_semaphore(%run_scoped3A : memref<!tpu.dma_semaphore, #tpu.memory_space<semaphore_mem>>)
      %dma_wait3A = arith.constant 0 : i32
      %dma_wait3A_131 = tpu.memref_slice %arg5[%arg0, %add3A_41, %dma_wait3A] : memref<2x10240x128xf32, #tpu.memory_space<hbm>> -> memref<1x64x128xf32, #tpu.memory_space<hbm>>
      %dma_wait3A_132 = tpu.memref_squeeze %dma_wait3A_131 : memref<1x64x128xf32, #tpu.memory_space<hbm>> -> memref<64x128xf32, #tpu.memory_space<hbm>>
      %dma_wait3A_133 = arith.constant 0 : i32
      %dma_wait3A_134 = tpu.memref_slice %arg5[%arg0, %add3A_41, %dma_wait3A_133] : memref<2x10240x128xf32, #tpu.memory_space<hbm>> -> memref<1x64x128xf32, #tpu.memory_space<hbm>>
      %dma_wait3A_135 = tpu.memref_squeeze %dma_wait3A_134 : memref<1x64x128xf32, #tpu.memory_space<hbm>> -> memref<64x128xf32, #tpu.memory_space<hbm>>
      tpu.wait_dma2 semaphore(%run_scoped3A : memref<!tpu.dma_semaphore, #tpu.memory_space<semaphore_mem>>) src(%arg10 : memref<64x128xf32, #tpu.memory_space<vmem>>) dst(%dma_wait3A_135 : memref<64x128xf32, #tpu.memory_space<hbm>>)
      tpu.yield
    }) : () -> ()
    %add3A_42 = arith.constant 128 : i32
    %add3A_43 = arith.addi %mul3A_2, %add3A_42 : i32
    "tpu.region"() ({
      %run_scoped3A = tpu.sem_alloc : memref<!tpu.dma_semaphore, #tpu.memory_space<semaphore_mem>>
      %dma_start3A = arith.constant 0 : i32
      %dma_start3A_126 = tpu.memref_slice %arg7[%add3A_43, %dma_start3A] : memref<10240x128xf32, #tpu.memory_space<vmem_shared>> -> memref<64x128xf32, #tpu.memory_space<vmem_shared>>
      %dma_start3A_127 = arith.constant 0 : i32
      %dma_start3A_128 = tpu.memref_slice %arg7[%add3A_43, %dma_start3A_127] : memref<10240x128xf32, #tpu.memory_space<vmem_shared>> -> memref<64x128xf32, #tpu.memory_space<vmem_shared>>
      tpu.enqueue_dma source(%dma_start3A_128 : memref<64x128xf32, #tpu.memory_space<vmem_shared>>) target(%arg10 : memref<64x128xf32, #tpu.memory_space<vmem>>) target_semaphore(%run_scoped3A : memref<!tpu.dma_semaphore, #tpu.memory_space<semaphore_mem>>)
      %dma_wait3A = arith.constant 0 : i32
      %dma_wait3A_129 = tpu.memref_slice %arg7[%add3A_43, %dma_wait3A] : memref<10240x128xf32, #tpu.memory_space<vmem_shared>> -> memref<64x128xf32, #tpu.memory_space<vmem_shared>>
      %dma_wait3A_130 = arith.constant 0 : i32
      %dma_wait3A_131 = tpu.memref_slice %arg7[%add3A_43, %dma_wait3A_130] : memref<10240x128xf32, #tpu.memory_space<vmem_shared>> -> memref<64x128xf32, #tpu.memory_space<vmem_shared>>
      tpu.wait_dma2 semaphore(%run_scoped3A : memref<!tpu.dma_semaphore, #tpu.memory_space<semaphore_mem>>) src(%dma_wait3A_131 : memref<64x128xf32, #tpu.memory_space<vmem_shared>>) dst(%arg10 : memref<64x128xf32, #tpu.memory_space<vmem>>)
      tpu.yield
    }) : () -> ()
    "tpu.region"() ({
      %run_scoped3A = tpu.sem_alloc : memref<!tpu.dma_semaphore, #tpu.memory_space<semaphore_mem>>
      %dma_start3A = arith.constant 0 : i32
      %dma_start3A_126 = tpu.memref_slice %arg5[%arg0, %add3A_43, %dma_start3A] : memref<2x10240x128xf32, #tpu.memory_space<hbm>> -> memref<1x64x128xf32, #tpu.memory_space<hbm>>
      %dma_start3A_127 = tpu.memref_squeeze %dma_start3A_126 : memref<1x64x128xf32, #tpu.memory_space<hbm>> -> memref<64x128xf32, #tpu.memory_space<hbm>>
      %dma_start3A_128 = arith.constant 0 : i32
      %dma_start3A_129 = tpu.memref_slice %arg5[%arg0, %add3A_43, %dma_start3A_128] : memref<2x10240x128xf32, #tpu.memory_space<hbm>> -> memref<1x64x128xf32, #tpu.memory_space<hbm>>
      %dma_start3A_130 = tpu.memref_squeeze %dma_start3A_129 : memref<1x64x128xf32, #tpu.memory_space<hbm>> -> memref<64x128xf32, #tpu.memory_space<hbm>>
      tpu.enqueue_dma source(%arg10 : memref<64x128xf32, #tpu.memory_space<vmem>>) target(%dma_start3A_130 : memref<64x128xf32, #tpu.memory_space<hbm>>) target_semaphore(%run_scoped3A : memref<!tpu.dma_semaphore, #tpu.memory_space<semaphore_mem>>)
      %dma_wait3A = arith.constant 0 : i32
      %dma_wait3A_131 = tpu.memref_slice %arg5[%arg0, %add3A_43, %dma_wait3A] : memref<2x10240x128xf32, #tpu.memory_space<hbm>> -> memref<1x64x128xf32, #tpu.memory_space<hbm>>
      %dma_wait3A_132 = tpu.memref_squeeze %dma_wait3A_131 : memref<1x64x128xf32, #tpu.memory_space<hbm>> -> memref<64x128xf32, #tpu.memory_space<hbm>>
      %dma_wait3A_133 = arith.constant 0 : i32
      %dma_wait3A_134 = tpu.memref_slice %arg5[%arg0, %add3A_43, %dma_wait3A_133] : memref<2x10240x128xf32, #tpu.memory_space<hbm>> -> memref<1x64x128xf32, #tpu.memory_space<hbm>>
      %dma_wait3A_135 = tpu.memref_squeeze %dma_wait3A_134 : memref<1x64x128xf32, #tpu.memory_space<hbm>> -> memref<64x128xf32, #tpu.memory_space<hbm>>
      tpu.wait_dma2 semaphore(%run_scoped3A : memref<!tpu.dma_semaphore, #tpu.memory_space<semaphore_mem>>) src(%arg10 : memref<64x128xf32, #tpu.memory_space<vmem>>) dst(%dma_wait3A_135 : memref<64x128xf32, #tpu.memory_space<hbm>>)
      tpu.yield
    }) : () -> ()
    %add3A_44 = arith.constant 192 : i32
    %add3A_45 = arith.addi %mul3A_2, %add3A_44 : i32
    "tpu.region"() ({
      %run_scoped3A = tpu.sem_alloc : memref<!tpu.dma_semaphore, #tpu.memory_space<semaphore_mem>>
      %dma_start3A = arith.constant 0 : i32
      %dma_start3A_126 = tpu.memref_slice %arg7[%add3A_45, %dma_start3A] : memref<10240x128xf32, #tpu.memory_space<vmem_shared>> -> memref<64x128xf32, #tpu.memory_space<vmem_shared>>
      %dma_start3A_127 = arith.constant 0 : i32
      %dma_start3A_128 = tpu.memref_slice %arg7[%add3A_45, %dma_start3A_127] : memref<10240x128xf32, #tpu.memory_space<vmem_shared>> -> memref<64x128xf32, #tpu.memory_space<vmem_shared>>
      tpu.enqueue_dma source(%dma_start3A_128 : memref<64x128xf32, #tpu.memory_space<vmem_shared>>) target(%arg10 : memref<64x128xf32, #tpu.memory_space<vmem>>) target_semaphore(%run_scoped3A : memref<!tpu.dma_semaphore, #tpu.memory_space<semaphore_mem>>)
      %dma_wait3A = arith.constant 0 : i32
      %dma_wait3A_129 = tpu.memref_slice %arg7[%add3A_45, %dma_wait3A] : memref<10240x128xf32, #tpu.memory_space<vmem_shared>> -> memref<64x128xf32, #tpu.memory_space<vmem_shared>>
      %dma_wait3A_130 = arith.constant 0 : i32
      %dma_wait3A_131 = tpu.memref_slice %arg7[%add3A_45, %dma_wait3A_130] : memref<10240x128xf32, #tpu.memory_space<vmem_shared>> -> memref<64x128xf32, #tpu.memory_space<vmem_shared>>
      tpu.wait_dma2 semaphore(%run_scoped3A : memref<!tpu.dma_semaphore, #tpu.memory_space<semaphore_mem>>) src(%dma_wait3A_131 : memref<64x128xf32, #tpu.memory_space<vmem_shared>>) dst(%arg10 : memref<64x128xf32, #tpu.memory_space<vmem>>)
      tpu.yield
    }) : () -> ()
    "tpu.region"() ({
      %run_scoped3A = tpu.sem_alloc : memref<!tpu.dma_semaphore, #tpu.memory_space<semaphore_mem>>
      %dma_start3A = arith.constant 0 : i32
      %dma_start3A_126 = tpu.memref_slice %arg5[%arg0, %add3A_45, %dma_start3A] : memref<2x10240x128xf32, #tpu.memory_space<hbm>> -> memref<1x64x128xf32, #tpu.memory_space<hbm>>
      %dma_start3A_127 = tpu.memref_squeeze %dma_start3A_126 : memref<1x64x128xf32, #tpu.memory_space<hbm>> -> memref<64x128xf32, #tpu.memory_space<hbm>>
      %dma_start3A_128 = arith.constant 0 : i32
      %dma_start3A_129 = tpu.memref_slice %arg5[%arg0, %add3A_45, %dma_start3A_128] : memref<2x10240x128xf32, #tpu.memory_space<hbm>> -> memref<1x64x128xf32, #tpu.memory_space<hbm>>
      %dma_start3A_130 = tpu.memref_squeeze %dma_start3A_129 : memref<1x64x128xf32, #tpu.memory_space<hbm>> -> memref<64x128xf32, #tpu.memory_space<hbm>>
      tpu.enqueue_dma source(%arg10 : memref<64x128xf32, #tpu.memory_space<vmem>>) target(%dma_start3A_130 : memref<64x128xf32, #tpu.memory_space<hbm>>) target_semaphore(%run_scoped3A : memref<!tpu.dma_semaphore, #tpu.memory_space<semaphore_mem>>)
      %dma_wait3A = arith.constant 0 : i32
      %dma_wait3A_131 = tpu.memref_slice %arg5[%arg0, %add3A_45, %dma_wait3A] : memref<2x10240x128xf32, #tpu.memory_space<hbm>> -> memref<1x64x128xf32, #tpu.memory_space<hbm>>
      %dma_wait3A_132 = tpu.memref_squeeze %dma_wait3A_131 : memref<1x64x128xf32, #tpu.memory_space<hbm>> -> memref<64x128xf32, #tpu.memory_space<hbm>>
      %dma_wait3A_133 = arith.constant 0 : i32
      %dma_wait3A_134 = tpu.memref_slice %arg5[%arg0, %add3A_45, %dma_wait3A_133] : memref<2x10240x128xf32, #tpu.memory_space<hbm>> -> memref<1x64x128xf32, #tpu.memory_space<hbm>>
      %dma_wait3A_135 = tpu.memref_squeeze %dma_wait3A_134 : memref<1x64x128xf32, #tpu.memory_space<hbm>> -> memref<64x128xf32, #tpu.memory_space<hbm>>
      tpu.wait_dma2 semaphore(%run_scoped3A : memref<!tpu.dma_semaphore, #tpu.memory_space<semaphore_mem>>) src(%arg10 : memref<64x128xf32, #tpu.memory_space<vmem>>) dst(%dma_wait3A_135 : memref<64x128xf32, #tpu.memory_space<hbm>>)
      tpu.yield
    }) : () -> ()
    %add3A_46 = arith.constant 256 : i32
    %add3A_47 = arith.addi %mul3A_2, %add3A_46 : i32
    "tpu.region"() ({
      %run_scoped3A = tpu.sem_alloc : memref<!tpu.dma_semaphore, #tpu.memory_space<semaphore_mem>>
      %dma_start3A = arith.constant 0 : i32
      %dma_start3A_126 = tpu.memref_slice %arg7[%add3A_47, %dma_start3A] : memref<10240x128xf32, #tpu.memory_space<vmem_shared>> -> memref<64x128xf32, #tpu.memory_space<vmem_shared>>
      %dma_start3A_127 = arith.constant 0 : i32
      %dma_start3A_128 = tpu.memref_slice %arg7[%add3A_47, %dma_start3A_127] : memref<10240x128xf32, #tpu.memory_space<vmem_shared>> -> memref<64x128xf32, #tpu.memory_space<vmem_shared>>
      tpu.enqueue_dma source(%dma_start3A_128 : memref<64x128xf32, #tpu.memory_space<vmem_shared>>) target(%arg10 : memref<64x128xf32, #tpu.memory_space<vmem>>) target_semaphore(%run_scoped3A : memref<!tpu.dma_semaphore, #tpu.memory_space<semaphore_mem>>)
      %dma_wait3A = arith.constant 0 : i32
      %dma_wait3A_129 = tpu.memref_slice %arg7[%add3A_47, %dma_wait3A] : memref<10240x128xf32, #tpu.memory_space<vmem_shared>> -> memref<64x128xf32, #tpu.memory_space<vmem_shared>>
      %dma_wait3A_130 = arith.constant 0 : i32
      %dma_wait3A_131 = tpu.memref_slice %arg7[%add3A_47, %dma_wait3A_130] : memref<10240x128xf32, #tpu.memory_space<vmem_shared>> -> memref<64x128xf32, #tpu.memory_space<vmem_shared>>
      tpu.wait_dma2 semaphore(%run_scoped3A : memref<!tpu.dma_semaphore, #tpu.memory_space<semaphore_mem>>) src(%dma_wait3A_131 : memref<64x128xf32, #tpu.memory_space<vmem_shared>>) dst(%arg10 : memref<64x128xf32, #tpu.memory_space<vmem>>)
      tpu.yield
    }) : () -> ()
    "tpu.region"() ({
      %run_scoped3A = tpu.sem_alloc : memref<!tpu.dma_semaphore, #tpu.memory_space<semaphore_mem>>
      %dma_start3A = arith.constant 0 : i32
      %dma_start3A_126 = tpu.memref_slice %arg5[%arg0, %add3A_47, %dma_start3A] : memref<2x10240x128xf32, #tpu.memory_space<hbm>> -> memref<1x64x128xf32, #tpu.memory_space<hbm>>
      %dma_start3A_127 = tpu.memref_squeeze %dma_start3A_126 : memref<1x64x128xf32, #tpu.memory_space<hbm>> -> memref<64x128xf32, #tpu.memory_space<hbm>>
      %dma_start3A_128 = arith.constant 0 : i32
      %dma_start3A_129 = tpu.memref_slice %arg5[%arg0, %add3A_47, %dma_start3A_128] : memref<2x10240x128xf32, #tpu.memory_space<hbm>> -> memref<1x64x128xf32, #tpu.memory_space<hbm>>
      %dma_start3A_130 = tpu.memref_squeeze %dma_start3A_129 : memref<1x64x128xf32, #tpu.memory_space<hbm>> -> memref<64x128xf32, #tpu.memory_space<hbm>>
      tpu.enqueue_dma source(%arg10 : memref<64x128xf32, #tpu.memory_space<vmem>>) target(%dma_start3A_130 : memref<64x128xf32, #tpu.memory_space<hbm>>) target_semaphore(%run_scoped3A : memref<!tpu.dma_semaphore, #tpu.memory_space<semaphore_mem>>)
      %dma_wait3A = arith.constant 0 : i32
      %dma_wait3A_131 = tpu.memref_slice %arg5[%arg0, %add3A_47, %dma_wait3A] : memref<2x10240x128xf32, #tpu.memory_space<hbm>> -> memref<1x64x128xf32, #tpu.memory_space<hbm>>
      %dma_wait3A_132 = tpu.memref_squeeze %dma_wait3A_131 : memref<1x64x128xf32, #tpu.memory_space<hbm>> -> memref<64x128xf32, #tpu.memory_space<hbm>>
      %dma_wait3A_133 = arith.constant 0 : i32
      %dma_wait3A_134 = tpu.memref_slice %arg5[%arg0, %add3A_47, %dma_wait3A_133] : memref<2x10240x128xf32, #tpu.memory_space<hbm>> -> memref<1x64x128xf32, #tpu.memory_space<hbm>>
      %dma_wait3A_135 = tpu.memref_squeeze %dma_wait3A_134 : memref<1x64x128xf32, #tpu.memory_space<hbm>> -> memref<64x128xf32, #tpu.memory_space<hbm>>
      tpu.wait_dma2 semaphore(%run_scoped3A : memref<!tpu.dma_semaphore, #tpu.memory_space<semaphore_mem>>) src(%arg10 : memref<64x128xf32, #tpu.memory_space<vmem>>) dst(%dma_wait3A_135 : memref<64x128xf32, #tpu.memory_space<hbm>>)
      tpu.yield
    }) : () -> ()
    %add3A_48 = arith.constant 320 : i32
    %add3A_49 = arith.addi %mul3A_2, %add3A_48 : i32
    "tpu.region"() ({
      %run_scoped3A = tpu.sem_alloc : memref<!tpu.dma_semaphore, #tpu.memory_space<semaphore_mem>>
      %dma_start3A = arith.constant 0 : i32
      %dma_start3A_126 = tpu.memref_slice %arg7[%add3A_49, %dma_start3A] : memref<10240x128xf32, #tpu.memory_space<vmem_shared>> -> memref<64x128xf32, #tpu.memory_space<vmem_shared>>
      %dma_start3A_127 = arith.constant 0 : i32
      %dma_start3A_128 = tpu.memref_slice %arg7[%add3A_49, %dma_start3A_127] : memref<10240x128xf32, #tpu.memory_space<vmem_shared>> -> memref<64x128xf32, #tpu.memory_space<vmem_shared>>
      tpu.enqueue_dma source(%dma_start3A_128 : memref<64x128xf32, #tpu.memory_space<vmem_shared>>) target(%arg10 : memref<64x128xf32, #tpu.memory_space<vmem>>) target_semaphore(%run_scoped3A : memref<!tpu.dma_semaphore, #tpu.memory_space<semaphore_mem>>)
      %dma_wait3A = arith.constant 0 : i32
      %dma_wait3A_129 = tpu.memref_slice %arg7[%add3A_49, %dma_wait3A] : memref<10240x128xf32, #tpu.memory_space<vmem_shared>> -> memref<64x128xf32, #tpu.memory_space<vmem_shared>>
      %dma_wait3A_130 = arith.constant 0 : i32
      %dma_wait3A_131 = tpu.memref_slice %arg7[%add3A_49, %dma_wait3A_130] : memref<10240x128xf32, #tpu.memory_space<vmem_shared>> -> memref<64x128xf32, #tpu.memory_space<vmem_shared>>
      tpu.wait_dma2 semaphore(%run_scoped3A : memref<!tpu.dma_semaphore, #tpu.memory_space<semaphore_mem>>) src(%dma_wait3A_131 : memref<64x128xf32, #tpu.memory_space<vmem_shared>>) dst(%arg10 : memref<64x128xf32, #tpu.memory_space<vmem>>)
      tpu.yield
    }) : () -> ()
    "tpu.region"() ({
      %run_scoped3A = tpu.sem_alloc : memref<!tpu.dma_semaphore, #tpu.memory_space<semaphore_mem>>
      %dma_start3A = arith.constant 0 : i32
      %dma_start3A_126 = tpu.memref_slice %arg5[%arg0, %add3A_49, %dma_start3A] : memref<2x10240x128xf32, #tpu.memory_space<hbm>> -> memref<1x64x128xf32, #tpu.memory_space<hbm>>
      %dma_start3A_127 = tpu.memref_squeeze %dma_start3A_126 : memref<1x64x128xf32, #tpu.memory_space<hbm>> -> memref<64x128xf32, #tpu.memory_space<hbm>>
      %dma_start3A_128 = arith.constant 0 : i32
      %dma_start3A_129 = tpu.memref_slice %arg5[%arg0, %add3A_49, %dma_start3A_128] : memref<2x10240x128xf32, #tpu.memory_space<hbm>> -> memref<1x64x128xf32, #tpu.memory_space<hbm>>
      %dma_start3A_130 = tpu.memref_squeeze %dma_start3A_129 : memref<1x64x128xf32, #tpu.memory_space<hbm>> -> memref<64x128xf32, #tpu.memory_space<hbm>>
      tpu.enqueue_dma source(%arg10 : memref<64x128xf32, #tpu.memory_space<vmem>>) target(%dma_start3A_130 : memref<64x128xf32, #tpu.memory_space<hbm>>) target_semaphore(%run_scoped3A : memref<!tpu.dma_semaphore, #tpu.memory_space<semaphore_mem>>)
      %dma_wait3A = arith.constant 0 : i32
      %dma_wait3A_131 = tpu.memref_slice %arg5[%arg0, %add3A_49, %dma_wait3A] : memref<2x10240x128xf32, #tpu.memory_space<hbm>> -> memref<1x64x128xf32, #tpu.memory_space<hbm>>
      %dma_wait3A_132 = tpu.memref_squeeze %dma_wait3A_131 : memref<1x64x128xf32, #tpu.memory_space<hbm>> -> memref<64x128xf32, #tpu.memory_space<hbm>>
      %dma_wait3A_133 = arith.constant 0 : i32
      %dma_wait3A_134 = tpu.memref_slice %arg5[%arg0, %add3A_49, %dma_wait3A_133] : memref<2x10240x128xf32, #tpu.memory_space<hbm>> -> memref<1x64x128xf32, #tpu.memory_space<hbm>>
      %dma_wait3A_135 = tpu.memref_squeeze %dma_wait3A_134 : memref<1x64x128xf32, #tpu.memory_space<hbm>> -> memref<64x128xf32, #tpu.memory_space<hbm>>
      tpu.wait_dma2 semaphore(%run_scoped3A : memref<!tpu.dma_semaphore, #tpu.memory_space<semaphore_mem>>) src(%arg10 : memref<64x128xf32, #tpu.memory_space<vmem>>) dst(%dma_wait3A_135 : memref<64x128xf32, #tpu.memory_space<hbm>>)
      tpu.yield
    }) : () -> ()
    %add3A_50 = arith.constant 384 : i32
    %add3A_51 = arith.addi %mul3A_2, %add3A_50 : i32
    "tpu.region"() ({
      %run_scoped3A = tpu.sem_alloc : memref<!tpu.dma_semaphore, #tpu.memory_space<semaphore_mem>>
      %dma_start3A = arith.constant 0 : i32
      %dma_start3A_126 = tpu.memref_slice %arg7[%add3A_51, %dma_start3A] : memref<10240x128xf32, #tpu.memory_space<vmem_shared>> -> memref<64x128xf32, #tpu.memory_space<vmem_shared>>
      %dma_start3A_127 = arith.constant 0 : i32
      %dma_start3A_128 = tpu.memref_slice %arg7[%add3A_51, %dma_start3A_127] : memref<10240x128xf32, #tpu.memory_space<vmem_shared>> -> memref<64x128xf32, #tpu.memory_space<vmem_shared>>
      tpu.enqueue_dma source(%dma_start3A_128 : memref<64x128xf32, #tpu.memory_space<vmem_shared>>) target(%arg10 : memref<64x128xf32, #tpu.memory_space<vmem>>) target_semaphore(%run_scoped3A : memref<!tpu.dma_semaphore, #tpu.memory_space<semaphore_mem>>)
      %dma_wait3A = arith.constant 0 : i32
      %dma_wait3A_129 = tpu.memref_slice %arg7[%add3A_51, %dma_wait3A] : memref<10240x128xf32, #tpu.memory_space<vmem_shared>> -> memref<64x128xf32, #tpu.memory_space<vmem_shared>>
      %dma_wait3A_130 = arith.constant 0 : i32
      %dma_wait3A_131 = tpu.memref_slice %arg7[%add3A_51, %dma_wait3A_130] : memref<10240x128xf32, #tpu.memory_space<vmem_shared>> -> memref<64x128xf32, #tpu.memory_space<vmem_shared>>
      tpu.wait_dma2 semaphore(%run_scoped3A : memref<!tpu.dma_semaphore, #tpu.memory_space<semaphore_mem>>) src(%dma_wait3A_131 : memref<64x128xf32, #tpu.memory_space<vmem_shared>>) dst(%arg10 : memref<64x128xf32, #tpu.memory_space<vmem>>)
      tpu.yield
    }) : () -> ()
    "tpu.region"() ({
      %run_scoped3A = tpu.sem_alloc : memref<!tpu.dma_semaphore, #tpu.memory_space<semaphore_mem>>
      %dma_start3A = arith.constant 0 : i32
      %dma_start3A_126 = tpu.memref_slice %arg5[%arg0, %add3A_51, %dma_start3A] : memref<2x10240x128xf32, #tpu.memory_space<hbm>> -> memref<1x64x128xf32, #tpu.memory_space<hbm>>
      %dma_start3A_127 = tpu.memref_squeeze %dma_start3A_126 : memref<1x64x128xf32, #tpu.memory_space<hbm>> -> memref<64x128xf32, #tpu.memory_space<hbm>>
      %dma_start3A_128 = arith.constant 0 : i32
      %dma_start3A_129 = tpu.memref_slice %arg5[%arg0, %add3A_51, %dma_start3A_128] : memref<2x10240x128xf32, #tpu.memory_space<hbm>> -> memref<1x64x128xf32, #tpu.memory_space<hbm>>
      %dma_start3A_130 = tpu.memref_squeeze %dma_start3A_129 : memref<1x64x128xf32, #tpu.memory_space<hbm>> -> memref<64x128xf32, #tpu.memory_space<hbm>>
      tpu.enqueue_dma source(%arg10 : memref<64x128xf32, #tpu.memory_space<vmem>>) target(%dma_start3A_130 : memref<64x128xf32, #tpu.memory_space<hbm>>) target_semaphore(%run_scoped3A : memref<!tpu.dma_semaphore, #tpu.memory_space<semaphore_mem>>)
      %dma_wait3A = arith.constant 0 : i32
      %dma_wait3A_131 = tpu.memref_slice %arg5[%arg0, %add3A_51, %dma_wait3A] : memref<2x10240x128xf32, #tpu.memory_space<hbm>> -> memref<1x64x128xf32, #tpu.memory_space<hbm>>
      %dma_wait3A_132 = tpu.memref_squeeze %dma_wait3A_131 : memref<1x64x128xf32, #tpu.memory_space<hbm>> -> memref<64x128xf32, #tpu.memory_space<hbm>>
      %dma_wait3A_133 = arith.constant 0 : i32
      %dma_wait3A_134 = tpu.memref_slice %arg5[%arg0, %add3A_51, %dma_wait3A_133] : memref<2x10240x128xf32, #tpu.memory_space<hbm>> -> memref<1x64x128xf32, #tpu.memory_space<hbm>>
      %dma_wait3A_135 = tpu.memref_squeeze %dma_wait3A_134 : memref<1x64x128xf32, #tpu.memory_space<hbm>> -> memref<64x128xf32, #tpu.memory_space<hbm>>
      tpu.wait_dma2 semaphore(%run_scoped3A : memref<!tpu.dma_semaphore, #tpu.memory_space<semaphore_mem>>) src(%arg10 : memref<64x128xf32, #tpu.memory_space<vmem>>) dst(%dma_wait3A_135 : memref<64x128xf32, #tpu.memory_space<hbm>>)
      tpu.yield
    }) : () -> ()
    %add3A_52 = arith.constant 448 : i32
    %add3A_53 = arith.addi %mul3A_2, %add3A_52 : i32
    "tpu.region"() ({
      %run_scoped3A = tpu.sem_alloc : memref<!tpu.dma_semaphore, #tpu.memory_space<semaphore_mem>>
      %dma_start3A = arith.constant 0 : i32
      %dma_start3A_126 = tpu.memref_slice %arg7[%add3A_53, %dma_start3A] : memref<10240x128xf32, #tpu.memory_space<vmem_shared>> -> memref<64x128xf32, #tpu.memory_space<vmem_shared>>
      %dma_start3A_127 = arith.constant 0 : i32
      %dma_start3A_128 = tpu.memref_slice %arg7[%add3A_53, %dma_start3A_127] : memref<10240x128xf32, #tpu.memory_space<vmem_shared>> -> memref<64x128xf32, #tpu.memory_space<vmem_shared>>
      tpu.enqueue_dma source(%dma_start3A_128 : memref<64x128xf32, #tpu.memory_space<vmem_shared>>) target(%arg10 : memref<64x128xf32, #tpu.memory_space<vmem>>) target_semaphore(%run_scoped3A : memref<!tpu.dma_semaphore, #tpu.memory_space<semaphore_mem>>)
      %dma_wait3A = arith.constant 0 : i32
      %dma_wait3A_129 = tpu.memref_slice %arg7[%add3A_53, %dma_wait3A] : memref<10240x128xf32, #tpu.memory_space<vmem_shared>> -> memref<64x128xf32, #tpu.memory_space<vmem_shared>>
      %dma_wait3A_130 = arith.constant 0 : i32
      %dma_wait3A_131 = tpu.memref_slice %arg7[%add3A_53, %dma_wait3A_130] : memref<10240x128xf32, #tpu.memory_space<vmem_shared>> -> memref<64x128xf32, #tpu.memory_space<vmem_shared>>
      tpu.wait_dma2 semaphore(%run_scoped3A : memref<!tpu.dma_semaphore, #tpu.memory_space<semaphore_mem>>) src(%dma_wait3A_131 : memref<64x128xf32, #tpu.memory_space<vmem_shared>>) dst(%arg10 : memref<64x128xf32, #tpu.memory_space<vmem>>)
      tpu.yield
    }) : () -> ()
    "tpu.region"() ({
      %run_scoped3A = tpu.sem_alloc : memref<!tpu.dma_semaphore, #tpu.memory_space<semaphore_mem>>
      %dma_start3A = arith.constant 0 : i32
      %dma_start3A_126 = tpu.memref_slice %arg5[%arg0, %add3A_53, %dma_start3A] : memref<2x10240x128xf32, #tpu.memory_space<hbm>> -> memref<1x64x128xf32, #tpu.memory_space<hbm>>
      %dma_start3A_127 = tpu.memref_squeeze %dma_start3A_126 : memref<1x64x128xf32, #tpu.memory_space<hbm>> -> memref<64x128xf32, #tpu.memory_space<hbm>>
      %dma_start3A_128 = arith.constant 0 : i32
      %dma_start3A_129 = tpu.memref_slice %arg5[%arg0, %add3A_53, %dma_start3A_128] : memref<2x10240x128xf32, #tpu.memory_space<hbm>> -> memref<1x64x128xf32, #tpu.memory_space<hbm>>
      %dma_start3A_130 = tpu.memref_squeeze %dma_start3A_129 : memref<1x64x128xf32, #tpu.memory_space<hbm>> -> memref<64x128xf32, #tpu.memory_space<hbm>>
      tpu.enqueue_dma source(%arg10 : memref<64x128xf32, #tpu.memory_space<vmem>>) target(%dma_start3A_130 : memref<64x128xf32, #tpu.memory_space<hbm>>) target_semaphore(%run_scoped3A : memref<!tpu.dma_semaphore, #tpu.memory_space<semaphore_mem>>)
      %dma_wait3A = arith.constant 0 : i32
      %dma_wait3A_131 = tpu.memref_slice %arg5[%arg0, %add3A_53, %dma_wait3A] : memref<2x10240x128xf32, #tpu.memory_space<hbm>> -> memref<1x64x128xf32, #tpu.memory_space<hbm>>
      %dma_wait3A_132 = tpu.memref_squeeze %dma_wait3A_131 : memref<1x64x128xf32, #tpu.memory_space<hbm>> -> memref<64x128xf32, #tpu.memory_space<hbm>>
      %dma_wait3A_133 = arith.constant 0 : i32
      %dma_wait3A_134 = tpu.memref_slice %arg5[%arg0, %add3A_53, %dma_wait3A_133] : memref<2x10240x128xf32, #tpu.memory_space<hbm>> -> memref<1x64x128xf32, #tpu.memory_space<hbm>>
      %dma_wait3A_135 = tpu.memref_squeeze %dma_wait3A_134 : memref<1x64x128xf32, #tpu.memory_space<hbm>> -> memref<64x128xf32, #tpu.memory_space<hbm>>
      tpu.wait_dma2 semaphore(%run_scoped3A : memref<!tpu.dma_semaphore, #tpu.memory_space<semaphore_mem>>) src(%arg10 : memref<64x128xf32, #tpu.memory_space<vmem>>) dst(%dma_wait3A_135 : memref<64x128xf32, #tpu.memory_space<hbm>>)
      tpu.yield
    }) : () -> ()
    %add3A_54 = arith.constant 512 : i32
    %add3A_55 = arith.addi %mul3A_2, %add3A_54 : i32
    "tpu.region"() ({
      %run_scoped3A = tpu.sem_alloc : memref<!tpu.dma_semaphore, #tpu.memory_space<semaphore_mem>>
      %dma_start3A = arith.constant 0 : i32
      %dma_start3A_126 = tpu.memref_slice %arg7[%add3A_55, %dma_start3A] : memref<10240x128xf32, #tpu.memory_space<vmem_shared>> -> memref<64x128xf32, #tpu.memory_space<vmem_shared>>
      %dma_start3A_127 = arith.constant 0 : i32
      %dma_start3A_128 = tpu.memref_slice %arg7[%add3A_55, %dma_start3A_127] : memref<10240x128xf32, #tpu.memory_space<vmem_shared>> -> memref<64x128xf32, #tpu.memory_space<vmem_shared>>
      tpu.enqueue_dma source(%dma_start3A_128 : memref<64x128xf32, #tpu.memory_space<vmem_shared>>) target(%arg10 : memref<64x128xf32, #tpu.memory_space<vmem>>) target_semaphore(%run_scoped3A : memref<!tpu.dma_semaphore, #tpu.memory_space<semaphore_mem>>)
      %dma_wait3A = arith.constant 0 : i32
      %dma_wait3A_129 = tpu.memref_slice %arg7[%add3A_55, %dma_wait3A] : memref<10240x128xf32, #tpu.memory_space<vmem_shared>> -> memref<64x128xf32, #tpu.memory_space<vmem_shared>>
      %dma_wait3A_130 = arith.constant 0 : i32
      %dma_wait3A_131 = tpu.memref_slice %arg7[%add3A_55, %dma_wait3A_130] : memref<10240x128xf32, #tpu.memory_space<vmem_shared>> -> memref<64x128xf32, #tpu.memory_space<vmem_shared>>
      tpu.wait_dma2 semaphore(%run_scoped3A : memref<!tpu.dma_semaphore, #tpu.memory_space<semaphore_mem>>) src(%dma_wait3A_131 : memref<64x128xf32, #tpu.memory_space<vmem_shared>>) dst(%arg10 : memref<64x128xf32, #tpu.memory_space<vmem>>)
      tpu.yield
    }) : () -> ()
    "tpu.region"() ({
      %run_scoped3A = tpu.sem_alloc : memref<!tpu.dma_semaphore, #tpu.memory_space<semaphore_mem>>
      %dma_start3A = arith.constant 0 : i32
      %dma_start3A_126 = tpu.memref_slice %arg5[%arg0, %add3A_55, %dma_start3A] : memref<2x10240x128xf32, #tpu.memory_space<hbm>> -> memref<1x64x128xf32, #tpu.memory_space<hbm>>
      %dma_start3A_127 = tpu.memref_squeeze %dma_start3A_126 : memref<1x64x128xf32, #tpu.memory_space<hbm>> -> memref<64x128xf32, #tpu.memory_space<hbm>>
      %dma_start3A_128 = arith.constant 0 : i32
      %dma_start3A_129 = tpu.memref_slice %arg5[%arg0, %add3A_55, %dma_start3A_128] : memref<2x10240x128xf32, #tpu.memory_space<hbm>> -> memref<1x64x128xf32, #tpu.memory_space<hbm>>
      %dma_start3A_130 = tpu.memref_squeeze %dma_start3A_129 : memref<1x64x128xf32, #tpu.memory_space<hbm>> -> memref<64x128xf32, #tpu.memory_space<hbm>>
      tpu.enqueue_dma source(%arg10 : memref<64x128xf32, #tpu.memory_space<vmem>>) target(%dma_start3A_130 : memref<64x128xf32, #tpu.memory_space<hbm>>) target_semaphore(%run_scoped3A : memref<!tpu.dma_semaphore, #tpu.memory_space<semaphore_mem>>)
      %dma_wait3A = arith.constant 0 : i32
      %dma_wait3A_131 = tpu.memref_slice %arg5[%arg0, %add3A_55, %dma_wait3A] : memref<2x10240x128xf32, #tpu.memory_space<hbm>> -> memref<1x64x128xf32, #tpu.memory_space<hbm>>
      %dma_wait3A_132 = tpu.memref_squeeze %dma_wait3A_131 : memref<1x64x128xf32, #tpu.memory_space<hbm>> -> memref<64x128xf32, #tpu.memory_space<hbm>>
      %dma_wait3A_133 = arith.constant 0 : i32
      %dma_wait3A_134 = tpu.memref_slice %arg5[%arg0, %add3A_55, %dma_wait3A_133] : memref<2x10240x128xf32, #tpu.memory_space<hbm>> -> memref<1x64x128xf32, #tpu.memory_space<hbm>>
      %dma_wait3A_135 = tpu.memref_squeeze %dma_wait3A_134 : memref<1x64x128xf32, #tpu.memory_space<hbm>> -> memref<64x128xf32, #tpu.memory_space<hbm>>
      tpu.wait_dma2 semaphore(%run_scoped3A : memref<!tpu.dma_semaphore, #tpu.memory_space<semaphore_mem>>) src(%arg10 : memref<64x128xf32, #tpu.memory_space<vmem>>) dst(%dma_wait3A_135 : memref<64x128xf32, #tpu.memory_space<hbm>>)
      tpu.yield
    }) : () -> ()
    %add3A_56 = arith.constant 576 : i32
    %add3A_57 = arith.addi %mul3A_2, %add3A_56 : i32
    "tpu.region"() ({
      %run_scoped3A = tpu.sem_alloc : memref<!tpu.dma_semaphore, #tpu.memory_space<semaphore_mem>>
      %dma_start3A = arith.constant 0 : i32
      %dma_start3A_126 = tpu.memref_slice %arg7[%add3A_57, %dma_start3A] : memref<10240x128xf32, #tpu.memory_space<vmem_shared>> -> memref<64x128xf32, #tpu.memory_space<vmem_shared>>
      %dma_start3A_127 = arith.constant 0 : i32
      %dma_start3A_128 = tpu.memref_slice %arg7[%add3A_57, %dma_start3A_127] : memref<10240x128xf32, #tpu.memory_space<vmem_shared>> -> memref<64x128xf32, #tpu.memory_space<vmem_shared>>
      tpu.enqueue_dma source(%dma_start3A_128 : memref<64x128xf32, #tpu.memory_space<vmem_shared>>) target(%arg10 : memref<64x128xf32, #tpu.memory_space<vmem>>) target_semaphore(%run_scoped3A : memref<!tpu.dma_semaphore, #tpu.memory_space<semaphore_mem>>)
      %dma_wait3A = arith.constant 0 : i32
      %dma_wait3A_129 = tpu.memref_slice %arg7[%add3A_57, %dma_wait3A] : memref<10240x128xf32, #tpu.memory_space<vmem_shared>> -> memref<64x128xf32, #tpu.memory_space<vmem_shared>>
      %dma_wait3A_130 = arith.constant 0 : i32
      %dma_wait3A_131 = tpu.memref_slice %arg7[%add3A_57, %dma_wait3A_130] : memref<10240x128xf32, #tpu.memory_space<vmem_shared>> -> memref<64x128xf32, #tpu.memory_space<vmem_shared>>
      tpu.wait_dma2 semaphore(%run_scoped3A : memref<!tpu.dma_semaphore, #tpu.memory_space<semaphore_mem>>) src(%dma_wait3A_131 : memref<64x128xf32, #tpu.memory_space<vmem_shared>>) dst(%arg10 : memref<64x128xf32, #tpu.memory_space<vmem>>)
      tpu.yield
    }) : () -> ()
    "tpu.region"() ({
      %run_scoped3A = tpu.sem_alloc : memref<!tpu.dma_semaphore, #tpu.memory_space<semaphore_mem>>
      %dma_start3A = arith.constant 0 : i32
      %dma_start3A_126 = tpu.memref_slice %arg5[%arg0, %add3A_57, %dma_start3A] : memref<2x10240x128xf32, #tpu.memory_space<hbm>> -> memref<1x64x128xf32, #tpu.memory_space<hbm>>
      %dma_start3A_127 = tpu.memref_squeeze %dma_start3A_126 : memref<1x64x128xf32, #tpu.memory_space<hbm>> -> memref<64x128xf32, #tpu.memory_space<hbm>>
      %dma_start3A_128 = arith.constant 0 : i32
      %dma_start3A_129 = tpu.memref_slice %arg5[%arg0, %add3A_57, %dma_start3A_128] : memref<2x10240x128xf32, #tpu.memory_space<hbm>> -> memref<1x64x128xf32, #tpu.memory_space<hbm>>
      %dma_start3A_130 = tpu.memref_squeeze %dma_start3A_129 : memref<1x64x128xf32, #tpu.memory_space<hbm>> -> memref<64x128xf32, #tpu.memory_space<hbm>>
      tpu.enqueue_dma source(%arg10 : memref<64x128xf32, #tpu.memory_space<vmem>>) target(%dma_start3A_130 : memref<64x128xf32, #tpu.memory_space<hbm>>) target_semaphore(%run_scoped3A : memref<!tpu.dma_semaphore, #tpu.memory_space<semaphore_mem>>)
      %dma_wait3A = arith.constant 0 : i32
      %dma_wait3A_131 = tpu.memref_slice %arg5[%arg0, %add3A_57, %dma_wait3A] : memref<2x10240x128xf32, #tpu.memory_space<hbm>> -> memref<1x64x128xf32, #tpu.memory_space<hbm>>
      %dma_wait3A_132 = tpu.memref_squeeze %dma_wait3A_131 : memref<1x64x128xf32, #tpu.memory_space<hbm>> -> memref<64x128xf32, #tpu.memory_space<hbm>>
      %dma_wait3A_133 = arith.constant 0 : i32
      %dma_wait3A_134 = tpu.memref_slice %arg5[%arg0, %add3A_57, %dma_wait3A_133] : memref<2x10240x128xf32, #tpu.memory_space<hbm>> -> memref<1x64x128xf32, #tpu.memory_space<hbm>>
      %dma_wait3A_135 = tpu.memref_squeeze %dma_wait3A_134 : memref<1x64x128xf32, #tpu.memory_space<hbm>> -> memref<64x128xf32, #tpu.memory_space<hbm>>
      tpu.wait_dma2 semaphore(%run_scoped3A : memref<!tpu.dma_semaphore, #tpu.memory_space<semaphore_mem>>) src(%arg10 : memref<64x128xf32, #tpu.memory_space<vmem>>) dst(%dma_wait3A_135 : memref<64x128xf32, #tpu.memory_space<hbm>>)
      tpu.yield
    }) : () -> ()
    %broadcast_in_dim3A_58 = arith.constant 0.000000e+00 : f32
    %broadcast_in_dim3A_59 = vector.broadcast %broadcast_in_dim3A_58 : f32 to vector<16xf32>
    %scan3A_60 = arith.constant 0 : i32
    %scan3A_61 = arith.constant 0 : i32
    %scan3A_62 = arith.constant 64 : i32
    %scan3A_63 = arith.addi %scan3A_61, %scan3A_62 : i32
    %scan3A_64 = arith.constant 1 : i32
    %scan3A_65 = scf.for %scan3A_126 = %scan3A_61 to %scan3A_63 step %scan3A_64 iter_args(%scan3A_127 = %scan3A_60) -> (i32)  : i32 {
      %swap3A = arith.index_cast %scan3A_126 : i32 to index
      %swap3A_128 = arith.constant 0 : index
      %swap3A_129 = tpu.vector_load %arg10[%swap3A, %swap3A_128] {strides = array<i32>} : memref<64x128xf32, #tpu.memory_space<vmem>>, vector<1x16xf32>,
      %swap3A_130 = vector.shape_cast %swap3A_129 : vector<1x16xf32> to vector<16xf32>
      %swap3A_131 = vector.shape_cast %broadcast_in_dim3A_59 : vector<16xf32> to vector<1x16xf32>
      tpu.vector_store %arg10[%swap3A, %swap3A_128], %swap3A_131 {strides = array<i32>} : memref<64x128xf32, #tpu.memory_space<vmem>>, vector<1x16xf32>,
      %swap3A_132 = arith.index_cast %scan3A_126 : i32 to index
      %swap3A_133 = arith.constant 16 : index
      %swap3A_134 = tpu.vector_load %arg10[%swap3A_132, %swap3A_133] {strides = array<i32>} : memref<64x128xf32, #tpu.memory_space<vmem>>, vector<1x16xf32>,
      %swap3A_135 = vector.shape_cast %swap3A_134 : vector<1x16xf32> to vector<16xf32>
      %swap3A_136 = vector.shape_cast %broadcast_in_dim3A_59 : vector<16xf32> to vector<1x16xf32>
      tpu.vector_store %arg10[%swap3A_132, %swap3A_133], %swap3A_136 {strides = array<i32>} : memref<64x128xf32, #tpu.memory_space<vmem>>, vector<1x16xf32>,
      %swap3A_137 = arith.index_cast %scan3A_126 : i32 to index
      %swap3A_138 = arith.constant 32 : index
      %swap3A_139 = tpu.vector_load %arg10[%swap3A_137, %swap3A_138] {strides = array<i32>} : memref<64x128xf32, #tpu.memory_space<vmem>>, vector<1x16xf32>,
      %swap3A_140 = vector.shape_cast %swap3A_139 : vector<1x16xf32> to vector<16xf32>
      %swap3A_141 = vector.shape_cast %broadcast_in_dim3A_59 : vector<16xf32> to vector<1x16xf32>
      tpu.vector_store %arg10[%swap3A_137, %swap3A_138], %swap3A_141 {strides = array<i32>} : memref<64x128xf32, #tpu.memory_space<vmem>>, vector<1x16xf32>,
      %swap3A_142 = arith.index_cast %scan3A_126 : i32 to index
      %swap3A_143 = arith.constant 48 : index
      %swap3A_144 = tpu.vector_load %arg10[%swap3A_142, %swap3A_143] {strides = array<i32>} : memref<64x128xf32, #tpu.memory_space<vmem>>, vector<1x16xf32>,
      %swap3A_145 = vector.shape_cast %swap3A_144 : vector<1x16xf32> to vector<16xf32>
      %swap3A_146 = vector.shape_cast %broadcast_in_dim3A_59 : vector<16xf32> to vector<1x16xf32>
      tpu.vector_store %arg10[%swap3A_142, %swap3A_143], %swap3A_146 {strides = array<i32>} : memref<64x128xf32, #tpu.memory_space<vmem>>, vector<1x16xf32>,
      %swap3A_147 = arith.index_cast %scan3A_126 : i32 to index
      %swap3A_148 = arith.constant 64 : index
      %swap3A_149 = tpu.vector_load %arg10[%swap3A_147, %swap3A_148] {strides = array<i32>} : memref<64x128xf32, #tpu.memory_space<vmem>>, vector<1x16xf32>,
      %swap3A_150 = vector.shape_cast %swap3A_149 : vector<1x16xf32> to vector<16xf32>
      %swap3A_151 = vector.shape_cast %broadcast_in_dim3A_59 : vector<16xf32> to vector<1x16xf32>
      tpu.vector_store %arg10[%swap3A_147, %swap3A_148], %swap3A_151 {strides = array<i32>} : memref<64x128xf32, #tpu.memory_space<vmem>>, vector<1x16xf32>,
      %swap3A_152 = arith.index_cast %scan3A_126 : i32 to index
      %swap3A_153 = arith.constant 80 : index
      %swap3A_154 = tpu.vector_load %arg10[%swap3A_152, %swap3A_153] {strides = array<i32>} : memref<64x128xf32, #tpu.memory_space<vmem>>, vector<1x16xf32>,
      %swap3A_155 = vector.shape_cast %swap3A_154 : vector<1x16xf32> to vector<16xf32>
      %swap3A_156 = vector.shape_cast %broadcast_in_dim3A_59 : vector<16xf32> to vector<1x16xf32>
      tpu.vector_store %arg10[%swap3A_152, %swap3A_153], %swap3A_156 {strides = array<i32>} : memref<64x128xf32, #tpu.memory_space<vmem>>, vector<1x16xf32>,
      %swap3A_157 = arith.index_cast %scan3A_126 : i32 to index
      %swap3A_158 = arith.constant 96 : index
      %swap3A_159 = tpu.vector_load %arg10[%swap3A_157, %swap3A_158] {strides = array<i32>} : memref<64x128xf32, #tpu.memory_space<vmem>>, vector<1x16xf32>,
      %swap3A_160 = vector.shape_cast %swap3A_159 : vector<1x16xf32> to vector<16xf32>
      %swap3A_161 = vector.shape_cast %broadcast_in_dim3A_59 : vector<16xf32> to vector<1x16xf32>
      tpu.vector_store %arg10[%swap3A_157, %swap3A_158], %swap3A_161 {strides = array<i32>} : memref<64x128xf32, #tpu.memory_space<vmem>>, vector<1x16xf32>,
      %swap3A_162 = arith.index_cast %scan3A_126 : i32 to index
      %swap3A_163 = arith.constant 112 : index
      %swap3A_164 = tpu.vector_load %arg10[%swap3A_162, %swap3A_163] {strides = array<i32>} : memref<64x128xf32, #tpu.memory_space<vmem>>, vector<1x16xf32>,
      %swap3A_165 = vector.shape_cast %swap3A_164 : vector<1x16xf32> to vector<16xf32>
      %swap3A_166 = vector.shape_cast %broadcast_in_dim3A_59 : vector<16xf32> to vector<1x16xf32>
      tpu.vector_store %arg10[%swap3A_162, %swap3A_163], %swap3A_166 {strides = array<i32>} : memref<64x128xf32, #tpu.memory_space<vmem>>, vector<1x16xf32>,
      %scan3A_167 = arith.constant 0 : i32
      scf.yield %scan3A_167 : i32
    }
    %scan3A_66 = arith.constant 64 : i32
    %barrier3A_67 = arith.constant 0 : index
    tpu.barrier barrier_id(%barrier3A_67)
    %add3A_68 = arith.constant 0 : i32
    %add3A_69 = arith.addi %mul3A_2, %add3A_68 : i32
    "tpu.region"() ({
      %run_scoped3A = tpu.sem_alloc : memref<!tpu.dma_semaphore, #tpu.memory_space<semaphore_mem>>
      %dma_start3A = arith.constant 0 : i32
      %dma_start3A_126 = tpu.memref_slice %arg7[%add3A_69, %dma_start3A] : memref<10240x128xf32, #tpu.memory_space<vmem_shared>> -> memref<64x128xf32, #tpu.memory_space<vmem_shared>>
      %dma_start3A_127 = arith.constant 0 : i32
      %dma_start3A_128 = tpu.memref_slice %arg7[%add3A_69, %dma_start3A_127] : memref<10240x128xf32, #tpu.memory_space<vmem_shared>> -> memref<64x128xf32, #tpu.memory_space<vmem_shared>>
      tpu.enqueue_dma source(%arg10 : memref<64x128xf32, #tpu.memory_space<vmem>>) target(%dma_start3A_128 : memref<64x128xf32, #tpu.memory_space<vmem_shared>>) target_semaphore(%run_scoped3A : memref<!tpu.dma_semaphore, #tpu.memory_space<semaphore_mem>>)
      %dma_wait3A = arith.constant 0 : i32
      %dma_wait3A_129 = tpu.memref_slice %arg7[%add3A_69, %dma_wait3A] : memref<10240x128xf32, #tpu.memory_space<vmem_shared>> -> memref<64x128xf32, #tpu.memory_space<vmem_shared>>
      %dma_wait3A_130 = arith.constant 0 : i32
      %dma_wait3A_131 = tpu.memref_slice %arg7[%add3A_69, %dma_wait3A_130] : memref<10240x128xf32, #tpu.memory_space<vmem_shared>> -> memref<64x128xf32, #tpu.memory_space<vmem_shared>>
      tpu.wait_dma2 semaphore(%run_scoped3A : memref<!tpu.dma_semaphore, #tpu.memory_space<semaphore_mem>>) src(%arg10 : memref<64x128xf32, #tpu.memory_space<vmem>>) dst(%dma_wait3A_131 : memref<64x128xf32, #tpu.memory_space<vmem_shared>>)
      tpu.yield
    }) : () -> ()
    %add3A_70 = arith.constant 64 : i32
    %add3A_71 = arith.addi %mul3A_2, %add3A_70 : i32
    "tpu.region"() ({
      %run_scoped3A = tpu.sem_alloc : memref<!tpu.dma_semaphore, #tpu.memory_space<semaphore_mem>>
      %dma_start3A = arith.constant 0 : i32
      %dma_start3A_126 = tpu.memref_slice %arg7[%add3A_71, %dma_start3A] : memref<10240x128xf32, #tpu.memory_space<vmem_shared>> -> memref<64x128xf32, #tpu.memory_space<vmem_shared>>
      %dma_start3A_127 = arith.constant 0 : i32
      %dma_start3A_128 = tpu.memref_slice %arg7[%add3A_71, %dma_start3A_127] : memref<10240x128xf32, #tpu.memory_space<vmem_shared>> -> memref<64x128xf32, #tpu.memory_space<vmem_shared>>
      tpu.enqueue_dma source(%arg10 : memref<64x128xf32, #tpu.memory_space<vmem>>) target(%dma_start3A_128 : memref<64x128xf32, #tpu.memory_space<vmem_shared>>) target_semaphore(%run_scoped3A : memref<!tpu.dma_semaphore, #tpu.memory_space<semaphore_mem>>)
      %dma_wait3A = arith.constant 0 : i32
      %dma_wait3A_129 = tpu.memref_slice %arg7[%add3A_71, %dma_wait3A] : memref<10240x128xf32, #tpu.memory_space<vmem_shared>> -> memref<64x128xf32, #tpu.memory_space<vmem_shared>>
      %dma_wait3A_130 = arith.constant 0 : i32
      %dma_wait3A_131 = tpu.memref_slice %arg7[%add3A_71, %dma_wait3A_130] : memref<10240x128xf32, #tpu.memory_space<vmem_shared>> -> memref<64x128xf32, #tpu.memory_space<vmem_shared>>
      tpu.wait_dma2 semaphore(%run_scoped3A : memref<!tpu.dma_semaphore, #tpu.memory_space<semaphore_mem>>) src(%arg10 : memref<64x128xf32, #tpu.memory_space<vmem>>) dst(%dma_wait3A_131 : memref<64x128xf32, #tpu.memory_space<vmem_shared>>)
      tpu.yield
    }) : () -> ()
    %add3A_72 = arith.constant 128 : i32
    %add3A_73 = arith.addi %mul3A_2, %add3A_72 : i32
    "tpu.region"() ({
      %run_scoped3A = tpu.sem_alloc : memref<!tpu.dma_semaphore, #tpu.memory_space<semaphore_mem>>
      %dma_start3A = arith.constant 0 : i32
      %dma_start3A_126 = tpu.memref_slice %arg7[%add3A_73, %dma_start3A] : memref<10240x128xf32, #tpu.memory_space<vmem_shared>> -> memref<64x128xf32, #tpu.memory_space<vmem_shared>>
      %dma_start3A_127 = arith.constant 0 : i32
      %dma_start3A_128 = tpu.memref_slice %arg7[%add3A_73, %dma_start3A_127] : memref<10240x128xf32, #tpu.memory_space<vmem_shared>> -> memref<64x128xf32, #tpu.memory_space<vmem_shared>>
      tpu.enqueue_dma source(%arg10 : memref<64x128xf32, #tpu.memory_space<vmem>>) target(%dma_start3A_128 : memref<64x128xf32, #tpu.memory_space<vmem_shared>>) target_semaphore(%run_scoped3A : memref<!tpu.dma_semaphore, #tpu.memory_space<semaphore_mem>>)
      %dma_wait3A = arith.constant 0 : i32
      %dma_wait3A_129 = tpu.memref_slice %arg7[%add3A_73, %dma_wait3A] : memref<10240x128xf32, #tpu.memory_space<vmem_shared>> -> memref<64x128xf32, #tpu.memory_space<vmem_shared>>
      %dma_wait3A_130 = arith.constant 0 : i32
      %dma_wait3A_131 = tpu.memref_slice %arg7[%add3A_73, %dma_wait3A_130] : memref<10240x128xf32, #tpu.memory_space<vmem_shared>> -> memref<64x128xf32, #tpu.memory_space<vmem_shared>>
      tpu.wait_dma2 semaphore(%run_scoped3A : memref<!tpu.dma_semaphore, #tpu.memory_space<semaphore_mem>>) src(%arg10 : memref<64x128xf32, #tpu.memory_space<vmem>>) dst(%dma_wait3A_131 : memref<64x128xf32, #tpu.memory_space<vmem_shared>>)
      tpu.yield
    }) : () -> ()
    %add3A_74 = arith.constant 192 : i32
    %add3A_75 = arith.addi %mul3A_2, %add3A_74 : i32
    "tpu.region"() ({
      %run_scoped3A = tpu.sem_alloc : memref<!tpu.dma_semaphore, #tpu.memory_space<semaphore_mem>>
      %dma_start3A = arith.constant 0 : i32
      %dma_start3A_126 = tpu.memref_slice %arg7[%add3A_75, %dma_start3A] : memref<10240x128xf32, #tpu.memory_space<vmem_shared>> -> memref<64x128xf32, #tpu.memory_space<vmem_shared>>
      %dma_start3A_127 = arith.constant 0 : i32
      %dma_start3A_128 = tpu.memref_slice %arg7[%add3A_75, %dma_start3A_127] : memref<10240x128xf32, #tpu.memory_space<vmem_shared>> -> memref<64x128xf32, #tpu.memory_space<vmem_shared>>
      tpu.enqueue_dma source(%arg10 : memref<64x128xf32, #tpu.memory_space<vmem>>) target(%dma_start3A_128 : memref<64x128xf32, #tpu.memory_space<vmem_shared>>) target_semaphore(%run_scoped3A : memref<!tpu.dma_semaphore, #tpu.memory_space<semaphore_mem>>)
      %dma_wait3A = arith.constant 0 : i32
      %dma_wait3A_129 = tpu.memref_slice %arg7[%add3A_75, %dma_wait3A] : memref<10240x128xf32, #tpu.memory_space<vmem_shared>> -> memref<64x128xf32, #tpu.memory_space<vmem_shared>>
      %dma_wait3A_130 = arith.constant 0 : i32
      %dma_wait3A_131 = tpu.memref_slice %arg7[%add3A_75, %dma_wait3A_130] : memref<10240x128xf32, #tpu.memory_space<vmem_shared>> -> memref<64x128xf32, #tpu.memory_space<vmem_shared>>
      tpu.wait_dma2 semaphore(%run_scoped3A : memref<!tpu.dma_semaphore, #tpu.memory_space<semaphore_mem>>) src(%arg10 : memref<64x128xf32, #tpu.memory_space<vmem>>) dst(%dma_wait3A_131 : memref<64x128xf32, #tpu.memory_space<vmem_shared>>)
      tpu.yield
    }) : () -> ()
    %add3A_76 = arith.constant 256 : i32
    %add3A_77 = arith.addi %mul3A_2, %add3A_76 : i32
    "tpu.region"() ({
      %run_scoped3A = tpu.sem_alloc : memref<!tpu.dma_semaphore, #tpu.memory_space<semaphore_mem>>
      %dma_start3A = arith.constant 0 : i32
      %dma_start3A_126 = tpu.memref_slice %arg7[%add3A_77, %dma_start3A] : memref<10240x128xf32, #tpu.memory_space<vmem_shared>> -> memref<64x128xf32, #tpu.memory_space<vmem_shared>>
      %dma_start3A_127 = arith.constant 0 : i32
      %dma_start3A_128 = tpu.memref_slice %arg7[%add3A_77, %dma_start3A_127] : memref<10240x128xf32, #tpu.memory_space<vmem_shared>> -> memref<64x128xf32, #tpu.memory_space<vmem_shared>>
      tpu.enqueue_dma source(%arg10 : memref<64x128xf32, #tpu.memory_space<vmem>>) target(%dma_start3A_128 : memref<64x128xf32, #tpu.memory_space<vmem_shared>>) target_semaphore(%run_scoped3A : memref<!tpu.dma_semaphore, #tpu.memory_space<semaphore_mem>>)
      %dma_wait3A = arith.constant 0 : i32
      %dma_wait3A_129 = tpu.memref_slice %arg7[%add3A_77, %dma_wait3A] : memref<10240x128xf32, #tpu.memory_space<vmem_shared>> -> memref<64x128xf32, #tpu.memory_space<vmem_shared>>
      %dma_wait3A_130 = arith.constant 0 : i32
      %dma_wait3A_131 = tpu.memref_slice %arg7[%add3A_77, %dma_wait3A_130] : memref<10240x128xf32, #tpu.memory_space<vmem_shared>> -> memref<64x128xf32, #tpu.memory_space<vmem_shared>>
      tpu.wait_dma2 semaphore(%run_scoped3A : memref<!tpu.dma_semaphore, #tpu.memory_space<semaphore_mem>>) src(%arg10 : memref<64x128xf32, #tpu.memory_space<vmem>>) dst(%dma_wait3A_131 : memref<64x128xf32, #tpu.memory_space<vmem_shared>>)
      tpu.yield
    }) : () -> ()
    %add3A_78 = arith.constant 320 : i32
    %add3A_79 = arith.addi %mul3A_2, %add3A_78 : i32
    "tpu.region"() ({
      %run_scoped3A = tpu.sem_alloc : memref<!tpu.dma_semaphore, #tpu.memory_space<semaphore_mem>>
      %dma_start3A = arith.constant 0 : i32
      %dma_start3A_126 = tpu.memref_slice %arg7[%add3A_79, %dma_start3A] : memref<10240x128xf32, #tpu.memory_space<vmem_shared>> -> memref<64x128xf32, #tpu.memory_space<vmem_shared>>
      %dma_start3A_127 = arith.constant 0 : i32
      %dma_start3A_128 = tpu.memref_slice %arg7[%add3A_79, %dma_start3A_127] : memref<10240x128xf32, #tpu.memory_space<vmem_shared>> -> memref<64x128xf32, #tpu.memory_space<vmem_shared>>
      tpu.enqueue_dma source(%arg10 : memref<64x128xf32, #tpu.memory_space<vmem>>) target(%dma_start3A_128 : memref<64x128xf32, #tpu.memory_space<vmem_shared>>) target_semaphore(%run_scoped3A : memref<!tpu.dma_semaphore, #tpu.memory_space<semaphore_mem>>)
      %dma_wait3A = arith.constant 0 : i32
      %dma_wait3A_129 = tpu.memref_slice %arg7[%add3A_79, %dma_wait3A] : memref<10240x128xf32, #tpu.memory_space<vmem_shared>> -> memref<64x128xf32, #tpu.memory_space<vmem_shared>>
      %dma_wait3A_130 = arith.constant 0 : i32
      %dma_wait3A_131 = tpu.memref_slice %arg7[%add3A_79, %dma_wait3A_130] : memref<10240x128xf32, #tpu.memory_space<vmem_shared>> -> memref<64x128xf32, #tpu.memory_space<vmem_shared>>
      tpu.wait_dma2 semaphore(%run_scoped3A : memref<!tpu.dma_semaphore, #tpu.memory_space<semaphore_mem>>) src(%arg10 : memref<64x128xf32, #tpu.memory_space<vmem>>) dst(%dma_wait3A_131 : memref<64x128xf32, #tpu.memory_space<vmem_shared>>)
      tpu.yield
    }) : () -> ()
    %add3A_80 = arith.constant 384 : i32
    %add3A_81 = arith.addi %mul3A_2, %add3A_80 : i32
    "tpu.region"() ({
      %run_scoped3A = tpu.sem_alloc : memref<!tpu.dma_semaphore, #tpu.memory_space<semaphore_mem>>
      %dma_start3A = arith.constant 0 : i32
      %dma_start3A_126 = tpu.memref_slice %arg7[%add3A_81, %dma_start3A] : memref<10240x128xf32, #tpu.memory_space<vmem_shared>> -> memref<64x128xf32, #tpu.memory_space<vmem_shared>>
      %dma_start3A_127 = arith.constant 0 : i32
      %dma_start3A_128 = tpu.memref_slice %arg7[%add3A_81, %dma_start3A_127] : memref<10240x128xf32, #tpu.memory_space<vmem_shared>> -> memref<64x128xf32, #tpu.memory_space<vmem_shared>>
      tpu.enqueue_dma source(%arg10 : memref<64x128xf32, #tpu.memory_space<vmem>>) target(%dma_start3A_128 : memref<64x128xf32, #tpu.memory_space<vmem_shared>>) target_semaphore(%run_scoped3A : memref<!tpu.dma_semaphore, #tpu.memory_space<semaphore_mem>>)
      %dma_wait3A = arith.constant 0 : i32
      %dma_wait3A_129 = tpu.memref_slice %arg7[%add3A_81, %dma_wait3A] : memref<10240x128xf32, #tpu.memory_space<vmem_shared>> -> memref<64x128xf32, #tpu.memory_space<vmem_shared>>
      %dma_wait3A_130 = arith.constant 0 : i32
      %dma_wait3A_131 = tpu.memref_slice %arg7[%add3A_81, %dma_wait3A_130] : memref<10240x128xf32, #tpu.memory_space<vmem_shared>> -> memref<64x128xf32, #tpu.memory_space<vmem_shared>>
      tpu.wait_dma2 semaphore(%run_scoped3A : memref<!tpu.dma_semaphore, #tpu.memory_space<semaphore_mem>>) src(%arg10 : memref<64x128xf32, #tpu.memory_space<vmem>>) dst(%dma_wait3A_131 : memref<64x128xf32, #tpu.memory_space<vmem_shared>>)
      tpu.yield
    }) : () -> ()
    %add3A_82 = arith.constant 448 : i32
    %add3A_83 = arith.addi %mul3A_2, %add3A_82 : i32
    "tpu.region"() ({
      %run_scoped3A = tpu.sem_alloc : memref<!tpu.dma_semaphore, #tpu.memory_space<semaphore_mem>>
      %dma_start3A = arith.constant 0 : i32
      %dma_start3A_126 = tpu.memref_slice %arg7[%add3A_83, %dma_start3A] : memref<10240x128xf32, #tpu.memory_space<vmem_shared>> -> memref<64x128xf32, #tpu.memory_space<vmem_shared>>
      %dma_start3A_127 = arith.constant 0 : i32
      %dma_start3A_128 = tpu.memref_slice %arg7[%add3A_83, %dma_start3A_127] : memref<10240x128xf32, #tpu.memory_space<vmem_shared>> -> memref<64x128xf32, #tpu.memory_space<vmem_shared>>
      tpu.enqueue_dma source(%arg10 : memref<64x128xf32, #tpu.memory_space<vmem>>) target(%dma_start3A_128 : memref<64x128xf32, #tpu.memory_space<vmem_shared>>) target_semaphore(%run_scoped3A : memref<!tpu.dma_semaphore, #tpu.memory_space<semaphore_mem>>)
      %dma_wait3A = arith.constant 0 : i32
      %dma_wait3A_129 = tpu.memref_slice %arg7[%add3A_83, %dma_wait3A] : memref<10240x128xf32, #tpu.memory_space<vmem_shared>> -> memref<64x128xf32, #tpu.memory_space<vmem_shared>>
      %dma_wait3A_130 = arith.constant 0 : i32
      %dma_wait3A_131 = tpu.memref_slice %arg7[%add3A_83, %dma_wait3A_130] : memref<10240x128xf32, #tpu.memory_space<vmem_shared>> -> memref<64x128xf32, #tpu.memory_space<vmem_shared>>
      tpu.wait_dma2 semaphore(%run_scoped3A : memref<!tpu.dma_semaphore, #tpu.memory_space<semaphore_mem>>) src(%arg10 : memref<64x128xf32, #tpu.memory_space<vmem>>) dst(%dma_wait3A_131 : memref<64x128xf32, #tpu.memory_space<vmem_shared>>)
      tpu.yield
    }) : () -> ()
    %add3A_84 = arith.constant 512 : i32
    %add3A_85 = arith.addi %mul3A_2, %add3A_84 : i32
    "tpu.region"() ({
      %run_scoped3A = tpu.sem_alloc : memref<!tpu.dma_semaphore, #tpu.memory_space<semaphore_mem>>
      %dma_start3A = arith.constant 0 : i32
      %dma_start3A_126 = tpu.memref_slice %arg7[%add3A_85, %dma_start3A] : memref<10240x128xf32, #tpu.memory_space<vmem_shared>> -> memref<64x128xf32, #tpu.memory_space<vmem_shared>>
      %dma_start3A_127 = arith.constant 0 : i32
      %dma_start3A_128 = tpu.memref_slice %arg7[%add3A_85, %dma_start3A_127] : memref<10240x128xf32, #tpu.memory_space<vmem_shared>> -> memref<64x128xf32, #tpu.memory_space<vmem_shared>>
      tpu.enqueue_dma source(%arg10 : memref<64x128xf32, #tpu.memory_space<vmem>>) target(%dma_start3A_128 : memref<64x128xf32, #tpu.memory_space<vmem_shared>>) target_semaphore(%run_scoped3A : memref<!tpu.dma_semaphore, #tpu.memory_space<semaphore_mem>>)
      %dma_wait3A = arith.constant 0 : i32
      %dma_wait3A_129 = tpu.memref_slice %arg7[%add3A_85, %dma_wait3A] : memref<10240x128xf32, #tpu.memory_space<vmem_shared>> -> memref<64x128xf32, #tpu.memory_space<vmem_shared>>
      %dma_wait3A_130 = arith.constant 0 : i32
      %dma_wait3A_131 = tpu.memref_slice %arg7[%add3A_85, %dma_wait3A_130] : memref<10240x128xf32, #tpu.memory_space<vmem_shared>> -> memref<64x128xf32, #tpu.memory_space<vmem_shared>>
      tpu.wait_dma2 semaphore(%run_scoped3A : memref<!tpu.dma_semaphore, #tpu.memory_space<semaphore_mem>>) src(%arg10 : memref<64x128xf32, #tpu.memory_space<vmem>>) dst(%dma_wait3A_131 : memref<64x128xf32, #tpu.memory_space<vmem_shared>>)
      tpu.yield
    }) : () -> ()
    %add3A_86 = arith.constant 576 : i32
    %add3A_87 = arith.addi %mul3A_2, %add3A_86 : i32
    "tpu.region"() ({
      %run_scoped3A = tpu.sem_alloc : memref<!tpu.dma_semaphore, #tpu.memory_space<semaphore_mem>>
      %dma_start3A = arith.constant 0 : i32
      %dma_start3A_126 = tpu.memref_slice %arg7[%add3A_87, %dma_start3A] : memref<10240x128xf32, #tpu.memory_space<vmem_shared>> -> memref<64x128xf32, #tpu.memory_space<vmem_shared>>
      %dma_start3A_127 = arith.constant 0 : i32
      %dma_start3A_128 = tpu.memref_slice %arg7[%add3A_87, %dma_start3A_127] : memref<10240x128xf32, #tpu.memory_space<vmem_shared>> -> memref<64x128xf32, #tpu.memory_space<vmem_shared>>
      tpu.enqueue_dma source(%arg10 : memref<64x128xf32, #tpu.memory_space<vmem>>) target(%dma_start3A_128 : memref<64x128xf32, #tpu.memory_space<vmem_shared>>) target_semaphore(%run_scoped3A : memref<!tpu.dma_semaphore, #tpu.memory_space<semaphore_mem>>)
      %dma_wait3A = arith.constant 0 : i32
      %dma_wait3A_129 = tpu.memref_slice %arg7[%add3A_87, %dma_wait3A] : memref<10240x128xf32, #tpu.memory_space<vmem_shared>> -> memref<64x128xf32, #tpu.memory_space<vmem_shared>>
      %dma_wait3A_130 = arith.constant 0 : i32
      %dma_wait3A_131 = tpu.memref_slice %arg7[%add3A_87, %dma_wait3A_130] : memref<10240x128xf32, #tpu.memory_space<vmem_shared>> -> memref<64x128xf32, #tpu.memory_space<vmem_shared>>
      tpu.wait_dma2 semaphore(%run_scoped3A : memref<!tpu.dma_semaphore, #tpu.memory_space<semaphore_mem>>) src(%arg10 : memref<64x128xf32, #tpu.memory_space<vmem>>) dst(%dma_wait3A_131 : memref<64x128xf32, #tpu.memory_space<vmem_shared>>)
      tpu.yield
    }) : () -> ()
    %broadcast_in_dim3A_88 = arith.constant 1.000000e+00 : f32
    %broadcast_in_dim3A_89 = vector.broadcast %broadcast_in_dim3A_88 : f32 to vector<16xf32>
    %scan3A_90 = arith.constant 0 : i32
    %scan3A_91 = arith.constant 0 : i32
    %scan3A_92 = arith.constant 64 : i32
    %scan3A_93 = arith.addi %scan3A_91, %scan3A_92 : i32
    %scan3A_94 = arith.constant 1 : i32
    %scan3A_95 = scf.for %scan3A_126 = %scan3A_91 to %scan3A_93 step %scan3A_94 iter_args(%scan3A_127 = %scan3A_90) -> (i32)  : i32 {
      %swap3A = arith.index_cast %scan3A_126 : i32 to index
      %swap3A_128 = arith.constant 0 : index
      %swap3A_129 = tpu.vector_load %arg11[%swap3A, %swap3A_128] {strides = array<i32>} : memref<64x128xf32, #tpu.memory_space<vmem>>, vector<1x16xf32>,
      %swap3A_130 = vector.shape_cast %swap3A_129 : vector<1x16xf32> to vector<16xf32>
      %swap3A_131 = vector.shape_cast %broadcast_in_dim3A_89 : vector<16xf32> to vector<1x16xf32>
      tpu.vector_store %arg11[%swap3A, %swap3A_128], %swap3A_131 {strides = array<i32>} : memref<64x128xf32, #tpu.memory_space<vmem>>, vector<1x16xf32>,
      %swap3A_132 = arith.index_cast %scan3A_126 : i32 to index
      %swap3A_133 = arith.constant 16 : index
      %swap3A_134 = tpu.vector_load %arg11[%swap3A_132, %swap3A_133] {strides = array<i32>} : memref<64x128xf32, #tpu.memory_space<vmem>>, vector<1x16xf32>,
      %swap3A_135 = vector.shape_cast %swap3A_134 : vector<1x16xf32> to vector<16xf32>
      %swap3A_136 = vector.shape_cast %broadcast_in_dim3A_89 : vector<16xf32> to vector<1x16xf32>
      tpu.vector_store %arg11[%swap3A_132, %swap3A_133], %swap3A_136 {strides = array<i32>} : memref<64x128xf32, #tpu.memory_space<vmem>>, vector<1x16xf32>,
      %swap3A_137 = arith.index_cast %scan3A_126 : i32 to index
      %swap3A_138 = arith.constant 32 : index
      %swap3A_139 = tpu.vector_load %arg11[%swap3A_137, %swap3A_138] {strides = array<i32>} : memref<64x128xf32, #tpu.memory_space<vmem>>, vector<1x16xf32>,
      %swap3A_140 = vector.shape_cast %swap3A_139 : vector<1x16xf32> to vector<16xf32>
      %swap3A_141 = vector.shape_cast %broadcast_in_dim3A_89 : vector<16xf32> to vector<1x16xf32>
      tpu.vector_store %arg11[%swap3A_137, %swap3A_138], %swap3A_141 {strides = array<i32>} : memref<64x128xf32, #tpu.memory_space<vmem>>, vector<1x16xf32>,
      %swap3A_142 = arith.index_cast %scan3A_126 : i32 to index
      %swap3A_143 = arith.constant 48 : index
      %swap3A_144 = tpu.vector_load %arg11[%swap3A_142, %swap3A_143] {strides = array<i32>} : memref<64x128xf32, #tpu.memory_space<vmem>>, vector<1x16xf32>,
      %swap3A_145 = vector.shape_cast %swap3A_144 : vector<1x16xf32> to vector<16xf32>
      %swap3A_146 = vector.shape_cast %broadcast_in_dim3A_89 : vector<16xf32> to vector<1x16xf32>
      tpu.vector_store %arg11[%swap3A_142, %swap3A_143], %swap3A_146 {strides = array<i32>} : memref<64x128xf32, #tpu.memory_space<vmem>>, vector<1x16xf32>,
      %swap3A_147 = arith.index_cast %scan3A_126 : i32 to index
      %swap3A_148 = arith.constant 64 : index
      %swap3A_149 = tpu.vector_load %arg11[%swap3A_147, %swap3A_148] {strides = array<i32>} : memref<64x128xf32, #tpu.memory_space<vmem>>, vector<1x16xf32>,
      %swap3A_150 = vector.shape_cast %swap3A_149 : vector<1x16xf32> to vector<16xf32>
      %swap3A_151 = vector.shape_cast %broadcast_in_dim3A_89 : vector<16xf32> to vector<1x16xf32>
      tpu.vector_store %arg11[%swap3A_147, %swap3A_148], %swap3A_151 {strides = array<i32>} : memref<64x128xf32, #tpu.memory_space<vmem>>, vector<1x16xf32>,
      %swap3A_152 = arith.index_cast %scan3A_126 : i32 to index
      %swap3A_153 = arith.constant 80 : index
      %swap3A_154 = tpu.vector_load %arg11[%swap3A_152, %swap3A_153] {strides = array<i32>} : memref<64x128xf32, #tpu.memory_space<vmem>>, vector<1x16xf32>,
      %swap3A_155 = vector.shape_cast %swap3A_154 : vector<1x16xf32> to vector<16xf32>
      %swap3A_156 = vector.shape_cast %broadcast_in_dim3A_89 : vector<16xf32> to vector<1x16xf32>
      tpu.vector_store %arg11[%swap3A_152, %swap3A_153], %swap3A_156 {strides = array<i32>} : memref<64x128xf32, #tpu.memory_space<vmem>>, vector<1x16xf32>,
      %swap3A_157 = arith.index_cast %scan3A_126 : i32 to index
      %swap3A_158 = arith.constant 96 : index
      %swap3A_159 = tpu.vector_load %arg11[%swap3A_157, %swap3A_158] {strides = array<i32>} : memref<64x128xf32, #tpu.memory_space<vmem>>, vector<1x16xf32>,
      %swap3A_160 = vector.shape_cast %swap3A_159 : vector<1x16xf32> to vector<16xf32>
      %swap3A_161 = vector.shape_cast %broadcast_in_dim3A_89 : vector<16xf32> to vector<1x16xf32>
      tpu.vector_store %arg11[%swap3A_157, %swap3A_158], %swap3A_161 {strides = array<i32>} : memref<64x128xf32, #tpu.memory_space<vmem>>, vector<1x16xf32>,
      %swap3A_162 = arith.index_cast %scan3A_126 : i32 to index
      %swap3A_163 = arith.constant 112 : index
      %swap3A_164 = tpu.vector_load %arg11[%swap3A_162, %swap3A_163] {strides = array<i32>} : memref<64x128xf32, #tpu.memory_space<vmem>>, vector<1x16xf32>,
      %swap3A_165 = vector.shape_cast %swap3A_164 : vector<1x16xf32> to vector<16xf32>
      %swap3A_166 = vector.shape_cast %broadcast_in_dim3A_89 : vector<16xf32> to vector<1x16xf32>
      tpu.vector_store %arg11[%swap3A_162, %swap3A_163], %swap3A_166 {strides = array<i32>} : memref<64x128xf32, #tpu.memory_space<vmem>>, vector<1x16xf32>,
      %scan3A_167 = arith.constant 0 : i32
      scf.yield %scan3A_167 : i32
    }
    %scan3A_96 = arith.constant 64 : i32
    %barrier3A_97 = arith.constant 0 : index
    tpu.barrier barrier_id(%barrier3A_97)
    %scan3A_98 = arith.constant 0 : i32
    %scan3A_99 = arith.constant 0 : i32
    %scan3A_100 = arith.constant 4 : i32
    %scan3A_101 = arith.addi %scan3A_99, %scan3A_100 : i32
    %scan3A_102 = arith.constant 1 : i32
    %scan3A_103 = scf.for %scan3A_126 = %scan3A_99 to %scan3A_101 step %scan3A_102 iter_args(%scan3A_127 = %scan3A_98) -> (i32)  : i32 {
      %mul3A_128 = arith.constant 40 : i32
      %mul3A_129 = arith.muli %scan3A_126, %mul3A_128 : i32
      "tpu.region"() ({
        %run_scoped3A = tpu.sem_alloc : memref<!tpu.dma_semaphore, #tpu.memory_space<semaphore_mem>>
        %dma_start3A = arith.constant 0 : i32
        %dma_start3A_138 = tpu.memref_slice %arg4[%add3A, %mul3A_129, %dma_start3A] : memref<32x160x64xi32, #tpu.memory_space<hbm>> -> memref<1x40x64xi32, #tpu.memory_space<hbm>>
        %dma_start3A_139 = tpu.memref_squeeze %dma_start3A_138 : memref<1x40x64xi32, #tpu.memory_space<hbm>> -> memref<40x64xi32, #tpu.memory_space<hbm>>
        %dma_start3A_140 = arith.constant 0 : i32
        %dma_start3A_141 = tpu.memref_slice %arg4[%add3A, %mul3A_129, %dma_start3A_140] : memref<32x160x64xi32, #tpu.memory_space<hbm>> -> memref<1x40x64xi32, #tpu.memory_space<hbm>>
        %dma_start3A_142 = tpu.memref_squeeze %dma_start3A_141 : memref<1x40x64xi32, #tpu.memory_space<hbm>> -> memref<40x64xi32, #tpu.memory_space<hbm>>
        tpu.enqueue_dma source(%dma_start3A_142 : memref<40x64xi32, #tpu.memory_space<hbm>>) target(%arg9 : memref<40x64xi32, #tpu.memory_space<vmem>>) target_semaphore(%run_scoped3A : memref<!tpu.dma_semaphore, #tpu.memory_space<semaphore_mem>>)
        %dma_wait3A = arith.constant 0 : i32
        %dma_wait3A_143 = tpu.memref_slice %arg4[%add3A, %mul3A_129, %dma_wait3A] : memref<32x160x64xi32, #tpu.memory_space<hbm>> -> memref<1x40x64xi32, #tpu.memory_space<hbm>>
        %dma_wait3A_144 = tpu.memref_squeeze %dma_wait3A_143 : memref<1x40x64xi32, #tpu.memory_space<hbm>> -> memref<40x64xi32, #tpu.memory_space<hbm>>
        %dma_wait3A_145 = arith.constant 0 : i32
        %dma_wait3A_146 = tpu.memref_slice %arg4[%add3A, %mul3A_129, %dma_wait3A_145] : memref<32x160x64xi32, #tpu.memory_space<hbm>> -> memref<1x40x64xi32, #tpu.memory_space<hbm>>
        %dma_wait3A_147 = tpu.memref_squeeze %dma_wait3A_146 : memref<1x40x64xi32, #tpu.memory_space<hbm>> -> memref<40x64xi32, #tpu.memory_space<hbm>>
        tpu.wait_dma2 semaphore(%run_scoped3A : memref<!tpu.dma_semaphore, #tpu.memory_space<semaphore_mem>>) src(%dma_wait3A_147 : memref<40x64xi32, #tpu.memory_space<hbm>>) dst(%arg9 : memref<40x64xi32, #tpu.memory_space<vmem>>)
        tpu.yield
      }) : () -> ()
      %scan3A_130 = arith.constant 0 : i32
      %scan3A_131 = arith.constant 0 : i32
      %scan3A_132 = arith.constant 40 : i32
      %scan3A_133 = arith.addi %scan3A_131, %scan3A_132 : i32
      %scan3A_134 = arith.constant 1 : i32
      %scan3A_135 = scf.for %scan3A_138 = %scan3A_131 to %scan3A_133 step %scan3A_134 iter_args(%scan3A_139 = %scan3A_130) -> (i32)  : i32 {
        "tpu.region"() ({
          %run_scoped3A = tpu.sem_alloc : memref<!tpu.dma_semaphore, #tpu.memory_space<semaphore_mem>>
          %dma_start3A = arith.constant 0 : i32
          %dma_start3A_141 = tpu.memref_slice %arg9[%scan3A_138, %dma_start3A] : memref<40x64xi32, #tpu.memory_space<vmem>> -> memref<1x64xi32, #tpu.memory_space<vmem>>
          %dma_start3A_142 = tpu.memref_squeeze %dma_start3A_141 : memref<1x64xi32, #tpu.memory_space<vmem>> -> memref<64xi32, #tpu.memory_space<vmem>>
          %dma_start3A_143 = arith.constant 0 : i32
          %dma_start3A_144 = arith.constant 0 : i32
          %dma_start3A_145 = tpu.memref_slice %arg7[%dma_start3A_143, %dma_start3A_144] : memref<10240x128xf32, #tpu.memory_space<vmem_shared>> -> memref<10240x128xf32, #tpu.memory_space<vmem_shared>>
          tpu.enqueue_indirect_dma source(%arg11 : memref<64x128xf32, #tpu.memory_space<vmem>>) target(%dma_start3A_145 : memref<10240x128xf32, #tpu.memory_space<vmem_shared>>) offsets(%dma_start3A_142 : memref<64xi32, #tpu.memory_space<vmem>>) semaphore(%run_scoped3A : memref<!tpu.dma_semaphore, #tpu.memory_space<semaphore_mem>>) {add = true}
          %dma_wait3A = arith.constant 0 : i32
          %dma_wait3A_146 = tpu.memref_slice %arg9[%scan3A_138, %dma_wait3A] : memref<40x64xi32, #tpu.memory_space<vmem>> -> memref<1x64xi32, #tpu.memory_space<vmem>>
          %dma_wait3A_147 = tpu.memref_squeeze %dma_wait3A_146 : memref<1x64xi32, #tpu.memory_space<vmem>> -> memref<64xi32, #tpu.memory_space<vmem>>
          %dma_wait3A_148 = arith.constant 0 : i32
          %dma_wait3A_149 = arith.constant 0 : i32
          %dma_wait3A_150 = tpu.memref_slice %arg7[%dma_wait3A_148, %dma_wait3A_149] : memref<10240x128xf32, #tpu.memory_space<vmem_shared>> -> memref<10240x128xf32, #tpu.memory_space<vmem_shared>>
          tpu.wait_indirect_dma semaphore(%run_scoped3A : memref<!tpu.dma_semaphore, #tpu.memory_space<semaphore_mem>>) src(%arg11 : memref<64x128xf32, #tpu.memory_space<vmem>>) dst(%dma_wait3A_150 : memref<10240x128xf32, #tpu.memory_space<vmem_shared>>)
          tpu.yield
        }) : () -> ()
        %scan3A_140 = arith.constant 0 : i32
        scf.yield %scan3A_140 : i32
      }
      %scan3A_136 = arith.constant 40 : i32
      %scan3A_137 = arith.constant 0 : i32
      scf.yield %scan3A_137 : i32
    }
    %scan3A_104 = arith.constant 4 : i32
    %barrier3A_105 = arith.constant 0 : index
    tpu.barrier barrier_id(%barrier3A_105)
    %add3A_106 = arith.constant 0 : i32
    %add3A_107 = arith.addi %mul3A_2, %add3A_106 : i32
    "tpu.region"() ({
      %run_scoped3A = tpu.sem_alloc : memref<!tpu.dma_semaphore, #tpu.memory_space<semaphore_mem>>
      %dma_start3A = arith.constant 0 : i32
      %dma_start3A_126 = tpu.memref_slice %arg7[%add3A_107, %dma_start3A] : memref<10240x128xf32, #tpu.memory_space<vmem_shared>> -> memref<64x128xf32, #tpu.memory_space<vmem_shared>>
      %dma_start3A_127 = arith.constant 0 : i32
      %dma_start3A_128 = tpu.memref_slice %arg7[%add3A_107, %dma_start3A_127] : memref<10240x128xf32, #tpu.memory_space<vmem_shared>> -> memref<64x128xf32, #tpu.memory_space<vmem_shared>>
      tpu.enqueue_dma source(%dma_start3A_128 : memref<64x128xf32, #tpu.memory_space<vmem_shared>>) target(%arg10 : memref<64x128xf32, #tpu.memory_space<vmem>>) target_semaphore(%run_scoped3A : memref<!tpu.dma_semaphore, #tpu.memory_space<semaphore_mem>>)
      %dma_wait3A = arith.constant 0 : i32
      %dma_wait3A_129 = tpu.memref_slice %arg7[%add3A_107, %dma_wait3A] : memref<10240x128xf32, #tpu.memory_space<vmem_shared>> -> memref<64x128xf32, #tpu.memory_space<vmem_shared>>
      %dma_wait3A_130 = arith.constant 0 : i32
      %dma_wait3A_131 = tpu.memref_slice %arg7[%add3A_107, %dma_wait3A_130] : memref<10240x128xf32, #tpu.memory_space<vmem_shared>> -> memref<64x128xf32, #tpu.memory_space<vmem_shared>>
      tpu.wait_dma2 semaphore(%run_scoped3A : memref<!tpu.dma_semaphore, #tpu.memory_space<semaphore_mem>>) src(%dma_wait3A_131 : memref<64x128xf32, #tpu.memory_space<vmem_shared>>) dst(%arg10 : memref<64x128xf32, #tpu.memory_space<vmem>>)
      tpu.yield
    }) : () -> ()
    "tpu.region"() ({
      %run_scoped3A = tpu.sem_alloc : memref<!tpu.dma_semaphore, #tpu.memory_space<semaphore_mem>>
      %dma_start3A = arith.constant 0 : i32
      %dma_start3A_126 = tpu.memref_slice %arg6[%arg0, %add3A_107, %dma_start3A] : memref<2x10240x128xf32, #tpu.memory_space<hbm>> -> memref<1x64x128xf32, #tpu.memory_space<hbm>>
      %dma_start3A_127 = tpu.memref_squeeze %dma_start3A_126 : memref<1x64x128xf32, #tpu.memory_space<hbm>> -> memref<64x128xf32, #tpu.memory_space<hbm>>
      %dma_start3A_128 = arith.constant 0 : i32
      %dma_start3A_129 = tpu.memref_slice %arg6[%arg0, %add3A_107, %dma_start3A_128] : memref<2x10240x128xf32, #tpu.memory_space<hbm>> -> memref<1x64x128xf32, #tpu.memory_space<hbm>>
      %dma_start3A_130 = tpu.memref_squeeze %dma_start3A_129 : memref<1x64x128xf32, #tpu.memory_space<hbm>> -> memref<64x128xf32, #tpu.memory_space<hbm>>
      tpu.enqueue_dma source(%arg10 : memref<64x128xf32, #tpu.memory_space<vmem>>) target(%dma_start3A_130 : memref<64x128xf32, #tpu.memory_space<hbm>>) target_semaphore(%run_scoped3A : memref<!tpu.dma_semaphore, #tpu.memory_space<semaphore_mem>>)
      %dma_wait3A = arith.constant 0 : i32
      %dma_wait3A_131 = tpu.memref_slice %arg6[%arg0, %add3A_107, %dma_wait3A] : memref<2x10240x128xf32, #tpu.memory_space<hbm>> -> memref<1x64x128xf32, #tpu.memory_space<hbm>>
      %dma_wait3A_132 = tpu.memref_squeeze %dma_wait3A_131 : memref<1x64x128xf32, #tpu.memory_space<hbm>> -> memref<64x128xf32, #tpu.memory_space<hbm>>
      %dma_wait3A_133 = arith.constant 0 : i32
      %dma_wait3A_134 = tpu.memref_slice %arg6[%arg0, %add3A_107, %dma_wait3A_133] : memref<2x10240x128xf32, #tpu.memory_space<hbm>> -> memref<1x64x128xf32, #tpu.memory_space<hbm>>
      %dma_wait3A_135 = tpu.memref_squeeze %dma_wait3A_134 : memref<1x64x128xf32, #tpu.memory_space<hbm>> -> memref<64x128xf32, #tpu.memory_space<hbm>>
      tpu.wait_dma2 semaphore(%run_scoped3A : memref<!tpu.dma_semaphore, #tpu.memory_space<semaphore_mem>>) src(%arg10 : memref<64x128xf32, #tpu.memory_space<vmem>>) dst(%dma_wait3A_135 : memref<64x128xf32, #tpu.memory_space<hbm>>)
      tpu.yield
    }) : () -> ()
    %add3A_108 = arith.constant 64 : i32
    %add3A_109 = arith.addi %mul3A_2, %add3A_108 : i32
    "tpu.region"() ({
      %run_scoped3A = tpu.sem_alloc : memref<!tpu.dma_semaphore, #tpu.memory_space<semaphore_mem>>
      %dma_start3A = arith.constant 0 : i32
      %dma_start3A_126 = tpu.memref_slice %arg7[%add3A_109, %dma_start3A] : memref<10240x128xf32, #tpu.memory_space<vmem_shared>> -> memref<64x128xf32, #tpu.memory_space<vmem_shared>>
      %dma_start3A_127 = arith.constant 0 : i32
      %dma_start3A_128 = tpu.memref_slice %arg7[%add3A_109, %dma_start3A_127] : memref<10240x128xf32, #tpu.memory_space<vmem_shared>> -> memref<64x128xf32, #tpu.memory_space<vmem_shared>>
      tpu.enqueue_dma source(%dma_start3A_128 : memref<64x128xf32, #tpu.memory_space<vmem_shared>>) target(%arg10 : memref<64x128xf32, #tpu.memory_space<vmem>>) target_semaphore(%run_scoped3A : memref<!tpu.dma_semaphore, #tpu.memory_space<semaphore_mem>>)
      %dma_wait3A = arith.constant 0 : i32
      %dma_wait3A_129 = tpu.memref_slice %arg7[%add3A_109, %dma_wait3A] : memref<10240x128xf32, #tpu.memory_space<vmem_shared>> -> memref<64x128xf32, #tpu.memory_space<vmem_shared>>
      %dma_wait3A_130 = arith.constant 0 : i32
      %dma_wait3A_131 = tpu.memref_slice %arg7[%add3A_109, %dma_wait3A_130] : memref<10240x128xf32, #tpu.memory_space<vmem_shared>> -> memref<64x128xf32, #tpu.memory_space<vmem_shared>>
      tpu.wait_dma2 semaphore(%run_scoped3A : memref<!tpu.dma_semaphore, #tpu.memory_space<semaphore_mem>>) src(%dma_wait3A_131 : memref<64x128xf32, #tpu.memory_space<vmem_shared>>) dst(%arg10 : memref<64x128xf32, #tpu.memory_space<vmem>>)
      tpu.yield
    }) : () -> ()
    "tpu.region"() ({
      %run_scoped3A = tpu.sem_alloc : memref<!tpu.dma_semaphore, #tpu.memory_space<semaphore_mem>>
      %dma_start3A = arith.constant 0 : i32
      %dma_start3A_126 = tpu.memref_slice %arg6[%arg0, %add3A_109, %dma_start3A] : memref<2x10240x128xf32, #tpu.memory_space<hbm>> -> memref<1x64x128xf32, #tpu.memory_space<hbm>>
      %dma_start3A_127 = tpu.memref_squeeze %dma_start3A_126 : memref<1x64x128xf32, #tpu.memory_space<hbm>> -> memref<64x128xf32, #tpu.memory_space<hbm>>
      %dma_start3A_128 = arith.constant 0 : i32
      %dma_start3A_129 = tpu.memref_slice %arg6[%arg0, %add3A_109, %dma_start3A_128] : memref<2x10240x128xf32, #tpu.memory_space<hbm>> -> memref<1x64x128xf32, #tpu.memory_space<hbm>>
      %dma_start3A_130 = tpu.memref_squeeze %dma_start3A_129 : memref<1x64x128xf32, #tpu.memory_space<hbm>> -> memref<64x128xf32, #tpu.memory_space<hbm>>
      tpu.enqueue_dma source(%arg10 : memref<64x128xf32, #tpu.memory_space<vmem>>) target(%dma_start3A_130 : memref<64x128xf32, #tpu.memory_space<hbm>>) target_semaphore(%run_scoped3A : memref<!tpu.dma_semaphore, #tpu.memory_space<semaphore_mem>>)
      %dma_wait3A = arith.constant 0 : i32
      %dma_wait3A_131 = tpu.memref_slice %arg6[%arg0, %add3A_109, %dma_wait3A] : memref<2x10240x128xf32, #tpu.memory_space<hbm>> -> memref<1x64x128xf32, #tpu.memory_space<hbm>>
      %dma_wait3A_132 = tpu.memref_squeeze %dma_wait3A_131 : memref<1x64x128xf32, #tpu.memory_space<hbm>> -> memref<64x128xf32, #tpu.memory_space<hbm>>
      %dma_wait3A_133 = arith.constant 0 : i32
      %dma_wait3A_134 = tpu.memref_slice %arg6[%arg0, %add3A_109, %dma_wait3A_133] : memref<2x10240x128xf32, #tpu.memory_space<hbm>> -> memref<1x64x128xf32, #tpu.memory_space<hbm>>
      %dma_wait3A_135 = tpu.memref_squeeze %dma_wait3A_134 : memref<1x64x128xf32, #tpu.memory_space<hbm>> -> memref<64x128xf32, #tpu.memory_space<hbm>>
      tpu.wait_dma2 semaphore(%run_scoped3A : memref<!tpu.dma_semaphore, #tpu.memory_space<semaphore_mem>>) src(%arg10 : memref<64x128xf32, #tpu.memory_space<vmem>>) dst(%dma_wait3A_135 : memref<64x128xf32, #tpu.memory_space<hbm>>)
      tpu.yield
    }) : () -> ()
    %add3A_110 = arith.constant 128 : i32
    %add3A_111 = arith.addi %mul3A_2, %add3A_110 : i32
    "tpu.region"() ({
      %run_scoped3A = tpu.sem_alloc : memref<!tpu.dma_semaphore, #tpu.memory_space<semaphore_mem>>
      %dma_start3A = arith.constant 0 : i32
      %dma_start3A_126 = tpu.memref_slice %arg7[%add3A_111, %dma_start3A] : memref<10240x128xf32, #tpu.memory_space<vmem_shared>> -> memref<64x128xf32, #tpu.memory_space<vmem_shared>>
      %dma_start3A_127 = arith.constant 0 : i32
      %dma_start3A_128 = tpu.memref_slice %arg7[%add3A_111, %dma_start3A_127] : memref<10240x128xf32, #tpu.memory_space<vmem_shared>> -> memref<64x128xf32, #tpu.memory_space<vmem_shared>>
      tpu.enqueue_dma source(%dma_start3A_128 : memref<64x128xf32, #tpu.memory_space<vmem_shared>>) target(%arg10 : memref<64x128xf32, #tpu.memory_space<vmem>>) target_semaphore(%run_scoped3A : memref<!tpu.dma_semaphore, #tpu.memory_space<semaphore_mem>>)
      %dma_wait3A = arith.constant 0 : i32
      %dma_wait3A_129 = tpu.memref_slice %arg7[%add3A_111, %dma_wait3A] : memref<10240x128xf32, #tpu.memory_space<vmem_shared>> -> memref<64x128xf32, #tpu.memory_space<vmem_shared>>
      %dma_wait3A_130 = arith.constant 0 : i32
      %dma_wait3A_131 = tpu.memref_slice %arg7[%add3A_111, %dma_wait3A_130] : memref<10240x128xf32, #tpu.memory_space<vmem_shared>> -> memref<64x128xf32, #tpu.memory_space<vmem_shared>>
      tpu.wait_dma2 semaphore(%run_scoped3A : memref<!tpu.dma_semaphore, #tpu.memory_space<semaphore_mem>>) src(%dma_wait3A_131 : memref<64x128xf32, #tpu.memory_space<vmem_shared>>) dst(%arg10 : memref<64x128xf32, #tpu.memory_space<vmem>>)
      tpu.yield
    }) : () -> ()
    "tpu.region"() ({
      %run_scoped3A = tpu.sem_alloc : memref<!tpu.dma_semaphore, #tpu.memory_space<semaphore_mem>>
      %dma_start3A = arith.constant 0 : i32
      %dma_start3A_126 = tpu.memref_slice %arg6[%arg0, %add3A_111, %dma_start3A] : memref<2x10240x128xf32, #tpu.memory_space<hbm>> -> memref<1x64x128xf32, #tpu.memory_space<hbm>>
      %dma_start3A_127 = tpu.memref_squeeze %dma_start3A_126 : memref<1x64x128xf32, #tpu.memory_space<hbm>> -> memref<64x128xf32, #tpu.memory_space<hbm>>
      %dma_start3A_128 = arith.constant 0 : i32
      %dma_start3A_129 = tpu.memref_slice %arg6[%arg0, %add3A_111, %dma_start3A_128] : memref<2x10240x128xf32, #tpu.memory_space<hbm>> -> memref<1x64x128xf32, #tpu.memory_space<hbm>>
      %dma_start3A_130 = tpu.memref_squeeze %dma_start3A_129 : memref<1x64x128xf32, #tpu.memory_space<hbm>> -> memref<64x128xf32, #tpu.memory_space<hbm>>
      tpu.enqueue_dma source(%arg10 : memref<64x128xf32, #tpu.memory_space<vmem>>) target(%dma_start3A_130 : memref<64x128xf32, #tpu.memory_space<hbm>>) target_semaphore(%run_scoped3A : memref<!tpu.dma_semaphore, #tpu.memory_space<semaphore_mem>>)
      %dma_wait3A = arith.constant 0 : i32
      %dma_wait3A_131 = tpu.memref_slice %arg6[%arg0, %add3A_111, %dma_wait3A] : memref<2x10240x128xf32, #tpu.memory_space<hbm>> -> memref<1x64x128xf32, #tpu.memory_space<hbm>>
      %dma_wait3A_132 = tpu.memref_squeeze %dma_wait3A_131 : memref<1x64x128xf32, #tpu.memory_space<hbm>> -> memref<64x128xf32, #tpu.memory_space<hbm>>
      %dma_wait3A_133 = arith.constant 0 : i32
      %dma_wait3A_134 = tpu.memref_slice %arg6[%arg0, %add3A_111, %dma_wait3A_133] : memref<2x10240x128xf32, #tpu.memory_space<hbm>> -> memref<1x64x128xf32, #tpu.memory_space<hbm>>
      %dma_wait3A_135 = tpu.memref_squeeze %dma_wait3A_134 : memref<1x64x128xf32, #tpu.memory_space<hbm>> -> memref<64x128xf32, #tpu.memory_space<hbm>>
      tpu.wait_dma2 semaphore(%run_scoped3A : memref<!tpu.dma_semaphore, #tpu.memory_space<semaphore_mem>>) src(%arg10 : memref<64x128xf32, #tpu.memory_space<vmem>>) dst(%dma_wait3A_135 : memref<64x128xf32, #tpu.memory_space<hbm>>)
      tpu.yield
    }) : () -> ()
    %add3A_112 = arith.constant 192 : i32
    %add3A_113 = arith.addi %mul3A_2, %add3A_112 : i32
    "tpu.region"() ({
      %run_scoped3A = tpu.sem_alloc : memref<!tpu.dma_semaphore, #tpu.memory_space<semaphore_mem>>
      %dma_start3A = arith.constant 0 : i32
      %dma_start3A_126 = tpu.memref_slice %arg7[%add3A_113, %dma_start3A] : memref<10240x128xf32, #tpu.memory_space<vmem_shared>> -> memref<64x128xf32, #tpu.memory_space<vmem_shared>>
      %dma_start3A_127 = arith.constant 0 : i32
      %dma_start3A_128 = tpu.memref_slice %arg7[%add3A_113, %dma_start3A_127] : memref<10240x128xf32, #tpu.memory_space<vmem_shared>> -> memref<64x128xf32, #tpu.memory_space<vmem_shared>>
      tpu.enqueue_dma source(%dma_start3A_128 : memref<64x128xf32, #tpu.memory_space<vmem_shared>>) target(%arg10 : memref<64x128xf32, #tpu.memory_space<vmem>>) target_semaphore(%run_scoped3A : memref<!tpu.dma_semaphore, #tpu.memory_space<semaphore_mem>>)
      %dma_wait3A = arith.constant 0 : i32
      %dma_wait3A_129 = tpu.memref_slice %arg7[%add3A_113, %dma_wait3A] : memref<10240x128xf32, #tpu.memory_space<vmem_shared>> -> memref<64x128xf32, #tpu.memory_space<vmem_shared>>
      %dma_wait3A_130 = arith.constant 0 : i32
      %dma_wait3A_131 = tpu.memref_slice %arg7[%add3A_113, %dma_wait3A_130] : memref<10240x128xf32, #tpu.memory_space<vmem_shared>> -> memref<64x128xf32, #tpu.memory_space<vmem_shared>>
      tpu.wait_dma2 semaphore(%run_scoped3A : memref<!tpu.dma_semaphore, #tpu.memory_space<semaphore_mem>>) src(%dma_wait3A_131 : memref<64x128xf32, #tpu.memory_space<vmem_shared>>) dst(%arg10 : memref<64x128xf32, #tpu.memory_space<vmem>>)
      tpu.yield
    }) : () -> ()
    "tpu.region"() ({
      %run_scoped3A = tpu.sem_alloc : memref<!tpu.dma_semaphore, #tpu.memory_space<semaphore_mem>>
      %dma_start3A = arith.constant 0 : i32
      %dma_start3A_126 = tpu.memref_slice %arg6[%arg0, %add3A_113, %dma_start3A] : memref<2x10240x128xf32, #tpu.memory_space<hbm>> -> memref<1x64x128xf32, #tpu.memory_space<hbm>>
      %dma_start3A_127 = tpu.memref_squeeze %dma_start3A_126 : memref<1x64x128xf32, #tpu.memory_space<hbm>> -> memref<64x128xf32, #tpu.memory_space<hbm>>
      %dma_start3A_128 = arith.constant 0 : i32
      %dma_start3A_129 = tpu.memref_slice %arg6[%arg0, %add3A_113, %dma_start3A_128] : memref<2x10240x128xf32, #tpu.memory_space<hbm>> -> memref<1x64x128xf32, #tpu.memory_space<hbm>>
      %dma_start3A_130 = tpu.memref_squeeze %dma_start3A_129 : memref<1x64x128xf32, #tpu.memory_space<hbm>> -> memref<64x128xf32, #tpu.memory_space<hbm>>
      tpu.enqueue_dma source(%arg10 : memref<64x128xf32, #tpu.memory_space<vmem>>) target(%dma_start3A_130 : memref<64x128xf32, #tpu.memory_space<hbm>>) target_semaphore(%run_scoped3A : memref<!tpu.dma_semaphore, #tpu.memory_space<semaphore_mem>>)
      %dma_wait3A = arith.constant 0 : i32
      %dma_wait3A_131 = tpu.memref_slice %arg6[%arg0, %add3A_113, %dma_wait3A] : memref<2x10240x128xf32, #tpu.memory_space<hbm>> -> memref<1x64x128xf32, #tpu.memory_space<hbm>>
      %dma_wait3A_132 = tpu.memref_squeeze %dma_wait3A_131 : memref<1x64x128xf32, #tpu.memory_space<hbm>> -> memref<64x128xf32, #tpu.memory_space<hbm>>
      %dma_wait3A_133 = arith.constant 0 : i32
      %dma_wait3A_134 = tpu.memref_slice %arg6[%arg0, %add3A_113, %dma_wait3A_133] : memref<2x10240x128xf32, #tpu.memory_space<hbm>> -> memref<1x64x128xf32, #tpu.memory_space<hbm>>
      %dma_wait3A_135 = tpu.memref_squeeze %dma_wait3A_134 : memref<1x64x128xf32, #tpu.memory_space<hbm>> -> memref<64x128xf32, #tpu.memory_space<hbm>>
      tpu.wait_dma2 semaphore(%run_scoped3A : memref<!tpu.dma_semaphore, #tpu.memory_space<semaphore_mem>>) src(%arg10 : memref<64x128xf32, #tpu.memory_space<vmem>>) dst(%dma_wait3A_135 : memref<64x128xf32, #tpu.memory_space<hbm>>)
      tpu.yield
    }) : () -> ()
    %add3A_114 = arith.constant 256 : i32
    %add3A_115 = arith.addi %mul3A_2, %add3A_114 : i32
    "tpu.region"() ({
      %run_scoped3A = tpu.sem_alloc : memref<!tpu.dma_semaphore, #tpu.memory_space<semaphore_mem>>
      %dma_start3A = arith.constant 0 : i32
      %dma_start3A_126 = tpu.memref_slice %arg7[%add3A_115, %dma_start3A] : memref<10240x128xf32, #tpu.memory_space<vmem_shared>> -> memref<64x128xf32, #tpu.memory_space<vmem_shared>>
      %dma_start3A_127 = arith.constant 0 : i32
      %dma_start3A_128 = tpu.memref_slice %arg7[%add3A_115, %dma_start3A_127] : memref<10240x128xf32, #tpu.memory_space<vmem_shared>> -> memref<64x128xf32, #tpu.memory_space<vmem_shared>>
      tpu.enqueue_dma source(%dma_start3A_128 : memref<64x128xf32, #tpu.memory_space<vmem_shared>>) target(%arg10 : memref<64x128xf32, #tpu.memory_space<vmem>>) target_semaphore(%run_scoped3A : memref<!tpu.dma_semaphore, #tpu.memory_space<semaphore_mem>>)
      %dma_wait3A = arith.constant 0 : i32
      %dma_wait3A_129 = tpu.memref_slice %arg7[%add3A_115, %dma_wait3A] : memref<10240x128xf32, #tpu.memory_space<vmem_shared>> -> memref<64x128xf32, #tpu.memory_space<vmem_shared>>
      %dma_wait3A_130 = arith.constant 0 : i32
      %dma_wait3A_131 = tpu.memref_slice %arg7[%add3A_115, %dma_wait3A_130] : memref<10240x128xf32, #tpu.memory_space<vmem_shared>> -> memref<64x128xf32, #tpu.memory_space<vmem_shared>>
      tpu.wait_dma2 semaphore(%run_scoped3A : memref<!tpu.dma_semaphore, #tpu.memory_space<semaphore_mem>>) src(%dma_wait3A_131 : memref<64x128xf32, #tpu.memory_space<vmem_shared>>) dst(%arg10 : memref<64x128xf32, #tpu.memory_space<vmem>>)
      tpu.yield
    }) : () -> ()
    "tpu.region"() ({
      %run_scoped3A = tpu.sem_alloc : memref<!tpu.dma_semaphore, #tpu.memory_space<semaphore_mem>>
      %dma_start3A = arith.constant 0 : i32
      %dma_start3A_126 = tpu.memref_slice %arg6[%arg0, %add3A_115, %dma_start3A] : memref<2x10240x128xf32, #tpu.memory_space<hbm>> -> memref<1x64x128xf32, #tpu.memory_space<hbm>>
      %dma_start3A_127 = tpu.memref_squeeze %dma_start3A_126 : memref<1x64x128xf32, #tpu.memory_space<hbm>> -> memref<64x128xf32, #tpu.memory_space<hbm>>
      %dma_start3A_128 = arith.constant 0 : i32
      %dma_start3A_129 = tpu.memref_slice %arg6[%arg0, %add3A_115, %dma_start3A_128] : memref<2x10240x128xf32, #tpu.memory_space<hbm>> -> memref<1x64x128xf32, #tpu.memory_space<hbm>>
      %dma_start3A_130 = tpu.memref_squeeze %dma_start3A_129 : memref<1x64x128xf32, #tpu.memory_space<hbm>> -> memref<64x128xf32, #tpu.memory_space<hbm>>
      tpu.enqueue_dma source(%arg10 : memref<64x128xf32, #tpu.memory_space<vmem>>) target(%dma_start3A_130 : memref<64x128xf32, #tpu.memory_space<hbm>>) target_semaphore(%run_scoped3A : memref<!tpu.dma_semaphore, #tpu.memory_space<semaphore_mem>>)
      %dma_wait3A = arith.constant 0 : i32
      %dma_wait3A_131 = tpu.memref_slice %arg6[%arg0, %add3A_115, %dma_wait3A] : memref<2x10240x128xf32, #tpu.memory_space<hbm>> -> memref<1x64x128xf32, #tpu.memory_space<hbm>>
      %dma_wait3A_132 = tpu.memref_squeeze %dma_wait3A_131 : memref<1x64x128xf32, #tpu.memory_space<hbm>> -> memref<64x128xf32, #tpu.memory_space<hbm>>
      %dma_wait3A_133 = arith.constant 0 : i32
      %dma_wait3A_134 = tpu.memref_slice %arg6[%arg0, %add3A_115, %dma_wait3A_133] : memref<2x10240x128xf32, #tpu.memory_space<hbm>> -> memref<1x64x128xf32, #tpu.memory_space<hbm>>
      %dma_wait3A_135 = tpu.memref_squeeze %dma_wait3A_134 : memref<1x64x128xf32, #tpu.memory_space<hbm>> -> memref<64x128xf32, #tpu.memory_space<hbm>>
      tpu.wait_dma2 semaphore(%run_scoped3A : memref<!tpu.dma_semaphore, #tpu.memory_space<semaphore_mem>>) src(%arg10 : memref<64x128xf32, #tpu.memory_space<vmem>>) dst(%dma_wait3A_135 : memref<64x128xf32, #tpu.memory_space<hbm>>)
      tpu.yield
    }) : () -> ()
    %add3A_116 = arith.constant 320 : i32
    %add3A_117 = arith.addi %mul3A_2, %add3A_116 : i32
    "tpu.region"() ({
      %run_scoped3A = tpu.sem_alloc : memref<!tpu.dma_semaphore, #tpu.memory_space<semaphore_mem>>
      %dma_start3A = arith.constant 0 : i32
      %dma_start3A_126 = tpu.memref_slice %arg7[%add3A_117, %dma_start3A] : memref<10240x128xf32, #tpu.memory_space<vmem_shared>> -> memref<64x128xf32, #tpu.memory_space<vmem_shared>>
      %dma_start3A_127 = arith.constant 0 : i32
      %dma_start3A_128 = tpu.memref_slice %arg7[%add3A_117, %dma_start3A_127] : memref<10240x128xf32, #tpu.memory_space<vmem_shared>> -> memref<64x128xf32, #tpu.memory_space<vmem_shared>>
      tpu.enqueue_dma source(%dma_start3A_128 : memref<64x128xf32, #tpu.memory_space<vmem_shared>>) target(%arg10 : memref<64x128xf32, #tpu.memory_space<vmem>>) target_semaphore(%run_scoped3A : memref<!tpu.dma_semaphore, #tpu.memory_space<semaphore_mem>>)
      %dma_wait3A = arith.constant 0 : i32
      %dma_wait3A_129 = tpu.memref_slice %arg7[%add3A_117, %dma_wait3A] : memref<10240x128xf32, #tpu.memory_space<vmem_shared>> -> memref<64x128xf32, #tpu.memory_space<vmem_shared>>
      %dma_wait3A_130 = arith.constant 0 : i32
      %dma_wait3A_131 = tpu.memref_slice %arg7[%add3A_117, %dma_wait3A_130] : memref<10240x128xf32, #tpu.memory_space<vmem_shared>> -> memref<64x128xf32, #tpu.memory_space<vmem_shared>>
      tpu.wait_dma2 semaphore(%run_scoped3A : memref<!tpu.dma_semaphore, #tpu.memory_space<semaphore_mem>>) src(%dma_wait3A_131 : memref<64x128xf32, #tpu.memory_space<vmem_shared>>) dst(%arg10 : memref<64x128xf32, #tpu.memory_space<vmem>>)
      tpu.yield
    }) : () -> ()
    "tpu.region"() ({
      %run_scoped3A = tpu.sem_alloc : memref<!tpu.dma_semaphore, #tpu.memory_space<semaphore_mem>>
      %dma_start3A = arith.constant 0 : i32
      %dma_start3A_126 = tpu.memref_slice %arg6[%arg0, %add3A_117, %dma_start3A] : memref<2x10240x128xf32, #tpu.memory_space<hbm>> -> memref<1x64x128xf32, #tpu.memory_space<hbm>>
      %dma_start3A_127 = tpu.memref_squeeze %dma_start3A_126 : memref<1x64x128xf32, #tpu.memory_space<hbm>> -> memref<64x128xf32, #tpu.memory_space<hbm>>
      %dma_start3A_128 = arith.constant 0 : i32
      %dma_start3A_129 = tpu.memref_slice %arg6[%arg0, %add3A_117, %dma_start3A_128] : memref<2x10240x128xf32, #tpu.memory_space<hbm>> -> memref<1x64x128xf32, #tpu.memory_space<hbm>>
      %dma_start3A_130 = tpu.memref_squeeze %dma_start3A_129 : memref<1x64x128xf32, #tpu.memory_space<hbm>> -> memref<64x128xf32, #tpu.memory_space<hbm>>
      tpu.enqueue_dma source(%arg10 : memref<64x128xf32, #tpu.memory_space<vmem>>) target(%dma_start3A_130 : memref<64x128xf32, #tpu.memory_space<hbm>>) target_semaphore(%run_scoped3A : memref<!tpu.dma_semaphore, #tpu.memory_space<semaphore_mem>>)
      %dma_wait3A = arith.constant 0 : i32
      %dma_wait3A_131 = tpu.memref_slice %arg6[%arg0, %add3A_117, %dma_wait3A] : memref<2x10240x128xf32, #tpu.memory_space<hbm>> -> memref<1x64x128xf32, #tpu.memory_space<hbm>>
      %dma_wait3A_132 = tpu.memref_squeeze %dma_wait3A_131 : memref<1x64x128xf32, #tpu.memory_space<hbm>> -> memref<64x128xf32, #tpu.memory_space<hbm>>
      %dma_wait3A_133 = arith.constant 0 : i32
      %dma_wait3A_134 = tpu.memref_slice %arg6[%arg0, %add3A_117, %dma_wait3A_133] : memref<2x10240x128xf32, #tpu.memory_space<hbm>> -> memref<1x64x128xf32, #tpu.memory_space<hbm>>
      %dma_wait3A_135 = tpu.memref_squeeze %dma_wait3A_134 : memref<1x64x128xf32, #tpu.memory_space<hbm>> -> memref<64x128xf32, #tpu.memory_space<hbm>>
      tpu.wait_dma2 semaphore(%run_scoped3A : memref<!tpu.dma_semaphore, #tpu.memory_space<semaphore_mem>>) src(%arg10 : memref<64x128xf32, #tpu.memory_space<vmem>>) dst(%dma_wait3A_135 : memref<64x128xf32, #tpu.memory_space<hbm>>)
      tpu.yield
    }) : () -> ()
    %add3A_118 = arith.constant 384 : i32
    %add3A_119 = arith.addi %mul3A_2, %add3A_118 : i32
    "tpu.region"() ({
      %run_scoped3A = tpu.sem_alloc : memref<!tpu.dma_semaphore, #tpu.memory_space<semaphore_mem>>
      %dma_start3A = arith.constant 0 : i32
      %dma_start3A_126 = tpu.memref_slice %arg7[%add3A_119, %dma_start3A] : memref<10240x128xf32, #tpu.memory_space<vmem_shared>> -> memref<64x128xf32, #tpu.memory_space<vmem_shared>>
      %dma_start3A_127 = arith.constant 0 : i32
      %dma_start3A_128 = tpu.memref_slice %arg7[%add3A_119, %dma_start3A_127] : memref<10240x128xf32, #tpu.memory_space<vmem_shared>> -> memref<64x128xf32, #tpu.memory_space<vmem_shared>>
      tpu.enqueue_dma source(%dma_start3A_128 : memref<64x128xf32, #tpu.memory_space<vmem_shared>>) target(%arg10 : memref<64x128xf32, #tpu.memory_space<vmem>>) target_semaphore(%run_scoped3A : memref<!tpu.dma_semaphore, #tpu.memory_space<semaphore_mem>>)
      %dma_wait3A = arith.constant 0 : i32
      %dma_wait3A_129 = tpu.memref_slice %arg7[%add3A_119, %dma_wait3A] : memref<10240x128xf32, #tpu.memory_space<vmem_shared>> -> memref<64x128xf32, #tpu.memory_space<vmem_shared>>
      %dma_wait3A_130 = arith.constant 0 : i32
      %dma_wait3A_131 = tpu.memref_slice %arg7[%add3A_119, %dma_wait3A_130] : memref<10240x128xf32, #tpu.memory_space<vmem_shared>> -> memref<64x128xf32, #tpu.memory_space<vmem_shared>>
      tpu.wait_dma2 semaphore(%run_scoped3A : memref<!tpu.dma_semaphore, #tpu.memory_space<semaphore_mem>>) src(%dma_wait3A_131 : memref<64x128xf32, #tpu.memory_space<vmem_shared>>) dst(%arg10 : memref<64x128xf32, #tpu.memory_space<vmem>>)
      tpu.yield
    }) : () -> ()
    "tpu.region"() ({
      %run_scoped3A = tpu.sem_alloc : memref<!tpu.dma_semaphore, #tpu.memory_space<semaphore_mem>>
      %dma_start3A = arith.constant 0 : i32
      %dma_start3A_126 = tpu.memref_slice %arg6[%arg0, %add3A_119, %dma_start3A] : memref<2x10240x128xf32, #tpu.memory_space<hbm>> -> memref<1x64x128xf32, #tpu.memory_space<hbm>>
      %dma_start3A_127 = tpu.memref_squeeze %dma_start3A_126 : memref<1x64x128xf32, #tpu.memory_space<hbm>> -> memref<64x128xf32, #tpu.memory_space<hbm>>
      %dma_start3A_128 = arith.constant 0 : i32
      %dma_start3A_129 = tpu.memref_slice %arg6[%arg0, %add3A_119, %dma_start3A_128] : memref<2x10240x128xf32, #tpu.memory_space<hbm>> -> memref<1x64x128xf32, #tpu.memory_space<hbm>>
      %dma_start3A_130 = tpu.memref_squeeze %dma_start3A_129 : memref<1x64x128xf32, #tpu.memory_space<hbm>> -> memref<64x128xf32, #tpu.memory_space<hbm>>
      tpu.enqueue_dma source(%arg10 : memref<64x128xf32, #tpu.memory_space<vmem>>) target(%dma_start3A_130 : memref<64x128xf32, #tpu.memory_space<hbm>>) target_semaphore(%run_scoped3A : memref<!tpu.dma_semaphore, #tpu.memory_space<semaphore_mem>>)
      %dma_wait3A = arith.constant 0 : i32
      %dma_wait3A_131 = tpu.memref_slice %arg6[%arg0, %add3A_119, %dma_wait3A] : memref<2x10240x128xf32, #tpu.memory_space<hbm>> -> memref<1x64x128xf32, #tpu.memory_space<hbm>>
      %dma_wait3A_132 = tpu.memref_squeeze %dma_wait3A_131 : memref<1x64x128xf32, #tpu.memory_space<hbm>> -> memref<64x128xf32, #tpu.memory_space<hbm>>
      %dma_wait3A_133 = arith.constant 0 : i32
      %dma_wait3A_134 = tpu.memref_slice %arg6[%arg0, %add3A_119, %dma_wait3A_133] : memref<2x10240x128xf32, #tpu.memory_space<hbm>> -> memref<1x64x128xf32, #tpu.memory_space<hbm>>
      %dma_wait3A_135 = tpu.memref_squeeze %dma_wait3A_134 : memref<1x64x128xf32, #tpu.memory_space<hbm>> -> memref<64x128xf32, #tpu.memory_space<hbm>>
      tpu.wait_dma2 semaphore(%run_scoped3A : memref<!tpu.dma_semaphore, #tpu.memory_space<semaphore_mem>>) src(%arg10 : memref<64x128xf32, #tpu.memory_space<vmem>>) dst(%dma_wait3A_135 : memref<64x128xf32, #tpu.memory_space<hbm>>)
      tpu.yield
    }) : () -> ()
    %add3A_120 = arith.constant 448 : i32
    %add3A_121 = arith.addi %mul3A_2, %add3A_120 : i32
    "tpu.region"() ({
      %run_scoped3A = tpu.sem_alloc : memref<!tpu.dma_semaphore, #tpu.memory_space<semaphore_mem>>
      %dma_start3A = arith.constant 0 : i32
      %dma_start3A_126 = tpu.memref_slice %arg7[%add3A_121, %dma_start3A] : memref<10240x128xf32, #tpu.memory_space<vmem_shared>> -> memref<64x128xf32, #tpu.memory_space<vmem_shared>>
      %dma_start3A_127 = arith.constant 0 : i32
      %dma_start3A_128 = tpu.memref_slice %arg7[%add3A_121, %dma_start3A_127] : memref<10240x128xf32, #tpu.memory_space<vmem_shared>> -> memref<64x128xf32, #tpu.memory_space<vmem_shared>>
      tpu.enqueue_dma source(%dma_start3A_128 : memref<64x128xf32, #tpu.memory_space<vmem_shared>>) target(%arg10 : memref<64x128xf32, #tpu.memory_space<vmem>>) target_semaphore(%run_scoped3A : memref<!tpu.dma_semaphore, #tpu.memory_space<semaphore_mem>>)
      %dma_wait3A = arith.constant 0 : i32
      %dma_wait3A_129 = tpu.memref_slice %arg7[%add3A_121, %dma_wait3A] : memref<10240x128xf32, #tpu.memory_space<vmem_shared>> -> memref<64x128xf32, #tpu.memory_space<vmem_shared>>
      %dma_wait3A_130 = arith.constant 0 : i32
      %dma_wait3A_131 = tpu.memref_slice %arg7[%add3A_121, %dma_wait3A_130] : memref<10240x128xf32, #tpu.memory_space<vmem_shared>> -> memref<64x128xf32, #tpu.memory_space<vmem_shared>>
      tpu.wait_dma2 semaphore(%run_scoped3A : memref<!tpu.dma_semaphore, #tpu.memory_space<semaphore_mem>>) src(%dma_wait3A_131 : memref<64x128xf32, #tpu.memory_space<vmem_shared>>) dst(%arg10 : memref<64x128xf32, #tpu.memory_space<vmem>>)
      tpu.yield
    }) : () -> ()
    "tpu.region"() ({
      %run_scoped3A = tpu.sem_alloc : memref<!tpu.dma_semaphore, #tpu.memory_space<semaphore_mem>>
      %dma_start3A = arith.constant 0 : i32
      %dma_start3A_126 = tpu.memref_slice %arg6[%arg0, %add3A_121, %dma_start3A] : memref<2x10240x128xf32, #tpu.memory_space<hbm>> -> memref<1x64x128xf32, #tpu.memory_space<hbm>>
      %dma_start3A_127 = tpu.memref_squeeze %dma_start3A_126 : memref<1x64x128xf32, #tpu.memory_space<hbm>> -> memref<64x128xf32, #tpu.memory_space<hbm>>
      %dma_start3A_128 = arith.constant 0 : i32
      %dma_start3A_129 = tpu.memref_slice %arg6[%arg0, %add3A_121, %dma_start3A_128] : memref<2x10240x128xf32, #tpu.memory_space<hbm>> -> memref<1x64x128xf32, #tpu.memory_space<hbm>>
      %dma_start3A_130 = tpu.memref_squeeze %dma_start3A_129 : memref<1x64x128xf32, #tpu.memory_space<hbm>> -> memref<64x128xf32, #tpu.memory_space<hbm>>
      tpu.enqueue_dma source(%arg10 : memref<64x128xf32, #tpu.memory_space<vmem>>) target(%dma_start3A_130 : memref<64x128xf32, #tpu.memory_space<hbm>>) target_semaphore(%run_scoped3A : memref<!tpu.dma_semaphore, #tpu.memory_space<semaphore_mem>>)
      %dma_wait3A = arith.constant 0 : i32
      %dma_wait3A_131 = tpu.memref_slice %arg6[%arg0, %add3A_121, %dma_wait3A] : memref<2x10240x128xf32, #tpu.memory_space<hbm>> -> memref<1x64x128xf32, #tpu.memory_space<hbm>>
      %dma_wait3A_132 = tpu.memref_squeeze %dma_wait3A_131 : memref<1x64x128xf32, #tpu.memory_space<hbm>> -> memref<64x128xf32, #tpu.memory_space<hbm>>
      %dma_wait3A_133 = arith.constant 0 : i32
      %dma_wait3A_134 = tpu.memref_slice %arg6[%arg0, %add3A_121, %dma_wait3A_133] : memref<2x10240x128xf32, #tpu.memory_space<hbm>> -> memref<1x64x128xf32, #tpu.memory_space<hbm>>
      %dma_wait3A_135 = tpu.memref_squeeze %dma_wait3A_134 : memref<1x64x128xf32, #tpu.memory_space<hbm>> -> memref<64x128xf32, #tpu.memory_space<hbm>>
      tpu.wait_dma2 semaphore(%run_scoped3A : memref<!tpu.dma_semaphore, #tpu.memory_space<semaphore_mem>>) src(%arg10 : memref<64x128xf32, #tpu.memory_space<vmem>>) dst(%dma_wait3A_135 : memref<64x128xf32, #tpu.memory_space<hbm>>)
      tpu.yield
    }) : () -> ()
    %add3A_122 = arith.constant 512 : i32
    %add3A_123 = arith.addi %mul3A_2, %add3A_122 : i32
    "tpu.region"() ({
      %run_scoped3A = tpu.sem_alloc : memref<!tpu.dma_semaphore, #tpu.memory_space<semaphore_mem>>
      %dma_start3A = arith.constant 0 : i32
      %dma_start3A_126 = tpu.memref_slice %arg7[%add3A_123, %dma_start3A] : memref<10240x128xf32, #tpu.memory_space<vmem_shared>> -> memref<64x128xf32, #tpu.memory_space<vmem_shared>>
      %dma_start3A_127 = arith.constant 0 : i32
      %dma_start3A_128 = tpu.memref_slice %arg7[%add3A_123, %dma_start3A_127] : memref<10240x128xf32, #tpu.memory_space<vmem_shared>> -> memref<64x128xf32, #tpu.memory_space<vmem_shared>>
      tpu.enqueue_dma source(%dma_start3A_128 : memref<64x128xf32, #tpu.memory_space<vmem_shared>>) target(%arg10 : memref<64x128xf32, #tpu.memory_space<vmem>>) target_semaphore(%run_scoped3A : memref<!tpu.dma_semaphore, #tpu.memory_space<semaphore_mem>>)
      %dma_wait3A = arith.constant 0 : i32
      %dma_wait3A_129 = tpu.memref_slice %arg7[%add3A_123, %dma_wait3A] : memref<10240x128xf32, #tpu.memory_space<vmem_shared>> -> memref<64x128xf32, #tpu.memory_space<vmem_shared>>
      %dma_wait3A_130 = arith.constant 0 : i32
      %dma_wait3A_131 = tpu.memref_slice %arg7[%add3A_123, %dma_wait3A_130] : memref<10240x128xf32, #tpu.memory_space<vmem_shared>> -> memref<64x128xf32, #tpu.memory_space<vmem_shared>>
      tpu.wait_dma2 semaphore(%run_scoped3A : memref<!tpu.dma_semaphore, #tpu.memory_space<semaphore_mem>>) src(%dma_wait3A_131 : memref<64x128xf32, #tpu.memory_space<vmem_shared>>) dst(%arg10 : memref<64x128xf32, #tpu.memory_space<vmem>>)
      tpu.yield
    }) : () -> ()
    "tpu.region"() ({
      %run_scoped3A = tpu.sem_alloc : memref<!tpu.dma_semaphore, #tpu.memory_space<semaphore_mem>>
      %dma_start3A = arith.constant 0 : i32
      %dma_start3A_126 = tpu.memref_slice %arg6[%arg0, %add3A_123, %dma_start3A] : memref<2x10240x128xf32, #tpu.memory_space<hbm>> -> memref<1x64x128xf32, #tpu.memory_space<hbm>>
      %dma_start3A_127 = tpu.memref_squeeze %dma_start3A_126 : memref<1x64x128xf32, #tpu.memory_space<hbm>> -> memref<64x128xf32, #tpu.memory_space<hbm>>
      %dma_start3A_128 = arith.constant 0 : i32
      %dma_start3A_129 = tpu.memref_slice %arg6[%arg0, %add3A_123, %dma_start3A_128] : memref<2x10240x128xf32, #tpu.memory_space<hbm>> -> memref<1x64x128xf32, #tpu.memory_space<hbm>>
      %dma_start3A_130 = tpu.memref_squeeze %dma_start3A_129 : memref<1x64x128xf32, #tpu.memory_space<hbm>> -> memref<64x128xf32, #tpu.memory_space<hbm>>
      tpu.enqueue_dma source(%arg10 : memref<64x128xf32, #tpu.memory_space<vmem>>) target(%dma_start3A_130 : memref<64x128xf32, #tpu.memory_space<hbm>>) target_semaphore(%run_scoped3A : memref<!tpu.dma_semaphore, #tpu.memory_space<semaphore_mem>>)
      %dma_wait3A = arith.constant 0 : i32
      %dma_wait3A_131 = tpu.memref_slice %arg6[%arg0, %add3A_123, %dma_wait3A] : memref<2x10240x128xf32, #tpu.memory_space<hbm>> -> memref<1x64x128xf32, #tpu.memory_space<hbm>>
      %dma_wait3A_132 = tpu.memref_squeeze %dma_wait3A_131 : memref<1x64x128xf32, #tpu.memory_space<hbm>> -> memref<64x128xf32, #tpu.memory_space<hbm>>
      %dma_wait3A_133 = arith.constant 0 : i32
      %dma_wait3A_134 = tpu.memref_slice %arg6[%arg0, %add3A_123, %dma_wait3A_133] : memref<2x10240x128xf32, #tpu.memory_space<hbm>> -> memref<1x64x128xf32, #tpu.memory_space<hbm>>
      %dma_wait3A_135 = tpu.memref_squeeze %dma_wait3A_134 : memref<1x64x128xf32, #tpu.memory_space<hbm>> -> memref<64x128xf32, #tpu.memory_space<hbm>>
      tpu.wait_dma2 semaphore(%run_scoped3A : memref<!tpu.dma_semaphore, #tpu.memory_space<semaphore_mem>>) src(%arg10 : memref<64x128xf32, #tpu.memory_space<vmem>>) dst(%dma_wait3A_135 : memref<64x128xf32, #tpu.memory_space<hbm>>)
      tpu.yield
    }) : () -> ()
    %add3A_124 = arith.constant 576 : i32
    %add3A_125 = arith.addi %mul3A_2, %add3A_124 : i32
    "tpu.region"() ({
      %run_scoped3A = tpu.sem_alloc : memref<!tpu.dma_semaphore, #tpu.memory_space<semaphore_mem>>
      %dma_start3A = arith.constant 0 : i32
      %dma_start3A_126 = tpu.memref_slice %arg7[%add3A_125, %dma_start3A] : memref<10240x128xf32, #tpu.memory_space<vmem_shared>> -> memref<64x128xf32, #tpu.memory_space<vmem_shared>>
      %dma_start3A_127 = arith.constant 0 : i32
      %dma_start3A_128 = tpu.memref_slice %arg7[%add3A_125, %dma_start3A_127] : memref<10240x128xf32, #tpu.memory_space<vmem_shared>> -> memref<64x128xf32, #tpu.memory_space<vmem_shared>>
      tpu.enqueue_dma source(%dma_start3A_128 : memref<64x128xf32, #tpu.memory_space<vmem_shared>>) target(%arg10 : memref<64x128xf32, #tpu.memory_space<vmem>>) target_semaphore(%run_scoped3A : memref<!tpu.dma_semaphore, #tpu.memory_space<semaphore_mem>>)
      %dma_wait3A = arith.constant 0 : i32
      %dma_wait3A_129 = tpu.memref_slice %arg7[%add3A_125, %dma_wait3A] : memref<10240x128xf32, #tpu.memory_space<vmem_shared>> -> memref<64x128xf32, #tpu.memory_space<vmem_shared>>
      %dma_wait3A_130 = arith.constant 0 : i32
      %dma_wait3A_131 = tpu.memref_slice %arg7[%add3A_125, %dma_wait3A_130] : memref<10240x128xf32, #tpu.memory_space<vmem_shared>> -> memref<64x128xf32, #tpu.memory_space<vmem_shared>>
      tpu.wait_dma2 semaphore(%run_scoped3A : memref<!tpu.dma_semaphore, #tpu.memory_space<semaphore_mem>>) src(%dma_wait3A_131 : memref<64x128xf32, #tpu.memory_space<vmem_shared>>) dst(%arg10 : memref<64x128xf32, #tpu.memory_space<vmem>>)
      tpu.yield
    }) : () -> ()
    "tpu.region"() ({
      %run_scoped3A = tpu.sem_alloc : memref<!tpu.dma_semaphore, #tpu.memory_space<semaphore_mem>>
      %dma_start3A = arith.constant 0 : i32
      %dma_start3A_126 = tpu.memref_slice %arg6[%arg0, %add3A_125, %dma_start3A] : memref<2x10240x128xf32, #tpu.memory_space<hbm>> -> memref<1x64x128xf32, #tpu.memory_space<hbm>>
      %dma_start3A_127 = tpu.memref_squeeze %dma_start3A_126 : memref<1x64x128xf32, #tpu.memory_space<hbm>> -> memref<64x128xf32, #tpu.memory_space<hbm>>
      %dma_start3A_128 = arith.constant 0 : i32
      %dma_start3A_129 = tpu.memref_slice %arg6[%arg0, %add3A_125, %dma_start3A_128] : memref<2x10240x128xf32, #tpu.memory_space<hbm>> -> memref<1x64x128xf32, #tpu.memory_space<hbm>>
      %dma_start3A_130 = tpu.memref_squeeze %dma_start3A_129 : memref<1x64x128xf32, #tpu.memory_space<hbm>> -> memref<64x128xf32, #tpu.memory_space<hbm>>
      tpu.enqueue_dma source(%arg10 : memref<64x128xf32, #tpu.memory_space<vmem>>) target(%dma_start3A_130 : memref<64x128xf32, #tpu.memory_space<hbm>>) target_semaphore(%run_scoped3A : memref<!tpu.dma_semaphore, #tpu.memory_space<semaphore_mem>>)
      %dma_wait3A = arith.constant 0 : i32
      %dma_wait3A_131 = tpu.memref_slice %arg6[%arg0, %add3A_125, %dma_wait3A] : memref<2x10240x128xf32, #tpu.memory_space<hbm>> -> memref<1x64x128xf32, #tpu.memory_space<hbm>>
      %dma_wait3A_132 = tpu.memref_squeeze %dma_wait3A_131 : memref<1x64x128xf32, #tpu.memory_space<hbm>> -> memref<64x128xf32, #tpu.memory_space<hbm>>
      %dma_wait3A_133 = arith.constant 0 : i32
      %dma_wait3A_134 = tpu.memref_slice %arg6[%arg0, %add3A_125, %dma_wait3A_133] : memref<2x10240x128xf32, #tpu.memory_space<hbm>> -> memref<1x64x128xf32, #tpu.memory_space<hbm>>
      %dma_wait3A_135 = tpu.memref_squeeze %dma_wait3A_134 : memref<1x64x128xf32, #tpu.memory_space<hbm>> -> memref<64x128xf32, #tpu.memory_space<hbm>>
      tpu.wait_dma2 semaphore(%run_scoped3A : memref<!tpu.dma_semaphore, #tpu.memory_space<semaphore_mem>>) src(%arg10 : memref<64x128xf32, #tpu.memory_space<vmem>>) dst(%dma_wait3A_135 : memref<64x128xf32, #tpu.memory_space<hbm>>)
      tpu.yield
    }) : () -> ()
    return
  }
}

#map = affine_map<(d0, d1) -> (0, 0)>
#map1 = affine_map<(d0, d1) -> (0, 0, 0)>
module attributes {stable_mosaic.version = 14 : i64} {
  func.func @body(%arg0: i32, %arg1: i32, %arg2: memref<10240x128xf32, #tpu.memory_space<hbm>>, %arg3: memref<32x160x64xi32, #tpu.memory_space<hbm>>, %arg4: memref<32x160x64xi32, #tpu.memory_space<hbm>>, %arg5: memref<2x10240x128xf32, #tpu.memory_space<hbm>>, %arg6: memref<10240x128xf32, #tpu.memory_space<vmem_shared>>, %arg7: memref<40x64xi32, #tpu.memory_space<vmem>>, %arg8: memref<40x64xi32, #tpu.memory_space<vmem>>, %arg9: memref<64x128xf32, #tpu.memory_space<vmem>>, %arg10: memref<64x128xf32, #tpu.memory_space<vmem>>, %arg11: memref<64x128xf32, #tpu.memory_space<vmem>>, %arg12: memref<64x128xf32, #tpu.memory_space<vmem>>, %arg13: memref<!tpu.dma_semaphore, #tpu.memory_space<semaphore_mem>>, %arg14: memref<!tpu.dma_semaphore, #tpu.memory_space<semaphore_mem>>, %arg15: memref<!tpu.dma_semaphore, #tpu.memory_space<semaphore_mem>>, %arg16: memref<!tpu.dma_semaphore, #tpu.memory_space<semaphore_mem>>) attributes {dimension_semantics = [#tpu.dimension_semantics<core_parallel>, #tpu.dimension_semantics<subcore_parallel>], iteration_bounds = array<i64: 2, 16>, scalar_prefetch = 0 : i64, scratch_operands = 11 : i64, tpu.core_type = #tpu.core_type<sc_vector_subcore>, window_params = [{transform_indices = #map}, {transform_indices = #map1}, {transform_indices = #map1}, {transform_indices = #map1}]} {
    %mul3A = arith.constant 16 : i32
    %mul3A_0 = arith.muli %arg0, %mul3A : i32
    %add3A = arith.addi %mul3A_0, %arg1 : i32
    %mul3A_1 = arith.constant 640 : i32
    %mul3A_2 = arith.muli %arg1, %mul3A_1 : i32
    %broadcast_in_dim3A = arith.constant 0.000000e+00 : f32
    %broadcast_in_dim3A_3 = vector.broadcast %broadcast_in_dim3A : f32 to vector<16xf32>
    %scan3A = arith.constant 0 : i32
    %scan3A_4 = arith.constant 0 : i32
    %scan3A_5 = arith.constant 64 : i32
    %scan3A_6 = arith.addi %scan3A_4, %scan3A_5 : i32
    %scan3A_7 = arith.constant 1 : i32
    %scan3A_8 = scf.for %scan3A_58 = %scan3A_4 to %scan3A_6 step %scan3A_7 iter_args(%scan3A_59 = %scan3A) -> (i32)  : i32 {
      %swap3A = arith.index_cast %scan3A_58 : i32 to index
      %swap3A_60 = arith.constant 0 : index
      %swap3A_61 = tpu.vector_load %arg9[%swap3A, %swap3A_60] {strides = array<i32>} : memref<64x128xf32, #tpu.memory_space<vmem>>, vector<1x16xf32>,
      %swap3A_62 = vector.shape_cast %swap3A_61 : vector<1x16xf32> to vector<16xf32>
      %swap3A_63 = vector.shape_cast %broadcast_in_dim3A_3 : vector<16xf32> to vector<1x16xf32>
      tpu.vector_store %arg9[%swap3A, %swap3A_60], %swap3A_63 {strides = array<i32>} : memref<64x128xf32, #tpu.memory_space<vmem>>, vector<1x16xf32>,
      %swap3A_64 = arith.index_cast %scan3A_58 : i32 to index
      %swap3A_65 = arith.constant 16 : index
      %swap3A_66 = tpu.vector_load %arg9[%swap3A_64, %swap3A_65] {strides = array<i32>} : memref<64x128xf32, #tpu.memory_space<vmem>>, vector<1x16xf32>,
      %swap3A_67 = vector.shape_cast %swap3A_66 : vector<1x16xf32> to vector<16xf32>
      %swap3A_68 = vector.shape_cast %broadcast_in_dim3A_3 : vector<16xf32> to vector<1x16xf32>
      tpu.vector_store %arg9[%swap3A_64, %swap3A_65], %swap3A_68 {strides = array<i32>} : memref<64x128xf32, #tpu.memory_space<vmem>>, vector<1x16xf32>,
      %swap3A_69 = arith.index_cast %scan3A_58 : i32 to index
      %swap3A_70 = arith.constant 32 : index
      %swap3A_71 = tpu.vector_load %arg9[%swap3A_69, %swap3A_70] {strides = array<i32>} : memref<64x128xf32, #tpu.memory_space<vmem>>, vector<1x16xf32>,
      %swap3A_72 = vector.shape_cast %swap3A_71 : vector<1x16xf32> to vector<16xf32>
      %swap3A_73 = vector.shape_cast %broadcast_in_dim3A_3 : vector<16xf32> to vector<1x16xf32>
      tpu.vector_store %arg9[%swap3A_69, %swap3A_70], %swap3A_73 {strides = array<i32>} : memref<64x128xf32, #tpu.memory_space<vmem>>, vector<1x16xf32>,
      %swap3A_74 = arith.index_cast %scan3A_58 : i32 to index
      %swap3A_75 = arith.constant 48 : index
      %swap3A_76 = tpu.vector_load %arg9[%swap3A_74, %swap3A_75] {strides = array<i32>} : memref<64x128xf32, #tpu.memory_space<vmem>>, vector<1x16xf32>,
      %swap3A_77 = vector.shape_cast %swap3A_76 : vector<1x16xf32> to vector<16xf32>
      %swap3A_78 = vector.shape_cast %broadcast_in_dim3A_3 : vector<16xf32> to vector<1x16xf32>
      tpu.vector_store %arg9[%swap3A_74, %swap3A_75], %swap3A_78 {strides = array<i32>} : memref<64x128xf32, #tpu.memory_space<vmem>>, vector<1x16xf32>,
      %swap3A_79 = arith.index_cast %scan3A_58 : i32 to index
      %swap3A_80 = arith.constant 64 : index
      %swap3A_81 = tpu.vector_load %arg9[%swap3A_79, %swap3A_80] {strides = array<i32>} : memref<64x128xf32, #tpu.memory_space<vmem>>, vector<1x16xf32>,
      %swap3A_82 = vector.shape_cast %swap3A_81 : vector<1x16xf32> to vector<16xf32>
      %swap3A_83 = vector.shape_cast %broadcast_in_dim3A_3 : vector<16xf32> to vector<1x16xf32>
      tpu.vector_store %arg9[%swap3A_79, %swap3A_80], %swap3A_83 {strides = array<i32>} : memref<64x128xf32, #tpu.memory_space<vmem>>, vector<1x16xf32>,
      %swap3A_84 = arith.index_cast %scan3A_58 : i32 to index
      %swap3A_85 = arith.constant 80 : index
      %swap3A_86 = tpu.vector_load %arg9[%swap3A_84, %swap3A_85] {strides = array<i32>} : memref<64x128xf32, #tpu.memory_space<vmem>>, vector<1x16xf32>,
      %swap3A_87 = vector.shape_cast %swap3A_86 : vector<1x16xf32> to vector<16xf32>
      %swap3A_88 = vector.shape_cast %broadcast_in_dim3A_3 : vector<16xf32> to vector<1x16xf32>
      tpu.vector_store %arg9[%swap3A_84, %swap3A_85], %swap3A_88 {strides = array<i32>} : memref<64x128xf32, #tpu.memory_space<vmem>>, vector<1x16xf32>,
      %swap3A_89 = arith.index_cast %scan3A_58 : i32 to index
      %swap3A_90 = arith.constant 96 : index
      %swap3A_91 = tpu.vector_load %arg9[%swap3A_89, %swap3A_90] {strides = array<i32>} : memref<64x128xf32, #tpu.memory_space<vmem>>, vector<1x16xf32>,
      %swap3A_92 = vector.shape_cast %swap3A_91 : vector<1x16xf32> to vector<16xf32>
      %swap3A_93 = vector.shape_cast %broadcast_in_dim3A_3 : vector<16xf32> to vector<1x16xf32>
      tpu.vector_store %arg9[%swap3A_89, %swap3A_90], %swap3A_93 {strides = array<i32>} : memref<64x128xf32, #tpu.memory_space<vmem>>, vector<1x16xf32>,
      %swap3A_94 = arith.index_cast %scan3A_58 : i32 to index
      %swap3A_95 = arith.constant 112 : index
      %swap3A_96 = tpu.vector_load %arg9[%swap3A_94, %swap3A_95] {strides = array<i32>} : memref<64x128xf32, #tpu.memory_space<vmem>>, vector<1x16xf32>,
      %swap3A_97 = vector.shape_cast %swap3A_96 : vector<1x16xf32> to vector<16xf32>
      %swap3A_98 = vector.shape_cast %broadcast_in_dim3A_3 : vector<16xf32> to vector<1x16xf32>
      tpu.vector_store %arg9[%swap3A_94, %swap3A_95], %swap3A_98 {strides = array<i32>} : memref<64x128xf32, #tpu.memory_space<vmem>>, vector<1x16xf32>,
      %scan3A_99 = arith.constant 0 : i32
      scf.yield %scan3A_99 : i32
    }
    %scan3A_9 = arith.constant 64 : i32
    %add3A_10 = arith.constant 0 : i32
    %add3A_11 = arith.addi %mul3A_2, %add3A_10 : i32
    "tpu.region"() ({
      %run_scoped3A = tpu.sem_alloc : memref<!tpu.dma_semaphore, #tpu.memory_space<semaphore_mem>>
      %dma_start3A = arith.constant 0 : i32
      %dma_start3A_58 = tpu.memref_slice %arg6[%add3A_11, %dma_start3A] : memref<10240x128xf32, #tpu.memory_space<vmem_shared>> -> memref<64x128xf32, #tpu.memory_space<vmem_shared>>
      %dma_start3A_59 = arith.constant 0 : i32
      %dma_start3A_60 = tpu.memref_slice %arg6[%add3A_11, %dma_start3A_59] : memref<10240x128xf32, #tpu.memory_space<vmem_shared>> -> memref<64x128xf32, #tpu.memory_space<vmem_shared>>
      tpu.enqueue_dma source(%arg9 : memref<64x128xf32, #tpu.memory_space<vmem>>) target(%dma_start3A_60 : memref<64x128xf32, #tpu.memory_space<vmem_shared>>) target_semaphore(%run_scoped3A : memref<!tpu.dma_semaphore, #tpu.memory_space<semaphore_mem>>)
      %dma_wait3A = arith.constant 0 : i32
      %dma_wait3A_61 = tpu.memref_slice %arg6[%add3A_11, %dma_wait3A] : memref<10240x128xf32, #tpu.memory_space<vmem_shared>> -> memref<64x128xf32, #tpu.memory_space<vmem_shared>>
      %dma_wait3A_62 = arith.constant 0 : i32
      %dma_wait3A_63 = tpu.memref_slice %arg6[%add3A_11, %dma_wait3A_62] : memref<10240x128xf32, #tpu.memory_space<vmem_shared>> -> memref<64x128xf32, #tpu.memory_space<vmem_shared>>
      tpu.wait_dma2 semaphore(%run_scoped3A : memref<!tpu.dma_semaphore, #tpu.memory_space<semaphore_mem>>) src(%arg9 : memref<64x128xf32, #tpu.memory_space<vmem>>) dst(%dma_wait3A_63 : memref<64x128xf32, #tpu.memory_space<vmem_shared>>)
      tpu.yield
    }) : () -> ()
    %add3A_12 = arith.constant 64 : i32
    %add3A_13 = arith.addi %mul3A_2, %add3A_12 : i32
    "tpu.region"() ({
      %run_scoped3A = tpu.sem_alloc : memref<!tpu.dma_semaphore, #tpu.memory_space<semaphore_mem>>
      %dma_start3A = arith.constant 0 : i32
      %dma_start3A_58 = tpu.memref_slice %arg6[%add3A_13, %dma_start3A] : memref<10240x128xf32, #tpu.memory_space<vmem_shared>> -> memref<64x128xf32, #tpu.memory_space<vmem_shared>>
      %dma_start3A_59 = arith.constant 0 : i32
      %dma_start3A_60 = tpu.memref_slice %arg6[%add3A_13, %dma_start3A_59] : memref<10240x128xf32, #tpu.memory_space<vmem_shared>> -> memref<64x128xf32, #tpu.memory_space<vmem_shared>>
      tpu.enqueue_dma source(%arg9 : memref<64x128xf32, #tpu.memory_space<vmem>>) target(%dma_start3A_60 : memref<64x128xf32, #tpu.memory_space<vmem_shared>>) target_semaphore(%run_scoped3A : memref<!tpu.dma_semaphore, #tpu.memory_space<semaphore_mem>>)
      %dma_wait3A = arith.constant 0 : i32
      %dma_wait3A_61 = tpu.memref_slice %arg6[%add3A_13, %dma_wait3A] : memref<10240x128xf32, #tpu.memory_space<vmem_shared>> -> memref<64x128xf32, #tpu.memory_space<vmem_shared>>
      %dma_wait3A_62 = arith.constant 0 : i32
      %dma_wait3A_63 = tpu.memref_slice %arg6[%add3A_13, %dma_wait3A_62] : memref<10240x128xf32, #tpu.memory_space<vmem_shared>> -> memref<64x128xf32, #tpu.memory_space<vmem_shared>>
      tpu.wait_dma2 semaphore(%run_scoped3A : memref<!tpu.dma_semaphore, #tpu.memory_space<semaphore_mem>>) src(%arg9 : memref<64x128xf32, #tpu.memory_space<vmem>>) dst(%dma_wait3A_63 : memref<64x128xf32, #tpu.memory_space<vmem_shared>>)
      tpu.yield
    }) : () -> ()
    %add3A_14 = arith.constant 128 : i32
    %add3A_15 = arith.addi %mul3A_2, %add3A_14 : i32
    "tpu.region"() ({
      %run_scoped3A = tpu.sem_alloc : memref<!tpu.dma_semaphore, #tpu.memory_space<semaphore_mem>>
      %dma_start3A = arith.constant 0 : i32
      %dma_start3A_58 = tpu.memref_slice %arg6[%add3A_15, %dma_start3A] : memref<10240x128xf32, #tpu.memory_space<vmem_shared>> -> memref<64x128xf32, #tpu.memory_space<vmem_shared>>
      %dma_start3A_59 = arith.constant 0 : i32
      %dma_start3A_60 = tpu.memref_slice %arg6[%add3A_15, %dma_start3A_59] : memref<10240x128xf32, #tpu.memory_space<vmem_shared>> -> memref<64x128xf32, #tpu.memory_space<vmem_shared>>
      tpu.enqueue_dma source(%arg9 : memref<64x128xf32, #tpu.memory_space<vmem>>) target(%dma_start3A_60 : memref<64x128xf32, #tpu.memory_space<vmem_shared>>) target_semaphore(%run_scoped3A : memref<!tpu.dma_semaphore, #tpu.memory_space<semaphore_mem>>)
      %dma_wait3A = arith.constant 0 : i32
      %dma_wait3A_61 = tpu.memref_slice %arg6[%add3A_15, %dma_wait3A] : memref<10240x128xf32, #tpu.memory_space<vmem_shared>> -> memref<64x128xf32, #tpu.memory_space<vmem_shared>>
      %dma_wait3A_62 = arith.constant 0 : i32
      %dma_wait3A_63 = tpu.memref_slice %arg6[%add3A_15, %dma_wait3A_62] : memref<10240x128xf32, #tpu.memory_space<vmem_shared>> -> memref<64x128xf32, #tpu.memory_space<vmem_shared>>
      tpu.wait_dma2 semaphore(%run_scoped3A : memref<!tpu.dma_semaphore, #tpu.memory_space<semaphore_mem>>) src(%arg9 : memref<64x128xf32, #tpu.memory_space<vmem>>) dst(%dma_wait3A_63 : memref<64x128xf32, #tpu.memory_space<vmem_shared>>)
      tpu.yield
    }) : () -> ()
    %add3A_16 = arith.constant 192 : i32
    %add3A_17 = arith.addi %mul3A_2, %add3A_16 : i32
    "tpu.region"() ({
      %run_scoped3A = tpu.sem_alloc : memref<!tpu.dma_semaphore, #tpu.memory_space<semaphore_mem>>
      %dma_start3A = arith.constant 0 : i32
      %dma_start3A_58 = tpu.memref_slice %arg6[%add3A_17, %dma_start3A] : memref<10240x128xf32, #tpu.memory_space<vmem_shared>> -> memref<64x128xf32, #tpu.memory_space<vmem_shared>>
      %dma_start3A_59 = arith.constant 0 : i32
      %dma_start3A_60 = tpu.memref_slice %arg6[%add3A_17, %dma_start3A_59] : memref<10240x128xf32, #tpu.memory_space<vmem_shared>> -> memref<64x128xf32, #tpu.memory_space<vmem_shared>>
      tpu.enqueue_dma source(%arg9 : memref<64x128xf32, #tpu.memory_space<vmem>>) target(%dma_start3A_60 : memref<64x128xf32, #tpu.memory_space<vmem_shared>>) target_semaphore(%run_scoped3A : memref<!tpu.dma_semaphore, #tpu.memory_space<semaphore_mem>>)
      %dma_wait3A = arith.constant 0 : i32
      %dma_wait3A_61 = tpu.memref_slice %arg6[%add3A_17, %dma_wait3A] : memref<10240x128xf32, #tpu.memory_space<vmem_shared>> -> memref<64x128xf32, #tpu.memory_space<vmem_shared>>
      %dma_wait3A_62 = arith.constant 0 : i32
      %dma_wait3A_63 = tpu.memref_slice %arg6[%add3A_17, %dma_wait3A_62] : memref<10240x128xf32, #tpu.memory_space<vmem_shared>> -> memref<64x128xf32, #tpu.memory_space<vmem_shared>>
      tpu.wait_dma2 semaphore(%run_scoped3A : memref<!tpu.dma_semaphore, #tpu.memory_space<semaphore_mem>>) src(%arg9 : memref<64x128xf32, #tpu.memory_space<vmem>>) dst(%dma_wait3A_63 : memref<64x128xf32, #tpu.memory_space<vmem_shared>>)
      tpu.yield
    }) : () -> ()
    %add3A_18 = arith.constant 256 : i32
    %add3A_19 = arith.addi %mul3A_2, %add3A_18 : i32
    "tpu.region"() ({
      %run_scoped3A = tpu.sem_alloc : memref<!tpu.dma_semaphore, #tpu.memory_space<semaphore_mem>>
      %dma_start3A = arith.constant 0 : i32
      %dma_start3A_58 = tpu.memref_slice %arg6[%add3A_19, %dma_start3A] : memref<10240x128xf32, #tpu.memory_space<vmem_shared>> -> memref<64x128xf32, #tpu.memory_space<vmem_shared>>
      %dma_start3A_59 = arith.constant 0 : i32
      %dma_start3A_60 = tpu.memref_slice %arg6[%add3A_19, %dma_start3A_59] : memref<10240x128xf32, #tpu.memory_space<vmem_shared>> -> memref<64x128xf32, #tpu.memory_space<vmem_shared>>
      tpu.enqueue_dma source(%arg9 : memref<64x128xf32, #tpu.memory_space<vmem>>) target(%dma_start3A_60 : memref<64x128xf32, #tpu.memory_space<vmem_shared>>) target_semaphore(%run_scoped3A : memref<!tpu.dma_semaphore, #tpu.memory_space<semaphore_mem>>)
      %dma_wait3A = arith.constant 0 : i32
      %dma_wait3A_61 = tpu.memref_slice %arg6[%add3A_19, %dma_wait3A] : memref<10240x128xf32, #tpu.memory_space<vmem_shared>> -> memref<64x128xf32, #tpu.memory_space<vmem_shared>>
      %dma_wait3A_62 = arith.constant 0 : i32
      %dma_wait3A_63 = tpu.memref_slice %arg6[%add3A_19, %dma_wait3A_62] : memref<10240x128xf32, #tpu.memory_space<vmem_shared>> -> memref<64x128xf32, #tpu.memory_space<vmem_shared>>
      tpu.wait_dma2 semaphore(%run_scoped3A : memref<!tpu.dma_semaphore, #tpu.memory_space<semaphore_mem>>) src(%arg9 : memref<64x128xf32, #tpu.memory_space<vmem>>) dst(%dma_wait3A_63 : memref<64x128xf32, #tpu.memory_space<vmem_shared>>)
      tpu.yield
    }) : () -> ()
    %add3A_20 = arith.constant 320 : i32
    %add3A_21 = arith.addi %mul3A_2, %add3A_20 : i32
    "tpu.region"() ({
      %run_scoped3A = tpu.sem_alloc : memref<!tpu.dma_semaphore, #tpu.memory_space<semaphore_mem>>
      %dma_start3A = arith.constant 0 : i32
      %dma_start3A_58 = tpu.memref_slice %arg6[%add3A_21, %dma_start3A] : memref<10240x128xf32, #tpu.memory_space<vmem_shared>> -> memref<64x128xf32, #tpu.memory_space<vmem_shared>>
      %dma_start3A_59 = arith.constant 0 : i32
      %dma_start3A_60 = tpu.memref_slice %arg6[%add3A_21, %dma_start3A_59] : memref<10240x128xf32, #tpu.memory_space<vmem_shared>> -> memref<64x128xf32, #tpu.memory_space<vmem_shared>>
      tpu.enqueue_dma source(%arg9 : memref<64x128xf32, #tpu.memory_space<vmem>>) target(%dma_start3A_60 : memref<64x128xf32, #tpu.memory_space<vmem_shared>>) target_semaphore(%run_scoped3A : memref<!tpu.dma_semaphore, #tpu.memory_space<semaphore_mem>>)
      %dma_wait3A = arith.constant 0 : i32
      %dma_wait3A_61 = tpu.memref_slice %arg6[%add3A_21, %dma_wait3A] : memref<10240x128xf32, #tpu.memory_space<vmem_shared>> -> memref<64x128xf32, #tpu.memory_space<vmem_shared>>
      %dma_wait3A_62 = arith.constant 0 : i32
      %dma_wait3A_63 = tpu.memref_slice %arg6[%add3A_21, %dma_wait3A_62] : memref<10240x128xf32, #tpu.memory_space<vmem_shared>> -> memref<64x128xf32, #tpu.memory_space<vmem_shared>>
      tpu.wait_dma2 semaphore(%run_scoped3A : memref<!tpu.dma_semaphore, #tpu.memory_space<semaphore_mem>>) src(%arg9 : memref<64x128xf32, #tpu.memory_space<vmem>>) dst(%dma_wait3A_63 : memref<64x128xf32, #tpu.memory_space<vmem_shared>>)
      tpu.yield
    }) : () -> ()
    %add3A_22 = arith.constant 384 : i32
    %add3A_23 = arith.addi %mul3A_2, %add3A_22 : i32
    "tpu.region"() ({
      %run_scoped3A = tpu.sem_alloc : memref<!tpu.dma_semaphore, #tpu.memory_space<semaphore_mem>>
      %dma_start3A = arith.constant 0 : i32
      %dma_start3A_58 = tpu.memref_slice %arg6[%add3A_23, %dma_start3A] : memref<10240x128xf32, #tpu.memory_space<vmem_shared>> -> memref<64x128xf32, #tpu.memory_space<vmem_shared>>
      %dma_start3A_59 = arith.constant 0 : i32
      %dma_start3A_60 = tpu.memref_slice %arg6[%add3A_23, %dma_start3A_59] : memref<10240x128xf32, #tpu.memory_space<vmem_shared>> -> memref<64x128xf32, #tpu.memory_space<vmem_shared>>
      tpu.enqueue_dma source(%arg9 : memref<64x128xf32, #tpu.memory_space<vmem>>) target(%dma_start3A_60 : memref<64x128xf32, #tpu.memory_space<vmem_shared>>) target_semaphore(%run_scoped3A : memref<!tpu.dma_semaphore, #tpu.memory_space<semaphore_mem>>)
      %dma_wait3A = arith.constant 0 : i32
      %dma_wait3A_61 = tpu.memref_slice %arg6[%add3A_23, %dma_wait3A] : memref<10240x128xf32, #tpu.memory_space<vmem_shared>> -> memref<64x128xf32, #tpu.memory_space<vmem_shared>>
      %dma_wait3A_62 = arith.constant 0 : i32
      %dma_wait3A_63 = tpu.memref_slice %arg6[%add3A_23, %dma_wait3A_62] : memref<10240x128xf32, #tpu.memory_space<vmem_shared>> -> memref<64x128xf32, #tpu.memory_space<vmem_shared>>
      tpu.wait_dma2 semaphore(%run_scoped3A : memref<!tpu.dma_semaphore, #tpu.memory_space<semaphore_mem>>) src(%arg9 : memref<64x128xf32, #tpu.memory_space<vmem>>) dst(%dma_wait3A_63 : memref<64x128xf32, #tpu.memory_space<vmem_shared>>)
      tpu.yield
    }) : () -> ()
    %add3A_24 = arith.constant 448 : i32
    %add3A_25 = arith.addi %mul3A_2, %add3A_24 : i32
    "tpu.region"() ({
      %run_scoped3A = tpu.sem_alloc : memref<!tpu.dma_semaphore, #tpu.memory_space<semaphore_mem>>
      %dma_start3A = arith.constant 0 : i32
      %dma_start3A_58 = tpu.memref_slice %arg6[%add3A_25, %dma_start3A] : memref<10240x128xf32, #tpu.memory_space<vmem_shared>> -> memref<64x128xf32, #tpu.memory_space<vmem_shared>>
      %dma_start3A_59 = arith.constant 0 : i32
      %dma_start3A_60 = tpu.memref_slice %arg6[%add3A_25, %dma_start3A_59] : memref<10240x128xf32, #tpu.memory_space<vmem_shared>> -> memref<64x128xf32, #tpu.memory_space<vmem_shared>>
      tpu.enqueue_dma source(%arg9 : memref<64x128xf32, #tpu.memory_space<vmem>>) target(%dma_start3A_60 : memref<64x128xf32, #tpu.memory_space<vmem_shared>>) target_semaphore(%run_scoped3A : memref<!tpu.dma_semaphore, #tpu.memory_space<semaphore_mem>>)
      %dma_wait3A = arith.constant 0 : i32
      %dma_wait3A_61 = tpu.memref_slice %arg6[%add3A_25, %dma_wait3A] : memref<10240x128xf32, #tpu.memory_space<vmem_shared>> -> memref<64x128xf32, #tpu.memory_space<vmem_shared>>
      %dma_wait3A_62 = arith.constant 0 : i32
      %dma_wait3A_63 = tpu.memref_slice %arg6[%add3A_25, %dma_wait3A_62] : memref<10240x128xf32, #tpu.memory_space<vmem_shared>> -> memref<64x128xf32, #tpu.memory_space<vmem_shared>>
      tpu.wait_dma2 semaphore(%run_scoped3A : memref<!tpu.dma_semaphore, #tpu.memory_space<semaphore_mem>>) src(%arg9 : memref<64x128xf32, #tpu.memory_space<vmem>>) dst(%dma_wait3A_63 : memref<64x128xf32, #tpu.memory_space<vmem_shared>>)
      tpu.yield
    }) : () -> ()
    %add3A_26 = arith.constant 512 : i32
    %add3A_27 = arith.addi %mul3A_2, %add3A_26 : i32
    "tpu.region"() ({
      %run_scoped3A = tpu.sem_alloc : memref<!tpu.dma_semaphore, #tpu.memory_space<semaphore_mem>>
      %dma_start3A = arith.constant 0 : i32
      %dma_start3A_58 = tpu.memref_slice %arg6[%add3A_27, %dma_start3A] : memref<10240x128xf32, #tpu.memory_space<vmem_shared>> -> memref<64x128xf32, #tpu.memory_space<vmem_shared>>
      %dma_start3A_59 = arith.constant 0 : i32
      %dma_start3A_60 = tpu.memref_slice %arg6[%add3A_27, %dma_start3A_59] : memref<10240x128xf32, #tpu.memory_space<vmem_shared>> -> memref<64x128xf32, #tpu.memory_space<vmem_shared>>
      tpu.enqueue_dma source(%arg9 : memref<64x128xf32, #tpu.memory_space<vmem>>) target(%dma_start3A_60 : memref<64x128xf32, #tpu.memory_space<vmem_shared>>) target_semaphore(%run_scoped3A : memref<!tpu.dma_semaphore, #tpu.memory_space<semaphore_mem>>)
      %dma_wait3A = arith.constant 0 : i32
      %dma_wait3A_61 = tpu.memref_slice %arg6[%add3A_27, %dma_wait3A] : memref<10240x128xf32, #tpu.memory_space<vmem_shared>> -> memref<64x128xf32, #tpu.memory_space<vmem_shared>>
      %dma_wait3A_62 = arith.constant 0 : i32
      %dma_wait3A_63 = tpu.memref_slice %arg6[%add3A_27, %dma_wait3A_62] : memref<10240x128xf32, #tpu.memory_space<vmem_shared>> -> memref<64x128xf32, #tpu.memory_space<vmem_shared>>
      tpu.wait_dma2 semaphore(%run_scoped3A : memref<!tpu.dma_semaphore, #tpu.memory_space<semaphore_mem>>) src(%arg9 : memref<64x128xf32, #tpu.memory_space<vmem>>) dst(%dma_wait3A_63 : memref<64x128xf32, #tpu.memory_space<vmem_shared>>)
      tpu.yield
    }) : () -> ()
    %add3A_28 = arith.constant 576 : i32
    %add3A_29 = arith.addi %mul3A_2, %add3A_28 : i32
    "tpu.region"() ({
      %run_scoped3A = tpu.sem_alloc : memref<!tpu.dma_semaphore, #tpu.memory_space<semaphore_mem>>
      %dma_start3A = arith.constant 0 : i32
      %dma_start3A_58 = tpu.memref_slice %arg6[%add3A_29, %dma_start3A] : memref<10240x128xf32, #tpu.memory_space<vmem_shared>> -> memref<64x128xf32, #tpu.memory_space<vmem_shared>>
      %dma_start3A_59 = arith.constant 0 : i32
      %dma_start3A_60 = tpu.memref_slice %arg6[%add3A_29, %dma_start3A_59] : memref<10240x128xf32, #tpu.memory_space<vmem_shared>> -> memref<64x128xf32, #tpu.memory_space<vmem_shared>>
      tpu.enqueue_dma source(%arg9 : memref<64x128xf32, #tpu.memory_space<vmem>>) target(%dma_start3A_60 : memref<64x128xf32, #tpu.memory_space<vmem_shared>>) target_semaphore(%run_scoped3A : memref<!tpu.dma_semaphore, #tpu.memory_space<semaphore_mem>>)
      %dma_wait3A = arith.constant 0 : i32
      %dma_wait3A_61 = tpu.memref_slice %arg6[%add3A_29, %dma_wait3A] : memref<10240x128xf32, #tpu.memory_space<vmem_shared>> -> memref<64x128xf32, #tpu.memory_space<vmem_shared>>
      %dma_wait3A_62 = arith.constant 0 : i32
      %dma_wait3A_63 = tpu.memref_slice %arg6[%add3A_29, %dma_wait3A_62] : memref<10240x128xf32, #tpu.memory_space<vmem_shared>> -> memref<64x128xf32, #tpu.memory_space<vmem_shared>>
      tpu.wait_dma2 semaphore(%run_scoped3A : memref<!tpu.dma_semaphore, #tpu.memory_space<semaphore_mem>>) src(%arg9 : memref<64x128xf32, #tpu.memory_space<vmem>>) dst(%dma_wait3A_63 : memref<64x128xf32, #tpu.memory_space<vmem_shared>>)
      tpu.yield
    }) : () -> ()
    %barrier3A = arith.constant 0 : index
    tpu.barrier barrier_id(%barrier3A)
    %scan3A_30 = arith.constant 0 : i32
    %scan3A_31 = arith.constant 0 : i32
    %scan3A_32 = arith.constant 4 : i32
    %scan3A_33 = arith.addi %scan3A_31, %scan3A_32 : i32
    %scan3A_34 = arith.constant 1 : i32
    %scan3A_35 = scf.for %scan3A_58 = %scan3A_31 to %scan3A_33 step %scan3A_34 iter_args(%scan3A_59 = %scan3A_30) -> (i32)  : i32 {
      %mul3A_60 = arith.constant 40 : i32
      %mul3A_61 = arith.muli %scan3A_58, %mul3A_60 : i32
      "tpu.region"() ({
        %run_scoped3A_189 = tpu.sem_alloc : memref<!tpu.dma_semaphore, #tpu.memory_space<semaphore_mem>>
        %dma_start3A_190 = arith.constant 0 : i32
        %dma_start3A_191 = tpu.memref_slice %arg3[%add3A, %mul3A_61, %dma_start3A_190] : memref<32x160x64xi32, #tpu.memory_space<hbm>> -> memref<1x40x64xi32, #tpu.memory_space<hbm>>
        %dma_start3A_192 = tpu.memref_squeeze %dma_start3A_191 : memref<1x40x64xi32, #tpu.memory_space<hbm>> -> memref<40x64xi32, #tpu.memory_space<hbm>>
        %dma_start3A_193 = arith.constant 0 : i32
        %dma_start3A_194 = tpu.memref_slice %arg3[%add3A, %mul3A_61, %dma_start3A_193] : memref<32x160x64xi32, #tpu.memory_space<hbm>> -> memref<1x40x64xi32, #tpu.memory_space<hbm>>
        %dma_start3A_195 = tpu.memref_squeeze %dma_start3A_194 : memref<1x40x64xi32, #tpu.memory_space<hbm>> -> memref<40x64xi32, #tpu.memory_space<hbm>>
        tpu.enqueue_dma source(%dma_start3A_195 : memref<40x64xi32, #tpu.memory_space<hbm>>) target(%arg7 : memref<40x64xi32, #tpu.memory_space<vmem>>) target_semaphore(%run_scoped3A_189 : memref<!tpu.dma_semaphore, #tpu.memory_space<semaphore_mem>>)
        %dma_wait3A_196 = arith.constant 0 : i32
        %dma_wait3A_197 = tpu.memref_slice %arg3[%add3A, %mul3A_61, %dma_wait3A_196] : memref<32x160x64xi32, #tpu.memory_space<hbm>> -> memref<1x40x64xi32, #tpu.memory_space<hbm>>
        %dma_wait3A_198 = tpu.memref_squeeze %dma_wait3A_197 : memref<1x40x64xi32, #tpu.memory_space<hbm>> -> memref<40x64xi32, #tpu.memory_space<hbm>>
        %dma_wait3A_199 = arith.constant 0 : i32
        %dma_wait3A_200 = tpu.memref_slice %arg3[%add3A, %mul3A_61, %dma_wait3A_199] : memref<32x160x64xi32, #tpu.memory_space<hbm>> -> memref<1x40x64xi32, #tpu.memory_space<hbm>>
        %dma_wait3A_201 = tpu.memref_squeeze %dma_wait3A_200 : memref<1x40x64xi32, #tpu.memory_space<hbm>> -> memref<40x64xi32, #tpu.memory_space<hbm>>
        tpu.wait_dma2 semaphore(%run_scoped3A_189 : memref<!tpu.dma_semaphore, #tpu.memory_space<semaphore_mem>>) src(%dma_wait3A_201 : memref<40x64xi32, #tpu.memory_space<hbm>>) dst(%arg7 : memref<40x64xi32, #tpu.memory_space<vmem>>)
        tpu.yield
      }) : () -> ()
      %mul3A_62 = arith.constant 40 : i32
      %mul3A_63 = arith.muli %scan3A_58, %mul3A_62 : i32
      "tpu.region"() ({
        %run_scoped3A_189 = tpu.sem_alloc : memref<!tpu.dma_semaphore, #tpu.memory_space<semaphore_mem>>
        %dma_start3A_190 = arith.constant 0 : i32
        %dma_start3A_191 = tpu.memref_slice %arg4[%add3A, %mul3A_63, %dma_start3A_190] : memref<32x160x64xi32, #tpu.memory_space<hbm>> -> memref<1x40x64xi32, #tpu.memory_space<hbm>>
        %dma_start3A_192 = tpu.memref_squeeze %dma_start3A_191 : memref<1x40x64xi32, #tpu.memory_space<hbm>> -> memref<40x64xi32, #tpu.memory_space<hbm>>
        %dma_start3A_193 = arith.constant 0 : i32
        %dma_start3A_194 = tpu.memref_slice %arg4[%add3A, %mul3A_63, %dma_start3A_193] : memref<32x160x64xi32, #tpu.memory_space<hbm>> -> memref<1x40x64xi32, #tpu.memory_space<hbm>>
        %dma_start3A_195 = tpu.memref_squeeze %dma_start3A_194 : memref<1x40x64xi32, #tpu.memory_space<hbm>> -> memref<40x64xi32, #tpu.memory_space<hbm>>
        tpu.enqueue_dma source(%dma_start3A_195 : memref<40x64xi32, #tpu.memory_space<hbm>>) target(%arg8 : memref<40x64xi32, #tpu.memory_space<vmem>>) target_semaphore(%run_scoped3A_189 : memref<!tpu.dma_semaphore, #tpu.memory_space<semaphore_mem>>)
        %dma_wait3A_196 = arith.constant 0 : i32
        %dma_wait3A_197 = tpu.memref_slice %arg4[%add3A, %mul3A_63, %dma_wait3A_196] : memref<32x160x64xi32, #tpu.memory_space<hbm>> -> memref<1x40x64xi32, #tpu.memory_space<hbm>>
        %dma_wait3A_198 = tpu.memref_squeeze %dma_wait3A_197 : memref<1x40x64xi32, #tpu.memory_space<hbm>> -> memref<40x64xi32, #tpu.memory_space<hbm>>
        %dma_wait3A_199 = arith.constant 0 : i32
        %dma_wait3A_200 = tpu.memref_slice %arg4[%add3A, %mul3A_63, %dma_wait3A_199] : memref<32x160x64xi32, #tpu.memory_space<hbm>> -> memref<1x40x64xi32, #tpu.memory_space<hbm>>
        %dma_wait3A_201 = tpu.memref_squeeze %dma_wait3A_200 : memref<1x40x64xi32, #tpu.memory_space<hbm>> -> memref<40x64xi32, #tpu.memory_space<hbm>>
        tpu.wait_dma2 semaphore(%run_scoped3A_189 : memref<!tpu.dma_semaphore, #tpu.memory_space<semaphore_mem>>) src(%dma_wait3A_201 : memref<40x64xi32, #tpu.memory_space<hbm>>) dst(%arg8 : memref<40x64xi32, #tpu.memory_space<vmem>>)
        tpu.yield
      }) : () -> ()
      %dma_start3A = arith.constant 0 : i32
      %dma_start3A_64 = arith.constant 0 : i32
      %dma_start3A_65 = tpu.memref_slice %arg7[%dma_start3A, %dma_start3A_64] : memref<40x64xi32, #tpu.memory_space<vmem>> -> memref<1x64xi32, #tpu.memory_space<vmem>>
      %dma_start3A_66 = tpu.memref_squeeze %dma_start3A_65 : memref<1x64xi32, #tpu.memory_space<vmem>> -> memref<64xi32, #tpu.memory_space<vmem>>
      %dma_start3A_67 = arith.constant 0 : i32
      %dma_start3A_68 = arith.constant 0 : i32
      %dma_start3A_69 = tpu.memref_slice %arg2[%dma_start3A_67, %dma_start3A_68] : memref<10240x128xf32, #tpu.memory_space<hbm>> -> memref<10240x128xf32, #tpu.memory_space<hbm>>
      tpu.enqueue_indirect_dma source(%dma_start3A_69 : memref<10240x128xf32, #tpu.memory_space<hbm>>) target(%arg9 : memref<64x128xf32, #tpu.memory_space<vmem>>) offsets(%dma_start3A_66 : memref<64xi32, #tpu.memory_space<vmem>>) semaphore(%arg13 : memref<!tpu.dma_semaphore, #tpu.memory_space<semaphore_mem>>)
      %dma_start3A_70 = arith.constant 1 : i32
      %dma_start3A_71 = arith.constant 0 : i32
      %dma_start3A_72 = tpu.memref_slice %arg7[%dma_start3A_70, %dma_start3A_71] : memref<40x64xi32, #tpu.memory_space<vmem>> -> memref<1x64xi32, #tpu.memory_space<vmem>>
      %dma_start3A_73 = tpu.memref_squeeze %dma_start3A_72 : memref<1x64xi32, #tpu.memory_space<vmem>> -> memref<64xi32, #tpu.memory_space<vmem>>
      %dma_start3A_74 = arith.constant 0 : i32
      %dma_start3A_75 = arith.constant 0 : i32
      %dma_start3A_76 = tpu.memref_slice %arg2[%dma_start3A_74, %dma_start3A_75] : memref<10240x128xf32, #tpu.memory_space<hbm>> -> memref<10240x128xf32, #tpu.memory_space<hbm>>
      tpu.enqueue_indirect_dma source(%dma_start3A_76 : memref<10240x128xf32, #tpu.memory_space<hbm>>) target(%arg10 : memref<64x128xf32, #tpu.memory_space<vmem>>) offsets(%dma_start3A_73 : memref<64xi32, #tpu.memory_space<vmem>>) semaphore(%arg14 : memref<!tpu.dma_semaphore, #tpu.memory_space<semaphore_mem>>)
      %dma_start3A_77 = arith.constant 2 : i32
      %dma_start3A_78 = arith.constant 0 : i32
      %dma_start3A_79 = tpu.memref_slice %arg7[%dma_start3A_77, %dma_start3A_78] : memref<40x64xi32, #tpu.memory_space<vmem>> -> memref<1x64xi32, #tpu.memory_space<vmem>>
      %dma_start3A_80 = tpu.memref_squeeze %dma_start3A_79 : memref<1x64xi32, #tpu.memory_space<vmem>> -> memref<64xi32, #tpu.memory_space<vmem>>
      %dma_start3A_81 = arith.constant 0 : i32
      %dma_start3A_82 = arith.constant 0 : i32
      %dma_start3A_83 = tpu.memref_slice %arg2[%dma_start3A_81, %dma_start3A_82] : memref<10240x128xf32, #tpu.memory_space<hbm>> -> memref<10240x128xf32, #tpu.memory_space<hbm>>
      tpu.enqueue_indirect_dma source(%dma_start3A_83 : memref<10240x128xf32, #tpu.memory_space<hbm>>) target(%arg11 : memref<64x128xf32, #tpu.memory_space<vmem>>) offsets(%dma_start3A_80 : memref<64xi32, #tpu.memory_space<vmem>>) semaphore(%arg15 : memref<!tpu.dma_semaphore, #tpu.memory_space<semaphore_mem>>)
      %scan3A_84 = arith.constant 0 : i32
      %scan3A_85 = arith.constant 0 : i32
      %scan3A_86 = arith.constant 8 : i32
      %scan3A_87 = arith.addi %scan3A_85, %scan3A_86 : i32
      %scan3A_88 = arith.constant 1 : i32
      %scan3A_89 = scf.for %scan3A_189 = %scan3A_85 to %scan3A_87 step %scan3A_88 iter_args(%scan3A_190 = %scan3A_84) -> (i32)  : i32 {
        %mul3A_191 = arith.constant 4 : i32
        %mul3A_192 = arith.muli %scan3A_189, %mul3A_191 : i32
        %add3A_193 = arith.constant 3 : i32
        %add3A_194 = arith.addi %mul3A_192, %add3A_193 : i32
        %dma_start3A_195 = arith.constant 0 : i32
        %dma_start3A_196 = tpu.memref_slice %arg7[%add3A_194, %dma_start3A_195] : memref<40x64xi32, #tpu.memory_space<vmem>> -> memref<1x64xi32, #tpu.memory_space<vmem>>
        %dma_start3A_197 = tpu.memref_squeeze %dma_start3A_196 : memref<1x64xi32, #tpu.memory_space<vmem>> -> memref<64xi32, #tpu.memory_space<vmem>>
        %dma_start3A_198 = arith.constant 0 : i32
        %dma_start3A_199 = arith.constant 0 : i32
        %dma_start3A_200 = tpu.memref_slice %arg2[%dma_start3A_198, %dma_start3A_199] : memref<10240x128xf32, #tpu.memory_space<hbm>> -> memref<10240x128xf32, #tpu.memory_space<hbm>>
        tpu.enqueue_indirect_dma source(%dma_start3A_200 : memref<10240x128xf32, #tpu.memory_space<hbm>>) target(%arg12 : memref<64x128xf32, #tpu.memory_space<vmem>>) offsets(%dma_start3A_197 : memref<64xi32, #tpu.memory_space<vmem>>) semaphore(%arg16 : memref<!tpu.dma_semaphore, #tpu.memory_space<semaphore_mem>>)
        %dma_wait3A_201 = arith.constant 0 : i32
        %dma_wait3A_202 = arith.constant 0 : i32
        %dma_wait3A_203 = tpu.memref_slice %arg7[%dma_wait3A_201, %dma_wait3A_202] : memref<40x64xi32, #tpu.memory_space<vmem>> -> memref<1x64xi32, #tpu.memory_space<vmem>>
        %dma_wait3A_204 = tpu.memref_squeeze %dma_wait3A_203 : memref<1x64xi32, #tpu.memory_space<vmem>> -> memref<64xi32, #tpu.memory_space<vmem>>
        %dma_wait3A_205 = arith.constant 0 : i32
        %dma_wait3A_206 = arith.constant 0 : i32
        %dma_wait3A_207 = tpu.memref_slice %arg2[%dma_wait3A_205, %dma_wait3A_206] : memref<10240x128xf32, #tpu.memory_space<hbm>> -> memref<10240x128xf32, #tpu.memory_space<hbm>>
        tpu.wait_indirect_dma semaphore(%arg13 : memref<!tpu.dma_semaphore, #tpu.memory_space<semaphore_mem>>) src(%dma_wait3A_207 : memref<10240x128xf32, #tpu.memory_space<hbm>>) dst(%arg9 : memref<64x128xf32, #tpu.memory_space<vmem>>)
        "tpu.region"() ({
          %run_scoped3A_260 = tpu.sem_alloc : memref<!tpu.dma_semaphore, #tpu.memory_space<semaphore_mem>>
          %dma_start3A_261 = arith.constant 0 : i32
          %dma_start3A_262 = tpu.memref_slice %arg8[%mul3A_192, %dma_start3A_261] : memref<40x64xi32, #tpu.memory_space<vmem>> -> memref<1x64xi32, #tpu.memory_space<vmem>>
          %dma_start3A_263 = tpu.memref_squeeze %dma_start3A_262 : memref<1x64xi32, #tpu.memory_space<vmem>> -> memref<64xi32, #tpu.memory_space<vmem>>
          %dma_start3A_264 = arith.constant 0 : i32
          %dma_start3A_265 = arith.constant 0 : i32
          %dma_start3A_266 = tpu.memref_slice %arg6[%dma_start3A_264, %dma_start3A_265] : memref<10240x128xf32, #tpu.memory_space<vmem_shared>> -> memref<10240x128xf32, #tpu.memory_space<vmem_shared>>
          tpu.enqueue_indirect_dma source(%arg9 : memref<64x128xf32, #tpu.memory_space<vmem>>) target(%dma_start3A_266 : memref<10240x128xf32, #tpu.memory_space<vmem_shared>>) offsets(%dma_start3A_263 : memref<64xi32, #tpu.memory_space<vmem>>) semaphore(%run_scoped3A_260 : memref<!tpu.dma_semaphore, #tpu.memory_space<semaphore_mem>>) {add = true}
          %dma_wait3A_267 = arith.constant 0 : i32
          %dma_wait3A_268 = tpu.memref_slice %arg8[%mul3A_192, %dma_wait3A_267] : memref<40x64xi32, #tpu.memory_space<vmem>> -> memref<1x64xi32, #tpu.memory_space<vmem>>
          %dma_wait3A_269 = tpu.memref_squeeze %dma_wait3A_268 : memref<1x64xi32, #tpu.memory_space<vmem>> -> memref<64xi32, #tpu.memory_space<vmem>>
          %dma_wait3A_270 = arith.constant 0 : i32
          %dma_wait3A_271 = arith.constant 0 : i32
          %dma_wait3A_272 = tpu.memref_slice %arg6[%dma_wait3A_270, %dma_wait3A_271] : memref<10240x128xf32, #tpu.memory_space<vmem_shared>> -> memref<10240x128xf32, #tpu.memory_space<vmem_shared>>
          tpu.wait_indirect_dma semaphore(%run_scoped3A_260 : memref<!tpu.dma_semaphore, #tpu.memory_space<semaphore_mem>>) src(%arg9 : memref<64x128xf32, #tpu.memory_space<vmem>>) dst(%dma_wait3A_272 : memref<10240x128xf32, #tpu.memory_space<vmem_shared>>)
          tpu.yield
        }) : () -> ()
        %add3A_208 = arith.constant 4 : i32
        %add3A_209 = arith.addi %mul3A_192, %add3A_208 : i32
        %dma_start3A_210 = arith.constant 0 : i32
        %dma_start3A_211 = tpu.memref_slice %arg7[%add3A_209, %dma_start3A_210] : memref<40x64xi32, #tpu.memory_space<vmem>> -> memref<1x64xi32, #tpu.memory_space<vmem>>
        %dma_start3A_212 = tpu.memref_squeeze %dma_start3A_211 : memref<1x64xi32, #tpu.memory_space<vmem>> -> memref<64xi32, #tpu.memory_space<vmem>>
        %dma_start3A_213 = arith.constant 0 : i32
        %dma_start3A_214 = arith.constant 0 : i32
        %dma_start3A_215 = tpu.memref_slice %arg2[%dma_start3A_213, %dma_start3A_214] : memref<10240x128xf32, #tpu.memory_space<hbm>> -> memref<10240x128xf32, #tpu.memory_space<hbm>>
        tpu.enqueue_indirect_dma source(%dma_start3A_215 : memref<10240x128xf32, #tpu.memory_space<hbm>>) target(%arg9 : memref<64x128xf32, #tpu.memory_space<vmem>>) offsets(%dma_start3A_212 : memref<64xi32, #tpu.memory_space<vmem>>) semaphore(%arg13 : memref<!tpu.dma_semaphore, #tpu.memory_space<semaphore_mem>>)
        %dma_wait3A_216 = arith.constant 0 : i32
        %dma_wait3A_217 = arith.constant 0 : i32
        %dma_wait3A_218 = tpu.memref_slice %arg7[%dma_wait3A_216, %dma_wait3A_217] : memref<40x64xi32, #tpu.memory_space<vmem>> -> memref<1x64xi32, #tpu.memory_space<vmem>>
        %dma_wait3A_219 = tpu.memref_squeeze %dma_wait3A_218 : memref<1x64xi32, #tpu.memory_space<vmem>> -> memref<64xi32, #tpu.memory_space<vmem>>
        %dma_wait3A_220 = arith.constant 0 : i32
        %dma_wait3A_221 = arith.constant 0 : i32
        %dma_wait3A_222 = tpu.memref_slice %arg2[%dma_wait3A_220, %dma_wait3A_221] : memref<10240x128xf32, #tpu.memory_space<hbm>> -> memref<10240x128xf32, #tpu.memory_space<hbm>>
        tpu.wait_indirect_dma semaphore(%arg14 : memref<!tpu.dma_semaphore, #tpu.memory_space<semaphore_mem>>) src(%dma_wait3A_222 : memref<10240x128xf32, #tpu.memory_space<hbm>>) dst(%arg10 : memref<64x128xf32, #tpu.memory_space<vmem>>)
        %add3A_223 = arith.constant 1 : i32
        %add3A_224 = arith.addi %mul3A_192, %add3A_223 : i32
        "tpu.region"() ({
          %run_scoped3A_260 = tpu.sem_alloc : memref<!tpu.dma_semaphore, #tpu.memory_space<semaphore_mem>>
          %dma_start3A_261 = arith.constant 0 : i32
          %dma_start3A_262 = tpu.memref_slice %arg8[%add3A_224, %dma_start3A_261] : memref<40x64xi32, #tpu.memory_space<vmem>> -> memref<1x64xi32, #tpu.memory_space<vmem>>
          %dma_start3A_263 = tpu.memref_squeeze %dma_start3A_262 : memref<1x64xi32, #tpu.memory_space<vmem>> -> memref<64xi32, #tpu.memory_space<vmem>>
          %dma_start3A_264 = arith.constant 0 : i32
          %dma_start3A_265 = arith.constant 0 : i32
          %dma_start3A_266 = tpu.memref_slice %arg6[%dma_start3A_264, %dma_start3A_265] : memref<10240x128xf32, #tpu.memory_space<vmem_shared>> -> memref<10240x128xf32, #tpu.memory_space<vmem_shared>>
          tpu.enqueue_indirect_dma source(%arg10 : memref<64x128xf32, #tpu.memory_space<vmem>>) target(%dma_start3A_266 : memref<10240x128xf32, #tpu.memory_space<vmem_shared>>) offsets(%dma_start3A_263 : memref<64xi32, #tpu.memory_space<vmem>>) semaphore(%run_scoped3A_260 : memref<!tpu.dma_semaphore, #tpu.memory_space<semaphore_mem>>) {add = true}
          %dma_wait3A_267 = arith.constant 0 : i32
          %dma_wait3A_268 = tpu.memref_slice %arg8[%add3A_224, %dma_wait3A_267] : memref<40x64xi32, #tpu.memory_space<vmem>> -> memref<1x64xi32, #tpu.memory_space<vmem>>
          %dma_wait3A_269 = tpu.memref_squeeze %dma_wait3A_268 : memref<1x64xi32, #tpu.memory_space<vmem>> -> memref<64xi32, #tpu.memory_space<vmem>>
          %dma_wait3A_270 = arith.constant 0 : i32
          %dma_wait3A_271 = arith.constant 0 : i32
          %dma_wait3A_272 = tpu.memref_slice %arg6[%dma_wait3A_270, %dma_wait3A_271] : memref<10240x128xf32, #tpu.memory_space<vmem_shared>> -> memref<10240x128xf32, #tpu.memory_space<vmem_shared>>
          tpu.wait_indirect_dma semaphore(%run_scoped3A_260 : memref<!tpu.dma_semaphore, #tpu.memory_space<semaphore_mem>>) src(%arg10 : memref<64x128xf32, #tpu.memory_space<vmem>>) dst(%dma_wait3A_272 : memref<10240x128xf32, #tpu.memory_space<vmem_shared>>)
          tpu.yield
        }) : () -> ()
        %add3A_225 = arith.constant 5 : i32
        %add3A_226 = arith.addi %mul3A_192, %add3A_225 : i32
        %dma_start3A_227 = arith.constant 0 : i32
        %dma_start3A_228 = tpu.memref_slice %arg7[%add3A_226, %dma_start3A_227] : memref<40x64xi32, #tpu.memory_space<vmem>> -> memref<1x64xi32, #tpu.memory_space<vmem>>
        %dma_start3A_229 = tpu.memref_squeeze %dma_start3A_228 : memref<1x64xi32, #tpu.memory_space<vmem>> -> memref<64xi32, #tpu.memory_space<vmem>>
        %dma_start3A_230 = arith.constant 0 : i32
        %dma_start3A_231 = arith.constant 0 : i32
        %dma_start3A_232 = tpu.memref_slice %arg2[%dma_start3A_230, %dma_start3A_231] : memref<10240x128xf32, #tpu.memory_space<hbm>> -> memref<10240x128xf32, #tpu.memory_space<hbm>>
        tpu.enqueue_indirect_dma source(%dma_start3A_232 : memref<10240x128xf32, #tpu.memory_space<hbm>>) target(%arg10 : memref<64x128xf32, #tpu.memory_space<vmem>>) offsets(%dma_start3A_229 : memref<64xi32, #tpu.memory_space<vmem>>) semaphore(%arg14 : memref<!tpu.dma_semaphore, #tpu.memory_space<semaphore_mem>>)
        %dma_wait3A_233 = arith.constant 0 : i32
        %dma_wait3A_234 = arith.constant 0 : i32
        %dma_wait3A_235 = tpu.memref_slice %arg7[%dma_wait3A_233, %dma_wait3A_234] : memref<40x64xi32, #tpu.memory_space<vmem>> -> memref<1x64xi32, #tpu.memory_space<vmem>>
        %dma_wait3A_236 = tpu.memref_squeeze %dma_wait3A_235 : memref<1x64xi32, #tpu.memory_space<vmem>> -> memref<64xi32, #tpu.memory_space<vmem>>
        %dma_wait3A_237 = arith.constant 0 : i32
        %dma_wait3A_238 = arith.constant 0 : i32
        %dma_wait3A_239 = tpu.memref_slice %arg2[%dma_wait3A_237, %dma_wait3A_238] : memref<10240x128xf32, #tpu.memory_space<hbm>> -> memref<10240x128xf32, #tpu.memory_space<hbm>>
        tpu.wait_indirect_dma semaphore(%arg15 : memref<!tpu.dma_semaphore, #tpu.memory_space<semaphore_mem>>) src(%dma_wait3A_239 : memref<10240x128xf32, #tpu.memory_space<hbm>>) dst(%arg11 : memref<64x128xf32, #tpu.memory_space<vmem>>)
        %add3A_240 = arith.constant 2 : i32
        %add3A_241 = arith.addi %mul3A_192, %add3A_240 : i32
        "tpu.region"() ({
          %run_scoped3A_260 = tpu.sem_alloc : memref<!tpu.dma_semaphore, #tpu.memory_space<semaphore_mem>>
          %dma_start3A_261 = arith.constant 0 : i32
          %dma_start3A_262 = tpu.memref_slice %arg8[%add3A_241, %dma_start3A_261] : memref<40x64xi32, #tpu.memory_space<vmem>> -> memref<1x64xi32, #tpu.memory_space<vmem>>
          %dma_start3A_263 = tpu.memref_squeeze %dma_start3A_262 : memref<1x64xi32, #tpu.memory_space<vmem>> -> memref<64xi32, #tpu.memory_space<vmem>>
          %dma_start3A_264 = arith.constant 0 : i32
          %dma_start3A_265 = arith.constant 0 : i32
          %dma_start3A_266 = tpu.memref_slice %arg6[%dma_start3A_264, %dma_start3A_265] : memref<10240x128xf32, #tpu.memory_space<vmem_shared>> -> memref<10240x128xf32, #tpu.memory_space<vmem_shared>>
          tpu.enqueue_indirect_dma source(%arg11 : memref<64x128xf32, #tpu.memory_space<vmem>>) target(%dma_start3A_266 : memref<10240x128xf32, #tpu.memory_space<vmem_shared>>) offsets(%dma_start3A_263 : memref<64xi32, #tpu.memory_space<vmem>>) semaphore(%run_scoped3A_260 : memref<!tpu.dma_semaphore, #tpu.memory_space<semaphore_mem>>) {add = true}
          %dma_wait3A_267 = arith.constant 0 : i32
          %dma_wait3A_268 = tpu.memref_slice %arg8[%add3A_241, %dma_wait3A_267] : memref<40x64xi32, #tpu.memory_space<vmem>> -> memref<1x64xi32, #tpu.memory_space<vmem>>
          %dma_wait3A_269 = tpu.memref_squeeze %dma_wait3A_268 : memref<1x64xi32, #tpu.memory_space<vmem>> -> memref<64xi32, #tpu.memory_space<vmem>>
          %dma_wait3A_270 = arith.constant 0 : i32
          %dma_wait3A_271 = arith.constant 0 : i32
          %dma_wait3A_272 = tpu.memref_slice %arg6[%dma_wait3A_270, %dma_wait3A_271] : memref<10240x128xf32, #tpu.memory_space<vmem_shared>> -> memref<10240x128xf32, #tpu.memory_space<vmem_shared>>
          tpu.wait_indirect_dma semaphore(%run_scoped3A_260 : memref<!tpu.dma_semaphore, #tpu.memory_space<semaphore_mem>>) src(%arg11 : memref<64x128xf32, #tpu.memory_space<vmem>>) dst(%dma_wait3A_272 : memref<10240x128xf32, #tpu.memory_space<vmem_shared>>)
          tpu.yield
        }) : () -> ()
        %add3A_242 = arith.constant 6 : i32
        %add3A_243 = arith.addi %mul3A_192, %add3A_242 : i32
        %dma_start3A_244 = arith.constant 0 : i32
        %dma_start3A_245 = tpu.memref_slice %arg7[%add3A_243, %dma_start3A_244] : memref<40x64xi32, #tpu.memory_space<vmem>> -> memref<1x64xi32, #tpu.memory_space<vmem>>
        %dma_start3A_246 = tpu.memref_squeeze %dma_start3A_245 : memref<1x64xi32, #tpu.memory_space<vmem>> -> memref<64xi32, #tpu.memory_space<vmem>>
        %dma_start3A_247 = arith.constant 0 : i32
        %dma_start3A_248 = arith.constant 0 : i32
        %dma_start3A_249 = tpu.memref_slice %arg2[%dma_start3A_247, %dma_start3A_248] : memref<10240x128xf32, #tpu.memory_space<hbm>> -> memref<10240x128xf32, #tpu.memory_space<hbm>>
        tpu.enqueue_indirect_dma source(%dma_start3A_249 : memref<10240x128xf32, #tpu.memory_space<hbm>>) target(%arg11 : memref<64x128xf32, #tpu.memory_space<vmem>>) offsets(%dma_start3A_246 : memref<64xi32, #tpu.memory_space<vmem>>) semaphore(%arg15 : memref<!tpu.dma_semaphore, #tpu.memory_space<semaphore_mem>>)
        %dma_wait3A_250 = arith.constant 0 : i32
        %dma_wait3A_251 = arith.constant 0 : i32
        %dma_wait3A_252 = tpu.memref_slice %arg7[%dma_wait3A_250, %dma_wait3A_251] : memref<40x64xi32, #tpu.memory_space<vmem>> -> memref<1x64xi32, #tpu.memory_space<vmem>>
        %dma_wait3A_253 = tpu.memref_squeeze %dma_wait3A_252 : memref<1x64xi32, #tpu.memory_space<vmem>> -> memref<64xi32, #tpu.memory_space<vmem>>
        %dma_wait3A_254 = arith.constant 0 : i32
        %dma_wait3A_255 = arith.constant 0 : i32
        %dma_wait3A_256 = tpu.memref_slice %arg2[%dma_wait3A_254, %dma_wait3A_255] : memref<10240x128xf32, #tpu.memory_space<hbm>> -> memref<10240x128xf32, #tpu.memory_space<hbm>>
        tpu.wait_indirect_dma semaphore(%arg16 : memref<!tpu.dma_semaphore, #tpu.memory_space<semaphore_mem>>) src(%dma_wait3A_256 : memref<10240x128xf32, #tpu.memory_space<hbm>>) dst(%arg12 : memref<64x128xf32, #tpu.memory_space<vmem>>)
        %add3A_257 = arith.constant 3 : i32
        %add3A_258 = arith.addi %mul3A_192, %add3A_257 : i32
        "tpu.region"() ({
          %run_scoped3A_260 = tpu.sem_alloc : memref<!tpu.dma_semaphore, #tpu.memory_space<semaphore_mem>>
          %dma_start3A_261 = arith.constant 0 : i32
          %dma_start3A_262 = tpu.memref_slice %arg8[%add3A_258, %dma_start3A_261] : memref<40x64xi32, #tpu.memory_space<vmem>> -> memref<1x64xi32, #tpu.memory_space<vmem>>
          %dma_start3A_263 = tpu.memref_squeeze %dma_start3A_262 : memref<1x64xi32, #tpu.memory_space<vmem>> -> memref<64xi32, #tpu.memory_space<vmem>>
          %dma_start3A_264 = arith.constant 0 : i32
          %dma_start3A_265 = arith.constant 0 : i32
          %dma_start3A_266 = tpu.memref_slice %arg6[%dma_start3A_264, %dma_start3A_265] : memref<10240x128xf32, #tpu.memory_space<vmem_shared>> -> memref<10240x128xf32, #tpu.memory_space<vmem_shared>>
          tpu.enqueue_indirect_dma source(%arg12 : memref<64x128xf32, #tpu.memory_space<vmem>>) target(%dma_start3A_266 : memref<10240x128xf32, #tpu.memory_space<vmem_shared>>) offsets(%dma_start3A_263 : memref<64xi32, #tpu.memory_space<vmem>>) semaphore(%run_scoped3A_260 : memref<!tpu.dma_semaphore, #tpu.memory_space<semaphore_mem>>) {add = true}
          %dma_wait3A_267 = arith.constant 0 : i32
          %dma_wait3A_268 = tpu.memref_slice %arg8[%add3A_258, %dma_wait3A_267] : memref<40x64xi32, #tpu.memory_space<vmem>> -> memref<1x64xi32, #tpu.memory_space<vmem>>
          %dma_wait3A_269 = tpu.memref_squeeze %dma_wait3A_268 : memref<1x64xi32, #tpu.memory_space<vmem>> -> memref<64xi32, #tpu.memory_space<vmem>>
          %dma_wait3A_270 = arith.constant 0 : i32
          %dma_wait3A_271 = arith.constant 0 : i32
          %dma_wait3A_272 = tpu.memref_slice %arg6[%dma_wait3A_270, %dma_wait3A_271] : memref<10240x128xf32, #tpu.memory_space<vmem_shared>> -> memref<10240x128xf32, #tpu.memory_space<vmem_shared>>
          tpu.wait_indirect_dma semaphore(%run_scoped3A_260 : memref<!tpu.dma_semaphore, #tpu.memory_space<semaphore_mem>>) src(%arg12 : memref<64x128xf32, #tpu.memory_space<vmem>>) dst(%dma_wait3A_272 : memref<10240x128xf32, #tpu.memory_space<vmem_shared>>)
          tpu.yield
        }) : () -> ()
        %scan3A_259 = arith.constant 0 : i32
        scf.yield %scan3A_259 : i32
      }
      %scan3A_90 = arith.constant 8 : i32
      %dma_start3A_91 = arith.constant 35 : i32
      %dma_start3A_92 = arith.constant 0 : i32
      %dma_start3A_93 = tpu.memref_slice %arg7[%dma_start3A_91, %dma_start3A_92] : memref<40x64xi32, #tpu.memory_space<vmem>> -> memref<1x64xi32, #tpu.memory_space<vmem>>
      %dma_start3A_94 = tpu.memref_squeeze %dma_start3A_93 : memref<1x64xi32, #tpu.memory_space<vmem>> -> memref<64xi32, #tpu.memory_space<vmem>>
      %dma_start3A_95 = arith.constant 0 : i32
      %dma_start3A_96 = arith.constant 0 : i32
      %dma_start3A_97 = tpu.memref_slice %arg2[%dma_start3A_95, %dma_start3A_96] : memref<10240x128xf32, #tpu.memory_space<hbm>> -> memref<10240x128xf32, #tpu.memory_space<hbm>>
      tpu.enqueue_indirect_dma source(%dma_start3A_97 : memref<10240x128xf32, #tpu.memory_space<hbm>>) target(%arg12 : memref<64x128xf32, #tpu.memory_space<vmem>>) offsets(%dma_start3A_94 : memref<64xi32, #tpu.memory_space<vmem>>) semaphore(%arg16 : memref<!tpu.dma_semaphore, #tpu.memory_space<semaphore_mem>>)
      %dma_wait3A = arith.constant 0 : i32
      %dma_wait3A_98 = arith.constant 0 : i32
      %dma_wait3A_99 = tpu.memref_slice %arg7[%dma_wait3A, %dma_wait3A_98] : memref<40x64xi32, #tpu.memory_space<vmem>> -> memref<1x64xi32, #tpu.memory_space<vmem>>
      %dma_wait3A_100 = tpu.memref_squeeze %dma_wait3A_99 : memref<1x64xi32, #tpu.memory_space<vmem>> -> memref<64xi32, #tpu.memory_space<vmem>>
      %dma_wait3A_101 = arith.constant 0 : i32
      %dma_wait3A_102 = arith.constant 0 : i32
      %dma_wait3A_103 = tpu.memref_slice %arg2[%dma_wait3A_101, %dma_wait3A_102] : memref<10240x128xf32, #tpu.memory_space<hbm>> -> memref<10240x128xf32, #tpu.memory_space<hbm>>
      tpu.wait_indirect_dma semaphore(%arg13 : memref<!tpu.dma_semaphore, #tpu.memory_space<semaphore_mem>>) src(%dma_wait3A_103 : memref<10240x128xf32, #tpu.memory_space<hbm>>) dst(%arg9 : memref<64x128xf32, #tpu.memory_space<vmem>>)
      %run_scoped3A = arith.constant 32 : i32
      "tpu.region"() ({
        %run_scoped3A_189 = tpu.sem_alloc : memref<!tpu.dma_semaphore, #tpu.memory_space<semaphore_mem>>
        %dma_start3A_190 = arith.constant 0 : i32
        %dma_start3A_191 = tpu.memref_slice %arg8[%run_scoped3A, %dma_start3A_190] : memref<40x64xi32, #tpu.memory_space<vmem>> -> memref<1x64xi32, #tpu.memory_space<vmem>>
        %dma_start3A_192 = tpu.memref_squeeze %dma_start3A_191 : memref<1x64xi32, #tpu.memory_space<vmem>> -> memref<64xi32, #tpu.memory_space<vmem>>
        %dma_start3A_193 = arith.constant 0 : i32
        %dma_start3A_194 = arith.constant 0 : i32
        %dma_start3A_195 = tpu.memref_slice %arg6[%dma_start3A_193, %dma_start3A_194] : memref<10240x128xf32, #tpu.memory_space<vmem_shared>> -> memref<10240x128xf32, #tpu.memory_space<vmem_shared>>
        tpu.enqueue_indirect_dma source(%arg9 : memref<64x128xf32, #tpu.memory_space<vmem>>) target(%dma_start3A_195 : memref<10240x128xf32, #tpu.memory_space<vmem_shared>>) offsets(%dma_start3A_192 : memref<64xi32, #tpu.memory_space<vmem>>) semaphore(%run_scoped3A_189 : memref<!tpu.dma_semaphore, #tpu.memory_space<semaphore_mem>>) {add = true}
        %dma_wait3A_196 = arith.constant 0 : i32
        %dma_wait3A_197 = tpu.memref_slice %arg8[%run_scoped3A, %dma_wait3A_196] : memref<40x64xi32, #tpu.memory_space<vmem>> -> memref<1x64xi32, #tpu.memory_space<vmem>>
        %dma_wait3A_198 = tpu.memref_squeeze %dma_wait3A_197 : memref<1x64xi32, #tpu.memory_space<vmem>> -> memref<64xi32, #tpu.memory_space<vmem>>
        %dma_wait3A_199 = arith.constant 0 : i32
        %dma_wait3A_200 = arith.constant 0 : i32
        %dma_wait3A_201 = tpu.memref_slice %arg6[%dma_wait3A_199, %dma_wait3A_200] : memref<10240x128xf32, #tpu.memory_space<vmem_shared>> -> memref<10240x128xf32, #tpu.memory_space<vmem_shared>>
        tpu.wait_indirect_dma semaphore(%run_scoped3A_189 : memref<!tpu.dma_semaphore, #tpu.memory_space<semaphore_mem>>) src(%arg9 : memref<64x128xf32, #tpu.memory_space<vmem>>) dst(%dma_wait3A_201 : memref<10240x128xf32, #tpu.memory_space<vmem_shared>>)
        tpu.yield
      }) : () -> ()
      %dma_start3A_104 = arith.constant 36 : i32
      %dma_start3A_105 = arith.constant 0 : i32
      %dma_start3A_106 = tpu.memref_slice %arg7[%dma_start3A_104, %dma_start3A_105] : memref<40x64xi32, #tpu.memory_space<vmem>> -> memref<1x64xi32, #tpu.memory_space<vmem>>
      %dma_start3A_107 = tpu.memref_squeeze %dma_start3A_106 : memref<1x64xi32, #tpu.memory_space<vmem>> -> memref<64xi32, #tpu.memory_space<vmem>>
      %dma_start3A_108 = arith.constant 0 : i32
      %dma_start3A_109 = arith.constant 0 : i32
      %dma_start3A_110 = tpu.memref_slice %arg2[%dma_start3A_108, %dma_start3A_109] : memref<10240x128xf32, #tpu.memory_space<hbm>> -> memref<10240x128xf32, #tpu.memory_space<hbm>>
      tpu.enqueue_indirect_dma source(%dma_start3A_110 : memref<10240x128xf32, #tpu.memory_space<hbm>>) target(%arg9 : memref<64x128xf32, #tpu.memory_space<vmem>>) offsets(%dma_start3A_107 : memref<64xi32, #tpu.memory_space<vmem>>) semaphore(%arg13 : memref<!tpu.dma_semaphore, #tpu.memory_space<semaphore_mem>>)
      %dma_wait3A_111 = arith.constant 0 : i32
      %dma_wait3A_112 = arith.constant 0 : i32
      %dma_wait3A_113 = tpu.memref_slice %arg7[%dma_wait3A_111, %dma_wait3A_112] : memref<40x64xi32, #tpu.memory_space<vmem>> -> memref<1x64xi32, #tpu.memory_space<vmem>>
      %dma_wait3A_114 = tpu.memref_squeeze %dma_wait3A_113 : memref<1x64xi32, #tpu.memory_space<vmem>> -> memref<64xi32, #tpu.memory_space<vmem>>
      %dma_wait3A_115 = arith.constant 0 : i32
      %dma_wait3A_116 = arith.constant 0 : i32
      %dma_wait3A_117 = tpu.memref_slice %arg2[%dma_wait3A_115, %dma_wait3A_116] : memref<10240x128xf32, #tpu.memory_space<hbm>> -> memref<10240x128xf32, #tpu.memory_space<hbm>>
      tpu.wait_indirect_dma semaphore(%arg14 : memref<!tpu.dma_semaphore, #tpu.memory_space<semaphore_mem>>) src(%dma_wait3A_117 : memref<10240x128xf32, #tpu.memory_space<hbm>>) dst(%arg10 : memref<64x128xf32, #tpu.memory_space<vmem>>)
      %run_scoped3A_118 = arith.constant 33 : i32
      "tpu.region"() ({
        %run_scoped3A_189 = tpu.sem_alloc : memref<!tpu.dma_semaphore, #tpu.memory_space<semaphore_mem>>
        %dma_start3A_190 = arith.constant 0 : i32
        %dma_start3A_191 = tpu.memref_slice %arg8[%run_scoped3A_118, %dma_start3A_190] : memref<40x64xi32, #tpu.memory_space<vmem>> -> memref<1x64xi32, #tpu.memory_space<vmem>>
        %dma_start3A_192 = tpu.memref_squeeze %dma_start3A_191 : memref<1x64xi32, #tpu.memory_space<vmem>> -> memref<64xi32, #tpu.memory_space<vmem>>
        %dma_start3A_193 = arith.constant 0 : i32
        %dma_start3A_194 = arith.constant 0 : i32
        %dma_start3A_195 = tpu.memref_slice %arg6[%dma_start3A_193, %dma_start3A_194] : memref<10240x128xf32, #tpu.memory_space<vmem_shared>> -> memref<10240x128xf32, #tpu.memory_space<vmem_shared>>
        tpu.enqueue_indirect_dma source(%arg10 : memref<64x128xf32, #tpu.memory_space<vmem>>) target(%dma_start3A_195 : memref<10240x128xf32, #tpu.memory_space<vmem_shared>>) offsets(%dma_start3A_192 : memref<64xi32, #tpu.memory_space<vmem>>) semaphore(%run_scoped3A_189 : memref<!tpu.dma_semaphore, #tpu.memory_space<semaphore_mem>>) {add = true}
        %dma_wait3A_196 = arith.constant 0 : i32
        %dma_wait3A_197 = tpu.memref_slice %arg8[%run_scoped3A_118, %dma_wait3A_196] : memref<40x64xi32, #tpu.memory_space<vmem>> -> memref<1x64xi32, #tpu.memory_space<vmem>>
        %dma_wait3A_198 = tpu.memref_squeeze %dma_wait3A_197 : memref<1x64xi32, #tpu.memory_space<vmem>> -> memref<64xi32, #tpu.memory_space<vmem>>
        %dma_wait3A_199 = arith.constant 0 : i32
        %dma_wait3A_200 = arith.constant 0 : i32
        %dma_wait3A_201 = tpu.memref_slice %arg6[%dma_wait3A_199, %dma_wait3A_200] : memref<10240x128xf32, #tpu.memory_space<vmem_shared>> -> memref<10240x128xf32, #tpu.memory_space<vmem_shared>>
        tpu.wait_indirect_dma semaphore(%run_scoped3A_189 : memref<!tpu.dma_semaphore, #tpu.memory_space<semaphore_mem>>) src(%arg10 : memref<64x128xf32, #tpu.memory_space<vmem>>) dst(%dma_wait3A_201 : memref<10240x128xf32, #tpu.memory_space<vmem_shared>>)
        tpu.yield
      }) : () -> ()
      %dma_start3A_119 = arith.constant 37 : i32
      %dma_start3A_120 = arith.constant 0 : i32
      %dma_start3A_121 = tpu.memref_slice %arg7[%dma_start3A_119, %dma_start3A_120] : memref<40x64xi32, #tpu.memory_space<vmem>> -> memref<1x64xi32, #tpu.memory_space<vmem>>
      %dma_start3A_122 = tpu.memref_squeeze %dma_start3A_121 : memref<1x64xi32, #tpu.memory_space<vmem>> -> memref<64xi32, #tpu.memory_space<vmem>>
      %dma_start3A_123 = arith.constant 0 : i32
      %dma_start3A_124 = arith.constant 0 : i32
      %dma_start3A_125 = tpu.memref_slice %arg2[%dma_start3A_123, %dma_start3A_124] : memref<10240x128xf32, #tpu.memory_space<hbm>> -> memref<10240x128xf32, #tpu.memory_space<hbm>>
      tpu.enqueue_indirect_dma source(%dma_start3A_125 : memref<10240x128xf32, #tpu.memory_space<hbm>>) target(%arg10 : memref<64x128xf32, #tpu.memory_space<vmem>>) offsets(%dma_start3A_122 : memref<64xi32, #tpu.memory_space<vmem>>) semaphore(%arg14 : memref<!tpu.dma_semaphore, #tpu.memory_space<semaphore_mem>>)
      %dma_wait3A_126 = arith.constant 0 : i32
      %dma_wait3A_127 = arith.constant 0 : i32
      %dma_wait3A_128 = tpu.memref_slice %arg7[%dma_wait3A_126, %dma_wait3A_127] : memref<40x64xi32, #tpu.memory_space<vmem>> -> memref<1x64xi32, #tpu.memory_space<vmem>>
      %dma_wait3A_129 = tpu.memref_squeeze %dma_wait3A_128 : memref<1x64xi32, #tpu.memory_space<vmem>> -> memref<64xi32, #tpu.memory_space<vmem>>
      %dma_wait3A_130 = arith.constant 0 : i32
      %dma_wait3A_131 = arith.constant 0 : i32
      %dma_wait3A_132 = tpu.memref_slice %arg2[%dma_wait3A_130, %dma_wait3A_131] : memref<10240x128xf32, #tpu.memory_space<hbm>> -> memref<10240x128xf32, #tpu.memory_space<hbm>>
      tpu.wait_indirect_dma semaphore(%arg15 : memref<!tpu.dma_semaphore, #tpu.memory_space<semaphore_mem>>) src(%dma_wait3A_132 : memref<10240x128xf32, #tpu.memory_space<hbm>>) dst(%arg11 : memref<64x128xf32, #tpu.memory_space<vmem>>)
      %run_scoped3A_133 = arith.constant 34 : i32
      "tpu.region"() ({
        %run_scoped3A_189 = tpu.sem_alloc : memref<!tpu.dma_semaphore, #tpu.memory_space<semaphore_mem>>
        %dma_start3A_190 = arith.constant 0 : i32
        %dma_start3A_191 = tpu.memref_slice %arg8[%run_scoped3A_133, %dma_start3A_190] : memref<40x64xi32, #tpu.memory_space<vmem>> -> memref<1x64xi32, #tpu.memory_space<vmem>>
        %dma_start3A_192 = tpu.memref_squeeze %dma_start3A_191 : memref<1x64xi32, #tpu.memory_space<vmem>> -> memref<64xi32, #tpu.memory_space<vmem>>
        %dma_start3A_193 = arith.constant 0 : i32
        %dma_start3A_194 = arith.constant 0 : i32
        %dma_start3A_195 = tpu.memref_slice %arg6[%dma_start3A_193, %dma_start3A_194] : memref<10240x128xf32, #tpu.memory_space<vmem_shared>> -> memref<10240x128xf32, #tpu.memory_space<vmem_shared>>
        tpu.enqueue_indirect_dma source(%arg11 : memref<64x128xf32, #tpu.memory_space<vmem>>) target(%dma_start3A_195 : memref<10240x128xf32, #tpu.memory_space<vmem_shared>>) offsets(%dma_start3A_192 : memref<64xi32, #tpu.memory_space<vmem>>) semaphore(%run_scoped3A_189 : memref<!tpu.dma_semaphore, #tpu.memory_space<semaphore_mem>>) {add = true}
        %dma_wait3A_196 = arith.constant 0 : i32
        %dma_wait3A_197 = tpu.memref_slice %arg8[%run_scoped3A_133, %dma_wait3A_196] : memref<40x64xi32, #tpu.memory_space<vmem>> -> memref<1x64xi32, #tpu.memory_space<vmem>>
        %dma_wait3A_198 = tpu.memref_squeeze %dma_wait3A_197 : memref<1x64xi32, #tpu.memory_space<vmem>> -> memref<64xi32, #tpu.memory_space<vmem>>
        %dma_wait3A_199 = arith.constant 0 : i32
        %dma_wait3A_200 = arith.constant 0 : i32
        %dma_wait3A_201 = tpu.memref_slice %arg6[%dma_wait3A_199, %dma_wait3A_200] : memref<10240x128xf32, #tpu.memory_space<vmem_shared>> -> memref<10240x128xf32, #tpu.memory_space<vmem_shared>>
        tpu.wait_indirect_dma semaphore(%run_scoped3A_189 : memref<!tpu.dma_semaphore, #tpu.memory_space<semaphore_mem>>) src(%arg11 : memref<64x128xf32, #tpu.memory_space<vmem>>) dst(%dma_wait3A_201 : memref<10240x128xf32, #tpu.memory_space<vmem_shared>>)
        tpu.yield
      }) : () -> ()
      %dma_start3A_134 = arith.constant 38 : i32
      %dma_start3A_135 = arith.constant 0 : i32
      %dma_start3A_136 = tpu.memref_slice %arg7[%dma_start3A_134, %dma_start3A_135] : memref<40x64xi32, #tpu.memory_space<vmem>> -> memref<1x64xi32, #tpu.memory_space<vmem>>
      %dma_start3A_137 = tpu.memref_squeeze %dma_start3A_136 : memref<1x64xi32, #tpu.memory_space<vmem>> -> memref<64xi32, #tpu.memory_space<vmem>>
      %dma_start3A_138 = arith.constant 0 : i32
      %dma_start3A_139 = arith.constant 0 : i32
      %dma_start3A_140 = tpu.memref_slice %arg2[%dma_start3A_138, %dma_start3A_139] : memref<10240x128xf32, #tpu.memory_space<hbm>> -> memref<10240x128xf32, #tpu.memory_space<hbm>>
      tpu.enqueue_indirect_dma source(%dma_start3A_140 : memref<10240x128xf32, #tpu.memory_space<hbm>>) target(%arg11 : memref<64x128xf32, #tpu.memory_space<vmem>>) offsets(%dma_start3A_137 : memref<64xi32, #tpu.memory_space<vmem>>) semaphore(%arg15 : memref<!tpu.dma_semaphore, #tpu.memory_space<semaphore_mem>>)
      %dma_wait3A_141 = arith.constant 0 : i32
      %dma_wait3A_142 = arith.constant 0 : i32
      %dma_wait3A_143 = tpu.memref_slice %arg7[%dma_wait3A_141, %dma_wait3A_142] : memref<40x64xi32, #tpu.memory_space<vmem>> -> memref<1x64xi32, #tpu.memory_space<vmem>>
      %dma_wait3A_144 = tpu.memref_squeeze %dma_wait3A_143 : memref<1x64xi32, #tpu.memory_space<vmem>> -> memref<64xi32, #tpu.memory_space<vmem>>
      %dma_wait3A_145 = arith.constant 0 : i32
      %dma_wait3A_146 = arith.constant 0 : i32
      %dma_wait3A_147 = tpu.memref_slice %arg2[%dma_wait3A_145, %dma_wait3A_146] : memref<10240x128xf32, #tpu.memory_space<hbm>> -> memref<10240x128xf32, #tpu.memory_space<hbm>>
      tpu.wait_indirect_dma semaphore(%arg16 : memref<!tpu.dma_semaphore, #tpu.memory_space<semaphore_mem>>) src(%dma_wait3A_147 : memref<10240x128xf32, #tpu.memory_space<hbm>>) dst(%arg12 : memref<64x128xf32, #tpu.memory_space<vmem>>)
      %run_scoped3A_148 = arith.constant 35 : i32
      "tpu.region"() ({
        %run_scoped3A_189 = tpu.sem_alloc : memref<!tpu.dma_semaphore, #tpu.memory_space<semaphore_mem>>
        %dma_start3A_190 = arith.constant 0 : i32
        %dma_start3A_191 = tpu.memref_slice %arg8[%run_scoped3A_148, %dma_start3A_190] : memref<40x64xi32, #tpu.memory_space<vmem>> -> memref<1x64xi32, #tpu.memory_space<vmem>>
        %dma_start3A_192 = tpu.memref_squeeze %dma_start3A_191 : memref<1x64xi32, #tpu.memory_space<vmem>> -> memref<64xi32, #tpu.memory_space<vmem>>
        %dma_start3A_193 = arith.constant 0 : i32
        %dma_start3A_194 = arith.constant 0 : i32
        %dma_start3A_195 = tpu.memref_slice %arg6[%dma_start3A_193, %dma_start3A_194] : memref<10240x128xf32, #tpu.memory_space<vmem_shared>> -> memref<10240x128xf32, #tpu.memory_space<vmem_shared>>
        tpu.enqueue_indirect_dma source(%arg12 : memref<64x128xf32, #tpu.memory_space<vmem>>) target(%dma_start3A_195 : memref<10240x128xf32, #tpu.memory_space<vmem_shared>>) offsets(%dma_start3A_192 : memref<64xi32, #tpu.memory_space<vmem>>) semaphore(%run_scoped3A_189 : memref<!tpu.dma_semaphore, #tpu.memory_space<semaphore_mem>>) {add = true}
        %dma_wait3A_196 = arith.constant 0 : i32
        %dma_wait3A_197 = tpu.memref_slice %arg8[%run_scoped3A_148, %dma_wait3A_196] : memref<40x64xi32, #tpu.memory_space<vmem>> -> memref<1x64xi32, #tpu.memory_space<vmem>>
        %dma_wait3A_198 = tpu.memref_squeeze %dma_wait3A_197 : memref<1x64xi32, #tpu.memory_space<vmem>> -> memref<64xi32, #tpu.memory_space<vmem>>
        %dma_wait3A_199 = arith.constant 0 : i32
        %dma_wait3A_200 = arith.constant 0 : i32
        %dma_wait3A_201 = tpu.memref_slice %arg6[%dma_wait3A_199, %dma_wait3A_200] : memref<10240x128xf32, #tpu.memory_space<vmem_shared>> -> memref<10240x128xf32, #tpu.memory_space<vmem_shared>>
        tpu.wait_indirect_dma semaphore(%run_scoped3A_189 : memref<!tpu.dma_semaphore, #tpu.memory_space<semaphore_mem>>) src(%arg12 : memref<64x128xf32, #tpu.memory_space<vmem>>) dst(%dma_wait3A_201 : memref<10240x128xf32, #tpu.memory_space<vmem_shared>>)
        tpu.yield
      }) : () -> ()
      %dma_start3A_149 = arith.constant 39 : i32
      %dma_start3A_150 = arith.constant 0 : i32
      %dma_start3A_151 = tpu.memref_slice %arg7[%dma_start3A_149, %dma_start3A_150] : memref<40x64xi32, #tpu.memory_space<vmem>> -> memref<1x64xi32, #tpu.memory_space<vmem>>
      %dma_start3A_152 = tpu.memref_squeeze %dma_start3A_151 : memref<1x64xi32, #tpu.memory_space<vmem>> -> memref<64xi32, #tpu.memory_space<vmem>>
      %dma_start3A_153 = arith.constant 0 : i32
      %dma_start3A_154 = arith.constant 0 : i32
      %dma_start3A_155 = tpu.memref_slice %arg2[%dma_start3A_153, %dma_start3A_154] : memref<10240x128xf32, #tpu.memory_space<hbm>> -> memref<10240x128xf32, #tpu.memory_space<hbm>>
      tpu.enqueue_indirect_dma source(%dma_start3A_155 : memref<10240x128xf32, #tpu.memory_space<hbm>>) target(%arg12 : memref<64x128xf32, #tpu.memory_space<vmem>>) offsets(%dma_start3A_152 : memref<64xi32, #tpu.memory_space<vmem>>) semaphore(%arg16 : memref<!tpu.dma_semaphore, #tpu.memory_space<semaphore_mem>>)
      %dma_wait3A_156 = arith.constant 0 : i32
      %dma_wait3A_157 = arith.constant 0 : i32
      %dma_wait3A_158 = tpu.memref_slice %arg7[%dma_wait3A_156, %dma_wait3A_157] : memref<40x64xi32, #tpu.memory_space<vmem>> -> memref<1x64xi32, #tpu.memory_space<vmem>>
      %dma_wait3A_159 = tpu.memref_squeeze %dma_wait3A_158 : memref<1x64xi32, #tpu.memory_space<vmem>> -> memref<64xi32, #tpu.memory_space<vmem>>
      %dma_wait3A_160 = arith.constant 0 : i32
      %dma_wait3A_161 = arith.constant 0 : i32
      %dma_wait3A_162 = tpu.memref_slice %arg2[%dma_wait3A_160, %dma_wait3A_161] : memref<10240x128xf32, #tpu.memory_space<hbm>> -> memref<10240x128xf32, #tpu.memory_space<hbm>>
      tpu.wait_indirect_dma semaphore(%arg13 : memref<!tpu.dma_semaphore, #tpu.memory_space<semaphore_mem>>) src(%dma_wait3A_162 : memref<10240x128xf32, #tpu.memory_space<hbm>>) dst(%arg9 : memref<64x128xf32, #tpu.memory_space<vmem>>)
      %run_scoped3A_163 = arith.constant 36 : i32
      "tpu.region"() ({
        %run_scoped3A_189 = tpu.sem_alloc : memref<!tpu.dma_semaphore, #tpu.memory_space<semaphore_mem>>
        %dma_start3A_190 = arith.constant 0 : i32
        %dma_start3A_191 = tpu.memref_slice %arg8[%run_scoped3A_163, %dma_start3A_190] : memref<40x64xi32, #tpu.memory_space<vmem>> -> memref<1x64xi32, #tpu.memory_space<vmem>>
        %dma_start3A_192 = tpu.memref_squeeze %dma_start3A_191 : memref<1x64xi32, #tpu.memory_space<vmem>> -> memref<64xi32, #tpu.memory_space<vmem>>
        %dma_start3A_193 = arith.constant 0 : i32
        %dma_start3A_194 = arith.constant 0 : i32
        %dma_start3A_195 = tpu.memref_slice %arg6[%dma_start3A_193, %dma_start3A_194] : memref<10240x128xf32, #tpu.memory_space<vmem_shared>> -> memref<10240x128xf32, #tpu.memory_space<vmem_shared>>
        tpu.enqueue_indirect_dma source(%arg9 : memref<64x128xf32, #tpu.memory_space<vmem>>) target(%dma_start3A_195 : memref<10240x128xf32, #tpu.memory_space<vmem_shared>>) offsets(%dma_start3A_192 : memref<64xi32, #tpu.memory_space<vmem>>) semaphore(%run_scoped3A_189 : memref<!tpu.dma_semaphore, #tpu.memory_space<semaphore_mem>>) {add = true}
        %dma_wait3A_196 = arith.constant 0 : i32
        %dma_wait3A_197 = tpu.memref_slice %arg8[%run_scoped3A_163, %dma_wait3A_196] : memref<40x64xi32, #tpu.memory_space<vmem>> -> memref<1x64xi32, #tpu.memory_space<vmem>>
        %dma_wait3A_198 = tpu.memref_squeeze %dma_wait3A_197 : memref<1x64xi32, #tpu.memory_space<vmem>> -> memref<64xi32, #tpu.memory_space<vmem>>
        %dma_wait3A_199 = arith.constant 0 : i32
        %dma_wait3A_200 = arith.constant 0 : i32
        %dma_wait3A_201 = tpu.memref_slice %arg6[%dma_wait3A_199, %dma_wait3A_200] : memref<10240x128xf32, #tpu.memory_space<vmem_shared>> -> memref<10240x128xf32, #tpu.memory_space<vmem_shared>>
        tpu.wait_indirect_dma semaphore(%run_scoped3A_189 : memref<!tpu.dma_semaphore, #tpu.memory_space<semaphore_mem>>) src(%arg9 : memref<64x128xf32, #tpu.memory_space<vmem>>) dst(%dma_wait3A_201 : memref<10240x128xf32, #tpu.memory_space<vmem_shared>>)
        tpu.yield
      }) : () -> ()
      %dma_wait3A_164 = arith.constant 0 : i32
      %dma_wait3A_165 = arith.constant 0 : i32
      %dma_wait3A_166 = tpu.memref_slice %arg7[%dma_wait3A_164, %dma_wait3A_165] : memref<40x64xi32, #tpu.memory_space<vmem>> -> memref<1x64xi32, #tpu.memory_space<vmem>>
      %dma_wait3A_167 = tpu.memref_squeeze %dma_wait3A_166 : memref<1x64xi32, #tpu.memory_space<vmem>> -> memref<64xi32, #tpu.memory_space<vmem>>
      %dma_wait3A_168 = arith.constant 0 : i32
      %dma_wait3A_169 = arith.constant 0 : i32
      %dma_wait3A_170 = tpu.memref_slice %arg2[%dma_wait3A_168, %dma_wait3A_169] : memref<10240x128xf32, #tpu.memory_space<hbm>> -> memref<10240x128xf32, #tpu.memory_space<hbm>>
      tpu.wait_indirect_dma semaphore(%arg14 : memref<!tpu.dma_semaphore, #tpu.memory_space<semaphore_mem>>) src(%dma_wait3A_170 : memref<10240x128xf32, #tpu.memory_space<hbm>>) dst(%arg10 : memref<64x128xf32, #tpu.memory_space<vmem>>)
      %run_scoped3A_171 = arith.constant 37 : i32
      "tpu.region"() ({
        %run_scoped3A_189 = tpu.sem_alloc : memref<!tpu.dma_semaphore, #tpu.memory_space<semaphore_mem>>
        %dma_start3A_190 = arith.constant 0 : i32
        %dma_start3A_191 = tpu.memref_slice %arg8[%run_scoped3A_171, %dma_start3A_190] : memref<40x64xi32, #tpu.memory_space<vmem>> -> memref<1x64xi32, #tpu.memory_space<vmem>>
        %dma_start3A_192 = tpu.memref_squeeze %dma_start3A_191 : memref<1x64xi32, #tpu.memory_space<vmem>> -> memref<64xi32, #tpu.memory_space<vmem>>
        %dma_start3A_193 = arith.constant 0 : i32
        %dma_start3A_194 = arith.constant 0 : i32
        %dma_start3A_195 = tpu.memref_slice %arg6[%dma_start3A_193, %dma_start3A_194] : memref<10240x128xf32, #tpu.memory_space<vmem_shared>> -> memref<10240x128xf32, #tpu.memory_space<vmem_shared>>
        tpu.enqueue_indirect_dma source(%arg10 : memref<64x128xf32, #tpu.memory_space<vmem>>) target(%dma_start3A_195 : memref<10240x128xf32, #tpu.memory_space<vmem_shared>>) offsets(%dma_start3A_192 : memref<64xi32, #tpu.memory_space<vmem>>) semaphore(%run_scoped3A_189 : memref<!tpu.dma_semaphore, #tpu.memory_space<semaphore_mem>>) {add = true}
        %dma_wait3A_196 = arith.constant 0 : i32
        %dma_wait3A_197 = tpu.memref_slice %arg8[%run_scoped3A_171, %dma_wait3A_196] : memref<40x64xi32, #tpu.memory_space<vmem>> -> memref<1x64xi32, #tpu.memory_space<vmem>>
        %dma_wait3A_198 = tpu.memref_squeeze %dma_wait3A_197 : memref<1x64xi32, #tpu.memory_space<vmem>> -> memref<64xi32, #tpu.memory_space<vmem>>
        %dma_wait3A_199 = arith.constant 0 : i32
        %dma_wait3A_200 = arith.constant 0 : i32
        %dma_wait3A_201 = tpu.memref_slice %arg6[%dma_wait3A_199, %dma_wait3A_200] : memref<10240x128xf32, #tpu.memory_space<vmem_shared>> -> memref<10240x128xf32, #tpu.memory_space<vmem_shared>>
        tpu.wait_indirect_dma semaphore(%run_scoped3A_189 : memref<!tpu.dma_semaphore, #tpu.memory_space<semaphore_mem>>) src(%arg10 : memref<64x128xf32, #tpu.memory_space<vmem>>) dst(%dma_wait3A_201 : memref<10240x128xf32, #tpu.memory_space<vmem_shared>>)
        tpu.yield
      }) : () -> ()
      %dma_wait3A_172 = arith.constant 0 : i32
      %dma_wait3A_173 = arith.constant 0 : i32
      %dma_wait3A_174 = tpu.memref_slice %arg7[%dma_wait3A_172, %dma_wait3A_173] : memref<40x64xi32, #tpu.memory_space<vmem>> -> memref<1x64xi32, #tpu.memory_space<vmem>>
      %dma_wait3A_175 = tpu.memref_squeeze %dma_wait3A_174 : memref<1x64xi32, #tpu.memory_space<vmem>> -> memref<64xi32, #tpu.memory_space<vmem>>
      %dma_wait3A_176 = arith.constant 0 : i32
      %dma_wait3A_177 = arith.constant 0 : i32
      %dma_wait3A_178 = tpu.memref_slice %arg2[%dma_wait3A_176, %dma_wait3A_177] : memref<10240x128xf32, #tpu.memory_space<hbm>> -> memref<10240x128xf32, #tpu.memory_space<hbm>>
      tpu.wait_indirect_dma semaphore(%arg15 : memref<!tpu.dma_semaphore, #tpu.memory_space<semaphore_mem>>) src(%dma_wait3A_178 : memref<10240x128xf32, #tpu.memory_space<hbm>>) dst(%arg11 : memref<64x128xf32, #tpu.memory_space<vmem>>)
      %run_scoped3A_179 = arith.constant 38 : i32
      "tpu.region"() ({
        %run_scoped3A_189 = tpu.sem_alloc : memref<!tpu.dma_semaphore, #tpu.memory_space<semaphore_mem>>
        %dma_start3A_190 = arith.constant 0 : i32
        %dma_start3A_191 = tpu.memref_slice %arg8[%run_scoped3A_179, %dma_start3A_190] : memref<40x64xi32, #tpu.memory_space<vmem>> -> memref<1x64xi32, #tpu.memory_space<vmem>>
        %dma_start3A_192 = tpu.memref_squeeze %dma_start3A_191 : memref<1x64xi32, #tpu.memory_space<vmem>> -> memref<64xi32, #tpu.memory_space<vmem>>
        %dma_start3A_193 = arith.constant 0 : i32
        %dma_start3A_194 = arith.constant 0 : i32
        %dma_start3A_195 = tpu.memref_slice %arg6[%dma_start3A_193, %dma_start3A_194] : memref<10240x128xf32, #tpu.memory_space<vmem_shared>> -> memref<10240x128xf32, #tpu.memory_space<vmem_shared>>
        tpu.enqueue_indirect_dma source(%arg11 : memref<64x128xf32, #tpu.memory_space<vmem>>) target(%dma_start3A_195 : memref<10240x128xf32, #tpu.memory_space<vmem_shared>>) offsets(%dma_start3A_192 : memref<64xi32, #tpu.memory_space<vmem>>) semaphore(%run_scoped3A_189 : memref<!tpu.dma_semaphore, #tpu.memory_space<semaphore_mem>>) {add = true}
        %dma_wait3A_196 = arith.constant 0 : i32
        %dma_wait3A_197 = tpu.memref_slice %arg8[%run_scoped3A_179, %dma_wait3A_196] : memref<40x64xi32, #tpu.memory_space<vmem>> -> memref<1x64xi32, #tpu.memory_space<vmem>>
        %dma_wait3A_198 = tpu.memref_squeeze %dma_wait3A_197 : memref<1x64xi32, #tpu.memory_space<vmem>> -> memref<64xi32, #tpu.memory_space<vmem>>
        %dma_wait3A_199 = arith.constant 0 : i32
        %dma_wait3A_200 = arith.constant 0 : i32
        %dma_wait3A_201 = tpu.memref_slice %arg6[%dma_wait3A_199, %dma_wait3A_200] : memref<10240x128xf32, #tpu.memory_space<vmem_shared>> -> memref<10240x128xf32, #tpu.memory_space<vmem_shared>>
        tpu.wait_indirect_dma semaphore(%run_scoped3A_189 : memref<!tpu.dma_semaphore, #tpu.memory_space<semaphore_mem>>) src(%arg11 : memref<64x128xf32, #tpu.memory_space<vmem>>) dst(%dma_wait3A_201 : memref<10240x128xf32, #tpu.memory_space<vmem_shared>>)
        tpu.yield
      }) : () -> ()
      %dma_wait3A_180 = arith.constant 0 : i32
      %dma_wait3A_181 = arith.constant 0 : i32
      %dma_wait3A_182 = tpu.memref_slice %arg7[%dma_wait3A_180, %dma_wait3A_181] : memref<40x64xi32, #tpu.memory_space<vmem>> -> memref<1x64xi32, #tpu.memory_space<vmem>>
      %dma_wait3A_183 = tpu.memref_squeeze %dma_wait3A_182 : memref<1x64xi32, #tpu.memory_space<vmem>> -> memref<64xi32, #tpu.memory_space<vmem>>
      %dma_wait3A_184 = arith.constant 0 : i32
      %dma_wait3A_185 = arith.constant 0 : i32
      %dma_wait3A_186 = tpu.memref_slice %arg2[%dma_wait3A_184, %dma_wait3A_185] : memref<10240x128xf32, #tpu.memory_space<hbm>> -> memref<10240x128xf32, #tpu.memory_space<hbm>>
      tpu.wait_indirect_dma semaphore(%arg16 : memref<!tpu.dma_semaphore, #tpu.memory_space<semaphore_mem>>) src(%dma_wait3A_186 : memref<10240x128xf32, #tpu.memory_space<hbm>>) dst(%arg12 : memref<64x128xf32, #tpu.memory_space<vmem>>)
      %run_scoped3A_187 = arith.constant 39 : i32
      "tpu.region"() ({
        %run_scoped3A_189 = tpu.sem_alloc : memref<!tpu.dma_semaphore, #tpu.memory_space<semaphore_mem>>
        %dma_start3A_190 = arith.constant 0 : i32
        %dma_start3A_191 = tpu.memref_slice %arg8[%run_scoped3A_187, %dma_start3A_190] : memref<40x64xi32, #tpu.memory_space<vmem>> -> memref<1x64xi32, #tpu.memory_space<vmem>>
        %dma_start3A_192 = tpu.memref_squeeze %dma_start3A_191 : memref<1x64xi32, #tpu.memory_space<vmem>> -> memref<64xi32, #tpu.memory_space<vmem>>
        %dma_start3A_193 = arith.constant 0 : i32
        %dma_start3A_194 = arith.constant 0 : i32
        %dma_start3A_195 = tpu.memref_slice %arg6[%dma_start3A_193, %dma_start3A_194] : memref<10240x128xf32, #tpu.memory_space<vmem_shared>> -> memref<10240x128xf32, #tpu.memory_space<vmem_shared>>
        tpu.enqueue_indirect_dma source(%arg12 : memref<64x128xf32, #tpu.memory_space<vmem>>) target(%dma_start3A_195 : memref<10240x128xf32, #tpu.memory_space<vmem_shared>>) offsets(%dma_start3A_192 : memref<64xi32, #tpu.memory_space<vmem>>) semaphore(%run_scoped3A_189 : memref<!tpu.dma_semaphore, #tpu.memory_space<semaphore_mem>>) {add = true}
        %dma_wait3A_196 = arith.constant 0 : i32
        %dma_wait3A_197 = tpu.memref_slice %arg8[%run_scoped3A_187, %dma_wait3A_196] : memref<40x64xi32, #tpu.memory_space<vmem>> -> memref<1x64xi32, #tpu.memory_space<vmem>>
        %dma_wait3A_198 = tpu.memref_squeeze %dma_wait3A_197 : memref<1x64xi32, #tpu.memory_space<vmem>> -> memref<64xi32, #tpu.memory_space<vmem>>
        %dma_wait3A_199 = arith.constant 0 : i32
        %dma_wait3A_200 = arith.constant 0 : i32
        %dma_wait3A_201 = tpu.memref_slice %arg6[%dma_wait3A_199, %dma_wait3A_200] : memref<10240x128xf32, #tpu.memory_space<vmem_shared>> -> memref<10240x128xf32, #tpu.memory_space<vmem_shared>>
        tpu.wait_indirect_dma semaphore(%run_scoped3A_189 : memref<!tpu.dma_semaphore, #tpu.memory_space<semaphore_mem>>) src(%arg12 : memref<64x128xf32, #tpu.memory_space<vmem>>) dst(%dma_wait3A_201 : memref<10240x128xf32, #tpu.memory_space<vmem_shared>>)
        tpu.yield
      }) : () -> ()
      %scan3A_188 = arith.constant 0 : i32
      scf.yield %scan3A_188 : i32
    }
    %scan3A_36 = arith.constant 4 : i32
    %barrier3A_37 = arith.constant 0 : index
    tpu.barrier barrier_id(%barrier3A_37)
    %add3A_38 = arith.constant 0 : i32
    %add3A_39 = arith.addi %mul3A_2, %add3A_38 : i32
    "tpu.region"() ({
      %run_scoped3A = tpu.sem_alloc : memref<!tpu.dma_semaphore, #tpu.memory_space<semaphore_mem>>
      %dma_start3A = arith.constant 0 : i32
      %dma_start3A_58 = tpu.memref_slice %arg6[%add3A_39, %dma_start3A] : memref<10240x128xf32, #tpu.memory_space<vmem_shared>> -> memref<64x128xf32, #tpu.memory_space<vmem_shared>>
      %dma_start3A_59 = arith.constant 0 : i32
      %dma_start3A_60 = tpu.memref_slice %arg6[%add3A_39, %dma_start3A_59] : memref<10240x128xf32, #tpu.memory_space<vmem_shared>> -> memref<64x128xf32, #tpu.memory_space<vmem_shared>>
      tpu.enqueue_dma source(%dma_start3A_60 : memref<64x128xf32, #tpu.memory_space<vmem_shared>>) target(%arg9 : memref<64x128xf32, #tpu.memory_space<vmem>>) target_semaphore(%run_scoped3A : memref<!tpu.dma_semaphore, #tpu.memory_space<semaphore_mem>>)
      %dma_wait3A = arith.constant 0 : i32
      %dma_wait3A_61 = tpu.memref_slice %arg6[%add3A_39, %dma_wait3A] : memref<10240x128xf32, #tpu.memory_space<vmem_shared>> -> memref<64x128xf32, #tpu.memory_space<vmem_shared>>
      %dma_wait3A_62 = arith.constant 0 : i32
      %dma_wait3A_63 = tpu.memref_slice %arg6[%add3A_39, %dma_wait3A_62] : memref<10240x128xf32, #tpu.memory_space<vmem_shared>> -> memref<64x128xf32, #tpu.memory_space<vmem_shared>>
      tpu.wait_dma2 semaphore(%run_scoped3A : memref<!tpu.dma_semaphore, #tpu.memory_space<semaphore_mem>>) src(%dma_wait3A_63 : memref<64x128xf32, #tpu.memory_space<vmem_shared>>) dst(%arg9 : memref<64x128xf32, #tpu.memory_space<vmem>>)
      tpu.yield
    }) : () -> ()
    "tpu.region"() ({
      %run_scoped3A = tpu.sem_alloc : memref<!tpu.dma_semaphore, #tpu.memory_space<semaphore_mem>>
      %dma_start3A = arith.constant 0 : i32
      %dma_start3A_58 = tpu.memref_slice %arg5[%arg0, %add3A_39, %dma_start3A] : memref<2x10240x128xf32, #tpu.memory_space<hbm>> -> memref<1x64x128xf32, #tpu.memory_space<hbm>>
      %dma_start3A_59 = tpu.memref_squeeze %dma_start3A_58 : memref<1x64x128xf32, #tpu.memory_space<hbm>> -> memref<64x128xf32, #tpu.memory_space<hbm>>
      %dma_start3A_60 = arith.constant 0 : i32
      %dma_start3A_61 = tpu.memref_slice %arg5[%arg0, %add3A_39, %dma_start3A_60] : memref<2x10240x128xf32, #tpu.memory_space<hbm>> -> memref<1x64x128xf32, #tpu.memory_space<hbm>>
      %dma_start3A_62 = tpu.memref_squeeze %dma_start3A_61 : memref<1x64x128xf32, #tpu.memory_space<hbm>> -> memref<64x128xf32, #tpu.memory_space<hbm>>
      tpu.enqueue_dma source(%arg9 : memref<64x128xf32, #tpu.memory_space<vmem>>) target(%dma_start3A_62 : memref<64x128xf32, #tpu.memory_space<hbm>>) target_semaphore(%run_scoped3A : memref<!tpu.dma_semaphore, #tpu.memory_space<semaphore_mem>>)
      %dma_wait3A = arith.constant 0 : i32
      %dma_wait3A_63 = tpu.memref_slice %arg5[%arg0, %add3A_39, %dma_wait3A] : memref<2x10240x128xf32, #tpu.memory_space<hbm>> -> memref<1x64x128xf32, #tpu.memory_space<hbm>>
      %dma_wait3A_64 = tpu.memref_squeeze %dma_wait3A_63 : memref<1x64x128xf32, #tpu.memory_space<hbm>> -> memref<64x128xf32, #tpu.memory_space<hbm>>
      %dma_wait3A_65 = arith.constant 0 : i32
      %dma_wait3A_66 = tpu.memref_slice %arg5[%arg0, %add3A_39, %dma_wait3A_65] : memref<2x10240x128xf32, #tpu.memory_space<hbm>> -> memref<1x64x128xf32, #tpu.memory_space<hbm>>
      %dma_wait3A_67 = tpu.memref_squeeze %dma_wait3A_66 : memref<1x64x128xf32, #tpu.memory_space<hbm>> -> memref<64x128xf32, #tpu.memory_space<hbm>>
      tpu.wait_dma2 semaphore(%run_scoped3A : memref<!tpu.dma_semaphore, #tpu.memory_space<semaphore_mem>>) src(%arg9 : memref<64x128xf32, #tpu.memory_space<vmem>>) dst(%dma_wait3A_67 : memref<64x128xf32, #tpu.memory_space<hbm>>)
      tpu.yield
    }) : () -> ()
    %add3A_40 = arith.constant 64 : i32
    %add3A_41 = arith.addi %mul3A_2, %add3A_40 : i32
    "tpu.region"() ({
      %run_scoped3A = tpu.sem_alloc : memref<!tpu.dma_semaphore, #tpu.memory_space<semaphore_mem>>
      %dma_start3A = arith.constant 0 : i32
      %dma_start3A_58 = tpu.memref_slice %arg6[%add3A_41, %dma_start3A] : memref<10240x128xf32, #tpu.memory_space<vmem_shared>> -> memref<64x128xf32, #tpu.memory_space<vmem_shared>>
      %dma_start3A_59 = arith.constant 0 : i32
      %dma_start3A_60 = tpu.memref_slice %arg6[%add3A_41, %dma_start3A_59] : memref<10240x128xf32, #tpu.memory_space<vmem_shared>> -> memref<64x128xf32, #tpu.memory_space<vmem_shared>>
      tpu.enqueue_dma source(%dma_start3A_60 : memref<64x128xf32, #tpu.memory_space<vmem_shared>>) target(%arg9 : memref<64x128xf32, #tpu.memory_space<vmem>>) target_semaphore(%run_scoped3A : memref<!tpu.dma_semaphore, #tpu.memory_space<semaphore_mem>>)
      %dma_wait3A = arith.constant 0 : i32
      %dma_wait3A_61 = tpu.memref_slice %arg6[%add3A_41, %dma_wait3A] : memref<10240x128xf32, #tpu.memory_space<vmem_shared>> -> memref<64x128xf32, #tpu.memory_space<vmem_shared>>
      %dma_wait3A_62 = arith.constant 0 : i32
      %dma_wait3A_63 = tpu.memref_slice %arg6[%add3A_41, %dma_wait3A_62] : memref<10240x128xf32, #tpu.memory_space<vmem_shared>> -> memref<64x128xf32, #tpu.memory_space<vmem_shared>>
      tpu.wait_dma2 semaphore(%run_scoped3A : memref<!tpu.dma_semaphore, #tpu.memory_space<semaphore_mem>>) src(%dma_wait3A_63 : memref<64x128xf32, #tpu.memory_space<vmem_shared>>) dst(%arg9 : memref<64x128xf32, #tpu.memory_space<vmem>>)
      tpu.yield
    }) : () -> ()
    "tpu.region"() ({
      %run_scoped3A = tpu.sem_alloc : memref<!tpu.dma_semaphore, #tpu.memory_space<semaphore_mem>>
      %dma_start3A = arith.constant 0 : i32
      %dma_start3A_58 = tpu.memref_slice %arg5[%arg0, %add3A_41, %dma_start3A] : memref<2x10240x128xf32, #tpu.memory_space<hbm>> -> memref<1x64x128xf32, #tpu.memory_space<hbm>>
      %dma_start3A_59 = tpu.memref_squeeze %dma_start3A_58 : memref<1x64x128xf32, #tpu.memory_space<hbm>> -> memref<64x128xf32, #tpu.memory_space<hbm>>
      %dma_start3A_60 = arith.constant 0 : i32
      %dma_start3A_61 = tpu.memref_slice %arg5[%arg0, %add3A_41, %dma_start3A_60] : memref<2x10240x128xf32, #tpu.memory_space<hbm>> -> memref<1x64x128xf32, #tpu.memory_space<hbm>>
      %dma_start3A_62 = tpu.memref_squeeze %dma_start3A_61 : memref<1x64x128xf32, #tpu.memory_space<hbm>> -> memref<64x128xf32, #tpu.memory_space<hbm>>
      tpu.enqueue_dma source(%arg9 : memref<64x128xf32, #tpu.memory_space<vmem>>) target(%dma_start3A_62 : memref<64x128xf32, #tpu.memory_space<hbm>>) target_semaphore(%run_scoped3A : memref<!tpu.dma_semaphore, #tpu.memory_space<semaphore_mem>>)
      %dma_wait3A = arith.constant 0 : i32
      %dma_wait3A_63 = tpu.memref_slice %arg5[%arg0, %add3A_41, %dma_wait3A] : memref<2x10240x128xf32, #tpu.memory_space<hbm>> -> memref<1x64x128xf32, #tpu.memory_space<hbm>>
      %dma_wait3A_64 = tpu.memref_squeeze %dma_wait3A_63 : memref<1x64x128xf32, #tpu.memory_space<hbm>> -> memref<64x128xf32, #tpu.memory_space<hbm>>
      %dma_wait3A_65 = arith.constant 0 : i32
      %dma_wait3A_66 = tpu.memref_slice %arg5[%arg0, %add3A_41, %dma_wait3A_65] : memref<2x10240x128xf32, #tpu.memory_space<hbm>> -> memref<1x64x128xf32, #tpu.memory_space<hbm>>
      %dma_wait3A_67 = tpu.memref_squeeze %dma_wait3A_66 : memref<1x64x128xf32, #tpu.memory_space<hbm>> -> memref<64x128xf32, #tpu.memory_space<hbm>>
      tpu.wait_dma2 semaphore(%run_scoped3A : memref<!tpu.dma_semaphore, #tpu.memory_space<semaphore_mem>>) src(%arg9 : memref<64x128xf32, #tpu.memory_space<vmem>>) dst(%dma_wait3A_67 : memref<64x128xf32, #tpu.memory_space<hbm>>)
      tpu.yield
    }) : () -> ()
    %add3A_42 = arith.constant 128 : i32
    %add3A_43 = arith.addi %mul3A_2, %add3A_42 : i32
    "tpu.region"() ({
      %run_scoped3A = tpu.sem_alloc : memref<!tpu.dma_semaphore, #tpu.memory_space<semaphore_mem>>
      %dma_start3A = arith.constant 0 : i32
      %dma_start3A_58 = tpu.memref_slice %arg6[%add3A_43, %dma_start3A] : memref<10240x128xf32, #tpu.memory_space<vmem_shared>> -> memref<64x128xf32, #tpu.memory_space<vmem_shared>>
      %dma_start3A_59 = arith.constant 0 : i32
      %dma_start3A_60 = tpu.memref_slice %arg6[%add3A_43, %dma_start3A_59] : memref<10240x128xf32, #tpu.memory_space<vmem_shared>> -> memref<64x128xf32, #tpu.memory_space<vmem_shared>>
      tpu.enqueue_dma source(%dma_start3A_60 : memref<64x128xf32, #tpu.memory_space<vmem_shared>>) target(%arg9 : memref<64x128xf32, #tpu.memory_space<vmem>>) target_semaphore(%run_scoped3A : memref<!tpu.dma_semaphore, #tpu.memory_space<semaphore_mem>>)
      %dma_wait3A = arith.constant 0 : i32
      %dma_wait3A_61 = tpu.memref_slice %arg6[%add3A_43, %dma_wait3A] : memref<10240x128xf32, #tpu.memory_space<vmem_shared>> -> memref<64x128xf32, #tpu.memory_space<vmem_shared>>
      %dma_wait3A_62 = arith.constant 0 : i32
      %dma_wait3A_63 = tpu.memref_slice %arg6[%add3A_43, %dma_wait3A_62] : memref<10240x128xf32, #tpu.memory_space<vmem_shared>> -> memref<64x128xf32, #tpu.memory_space<vmem_shared>>
      tpu.wait_dma2 semaphore(%run_scoped3A : memref<!tpu.dma_semaphore, #tpu.memory_space<semaphore_mem>>) src(%dma_wait3A_63 : memref<64x128xf32, #tpu.memory_space<vmem_shared>>) dst(%arg9 : memref<64x128xf32, #tpu.memory_space<vmem>>)
      tpu.yield
    }) : () -> ()
    "tpu.region"() ({
      %run_scoped3A = tpu.sem_alloc : memref<!tpu.dma_semaphore, #tpu.memory_space<semaphore_mem>>
      %dma_start3A = arith.constant 0 : i32
      %dma_start3A_58 = tpu.memref_slice %arg5[%arg0, %add3A_43, %dma_start3A] : memref<2x10240x128xf32, #tpu.memory_space<hbm>> -> memref<1x64x128xf32, #tpu.memory_space<hbm>>
      %dma_start3A_59 = tpu.memref_squeeze %dma_start3A_58 : memref<1x64x128xf32, #tpu.memory_space<hbm>> -> memref<64x128xf32, #tpu.memory_space<hbm>>
      %dma_start3A_60 = arith.constant 0 : i32
      %dma_start3A_61 = tpu.memref_slice %arg5[%arg0, %add3A_43, %dma_start3A_60] : memref<2x10240x128xf32, #tpu.memory_space<hbm>> -> memref<1x64x128xf32, #tpu.memory_space<hbm>>
      %dma_start3A_62 = tpu.memref_squeeze %dma_start3A_61 : memref<1x64x128xf32, #tpu.memory_space<hbm>> -> memref<64x128xf32, #tpu.memory_space<hbm>>
      tpu.enqueue_dma source(%arg9 : memref<64x128xf32, #tpu.memory_space<vmem>>) target(%dma_start3A_62 : memref<64x128xf32, #tpu.memory_space<hbm>>) target_semaphore(%run_scoped3A : memref<!tpu.dma_semaphore, #tpu.memory_space<semaphore_mem>>)
      %dma_wait3A = arith.constant 0 : i32
      %dma_wait3A_63 = tpu.memref_slice %arg5[%arg0, %add3A_43, %dma_wait3A] : memref<2x10240x128xf32, #tpu.memory_space<hbm>> -> memref<1x64x128xf32, #tpu.memory_space<hbm>>
      %dma_wait3A_64 = tpu.memref_squeeze %dma_wait3A_63 : memref<1x64x128xf32, #tpu.memory_space<hbm>> -> memref<64x128xf32, #tpu.memory_space<hbm>>
      %dma_wait3A_65 = arith.constant 0 : i32
      %dma_wait3A_66 = tpu.memref_slice %arg5[%arg0, %add3A_43, %dma_wait3A_65] : memref<2x10240x128xf32, #tpu.memory_space<hbm>> -> memref<1x64x128xf32, #tpu.memory_space<hbm>>
      %dma_wait3A_67 = tpu.memref_squeeze %dma_wait3A_66 : memref<1x64x128xf32, #tpu.memory_space<hbm>> -> memref<64x128xf32, #tpu.memory_space<hbm>>
      tpu.wait_dma2 semaphore(%run_scoped3A : memref<!tpu.dma_semaphore, #tpu.memory_space<semaphore_mem>>) src(%arg9 : memref<64x128xf32, #tpu.memory_space<vmem>>) dst(%dma_wait3A_67 : memref<64x128xf32, #tpu.memory_space<hbm>>)
      tpu.yield
    }) : () -> ()
    %add3A_44 = arith.constant 192 : i32
    %add3A_45 = arith.addi %mul3A_2, %add3A_44 : i32
    "tpu.region"() ({
      %run_scoped3A = tpu.sem_alloc : memref<!tpu.dma_semaphore, #tpu.memory_space<semaphore_mem>>
      %dma_start3A = arith.constant 0 : i32
      %dma_start3A_58 = tpu.memref_slice %arg6[%add3A_45, %dma_start3A] : memref<10240x128xf32, #tpu.memory_space<vmem_shared>> -> memref<64x128xf32, #tpu.memory_space<vmem_shared>>
      %dma_start3A_59 = arith.constant 0 : i32
      %dma_start3A_60 = tpu.memref_slice %arg6[%add3A_45, %dma_start3A_59] : memref<10240x128xf32, #tpu.memory_space<vmem_shared>> -> memref<64x128xf32, #tpu.memory_space<vmem_shared>>
      tpu.enqueue_dma source(%dma_start3A_60 : memref<64x128xf32, #tpu.memory_space<vmem_shared>>) target(%arg9 : memref<64x128xf32, #tpu.memory_space<vmem>>) target_semaphore(%run_scoped3A : memref<!tpu.dma_semaphore, #tpu.memory_space<semaphore_mem>>)
      %dma_wait3A = arith.constant 0 : i32
      %dma_wait3A_61 = tpu.memref_slice %arg6[%add3A_45, %dma_wait3A] : memref<10240x128xf32, #tpu.memory_space<vmem_shared>> -> memref<64x128xf32, #tpu.memory_space<vmem_shared>>
      %dma_wait3A_62 = arith.constant 0 : i32
      %dma_wait3A_63 = tpu.memref_slice %arg6[%add3A_45, %dma_wait3A_62] : memref<10240x128xf32, #tpu.memory_space<vmem_shared>> -> memref<64x128xf32, #tpu.memory_space<vmem_shared>>
      tpu.wait_dma2 semaphore(%run_scoped3A : memref<!tpu.dma_semaphore, #tpu.memory_space<semaphore_mem>>) src(%dma_wait3A_63 : memref<64x128xf32, #tpu.memory_space<vmem_shared>>) dst(%arg9 : memref<64x128xf32, #tpu.memory_space<vmem>>)
      tpu.yield
    }) : () -> ()
    "tpu.region"() ({
      %run_scoped3A = tpu.sem_alloc : memref<!tpu.dma_semaphore, #tpu.memory_space<semaphore_mem>>
      %dma_start3A = arith.constant 0 : i32
      %dma_start3A_58 = tpu.memref_slice %arg5[%arg0, %add3A_45, %dma_start3A] : memref<2x10240x128xf32, #tpu.memory_space<hbm>> -> memref<1x64x128xf32, #tpu.memory_space<hbm>>
      %dma_start3A_59 = tpu.memref_squeeze %dma_start3A_58 : memref<1x64x128xf32, #tpu.memory_space<hbm>> -> memref<64x128xf32, #tpu.memory_space<hbm>>
      %dma_start3A_60 = arith.constant 0 : i32
      %dma_start3A_61 = tpu.memref_slice %arg5[%arg0, %add3A_45, %dma_start3A_60] : memref<2x10240x128xf32, #tpu.memory_space<hbm>> -> memref<1x64x128xf32, #tpu.memory_space<hbm>>
      %dma_start3A_62 = tpu.memref_squeeze %dma_start3A_61 : memref<1x64x128xf32, #tpu.memory_space<hbm>> -> memref<64x128xf32, #tpu.memory_space<hbm>>
      tpu.enqueue_dma source(%arg9 : memref<64x128xf32, #tpu.memory_space<vmem>>) target(%dma_start3A_62 : memref<64x128xf32, #tpu.memory_space<hbm>>) target_semaphore(%run_scoped3A : memref<!tpu.dma_semaphore, #tpu.memory_space<semaphore_mem>>)
      %dma_wait3A = arith.constant 0 : i32
      %dma_wait3A_63 = tpu.memref_slice %arg5[%arg0, %add3A_45, %dma_wait3A] : memref<2x10240x128xf32, #tpu.memory_space<hbm>> -> memref<1x64x128xf32, #tpu.memory_space<hbm>>
      %dma_wait3A_64 = tpu.memref_squeeze %dma_wait3A_63 : memref<1x64x128xf32, #tpu.memory_space<hbm>> -> memref<64x128xf32, #tpu.memory_space<hbm>>
      %dma_wait3A_65 = arith.constant 0 : i32
      %dma_wait3A_66 = tpu.memref_slice %arg5[%arg0, %add3A_45, %dma_wait3A_65] : memref<2x10240x128xf32, #tpu.memory_space<hbm>> -> memref<1x64x128xf32, #tpu.memory_space<hbm>>
      %dma_wait3A_67 = tpu.memref_squeeze %dma_wait3A_66 : memref<1x64x128xf32, #tpu.memory_space<hbm>> -> memref<64x128xf32, #tpu.memory_space<hbm>>
      tpu.wait_dma2 semaphore(%run_scoped3A : memref<!tpu.dma_semaphore, #tpu.memory_space<semaphore_mem>>) src(%arg9 : memref<64x128xf32, #tpu.memory_space<vmem>>) dst(%dma_wait3A_67 : memref<64x128xf32, #tpu.memory_space<hbm>>)
      tpu.yield
    }) : () -> ()
    %add3A_46 = arith.constant 256 : i32
    %add3A_47 = arith.addi %mul3A_2, %add3A_46 : i32
    "tpu.region"() ({
      %run_scoped3A = tpu.sem_alloc : memref<!tpu.dma_semaphore, #tpu.memory_space<semaphore_mem>>
      %dma_start3A = arith.constant 0 : i32
      %dma_start3A_58 = tpu.memref_slice %arg6[%add3A_47, %dma_start3A] : memref<10240x128xf32, #tpu.memory_space<vmem_shared>> -> memref<64x128xf32, #tpu.memory_space<vmem_shared>>
      %dma_start3A_59 = arith.constant 0 : i32
      %dma_start3A_60 = tpu.memref_slice %arg6[%add3A_47, %dma_start3A_59] : memref<10240x128xf32, #tpu.memory_space<vmem_shared>> -> memref<64x128xf32, #tpu.memory_space<vmem_shared>>
      tpu.enqueue_dma source(%dma_start3A_60 : memref<64x128xf32, #tpu.memory_space<vmem_shared>>) target(%arg9 : memref<64x128xf32, #tpu.memory_space<vmem>>) target_semaphore(%run_scoped3A : memref<!tpu.dma_semaphore, #tpu.memory_space<semaphore_mem>>)
      %dma_wait3A = arith.constant 0 : i32
      %dma_wait3A_61 = tpu.memref_slice %arg6[%add3A_47, %dma_wait3A] : memref<10240x128xf32, #tpu.memory_space<vmem_shared>> -> memref<64x128xf32, #tpu.memory_space<vmem_shared>>
      %dma_wait3A_62 = arith.constant 0 : i32
      %dma_wait3A_63 = tpu.memref_slice %arg6[%add3A_47, %dma_wait3A_62] : memref<10240x128xf32, #tpu.memory_space<vmem_shared>> -> memref<64x128xf32, #tpu.memory_space<vmem_shared>>
      tpu.wait_dma2 semaphore(%run_scoped3A : memref<!tpu.dma_semaphore, #tpu.memory_space<semaphore_mem>>) src(%dma_wait3A_63 : memref<64x128xf32, #tpu.memory_space<vmem_shared>>) dst(%arg9 : memref<64x128xf32, #tpu.memory_space<vmem>>)
      tpu.yield
    }) : () -> ()
    "tpu.region"() ({
      %run_scoped3A = tpu.sem_alloc : memref<!tpu.dma_semaphore, #tpu.memory_space<semaphore_mem>>
      %dma_start3A = arith.constant 0 : i32
      %dma_start3A_58 = tpu.memref_slice %arg5[%arg0, %add3A_47, %dma_start3A] : memref<2x10240x128xf32, #tpu.memory_space<hbm>> -> memref<1x64x128xf32, #tpu.memory_space<hbm>>
      %dma_start3A_59 = tpu.memref_squeeze %dma_start3A_58 : memref<1x64x128xf32, #tpu.memory_space<hbm>> -> memref<64x128xf32, #tpu.memory_space<hbm>>
      %dma_start3A_60 = arith.constant 0 : i32
      %dma_start3A_61 = tpu.memref_slice %arg5[%arg0, %add3A_47, %dma_start3A_60] : memref<2x10240x128xf32, #tpu.memory_space<hbm>> -> memref<1x64x128xf32, #tpu.memory_space<hbm>>
      %dma_start3A_62 = tpu.memref_squeeze %dma_start3A_61 : memref<1x64x128xf32, #tpu.memory_space<hbm>> -> memref<64x128xf32, #tpu.memory_space<hbm>>
      tpu.enqueue_dma source(%arg9 : memref<64x128xf32, #tpu.memory_space<vmem>>) target(%dma_start3A_62 : memref<64x128xf32, #tpu.memory_space<hbm>>) target_semaphore(%run_scoped3A : memref<!tpu.dma_semaphore, #tpu.memory_space<semaphore_mem>>)
      %dma_wait3A = arith.constant 0 : i32
      %dma_wait3A_63 = tpu.memref_slice %arg5[%arg0, %add3A_47, %dma_wait3A] : memref<2x10240x128xf32, #tpu.memory_space<hbm>> -> memref<1x64x128xf32, #tpu.memory_space<hbm>>
      %dma_wait3A_64 = tpu.memref_squeeze %dma_wait3A_63 : memref<1x64x128xf32, #tpu.memory_space<hbm>> -> memref<64x128xf32, #tpu.memory_space<hbm>>
      %dma_wait3A_65 = arith.constant 0 : i32
      %dma_wait3A_66 = tpu.memref_slice %arg5[%arg0, %add3A_47, %dma_wait3A_65] : memref<2x10240x128xf32, #tpu.memory_space<hbm>> -> memref<1x64x128xf32, #tpu.memory_space<hbm>>
      %dma_wait3A_67 = tpu.memref_squeeze %dma_wait3A_66 : memref<1x64x128xf32, #tpu.memory_space<hbm>> -> memref<64x128xf32, #tpu.memory_space<hbm>>
      tpu.wait_dma2 semaphore(%run_scoped3A : memref<!tpu.dma_semaphore, #tpu.memory_space<semaphore_mem>>) src(%arg9 : memref<64x128xf32, #tpu.memory_space<vmem>>) dst(%dma_wait3A_67 : memref<64x128xf32, #tpu.memory_space<hbm>>)
      tpu.yield
    }) : () -> ()
    %add3A_48 = arith.constant 320 : i32
    %add3A_49 = arith.addi %mul3A_2, %add3A_48 : i32
    "tpu.region"() ({
      %run_scoped3A = tpu.sem_alloc : memref<!tpu.dma_semaphore, #tpu.memory_space<semaphore_mem>>
      %dma_start3A = arith.constant 0 : i32
      %dma_start3A_58 = tpu.memref_slice %arg6[%add3A_49, %dma_start3A] : memref<10240x128xf32, #tpu.memory_space<vmem_shared>> -> memref<64x128xf32, #tpu.memory_space<vmem_shared>>
      %dma_start3A_59 = arith.constant 0 : i32
      %dma_start3A_60 = tpu.memref_slice %arg6[%add3A_49, %dma_start3A_59] : memref<10240x128xf32, #tpu.memory_space<vmem_shared>> -> memref<64x128xf32, #tpu.memory_space<vmem_shared>>
      tpu.enqueue_dma source(%dma_start3A_60 : memref<64x128xf32, #tpu.memory_space<vmem_shared>>) target(%arg9 : memref<64x128xf32, #tpu.memory_space<vmem>>) target_semaphore(%run_scoped3A : memref<!tpu.dma_semaphore, #tpu.memory_space<semaphore_mem>>)
      %dma_wait3A = arith.constant 0 : i32
      %dma_wait3A_61 = tpu.memref_slice %arg6[%add3A_49, %dma_wait3A] : memref<10240x128xf32, #tpu.memory_space<vmem_shared>> -> memref<64x128xf32, #tpu.memory_space<vmem_shared>>
      %dma_wait3A_62 = arith.constant 0 : i32
      %dma_wait3A_63 = tpu.memref_slice %arg6[%add3A_49, %dma_wait3A_62] : memref<10240x128xf32, #tpu.memory_space<vmem_shared>> -> memref<64x128xf32, #tpu.memory_space<vmem_shared>>
      tpu.wait_dma2 semaphore(%run_scoped3A : memref<!tpu.dma_semaphore, #tpu.memory_space<semaphore_mem>>) src(%dma_wait3A_63 : memref<64x128xf32, #tpu.memory_space<vmem_shared>>) dst(%arg9 : memref<64x128xf32, #tpu.memory_space<vmem>>)
      tpu.yield
    }) : () -> ()
    "tpu.region"() ({
      %run_scoped3A = tpu.sem_alloc : memref<!tpu.dma_semaphore, #tpu.memory_space<semaphore_mem>>
      %dma_start3A = arith.constant 0 : i32
      %dma_start3A_58 = tpu.memref_slice %arg5[%arg0, %add3A_49, %dma_start3A] : memref<2x10240x128xf32, #tpu.memory_space<hbm>> -> memref<1x64x128xf32, #tpu.memory_space<hbm>>
      %dma_start3A_59 = tpu.memref_squeeze %dma_start3A_58 : memref<1x64x128xf32, #tpu.memory_space<hbm>> -> memref<64x128xf32, #tpu.memory_space<hbm>>
      %dma_start3A_60 = arith.constant 0 : i32
      %dma_start3A_61 = tpu.memref_slice %arg5[%arg0, %add3A_49, %dma_start3A_60] : memref<2x10240x128xf32, #tpu.memory_space<hbm>> -> memref<1x64x128xf32, #tpu.memory_space<hbm>>
      %dma_start3A_62 = tpu.memref_squeeze %dma_start3A_61 : memref<1x64x128xf32, #tpu.memory_space<hbm>> -> memref<64x128xf32, #tpu.memory_space<hbm>>
      tpu.enqueue_dma source(%arg9 : memref<64x128xf32, #tpu.memory_space<vmem>>) target(%dma_start3A_62 : memref<64x128xf32, #tpu.memory_space<hbm>>) target_semaphore(%run_scoped3A : memref<!tpu.dma_semaphore, #tpu.memory_space<semaphore_mem>>)
      %dma_wait3A = arith.constant 0 : i32
      %dma_wait3A_63 = tpu.memref_slice %arg5[%arg0, %add3A_49, %dma_wait3A] : memref<2x10240x128xf32, #tpu.memory_space<hbm>> -> memref<1x64x128xf32, #tpu.memory_space<hbm>>
      %dma_wait3A_64 = tpu.memref_squeeze %dma_wait3A_63 : memref<1x64x128xf32, #tpu.memory_space<hbm>> -> memref<64x128xf32, #tpu.memory_space<hbm>>
      %dma_wait3A_65 = arith.constant 0 : i32
      %dma_wait3A_66 = tpu.memref_slice %arg5[%arg0, %add3A_49, %dma_wait3A_65] : memref<2x10240x128xf32, #tpu.memory_space<hbm>> -> memref<1x64x128xf32, #tpu.memory_space<hbm>>
      %dma_wait3A_67 = tpu.memref_squeeze %dma_wait3A_66 : memref<1x64x128xf32, #tpu.memory_space<hbm>> -> memref<64x128xf32, #tpu.memory_space<hbm>>
      tpu.wait_dma2 semaphore(%run_scoped3A : memref<!tpu.dma_semaphore, #tpu.memory_space<semaphore_mem>>) src(%arg9 : memref<64x128xf32, #tpu.memory_space<vmem>>) dst(%dma_wait3A_67 : memref<64x128xf32, #tpu.memory_space<hbm>>)
      tpu.yield
    }) : () -> ()
    %add3A_50 = arith.constant 384 : i32
    %add3A_51 = arith.addi %mul3A_2, %add3A_50 : i32
    "tpu.region"() ({
      %run_scoped3A = tpu.sem_alloc : memref<!tpu.dma_semaphore, #tpu.memory_space<semaphore_mem>>
      %dma_start3A = arith.constant 0 : i32
      %dma_start3A_58 = tpu.memref_slice %arg6[%add3A_51, %dma_start3A] : memref<10240x128xf32, #tpu.memory_space<vmem_shared>> -> memref<64x128xf32, #tpu.memory_space<vmem_shared>>
      %dma_start3A_59 = arith.constant 0 : i32
      %dma_start3A_60 = tpu.memref_slice %arg6[%add3A_51, %dma_start3A_59] : memref<10240x128xf32, #tpu.memory_space<vmem_shared>> -> memref<64x128xf32, #tpu.memory_space<vmem_shared>>
      tpu.enqueue_dma source(%dma_start3A_60 : memref<64x128xf32, #tpu.memory_space<vmem_shared>>) target(%arg9 : memref<64x128xf32, #tpu.memory_space<vmem>>) target_semaphore(%run_scoped3A : memref<!tpu.dma_semaphore, #tpu.memory_space<semaphore_mem>>)
      %dma_wait3A = arith.constant 0 : i32
      %dma_wait3A_61 = tpu.memref_slice %arg6[%add3A_51, %dma_wait3A] : memref<10240x128xf32, #tpu.memory_space<vmem_shared>> -> memref<64x128xf32, #tpu.memory_space<vmem_shared>>
      %dma_wait3A_62 = arith.constant 0 : i32
      %dma_wait3A_63 = tpu.memref_slice %arg6[%add3A_51, %dma_wait3A_62] : memref<10240x128xf32, #tpu.memory_space<vmem_shared>> -> memref<64x128xf32, #tpu.memory_space<vmem_shared>>
      tpu.wait_dma2 semaphore(%run_scoped3A : memref<!tpu.dma_semaphore, #tpu.memory_space<semaphore_mem>>) src(%dma_wait3A_63 : memref<64x128xf32, #tpu.memory_space<vmem_shared>>) dst(%arg9 : memref<64x128xf32, #tpu.memory_space<vmem>>)
      tpu.yield
    }) : () -> ()
    "tpu.region"() ({
      %run_scoped3A = tpu.sem_alloc : memref<!tpu.dma_semaphore, #tpu.memory_space<semaphore_mem>>
      %dma_start3A = arith.constant 0 : i32
      %dma_start3A_58 = tpu.memref_slice %arg5[%arg0, %add3A_51, %dma_start3A] : memref<2x10240x128xf32, #tpu.memory_space<hbm>> -> memref<1x64x128xf32, #tpu.memory_space<hbm>>
      %dma_start3A_59 = tpu.memref_squeeze %dma_start3A_58 : memref<1x64x128xf32, #tpu.memory_space<hbm>> -> memref<64x128xf32, #tpu.memory_space<hbm>>
      %dma_start3A_60 = arith.constant 0 : i32
      %dma_start3A_61 = tpu.memref_slice %arg5[%arg0, %add3A_51, %dma_start3A_60] : memref<2x10240x128xf32, #tpu.memory_space<hbm>> -> memref<1x64x128xf32, #tpu.memory_space<hbm>>
      %dma_start3A_62 = tpu.memref_squeeze %dma_start3A_61 : memref<1x64x128xf32, #tpu.memory_space<hbm>> -> memref<64x128xf32, #tpu.memory_space<hbm>>
      tpu.enqueue_dma source(%arg9 : memref<64x128xf32, #tpu.memory_space<vmem>>) target(%dma_start3A_62 : memref<64x128xf32, #tpu.memory_space<hbm>>) target_semaphore(%run_scoped3A : memref<!tpu.dma_semaphore, #tpu.memory_space<semaphore_mem>>)
      %dma_wait3A = arith.constant 0 : i32
      %dma_wait3A_63 = tpu.memref_slice %arg5[%arg0, %add3A_51, %dma_wait3A] : memref<2x10240x128xf32, #tpu.memory_space<hbm>> -> memref<1x64x128xf32, #tpu.memory_space<hbm>>
      %dma_wait3A_64 = tpu.memref_squeeze %dma_wait3A_63 : memref<1x64x128xf32, #tpu.memory_space<hbm>> -> memref<64x128xf32, #tpu.memory_space<hbm>>
      %dma_wait3A_65 = arith.constant 0 : i32
      %dma_wait3A_66 = tpu.memref_slice %arg5[%arg0, %add3A_51, %dma_wait3A_65] : memref<2x10240x128xf32, #tpu.memory_space<hbm>> -> memref<1x64x128xf32, #tpu.memory_space<hbm>>
      %dma_wait3A_67 = tpu.memref_squeeze %dma_wait3A_66 : memref<1x64x128xf32, #tpu.memory_space<hbm>> -> memref<64x128xf32, #tpu.memory_space<hbm>>
      tpu.wait_dma2 semaphore(%run_scoped3A : memref<!tpu.dma_semaphore, #tpu.memory_space<semaphore_mem>>) src(%arg9 : memref<64x128xf32, #tpu.memory_space<vmem>>) dst(%dma_wait3A_67 : memref<64x128xf32, #tpu.memory_space<hbm>>)
      tpu.yield
    }) : () -> ()
    %add3A_52 = arith.constant 448 : i32
    %add3A_53 = arith.addi %mul3A_2, %add3A_52 : i32
    "tpu.region"() ({
      %run_scoped3A = tpu.sem_alloc : memref<!tpu.dma_semaphore, #tpu.memory_space<semaphore_mem>>
      %dma_start3A = arith.constant 0 : i32
      %dma_start3A_58 = tpu.memref_slice %arg6[%add3A_53, %dma_start3A] : memref<10240x128xf32, #tpu.memory_space<vmem_shared>> -> memref<64x128xf32, #tpu.memory_space<vmem_shared>>
      %dma_start3A_59 = arith.constant 0 : i32
      %dma_start3A_60 = tpu.memref_slice %arg6[%add3A_53, %dma_start3A_59] : memref<10240x128xf32, #tpu.memory_space<vmem_shared>> -> memref<64x128xf32, #tpu.memory_space<vmem_shared>>
      tpu.enqueue_dma source(%dma_start3A_60 : memref<64x128xf32, #tpu.memory_space<vmem_shared>>) target(%arg9 : memref<64x128xf32, #tpu.memory_space<vmem>>) target_semaphore(%run_scoped3A : memref<!tpu.dma_semaphore, #tpu.memory_space<semaphore_mem>>)
      %dma_wait3A = arith.constant 0 : i32
      %dma_wait3A_61 = tpu.memref_slice %arg6[%add3A_53, %dma_wait3A] : memref<10240x128xf32, #tpu.memory_space<vmem_shared>> -> memref<64x128xf32, #tpu.memory_space<vmem_shared>>
      %dma_wait3A_62 = arith.constant 0 : i32
      %dma_wait3A_63 = tpu.memref_slice %arg6[%add3A_53, %dma_wait3A_62] : memref<10240x128xf32, #tpu.memory_space<vmem_shared>> -> memref<64x128xf32, #tpu.memory_space<vmem_shared>>
      tpu.wait_dma2 semaphore(%run_scoped3A : memref<!tpu.dma_semaphore, #tpu.memory_space<semaphore_mem>>) src(%dma_wait3A_63 : memref<64x128xf32, #tpu.memory_space<vmem_shared>>) dst(%arg9 : memref<64x128xf32, #tpu.memory_space<vmem>>)
      tpu.yield
    }) : () -> ()
    "tpu.region"() ({
      %run_scoped3A = tpu.sem_alloc : memref<!tpu.dma_semaphore, #tpu.memory_space<semaphore_mem>>
      %dma_start3A = arith.constant 0 : i32
      %dma_start3A_58 = tpu.memref_slice %arg5[%arg0, %add3A_53, %dma_start3A] : memref<2x10240x128xf32, #tpu.memory_space<hbm>> -> memref<1x64x128xf32, #tpu.memory_space<hbm>>
      %dma_start3A_59 = tpu.memref_squeeze %dma_start3A_58 : memref<1x64x128xf32, #tpu.memory_space<hbm>> -> memref<64x128xf32, #tpu.memory_space<hbm>>
      %dma_start3A_60 = arith.constant 0 : i32
      %dma_start3A_61 = tpu.memref_slice %arg5[%arg0, %add3A_53, %dma_start3A_60] : memref<2x10240x128xf32, #tpu.memory_space<hbm>> -> memref<1x64x128xf32, #tpu.memory_space<hbm>>
      %dma_start3A_62 = tpu.memref_squeeze %dma_start3A_61 : memref<1x64x128xf32, #tpu.memory_space<hbm>> -> memref<64x128xf32, #tpu.memory_space<hbm>>
      tpu.enqueue_dma source(%arg9 : memref<64x128xf32, #tpu.memory_space<vmem>>) target(%dma_start3A_62 : memref<64x128xf32, #tpu.memory_space<hbm>>) target_semaphore(%run_scoped3A : memref<!tpu.dma_semaphore, #tpu.memory_space<semaphore_mem>>)
      %dma_wait3A = arith.constant 0 : i32
      %dma_wait3A_63 = tpu.memref_slice %arg5[%arg0, %add3A_53, %dma_wait3A] : memref<2x10240x128xf32, #tpu.memory_space<hbm>> -> memref<1x64x128xf32, #tpu.memory_space<hbm>>
      %dma_wait3A_64 = tpu.memref_squeeze %dma_wait3A_63 : memref<1x64x128xf32, #tpu.memory_space<hbm>> -> memref<64x128xf32, #tpu.memory_space<hbm>>
      %dma_wait3A_65 = arith.constant 0 : i32
      %dma_wait3A_66 = tpu.memref_slice %arg5[%arg0, %add3A_53, %dma_wait3A_65] : memref<2x10240x128xf32, #tpu.memory_space<hbm>> -> memref<1x64x128xf32, #tpu.memory_space<hbm>>
      %dma_wait3A_67 = tpu.memref_squeeze %dma_wait3A_66 : memref<1x64x128xf32, #tpu.memory_space<hbm>> -> memref<64x128xf32, #tpu.memory_space<hbm>>
      tpu.wait_dma2 semaphore(%run_scoped3A : memref<!tpu.dma_semaphore, #tpu.memory_space<semaphore_mem>>) src(%arg9 : memref<64x128xf32, #tpu.memory_space<vmem>>) dst(%dma_wait3A_67 : memref<64x128xf32, #tpu.memory_space<hbm>>)
      tpu.yield
    }) : () -> ()
    %add3A_54 = arith.constant 512 : i32
    %add3A_55 = arith.addi %mul3A_2, %add3A_54 : i32
    "tpu.region"() ({
      %run_scoped3A = tpu.sem_alloc : memref<!tpu.dma_semaphore, #tpu.memory_space<semaphore_mem>>
      %dma_start3A = arith.constant 0 : i32
      %dma_start3A_58 = tpu.memref_slice %arg6[%add3A_55, %dma_start3A] : memref<10240x128xf32, #tpu.memory_space<vmem_shared>> -> memref<64x128xf32, #tpu.memory_space<vmem_shared>>
      %dma_start3A_59 = arith.constant 0 : i32
      %dma_start3A_60 = tpu.memref_slice %arg6[%add3A_55, %dma_start3A_59] : memref<10240x128xf32, #tpu.memory_space<vmem_shared>> -> memref<64x128xf32, #tpu.memory_space<vmem_shared>>
      tpu.enqueue_dma source(%dma_start3A_60 : memref<64x128xf32, #tpu.memory_space<vmem_shared>>) target(%arg9 : memref<64x128xf32, #tpu.memory_space<vmem>>) target_semaphore(%run_scoped3A : memref<!tpu.dma_semaphore, #tpu.memory_space<semaphore_mem>>)
      %dma_wait3A = arith.constant 0 : i32
      %dma_wait3A_61 = tpu.memref_slice %arg6[%add3A_55, %dma_wait3A] : memref<10240x128xf32, #tpu.memory_space<vmem_shared>> -> memref<64x128xf32, #tpu.memory_space<vmem_shared>>
      %dma_wait3A_62 = arith.constant 0 : i32
      %dma_wait3A_63 = tpu.memref_slice %arg6[%add3A_55, %dma_wait3A_62] : memref<10240x128xf32, #tpu.memory_space<vmem_shared>> -> memref<64x128xf32, #tpu.memory_space<vmem_shared>>
      tpu.wait_dma2 semaphore(%run_scoped3A : memref<!tpu.dma_semaphore, #tpu.memory_space<semaphore_mem>>) src(%dma_wait3A_63 : memref<64x128xf32, #tpu.memory_space<vmem_shared>>) dst(%arg9 : memref<64x128xf32, #tpu.memory_space<vmem>>)
      tpu.yield
    }) : () -> ()
    "tpu.region"() ({
      %run_scoped3A = tpu.sem_alloc : memref<!tpu.dma_semaphore, #tpu.memory_space<semaphore_mem>>
      %dma_start3A = arith.constant 0 : i32
      %dma_start3A_58 = tpu.memref_slice %arg5[%arg0, %add3A_55, %dma_start3A] : memref<2x10240x128xf32, #tpu.memory_space<hbm>> -> memref<1x64x128xf32, #tpu.memory_space<hbm>>
      %dma_start3A_59 = tpu.memref_squeeze %dma_start3A_58 : memref<1x64x128xf32, #tpu.memory_space<hbm>> -> memref<64x128xf32, #tpu.memory_space<hbm>>
      %dma_start3A_60 = arith.constant 0 : i32
      %dma_start3A_61 = tpu.memref_slice %arg5[%arg0, %add3A_55, %dma_start3A_60] : memref<2x10240x128xf32, #tpu.memory_space<hbm>> -> memref<1x64x128xf32, #tpu.memory_space<hbm>>
      %dma_start3A_62 = tpu.memref_squeeze %dma_start3A_61 : memref<1x64x128xf32, #tpu.memory_space<hbm>> -> memref<64x128xf32, #tpu.memory_space<hbm>>
      tpu.enqueue_dma source(%arg9 : memref<64x128xf32, #tpu.memory_space<vmem>>) target(%dma_start3A_62 : memref<64x128xf32, #tpu.memory_space<hbm>>) target_semaphore(%run_scoped3A : memref<!tpu.dma_semaphore, #tpu.memory_space<semaphore_mem>>)
      %dma_wait3A = arith.constant 0 : i32
      %dma_wait3A_63 = tpu.memref_slice %arg5[%arg0, %add3A_55, %dma_wait3A] : memref<2x10240x128xf32, #tpu.memory_space<hbm>> -> memref<1x64x128xf32, #tpu.memory_space<hbm>>
      %dma_wait3A_64 = tpu.memref_squeeze %dma_wait3A_63 : memref<1x64x128xf32, #tpu.memory_space<hbm>> -> memref<64x128xf32, #tpu.memory_space<hbm>>
      %dma_wait3A_65 = arith.constant 0 : i32
      %dma_wait3A_66 = tpu.memref_slice %arg5[%arg0, %add3A_55, %dma_wait3A_65] : memref<2x10240x128xf32, #tpu.memory_space<hbm>> -> memref<1x64x128xf32, #tpu.memory_space<hbm>>
      %dma_wait3A_67 = tpu.memref_squeeze %dma_wait3A_66 : memref<1x64x128xf32, #tpu.memory_space<hbm>> -> memref<64x128xf32, #tpu.memory_space<hbm>>
      tpu.wait_dma2 semaphore(%run_scoped3A : memref<!tpu.dma_semaphore, #tpu.memory_space<semaphore_mem>>) src(%arg9 : memref<64x128xf32, #tpu.memory_space<vmem>>) dst(%dma_wait3A_67 : memref<64x128xf32, #tpu.memory_space<hbm>>)
      tpu.yield
    }) : () -> ()
    %add3A_56 = arith.constant 576 : i32
    %add3A_57 = arith.addi %mul3A_2, %add3A_56 : i32
    "tpu.region"() ({
      %run_scoped3A = tpu.sem_alloc : memref<!tpu.dma_semaphore, #tpu.memory_space<semaphore_mem>>
      %dma_start3A = arith.constant 0 : i32
      %dma_start3A_58 = tpu.memref_slice %arg6[%add3A_57, %dma_start3A] : memref<10240x128xf32, #tpu.memory_space<vmem_shared>> -> memref<64x128xf32, #tpu.memory_space<vmem_shared>>
      %dma_start3A_59 = arith.constant 0 : i32
      %dma_start3A_60 = tpu.memref_slice %arg6[%add3A_57, %dma_start3A_59] : memref<10240x128xf32, #tpu.memory_space<vmem_shared>> -> memref<64x128xf32, #tpu.memory_space<vmem_shared>>
      tpu.enqueue_dma source(%dma_start3A_60 : memref<64x128xf32, #tpu.memory_space<vmem_shared>>) target(%arg9 : memref<64x128xf32, #tpu.memory_space<vmem>>) target_semaphore(%run_scoped3A : memref<!tpu.dma_semaphore, #tpu.memory_space<semaphore_mem>>)
      %dma_wait3A = arith.constant 0 : i32
      %dma_wait3A_61 = tpu.memref_slice %arg6[%add3A_57, %dma_wait3A] : memref<10240x128xf32, #tpu.memory_space<vmem_shared>> -> memref<64x128xf32, #tpu.memory_space<vmem_shared>>
      %dma_wait3A_62 = arith.constant 0 : i32
      %dma_wait3A_63 = tpu.memref_slice %arg6[%add3A_57, %dma_wait3A_62] : memref<10240x128xf32, #tpu.memory_space<vmem_shared>> -> memref<64x128xf32, #tpu.memory_space<vmem_shared>>
      tpu.wait_dma2 semaphore(%run_scoped3A : memref<!tpu.dma_semaphore, #tpu.memory_space<semaphore_mem>>) src(%dma_wait3A_63 : memref<64x128xf32, #tpu.memory_space<vmem_shared>>) dst(%arg9 : memref<64x128xf32, #tpu.memory_space<vmem>>)
      tpu.yield
    }) : () -> ()
    "tpu.region"() ({
      %run_scoped3A = tpu.sem_alloc : memref<!tpu.dma_semaphore, #tpu.memory_space<semaphore_mem>>
      %dma_start3A = arith.constant 0 : i32
      %dma_start3A_58 = tpu.memref_slice %arg5[%arg0, %add3A_57, %dma_start3A] : memref<2x10240x128xf32, #tpu.memory_space<hbm>> -> memref<1x64x128xf32, #tpu.memory_space<hbm>>
      %dma_start3A_59 = tpu.memref_squeeze %dma_start3A_58 : memref<1x64x128xf32, #tpu.memory_space<hbm>> -> memref<64x128xf32, #tpu.memory_space<hbm>>
      %dma_start3A_60 = arith.constant 0 : i32
      %dma_start3A_61 = tpu.memref_slice %arg5[%arg0, %add3A_57, %dma_start3A_60] : memref<2x10240x128xf32, #tpu.memory_space<hbm>> -> memref<1x64x128xf32, #tpu.memory_space<hbm>>
      %dma_start3A_62 = tpu.memref_squeeze %dma_start3A_61 : memref<1x64x128xf32, #tpu.memory_space<hbm>> -> memref<64x128xf32, #tpu.memory_space<hbm>>
      tpu.enqueue_dma source(%arg9 : memref<64x128xf32, #tpu.memory_space<vmem>>) target(%dma_start3A_62 : memref<64x128xf32, #tpu.memory_space<hbm>>) target_semaphore(%run_scoped3A : memref<!tpu.dma_semaphore, #tpu.memory_space<semaphore_mem>>)
      %dma_wait3A = arith.constant 0 : i32
      %dma_wait3A_63 = tpu.memref_slice %arg5[%arg0, %add3A_57, %dma_wait3A] : memref<2x10240x128xf32, #tpu.memory_space<hbm>> -> memref<1x64x128xf32, #tpu.memory_space<hbm>>
      %dma_wait3A_64 = tpu.memref_squeeze %dma_wait3A_63 : memref<1x64x128xf32, #tpu.memory_space<hbm>> -> memref<64x128xf32, #tpu.memory_space<hbm>>
      %dma_wait3A_65 = arith.constant 0 : i32
      %dma_wait3A_66 = tpu.memref_slice %arg5[%arg0, %add3A_57, %dma_wait3A_65] : memref<2x10240x128xf32, #tpu.memory_space<hbm>> -> memref<1x64x128xf32, #tpu.memory_space<hbm>>
      %dma_wait3A_67 = tpu.memref_squeeze %dma_wait3A_66 : memref<1x64x128xf32, #tpu.memory_space<hbm>> -> memref<64x128xf32, #tpu.memory_space<hbm>>
      tpu.wait_dma2 semaphore(%run_scoped3A : memref<!tpu.dma_semaphore, #tpu.memory_space<semaphore_mem>>) src(%arg9 : memref<64x128xf32, #tpu.memory_space<vmem>>) dst(%dma_wait3A_67 : memref<64x128xf32, #tpu.memory_space<hbm>>)
      tpu.yield
    }) : () -> ()
    return
  }
}

module attributes {stable_mosaic.version = 14 : i64} {
  func.func @_project_body(%arg0: i32, %arg1: memref<128x512xf32, #tpu.memory_space<vmem>>, %arg2: memref<128x128xf32, #tpu.memory_space<vmem>>, %arg3: memref<512x128xf32, #tpu.memory_space<vmem>>) attributes {dimension_semantics = [#tpu.dimension_semantics<arbitrary>], iteration_bounds = array<i64: 20>, scalar_prefetch = 0 : i64, scratch_operands = 0 : i64, tpu.core_type = #tpu.core_type<tc>, window_params = [{transform_indices = @transform_0, window_bounds = array<i64: 128, 512>}, {pipeline_mode = #tpu.pipeline_mode<synchronous>, transform_indices = @transform_1, window_bounds = array<i64: 128, 128>}, {transform_indices = @transform_2, window_bounds = array<i64: 512, 128>}]} {
    %get3A = arith.constant 0 : index
    %get3A_0 = arith.constant 0 : index
    %get3A_1 = vector.load %arg1[%get3A, %get3A_0] : memref<128x512xf32, #tpu.memory_space<vmem>>, vector<128x512xf32>
    %get3A_2 = arith.constant 0 : index
    %get3A_3 = arith.constant 0 : index
    %get3A_4 = vector.load %arg2[%get3A_2, %get3A_3] : memref<128x128xf32, #tpu.memory_space<vmem>>, vector<128x128xf32>
    %dot_general3A = arith.constant dense<0.000000e+00> : vector<512x128xf32>
    %dot_general3A_5 = tpu.matmul %get3A_1, %get3A_4, %dot_general3A {dimension_numbers = #tpu.dot_dimension_numbers<[0], [0], [1], [1], [0, 1, 1, 1], [], []>, transpose_lhs_hint = false} : vector<128x512xf32>, vector<128x128xf32>, vector<512x128xf32> -> vector<512x128xf32>
    %swap3A = arith.constant 0 : index
    %swap3A_6 = arith.constant 0 : index
    %swap3A_7 = vector.load %arg3[%swap3A, %swap3A_6] : memref<512x128xf32, #tpu.memory_space<vmem>>, vector<512x128xf32>
    tpu.vector_store %arg3[%swap3A, %swap3A_6], %dot_general3A_5 {strides = array<i32>} : memref<512x128xf32, #tpu.memory_space<vmem>>, vector<512x128xf32>,
    return
  }
  func.func @transform_0(%arg0: i32) -> (i32, i32) {
    %c0_i32 = arith.constant 0 : i32
    %c0_i32_0 = arith.constant 0 : i32
    return %c0_i32, %arg0 : i32, i32
  }
  func.func @transform_1(%arg0: i32) -> (i32, i32) {
    %c0_i32 = arith.constant 0 : i32
    %c0_i32_0 = arith.constant 0 : i32
    %c0_i32_1 = arith.constant 0 : i32
    return %c0_i32, %c0_i32_0 : i32, i32
  }
  func.func @transform_2(%arg0: i32) -> (i32, i32) {
    %c0_i32 = arith.constant 0 : i32
    %c0_i32_0 = arith.constant 0 : i32
    return %arg0, %c0_i32 : i32, i32
  }
}

module attributes {stable_mosaic.version = 14 : i64} {
  func.func @_combine1_body(%arg0: i32, %arg1: memref<128x512xf32, #tpu.memory_space<vmem>>, %arg2: memref<2x512x128xf32, #tpu.memory_space<vmem>>, %arg3: memref<2x512x128xf32, #tpu.memory_space<vmem>>, %arg4: memref<128x128xf32, #tpu.memory_space<vmem>>, %arg5: memref<1x128xf32, #tpu.memory_space<vmem>>, %arg6: memref<128x128xf32, #tpu.memory_space<vmem>>, %arg7: memref<512x128xf32, #tpu.memory_space<vmem>>, %arg8: memref<512x128xf32, #tpu.memory_space<vmem>>, %arg9: memref<1x512xf32, #tpu.memory_space<vmem>>) attributes {dimension_semantics = [#tpu.dimension_semantics<arbitrary>], iteration_bounds = array<i64: 20>, scalar_prefetch = 0 : i64, scratch_operands = 0 : i64, tpu.core_type = #tpu.core_type<tc>, window_params = [{transform_indices = @transform_0, window_bounds = array<i64: 128, 512>}, {transform_indices = @transform_1, window_bounds = array<i64: 2, 512, 128>}, {transform_indices = @transform_2, window_bounds = array<i64: 2, 512, 128>}, {pipeline_mode = #tpu.pipeline_mode<synchronous>, transform_indices = @transform_3, window_bounds = array<i64: 128, 128>}, {pipeline_mode = #tpu.pipeline_mode<synchronous>, transform_indices = @transform_4, window_bounds = array<i64: 1, 128>}, {pipeline_mode = #tpu.pipeline_mode<synchronous>, transform_indices = @transform_5, window_bounds = array<i64: 128, 128>}, {transform_indices = @transform_6, window_bounds = array<i64: 512, 128>}, {transform_indices = @transform_7, window_bounds = array<i64: 512, 128>}, {transform_indices = @transform_8, window_bounds = array<i64: 1, 512>}]} {
    %get3A = arith.constant 0 : index
    %get3A_0 = arith.constant 0 : index
    %get3A_1 = vector.load %arg1[%get3A, %get3A_0] : memref<128x512xf32, #tpu.memory_space<vmem>>, vector<128x512xf32>
    %get3A_2 = arith.constant 0 : index
    %get3A_3 = arith.constant 0 : index
    %get3A_4 = vector.load %arg4[%get3A_2, %get3A_3] : memref<128x128xf32, #tpu.memory_space<vmem>>, vector<128x128xf32>
    %dot_general3A = arith.constant dense<0.000000e+00> : vector<512x128xf32>
    %dot_general3A_5 = tpu.matmul %get3A_1, %get3A_4, %dot_general3A {dimension_numbers = #tpu.dot_dimension_numbers<[0], [0], [1], [1], [0, 1, 1, 1], [], []>, transpose_lhs_hint = false} : vector<128x512xf32>, vector<128x128xf32>, vector<512x128xf32> -> vector<512x128xf32>
    %get3A_6 = arith.constant 0 : index
    %get3A_7 = arith.constant 0 : index
    %get3A_8 = arith.constant 0 : index
    %get3A_9 = vector.load %arg2[%get3A_6, %get3A_7, %get3A_8] : memref<2x512x128xf32, #tpu.memory_space<vmem>>, vector<1x512x128xf32>
    %get3A_10 = vector.shape_cast %get3A_9 : vector<1x512x128xf32> to vector<512x128xf32>
    %get3A_11 = arith.constant 1 : index
    %get3A_12 = arith.constant 0 : index
    %get3A_13 = arith.constant 0 : index
    %get3A_14 = vector.load %arg2[%get3A_11, %get3A_12, %get3A_13] : memref<2x512x128xf32, #tpu.memory_space<vmem>>, vector<1x512x128xf32>
    %get3A_15 = vector.shape_cast %get3A_14 : vector<1x512x128xf32> to vector<512x128xf32>
    %add3A = arith.addf %get3A_10, %get3A_15 : vector<512x128xf32>
    %get3A_16 = arith.constant 0 : index
    %get3A_17 = arith.constant 0 : index
    %get3A_18 = arith.constant 0 : index
    %get3A_19 = vector.load %arg3[%get3A_16, %get3A_17, %get3A_18] : memref<2x512x128xf32, #tpu.memory_space<vmem>>, vector<1x512x1xf32>
    %get3A_20 = vector.shape_cast %get3A_19 : vector<1x512x1xf32> to vector<512xf32>
    %get3A_21 = arith.constant 1 : index
    %get3A_22 = arith.constant 0 : index
    %get3A_23 = arith.constant 0 : index
    %get3A_24 = vector.load %arg3[%get3A_21, %get3A_22, %get3A_23] : memref<2x512x128xf32, #tpu.memory_space<vmem>>, vector<1x512x1xf32>
    %get3A_25 = vector.shape_cast %get3A_24 : vector<1x512x1xf32> to vector<512xf32>
    %add3A_26 = arith.addf %get3A_20, %get3A_25 : vector<512xf32>
    %max3A = arith.constant 1.000000e+00 : f32
    %max3A_27 = vector.broadcast %max3A : f32 to vector<512xf32>
    %max3A_28 = arith.maximumf %add3A_26, %max3A_27 : vector<512xf32>
    %div3A = arith.constant 1.000000e+00 : f32
    %div3A_29 = vector.broadcast %div3A : f32 to vector<512xf32>
    %div3A_30 = arith.divf %div3A_29, %max3A_28 : vector<512xf32>
    %broadcast_in_dim3A = vector.shape_cast %div3A_30 : vector<512xf32> to vector<512x1xf32>
    %mul3A = vector.broadcast %broadcast_in_dim3A : vector<512x1xf32> to vector<512x128xf32>
    %mul3A_31 = arith.mulf %add3A, %mul3A : vector<512x128xf32>
    %add3A_32 = arith.addf %dot_general3A_5, %mul3A_31 : vector<512x128xf32>
    %get3A_33 = arith.constant 0 : index
    %get3A_34 = arith.constant 0 : index
    %get3A_35 = vector.load %arg5[%get3A_33, %get3A_34] : memref<1x128xf32, #tpu.memory_space<vmem>>, vector<1x128xf32>
    %get3A_36 = vector.shape_cast %get3A_35 : vector<1x128xf32> to vector<128xf32>
    %broadcast_in_dim3A_37 = vector.shape_cast %get3A_36 : vector<128xf32> to vector<1x128xf32>
    %add3A_38 = vector.broadcast %broadcast_in_dim3A_37 : vector<1x128xf32> to vector<512x128xf32>
    %add3A_39 = arith.addf %add3A_32, %add3A_38 : vector<512x128xf32>
    %max3A_40 = arith.constant 0.000000e+00 : f32
    %max3A_41 = vector.broadcast %max3A_40 : f32 to vector<512x128xf32>
    %max3A_42 = arith.maximumf %add3A_39, %max3A_41 : vector<512x128xf32>
    %swap3A = arith.constant 0 : index
    %swap3A_43 = arith.constant 0 : index
    %swap3A_44 = vector.load %arg7[%swap3A, %swap3A_43] : memref<512x128xf32, #tpu.memory_space<vmem>>, vector<512x128xf32>
    tpu.vector_store %arg7[%swap3A, %swap3A_43], %max3A_42 {strides = array<i32>} : memref<512x128xf32, #tpu.memory_space<vmem>>, vector<512x128xf32>,
    %get3A_45 = arith.constant 0 : index
    %get3A_46 = arith.constant 0 : index
    %get3A_47 = vector.load %arg6[%get3A_45, %get3A_46] : memref<128x128xf32, #tpu.memory_space<vmem>>, vector<128x128xf32>
    %dot_general3A_48 = arith.constant dense<0.000000e+00> : vector<512x128xf32>
    %dot_general3A_49 = tpu.matmul %max3A_42, %get3A_47, %dot_general3A_48 {dimension_numbers = #tpu.dot_dimension_numbers<[1], [0], [0], [1], [0, 0, 1, 1], [], []>, transpose_lhs_hint = false} : vector<512x128xf32>, vector<128x128xf32>, vector<512x128xf32> -> vector<512x128xf32>
    %swap3A_50 = arith.constant 0 : index
    %swap3A_51 = arith.constant 0 : index
    %swap3A_52 = vector.load %arg8[%swap3A_50, %swap3A_51] : memref<512x128xf32, #tpu.memory_space<vmem>>, vector<512x128xf32>
    tpu.vector_store %arg8[%swap3A_50, %swap3A_51], %dot_general3A_49 {strides = array<i32>} : memref<512x128xf32, #tpu.memory_space<vmem>>, vector<512x128xf32>,
    %broadcast_in_dim3A_53 = vector.shape_cast %div3A_30 : vector<512xf32> to vector<1x512xf32>
    %swap3A_54 = arith.constant 0 : index
    %swap3A_55 = arith.constant 0 : index
    %swap3A_56 = vector.load %arg9[%swap3A_54, %swap3A_55] : memref<1x512xf32, #tpu.memory_space<vmem>>, vector<1x512xf32>
    tpu.vector_store %arg9[%swap3A_54, %swap3A_55], %broadcast_in_dim3A_53 {strides = array<i32>} : memref<1x512xf32, #tpu.memory_space<vmem>>, vector<1x512xf32>,
    return
  }
  func.func @transform_0(%arg0: i32) -> (i32, i32) {
    %c0_i32 = arith.constant 0 : i32
    %c0_i32_0 = arith.constant 0 : i32
    return %c0_i32, %arg0 : i32, i32
  }
  func.func @transform_1(%arg0: i32) -> (i32, i32, i32) {
    %c0_i32 = arith.constant 0 : i32
    %c0_i32_0 = arith.constant 0 : i32
    %c0_i32_1 = arith.constant 0 : i32
    return %c0_i32, %arg0, %c0_i32_0 : i32, i32, i32
  }
  func.func @transform_2(%arg0: i32) -> (i32, i32, i32) {
    %c0_i32 = arith.constant 0 : i32
    %c0_i32_0 = arith.constant 0 : i32
    %c0_i32_1 = arith.constant 0 : i32
    return %c0_i32, %arg0, %c0_i32_0 : i32, i32, i32
  }
  func.func @transform_3(%arg0: i32) -> (i32, i32) {
    %c0_i32 = arith.constant 0 : i32
    %c0_i32_0 = arith.constant 0 : i32
    %c0_i32_1 = arith.constant 0 : i32
    return %c0_i32, %c0_i32_0 : i32, i32
  }
  func.func @transform_4(%arg0: i32) -> (i32, i32) {
    %c0_i32 = arith.constant 0 : i32
    %c0_i32_0 = arith.constant 0 : i32
    %c0_i32_1 = arith.constant 0 : i32
    return %c0_i32, %c0_i32_0 : i32, i32
  }
  func.func @transform_5(%arg0: i32) -> (i32, i32) {
    %c0_i32 = arith.constant 0 : i32
    %c0_i32_0 = arith.constant 0 : i32
    %c0_i32_1 = arith.constant 0 : i32
    return %c0_i32, %c0_i32_0 : i32, i32
  }
  func.func @transform_6(%arg0: i32) -> (i32, i32) {
    %c0_i32 = arith.constant 0 : i32
    %c0_i32_0 = arith.constant 0 : i32
    return %arg0, %c0_i32 : i32, i32
  }
  func.func @transform_7(%arg0: i32) -> (i32, i32) {
    %c0_i32 = arith.constant 0 : i32
    %c0_i32_0 = arith.constant 0 : i32
    return %arg0, %c0_i32 : i32, i32
  }
  func.func @transform_8(%arg0: i32) -> (i32, i32) {
    %c0_i32 = arith.constant 0 : i32
    %c0_i32_0 = arith.constant 0 : i32
    return %c0_i32, %arg0 : i32, i32
  }
}

module attributes {stable_mosaic.version = 14 : i64} {
  func.func @_combine2_body(%arg0: i32, %arg1: memref<512x128xf32, #tpu.memory_space<vmem>>, %arg2: memref<2x512x128xf32, #tpu.memory_space<vmem>>, %arg3: memref<1x512xf32, #tpu.memory_space<vmem>>, %arg4: memref<128x128xf32, #tpu.memory_space<vmem>>, %arg5: memref<1x128xf32, #tpu.memory_space<vmem>>, %arg6: memref<128x512xf32, #tpu.memory_space<vmem>>) attributes {dimension_semantics = [#tpu.dimension_semantics<arbitrary>], iteration_bounds = array<i64: 20>, scalar_prefetch = 0 : i64, scratch_operands = 0 : i64, tpu.core_type = #tpu.core_type<tc>, window_params = [{transform_indices = @transform_0, window_bounds = array<i64: 512, 128>}, {transform_indices = @transform_1, window_bounds = array<i64: 2, 512, 128>}, {transform_indices = @transform_2, window_bounds = array<i64: 1, 512>}, {pipeline_mode = #tpu.pipeline_mode<synchronous>, transform_indices = @transform_3, window_bounds = array<i64: 128, 128>}, {pipeline_mode = #tpu.pipeline_mode<synchronous>, transform_indices = @transform_4, window_bounds = array<i64: 1, 128>}, {transform_indices = @transform_5, window_bounds = array<i64: 128, 512>}]} {
    %get3A = arith.constant 0 : index
    %get3A_0 = arith.constant 0 : index
    %get3A_1 = vector.load %arg1[%get3A, %get3A_0] : memref<512x128xf32, #tpu.memory_space<vmem>>, vector<512x128xf32>
    %get3A_2 = arith.constant 0 : index
    %get3A_3 = arith.constant 0 : index
    %get3A_4 = vector.load %arg4[%get3A_2, %get3A_3] : memref<128x128xf32, #tpu.memory_space<vmem>>, vector<128x128xf32>
    %dot_general3A = arith.constant dense<0.000000e+00> : vector<512x128xf32>
    %dot_general3A_5 = tpu.matmul %get3A_1, %get3A_4, %dot_general3A {dimension_numbers = #tpu.dot_dimension_numbers<[1], [0], [0], [1], [0, 0, 1, 1], [], []>, transpose_lhs_hint = false} : vector<512x128xf32>, vector<128x128xf32>, vector<512x128xf32> -> vector<512x128xf32>
    %get3A_6 = arith.constant 0 : index
    %get3A_7 = arith.constant 0 : index
    %get3A_8 = arith.constant 0 : index
    %get3A_9 = vector.load %arg2[%get3A_6, %get3A_7, %get3A_8] : memref<2x512x128xf32, #tpu.memory_space<vmem>>, vector<1x512x128xf32>
    %get3A_10 = vector.shape_cast %get3A_9 : vector<1x512x128xf32> to vector<512x128xf32>
    %get3A_11 = arith.constant 1 : index
    %get3A_12 = arith.constant 0 : index
    %get3A_13 = arith.constant 0 : index
    %get3A_14 = vector.load %arg2[%get3A_11, %get3A_12, %get3A_13] : memref<2x512x128xf32, #tpu.memory_space<vmem>>, vector<1x512x128xf32>
    %get3A_15 = vector.shape_cast %get3A_14 : vector<1x512x128xf32> to vector<512x128xf32>
    %add3A = arith.addf %get3A_10, %get3A_15 : vector<512x128xf32>
    %get3A_16 = arith.constant 0 : index
    %get3A_17 = arith.constant 0 : index
    %get3A_18 = vector.load %arg3[%get3A_16, %get3A_17] : memref<1x512xf32, #tpu.memory_space<vmem>>, vector<1x512xf32>
    %get3A_19 = vector.shape_cast %get3A_18 : vector<1x512xf32> to vector<512xf32>
    %broadcast_in_dim3A = vector.shape_cast %get3A_19 : vector<512xf32> to vector<512x1xf32>
    %mul3A = vector.broadcast %broadcast_in_dim3A : vector<512x1xf32> to vector<512x128xf32>
    %mul3A_20 = arith.mulf %add3A, %mul3A : vector<512x128xf32>
    %add3A_21 = arith.addf %dot_general3A_5, %mul3A_20 : vector<512x128xf32>
    %get3A_22 = arith.constant 0 : index
    %get3A_23 = arith.constant 0 : index
    %get3A_24 = vector.load %arg5[%get3A_22, %get3A_23] : memref<1x128xf32, #tpu.memory_space<vmem>>, vector<1x128xf32>
    %get3A_25 = vector.shape_cast %get3A_24 : vector<1x128xf32> to vector<128xf32>
    %broadcast_in_dim3A_26 = vector.shape_cast %get3A_25 : vector<128xf32> to vector<1x128xf32>
    %add3A_27 = vector.broadcast %broadcast_in_dim3A_26 : vector<1x128xf32> to vector<512x128xf32>
    %add3A_28 = arith.addf %add3A_21, %add3A_27 : vector<512x128xf32>
    %transpose3A = tpu.transpose %add3A_28, [1, 0] : vector<512x128xf32> -> vector<128x512xf32>
    %swap3A = arith.constant 0 : index
    %swap3A_29 = arith.constant 0 : index
    %swap3A_30 = vector.load %arg6[%swap3A, %swap3A_29] : memref<128x512xf32, #tpu.memory_space<vmem>>, vector<128x512xf32>
    tpu.vector_store %arg6[%swap3A, %swap3A_29], %transpose3A {strides = array<i32>} : memref<128x512xf32, #tpu.memory_space<vmem>>, vector<128x512xf32>,
    return
  }
  func.func @transform_0(%arg0: i32) -> (i32, i32) {
    %c0_i32 = arith.constant 0 : i32
    %c0_i32_0 = arith.constant 0 : i32
    return %arg0, %c0_i32 : i32, i32
  }
  func.func @transform_1(%arg0: i32) -> (i32, i32, i32) {
    %c0_i32 = arith.constant 0 : i32
    %c0_i32_0 = arith.constant 0 : i32
    %c0_i32_1 = arith.constant 0 : i32
    return %c0_i32, %arg0, %c0_i32_0 : i32, i32, i32
  }
  func.func @transform_2(%arg0: i32) -> (i32, i32) {
    %c0_i32 = arith.constant 0 : i32
    %c0_i32_0 = arith.constant 0 : i32
    return %c0_i32, %arg0 : i32, i32
  }
  func.func @transform_3(%arg0: i32) -> (i32, i32) {
    %c0_i32 = arith.constant 0 : i32
    %c0_i32_0 = arith.constant 0 : i32
    %c0_i32_1 = arith.constant 0 : i32
    return %c0_i32, %c0_i32_0 : i32, i32
  }
  func.func @transform_4(%arg0: i32) -> (i32, i32) {
    %c0_i32 = arith.constant 0 : i32
    %c0_i32_0 = arith.constant 0 : i32
    %c0_i32_1 = arith.constant 0 : i32
    return %c0_i32, %c0_i32_0 : i32, i32
  }
  func.func @transform_5(%arg0: i32) -> (i32, i32) {
    %c0_i32 = arith.constant 0 : i32
    %c0_i32_0 = arith.constant 0 : i32
    return %c0_i32, %arg0 : i32, i32
  }
}

</mosaic_0001>

<sc_bundles>
// kernel: kernel.10.cloned.1.call-start
scs
__scs_entry_jumppad:
0x0: {  	(pc) =	sbr.rel $0x88, $3  }
0x1: {  	(tag) =	ssettag $0x0;
	lr =	simm.s32 $0x1  }
0x2: {  	[smem:$0x3F99] =	sst lr;
	_ =	strace $0xD0000000  }
0x3: {  	_ = 	snop  }
0x4: {  	_ = 	snop  }
0x5: {  	_ = 	snop  }
0x6: {  	_ = 	snop  }
0x7: {  	_ = 	snop  }
__scs_overlays_trampoline_lowered:
0x8: {  	[smem:$0x3FA8] =	sst s0  }
0x9: {  	[smem:$0x3FA9] =	sst s1  }
0xa: {  	[smem:$0x3FAA] =	sst s2  }
0xb: {  	[smem:$0x3FAB] =	sst s3  }
0xc: {  	[smem:$0x3FAC] =	sst s4  }
0xd: {  	[smem:$0x3FAD] =	sst s5  }
0xe: {  	[smem:$0x3FAE] =	sst s6  }
0xf: {  	[smem:$0x3FAF] =	sst s7  }
0x10: {  	[smem:$0x3FB0] =	sst s8  }
0x11: {  	[smem:$0x3FB1] =	sst s9;
	s0 =	simm.s32 @!p0 $0x0  }
0x12: {  	s1 =	sld [smem:$0x3F97];
	s0 =	simm.s32 @p0 $0x1  }
0x13: {  	[smem:$0x3FB2] =	sst s0;
	s0 =	simm.s32 @!p1 $0x0  }
0x14: {  	s2 =	sld [smem:$0x3F96];
	s0 =	simm.s32 @p1 $0x1  }
0x15: {  	[smem:$0x3FB3] =	sst s0;
	s0 =	simm.s32 @!p2 $0x0  }
0x16: {  	s3 =	sld [smem:$0x3FDB];
	s0 =	simm.s32 @p2 $0x1  }
0x17: {  	s4 =	simm.s32 $0x1BF5;
	[smem:$0x3FB5] =	sst s0  }
0x18: {  	s0 =	sld [smem:$0x3F98];
	_ =	swait.ge [sflag:s4], $0x0  }
0x19: {  	s7 =	sld [smem:$0x3F99]  }
0x1a: {  	s8 =	sadd.s32 $0xFFFFE003, lr  }
0x1b: {  	s9 =	sadd.s32 $0xFFFFFEF7, lr;
	s5 =	simm.s32 $0xFFFFFFFF;
	p2 =	slt.u32 s8, $0xFFFFF086  }
0x1c: {  	p1 =	slt.u32 s9, $0xF7A;
	s5 =	simm.s32 @!p2 $0x0  }
0x1d: {  	s5 =	simm.s32 @p1 $0x1;
	p0 =	seq.s32 s7, s2  }
0x1e: {  	s7 =	smul.u32 @!p0 $0xF7A, s2;
	p2 =	seq.s32 @!p0 s5, $0x0  }
0x1f: {  	s9 =	smul.u32 $0xF7A, s1;
	s8 =	simm.s32 @!p0 $0x1BF5;
	p2 =	por !p2, p0  }
0x20: {  	[sflag:s8] =	ssyncset.s32 @!p0 $0xFFFFF086;
	s6 =	sadd.s32 @!p0 s3, s7;
	s7 =	simm.s32 @!p0 $0x108  }
0x21: {  	s3 =	sadd.s32 s3, s9;
	s6 =	sadd.s32 @!p0 $0x88, s6;
	s7 =	simm.s32 @p2 $0x1082  }
0x22: {  	[simem:s7], [sflag:s8] =	dma.local @!p0 [hbm:s6], $0xF7A  }
0x23: {  	s9 =	sor.u32 $0xD0000000, s2;
	s6 =	simm.s32 $0x108;
	_ =	swait.ge @!p0 [sflag:s8], $0x0  }
0x24: {  	s3 =	sadd.s32 $0x88, s3;
	s6 =	simm.s32 @!p1 $0x1082;
	[sflag:s4] =	ssyncset.s32 $0xFFFFF086  }
0x25: {  	[simem:s6], [sflag:s4] =	dma.local [hbm:s3], $0xF7A  }
0x26: {  	[smem:$0x3F99] =	sst s1;
	(tag) =	ssettag s2;
	_ =	strace s9  }
0x27: {  	s1 =	sld [smem:$0x3FA9]  }
0x28: {  	s2 =	sld [smem:$0x3FAA]  }
0x29: {  	s4 =	sld [smem:$0x3FAC]  }
0x2a: {  	p0 =	seq.s32 s5, $0x0;
	s5 =	sld [smem:$0x3FAD]  }
0x2b: {  	s6 =	sld [smem:$0x3FAE]  }
0x2c: {  	s7 =	sld [smem:$0x3FAF]  }
0x2d: {  	s3 =	simm.s32 $0x108;
	s8 =	sld [smem:$0x3FB0]  }
0x2e: {  	s3 =	simm.s32 @!p0 $0x1082;
	s9 =	sld [smem:$0x3FB1]  }
0x2f: {  	lr =	sadd.s32 s0, s3;
	s0 =	sld [smem:$0x3FA8]  }
0x30: {  	s3 =	sld [smem:$0x3FAB]  }
0x31: {  	[smem:$0x3FB4] =	sst s10  }
0x32: {  	s10 =	sld [smem:$0x3FB2];
	_ =	sdelay $0x3  }
0x33: {  	p0 =	seq.s32 s10, $0x1;
	s10 =	sld [smem:$0x3FB4];
	_ =	sdelay $0x3  }
0x34: {  	[smem:$0x3FB4] =	sst s10  }
0x35: {  	s10 =	sld [smem:$0x3FB3];
	_ =	sdelay $0x3  }
0x36: {  	p1 =	seq.s32 s10, $0x1;
	s10 =	sld [smem:$0x3FB4];
	_ =	sdelay $0x3  }
0x37: {  	[smem:$0x3FB4] =	sst s10  }
0x38: {  	s10 =	sld [smem:$0x3FB5]  }
0x39: {  	_ = 	snop;
	(pc) =	sbr.ind lr, $3  }
0x3a: {  	_ = 	snop  }
0x3b: {  	_ = 	snop  }
0x3c: {  	p2 =	seq.s32 s10, $0x1;
	s10 =	sld [smem:$0x3FB4]  }
0x3d: {  	_ =	shalt  }
0x3e: {  	_ =	shalt  }
0x3f: {  	_ =	shalt  }
0x40: {  	_ =	shalt  }
0x41: {  	_ =	shalt  }
0x42: {  	_ =	shalt  }
0x43: {  	_ =	shalt  }
0x44: {  	_ =	shalt  }
0x45: {  	_ =	shalt  }
0x46: {  	_ =	shalt  }
0x47: {  	_ =	shalt  }
0x48: {  	_ =	shalt  }
0x49: {  	_ =	shalt  }
0x4a: {  	_ =	shalt  }
0x4b: {  	_ =	shalt  }
0x4c: {  	_ =	shalt  }
0x4d: {  	_ =	shalt  }
0x4e: {  	_ =	shalt  }
0x4f: {  	_ =	shalt  }
0x50: {  	_ =	shalt  }
0x51: {  	_ =	shalt  }
0x52: {  	_ =	shalt  }
0x53: {  	_ =	shalt  }
0x54: {  	_ =	shalt  }
0x55: {  	_ =	shalt  }
0x56: {  	_ =	shalt  }
0x57: {  	_ =	shalt  }
0x58: {  	_ =	shalt  }
0x59: {  	_ =	shalt  }
0x5a: {  	_ =	shalt  }
0x5b: {  	_ =	shalt  }
0x5c: {  	_ =	shalt  }
0x5d: {  	_ =	shalt  }
0x5e: {  	_ =	shalt  }
0x5f: {  	_ =	shalt  }
0x60: {  	_ =	shalt  }
0x61: {  	_ =	shalt  }
0x62: {  	_ =	shalt  }
0x63: {  	_ =	shalt  }
0x64: {  	_ =	shalt  }
0x65: {  	_ =	shalt  }
0x66: {  	_ =	shalt  }
0x67: {  	_ =	shalt  }
0x68: {  	_ =	shalt  }
0x69: {  	_ =	shalt  }
0x6a: {  	_ =	shalt  }
0x6b: {  	_ =	shalt  }
0x6c: {  	_ =	shalt  }
0x6d: {  	_ =	shalt  }
0x6e: {  	_ =	shalt  }
0x6f: {  	_ =	shalt  }
0x70: {  	_ =	shalt  }
0x71: {  	_ =	shalt  }
0x72: {  	_ =	shalt  }
0x73: {  	_ =	shalt  }
0x74: {  	_ =	shalt  }
0x75: {  	_ =	shalt  }
0x76: {  	_ =	shalt  }
0x77: {  	_ =	shalt  }
0x78: {  	_ =	shalt  }
0x79: {  	_ =	shalt  }
0x7a: {  	_ =	shalt  }
0x7b: {  	_ =	shalt  }
0x7c: {  	_ =	shalt  }
0x7d: {  	_ =	shalt  }
0x7e: {  	_ =	shalt  }
0x7f: {  	_ =	shalt  }
0x80: {  	_ =	shalt  }
0x81: {  	_ =	shalt  }
0x82: {  	_ =	shalt  }
0x83: {  	_ =	shalt  }
0x84: {  	_ =	shalt  }
0x85: {  	_ =	shalt  }
0x86: {  	_ =	shalt  }
0x87: {  	_ =	shalt  }
.Lfunc_end0:
.L_simem_size_0:
called_computation.1_lowered:
.L_overlay_start_0:
0x88: {  	s2 =	sld [smem:$0x3FD9]  }
0x89: {  	s3 =	sld [smem:$0x3FFE];
	_ =	sdelay $0x1  }
0x8a: {  	s1 =	srdreg.scid  }
0x8b: {  	s0 =	sand.u32 $0x1, s1  }
0x8c: {  	s17 =	sshll.u32 s0, $0xA;
	s2 =	sadd.s32 s3, s2  }
0x8d: {  	s2 =	sadd.s32 s2, s17  }
0x8e: {  	[smem:$0x3FC0] =	sst s2  }
0x8f: {  	_ = 	snop  }
0x90: {  	s2 =	sld [smem:$0x3FD0];
	(tm) =	ssettm $0x1  }
0x91: {  	s18 =	sld [smem:$0x3FFB];
	_ =	sdelay $0x3  }
0x92: {  	_ =	strace s18  }
0x93: {  	s3 =	sld [smem:$0x3FFC];
	_ =	sdelay $0x3  }
0x94: {  	_ =	strace s3  }
0x95: {  	s3 =	sld [smem:$0x3FFD];
	_ =	sdelay $0x3  }
0x96: {  	_ =	strace s3  }
0x97: {  	_ =	strace $0x8FFFFFFF  }
0x98: {  	s19 =	sld [smem:$0x3FDB];
	_ =	sdelay $0x1  }
0x99: {  	s4 =	simm.s32 $_scs_section_size  }
0x9a: {  	s5 =	simm.s32 $_size__tile_overlayer_lowered;
	s6 =	simm.s32 $_tile_overlayer_lowered  }
0x9b: {  	s22 =	simm.s32 $0x1BFF;
	s21 =	sshll.u32 s6, $0x1;
	s3 =	sadd.s32 s4, s19  }
0x9c: {  	s7 =	simm.s32 $0x0;
	s20 =	sshll.u32 s5, $0x1;
	s5 =	sadd.s32 s21, s3  }
0x9d: {  	[timem:s7], [sflag:s22] =	dma.local [hbm:s5], s20  }
0x9e: {  	_ =	swait.ge [sflag:s22], s20  }
0x9f: {  	s4 =	ssub.s32 $0x0, s20;
	[sflag:s22] =	ssyncset.done $0x0  }
0xa0: {  	[sflag:s22] =	ssyncadd.s32 s4;
	_ =	sdelay $0x1  }
0xa1: {  	s23 =	simm.s32 $0x1B8B  }
0xa2: {  	_ =	swait.ge [sflag:s23], $0x1  }
0xa3: {  	[sflag:s23] =	ssyncset.done $0x0  }
0xa4: {  	s25 =	simm.s32 $0x1B8E;
	s24 =	sld [smem:$0x3FFE];
	[sflag:s23] =	ssyncadd.s32 $0xFFFFFFFF  }
0xa5: {  	s26 =	simm.s32 $execute0_lowered;
	[smem:$0x3FD2] =	sst s25  }
0xa6: {  	s5 =	sshll.u32 s26, $0x1;
	_ =	strace $0x80000049;
	[dreg:$0x1] =	wrdreg $0xFFFFFFFF  }
0xa7: {  	s28 =	simm.s32 $_size_execute0_lowered;
	s3 =	sadd.s32 s3, s5;
	[dreg:$0x0] =	wrdreg $0x0  }
0xa8: {  	s5 =	sshll.u32 s28, $0x1;
	[dreg:$0x2] =	wrdreg s3  }
0xa9: {  	[dreg:$0x3] =	wrdreg s5  }
0xaa: {  	[dreg:$0x4] =	wrdreg $0xC0  }
0xab: {  	_ =	task [dreg:s7], $0x5FFFF  }
0xac: {  	[dreg:$0x1] =	wrdreg $0xFFFFFFFF  }
0xad: {  	[dreg:$0x0] =	wrdreg $0x60  }
0xae: {  	[dreg:$0x2] =	wrdreg s24  }
0xaf: {  	[dreg:$0x3] =	wrdreg s2  }
0xb0: {  	[dreg:$0x4] =	wrdreg $0x0  }
0xb1: {  	[dreg:$0x5] =	wrdreg $0x9  }
0xb2: {  	_ =	task.clear_ibuf [dreg:s7], $0x6FFFF;
	_ =	strace $0x90000049  }
0xb3: {  	s29 =	simm.s32 $0x9;
	_ =	strace $0x8000004B  }
0xb4: {  	_ =	swait.ge [sflag:s29], $0x1  }
0xb5: {  	[sflag:s29] =	ssyncadd.s32 $0xFFFFFFFF  }
0xb6: {  	_ =	strace $0x9000004B  }
0xb7: {  	_ =	sfence  }
0xb8: {  	s30 =	sld [smem:$0x0];
	_ =	sdelay $0x2  }
0xb9: {  	s31 =	sshll.u32 s1, $0xD;
	s1 =	sshrl.u32 s1, $0x2  }
0xba: {  	s3 =	sand.u32 $0x4000, s31;
	s1 =	sadd.s32 s1, s30  }
0xbb: {  	s0 =	sor.u32 s3, s0;
	s1 =	sshll.u32 s1, $0x11  }
0xbc: {  	s0 =	sor.u32 s1, s0  }
0xbd: {  	s0 =	sadd.s32 $0x8F2B, s0  }
0xbe: {  	[sflag:s0] =	ssyncadd.remote.s32 $0x1  }
0xbf: {  	_ =	sfence.sel $0xFFFF  }
0xc0: {  	[dreg:$0x0] =	wrdreg $0xFFFFFFFF;
	(pc) =	sbr.abs _section_cstart, $3  }
0xc1: {  	[dreg:$0x1] =	wrdreg $0xFFFFFFFF  }
0xc2: {  	_ =	task.clear_ibuf [dreg:s7], $0x2FFFF;
	_ =	strace $0x9FFFFFFF  }
0xc3: {  	(tm) =	ssettm $0x7FFFFFFF  }
tec
execute0_lowered:
.L_overlay_start_1:
0x0: {  	(tag) =	ssettag $0x1  }
0x1: {  	s0 =	rddreg [dreg:$0x0];
	s1 =	srdreg.scid  }
0x2: {  	s17 =	stileid.u32;
	s4 =	simm.s32 $0x0;
	s30 =	simm.s32 $0x16800  }
0x3: {  	s31 =	simm.s32 $0x5;
	s1 =	sand.u32 $0x1, s1;
	s3 =	smul.u32 $0x14000, s17  }
0x4: {  	[smem:$0x7FF] =	sst s4;
	s4 =	sadd.s32 $0x3E200, s0;
	s2 =	ssub.s32 $0x2, s1  }
0x5: {  	s9 =	smul.u32 $0x140000, s1;
	s1 =	sshll.u32 s1, $0x4;
	s5 =	sshrl.u32 s2, $0x1  }
0x6: {  	s6 =	sadd.s32 $0x4000, s3;
	s7 =	sadd.s32 $0x6000, s3;
	s8 =	sadd.s32 $0x8000, s3  }
0x7: {  	s10 =	sadd.s32 $0xA000, s3;
	s11 =	sadd.s32 $0xC000, s3;
	s13 =	sadd.s32 $0xE000, s3  }
0x8: {  	s14 =	sadd.s32 $0x10000, s3;
	s2 =	ssub.s32 s2, s5;
	s5 =	sor.u32 $0x2000, s3  }
0x9: {  	s12 =	sadd.s32 s3, s9;
	s3 =	sadd.s32 $0x12000, s3;
	s25 =	sadd.s32 s9, s6  }
0xa: {  	s26 =	sadd.s32 s9, s7;
	s16 =	sadd.s32 s9, s8;
	s21 =	sadd.s32 s9, s10  }
0xb: {  	s22 =	sadd.s32 s9, s11;
	s23 =	sadd.s32 s9, s13;
	s15 =	sadd.s32 s9, s5  }
0xc: {  	s12 =	sshrl.u32 s12, $0x3;
	s18 =	sshrl.u32 s26, $0x3;
	s19 =	sshrl.u32 s16, $0x3  }
0xd: {  	s15 =	sshrl.u32 s15, $0x3;
	s12 =	sadd.s32 s4, s12;
	s20 =	sadd.s32 s4, s19  }
0xe: {  	[dreg:$0x4] =	wrdreg s12;
	s24 =	sadd.s32 s4, s15;
	s12 =	sshrl.u32 s25, $0x3  }
0xf: {  	[dreg:$0x8] =	wrdreg s20;
	s25 =	sshrl.u32 s23, $0x3;
	s15 =	sadd.s32 s9, s14  }
0x10: {  	s9 =	sadd.s32 s9, s3;
	s20 =	sor.u32 s17, s1;
	s1 =	simm.s32 $0x16780  }
0x11: {  	[dreg:$0x5] =	wrdreg s24;
	s12 =	sadd.s32 s4, s12;
	s24 =	sshrl.u32 s22, $0x3  }
0x12: {  	s26 =	sadd.s32 s4, s25;
	s16 =	sshrl.u32 s15, $0x3;
	s9 =	sshrl.u32 s9, $0x3  }
0x13: {  	s28 =	smul.u32 $0x5000, s20;
	s20 =	simm.s32 $0x15280;
	[dreg:$0x6] =	wrdreg s12  }
0x14: {  	s12 =	sadd.s32 s4, s18;
	[dreg:$0xb] =	wrdreg s26;
	s18 =	smul.u32 $0x50000, s17  }
0x15: {  	s15 =	sadd.s32 s4, s16;
	[dreg:$0x7] =	wrdreg s12;
	s12 =	sshrl.u32 s21, $0x3  }
0x16: {  	s16 =	sadd.s32 $0x2200, s0;
	[dreg:$0xc] =	wrdreg s15;
	s12 =	sadd.s32 s4, s12  }
0x17: {  	s26 =	smax.u32 s2, $0x1;
	[dreg:$0x9] =	wrdreg s12;
	s12 =	sadd.s32 s4, s24  }
0x18: {  	s2 =	simm.s32 $0x16700;
	s15 =	sadd.s32 $0x16200, s0;
	[dreg:$0xa] =	wrdreg s12  }
0x19: {  	s19 =	sshrl.u32 s18, $0x2;
	s4 =	sadd.s32 s4, s9;
	s12 =	rddreg [dreg:$0x2]  }
0x1a: {  	s9 =	simm.s32 $0x1;
	[dreg:$0xd] =	wrdreg s4;
	s4 =	simm.s32 $0x0  }
0x1b: {  	_ =	strace $0x8000004A;
	s17 =	sadd.s32 s19, s12;
	s18 =	sadd.s32 s5, s12  }
0x1c: {  	s6 =	sadd.s32 s6, s12;
	s21 =	sadd.s32 s10, s12;
	[dreg:$0x18] =	wrdreg s26  }
0x1d: {  	s19 =	sadd.s32 s7, s12;
	s22 =	sadd.s32 s11, s12;
	[dreg:$0x13] =	wrdreg s21  }
0x1e: {  	s29 =	sadd.s32 s8, s12;
	s23 =	sadd.s32 s13, s12;
	[dreg:$0x14] =	wrdreg s22  }
0x1f: {  	s24 =	sadd.s32 s14, s12;
	s25 =	sadd.s32 s3, s12;
	[dreg:$0x15] =	wrdreg s23  }
0x20: {  	s10 =	simm.s32 $0x14000;
	s3 =	simm.s32 $0x40;
	[dreg:$0x16] =	wrdreg s24  }
0x21: {  	s5 =	simm.s32 $0x18800;
	s7 =	simm.s32 $0x1A800;
	[dreg:$0x17] =	wrdreg s25  }
0x22: {  	s8 =	simm.s32 $0x1C800;
	s11 =	simm.s32 $0x2;
	[dreg:$0xe] =	wrdreg s17  }
0x23: {  	s13 =	simm.s32 $0x3;
	s14 =	simm.s32 $0x4;
	[dreg:$0xf] =	wrdreg s18  }
0x24: {  	s26 =	simm.s32 $0x16680;
	s21 =	simm.s32 $0x16500;
	[dreg:$0x10] =	wrdreg s6  }
0x25: {  	s22 =	simm.s32 $0x15300;
	s23 =	simm.s32 $0x16580;
	[dreg:$0x11] =	wrdreg s19  }
0x26: {  	v0 =	vimm.f32 $0.0e+00;
	s24 =	simm.s32 $0x15380;
	s25 =	simm.s32 $0x16600;
	[dreg:$0x12] =	wrdreg s29  }
.LBB2_1:
0x27: {  	[dreg:$0x19] =	wrdreg s4;
	s0 =	simm.s32 $0x0;
	s4 =	simm.s32 $0x200  }
.LBB2_2:
0x28: {  	p0 =	sne.s32 s4, $0x7E00;
	[tilespmem:s0+$0x16870] =	vst v0  }
0x29: {  	[tilespmem:s0+$0x16800] =	vst v0  }
0x2a: {  	[tilespmem:s0+$0x16810] =	vst v0  }
.Ltmp0:
0x2b: {  	[tilespmem:s0+$0x16820] =	vst v0;
	(pc) =	sbr.rel @p0 .LBB2_2-.Ltmp0, $4  }
0x2c: {  	[tilespmem:s0+$0x16830] =	vst v0  }
0x2d: {  	[tilespmem:s0+$0x16840] =	vst v0  }
0x2e: {  	[tilespmem:s0+$0x16850] =	vst v0  }
0x2f: {  	[tilespmem:s0+$0x16860] =	vst v0;
	s0 =	sshra.s32 s4, $0x2;
	s4 =	sadd.s32 $0x200, s4  }
0x30: {  	[tilespmem:s0+$0x16870] =	vst v0  }
0x31: {  	[tilespmem:s0+$0x16800] =	vst v0  }
0x32: {  	[tilespmem:s0+$0x16810] =	vst v0  }
0x33: {  	[tilespmem:s0+$0x16820] =	vst v0  }
0x34: {  	[tilespmem:s0+$0x16830] =	vst v0  }
0x35: {  	[tilespmem:s0+$0x16840] =	vst v0  }
0x36: {  	[tilespmem:s0+$0x16850] =	vst v0  }
0x37: {  	[tilespmem:s0+$0x16860] =	vst v0  }
0x38: {  	[spmem:s17] =	stream.linear.scatter [tilespmem:s30], [sflag:$0x5], $0x2000, $0x38;
	[tilespmem:$0x1E800] =	vst v63  }
0x39: {  	_ =	swait.ge [sflag:s31], $0x2000  }
0x3a: {  	[sflag:s31] =	ssyncset.done $0x0  }
0x3b: {  	[sflag:s31] =	ssyncadd.s32 $0xFFFFE000  }
0x3c: {  	[spmem:s18] =	stream.linear.scatter [tilespmem:s30], [sflag:$0x5], $0x2000, $0x38;
	[tilespmem:$0x1E800] =	vst v63  }
0x3d: {  	_ =	swait.ge [sflag:s31], $0x2000  }
0x3e: {  	[sflag:s31] =	ssyncset.done $0x0  }
0x3f: {  	[sflag:s31] =	ssyncadd.s32 $0xFFFFE000  }
0x40: {  	[spmem:s6] =	stream.linear.scatter [tilespmem:s30], [sflag:$0x5], $0x2000, $0x38;
	[tilespmem:$0x1E800] =	vst v63  }
0x41: {  	_ =	swait.ge [sflag:s31], $0x2000  }
0x42: {  	[sflag:s31] =	ssyncset.done $0x0  }
0x43: {  	[sflag:s31] =	ssyncadd.s32 $0xFFFFE000  }
0x44: {  	[spmem:s19] =	stream.linear.scatter [tilespmem:s30], [sflag:$0x5], $0x2000, $0x38;
	[tilespmem:$0x1E800] =	vst v63  }
0x45: {  	_ =	swait.ge [sflag:s31], $0x2000  }
0x46: {  	[sflag:s31] =	ssyncset.done $0x0  }
0x47: {  	[sflag:s31] =	ssyncadd.s32 $0xFFFFE000  }
0x48: {  	[spmem:s29] =	stream.linear.scatter [tilespmem:s30], [sflag:$0x5], $0x2000, $0x38;
	[tilespmem:$0x1E800] =	vst v63  }
0x49: {  	_ =	swait.ge [sflag:s31], $0x2000  }
0x4a: {  	[sflag:s31] =	ssyncset.done $0x0  }
0x4b: {  	s6 =	rddreg [dreg:$0x13];
	[sflag:s31] =	ssyncadd.s32 $0xFFFFE000  }
0x4c: {  	[spmem:s6] =	stream.linear.scatter [tilespmem:s30], [sflag:$0x5], $0x2000, $0x38;
	[tilespmem:$0x1E800] =	vst v63  }
0x4d: {  	_ =	swait.ge [sflag:s31], $0x2000  }
0x4e: {  	[sflag:s31] =	ssyncset.done $0x0  }
0x4f: {  	s17 =	rddreg [dreg:$0x14];
	[sflag:s31] =	ssyncadd.s32 $0xFFFFE000  }
0x50: {  	[spmem:s17] =	stream.linear.scatter [tilespmem:s30], [sflag:$0x5], $0x2000, $0x38;
	[tilespmem:$0x1E800] =	vst v63  }
0x51: {  	_ =	swait.ge [sflag:s31], $0x2000  }
0x52: {  	[sflag:s31] =	ssyncset.done $0x0  }
0x53: {  	s18 =	rddreg [dreg:$0x15];
	[sflag:s31] =	ssyncadd.s32 $0xFFFFE000  }
0x54: {  	[spmem:s18] =	stream.linear.scatter [tilespmem:s30], [sflag:$0x5], $0x2000, $0x38;
	[tilespmem:$0x1E800] =	vst v63  }
0x55: {  	_ =	swait.ge [sflag:s31], $0x2000  }
0x56: {  	[sflag:s31] =	ssyncset.done $0x0  }
0x57: {  	s19 =	rddreg [dreg:$0x16];
	[sflag:s31] =	ssyncadd.s32 $0xFFFFE000  }
0x58: {  	[spmem:s19] =	stream.linear.scatter [tilespmem:s30], [sflag:$0x5], $0x2000, $0x38;
	[tilespmem:$0x1E800] =	vst v63  }
0x59: {  	_ =	swait.ge [sflag:s31], $0x2000  }
0x5a: {  	[sflag:s31] =	ssyncset.done $0x0  }
0x5b: {  	s29 =	rddreg [dreg:$0x17];
	[sflag:s31] =	ssyncadd.s32 $0xFFFFE000  }
0x5c: {  	[spmem:s29] =	stream.linear.scatter [tilespmem:s30], [sflag:$0x5], $0x2000, $0x38;
	[tilespmem:$0x1E800] =	vst v63  }
0x5d: {  	_ =	swait.ge [sflag:s31], $0x2000  }
0x5e: {  	[sflag:s31] =	ssyncset.done $0x0  }
0x5f: {  	[sflag:s31] =	ssyncadd.s32 $0xFFFFE000  }
0x60: {  	s0 =	simm.s32 $0x0;
	s4 =	simm.s32 $0x0;
	[bflag:$0x0] =	sbarrier.arrive $0xFFFF  }
.LBB2_4:
0x61: {  	s6 =	smul.u32 $0x1400, s4;
	_ =	sdelay $0x1  }
0x62: {  	s6 =	sadd.s32 s28, s6  }
0x63: {  	s17 =	rddreg [dreg:$0x1];
	s6 =	sshrl.u32 s6, $0x3  }
0x64: {  	s17 =	sadd.s32 s17, s6  }
0x65: {  	[tilespmem:s10], [sflag:$0x5] =	stream.linear.gather [hbm4b:s17+s0], $0x1400, $0x38;
	[tilespmem:$0x1E800] =	vst v63  }
0x66: {  	_ =	swait.ge [sflag:s31], $0x1400  }
0x67: {  	[sflag:s31] =	ssyncset.done $0x0  }
0x68: {  	s18 =	simm.s32 $0x15400;
	s6 =	sadd.s32 s16, s6;
	[sflag:s31] =	ssyncadd.s32 $0xFFFFEC00  }
0x69: {  	[tilespmem:s18], [sflag:$0x5] =	stream.linear.gather [hbm4b:s6+s0], $0x1400, $0x38;
	[tilespmem:$0x1E800] =	vst v63  }
0x6a: {  	_ =	swait.ge [sflag:s31], $0x1400  }
0x6b: {  	[sflag:s31] =	ssyncset.done $0x0  }
0x6c: {  	[sflag:s31] =	ssyncadd.s32 $0xFFFFEC00  }
0x6d: {  	[tilespmem:s30], [sflag:$0x1] =	stream.indirect.gather [hbm4b:s15+s3], $0x80, s10, s3, $0xb8;
	[tilespmem:$0x1E800] =	vst v63  }
0x6e: {  	s19 =	simm.s32 $0x14080  }
0x6f: {  	[tilespmem:s5], [sflag:$0x2] =	stream.indirect.gather [hbm4b:s15+s3], $0x80, s19, s3, $0xb8;
	[tilespmem:$0x1E800] =	vst v63  }
0x70: {  	s17 =	simm.s32 $0x14100  }
0x71: {  	[tilespmem:s7], [sflag:$0x3] =	stream.indirect.gather [hbm4b:s15+s3], $0x80, s17, s3, $0xb8;
	[tilespmem:$0x1E800] =	vst v63  }
0x72: {  	s18 =	simm.s32 $0x14180  }
0x73: {  	[tilespmem:s8], [sflag:$0x4] =	stream.indirect.gather [hbm4b:s15+s3], $0x80, s18, s3, $0xb8;
	[tilespmem:$0x1E800] =	vst v63  }
0x74: {  	_ =	swait.ge [sflag:s9], $0x2000  }
0x75: {  	[sflag:s9] =	ssyncset.done $0x0  }
0x76: {  	s19 =	simm.s32 $0x15400;
	[sflag:s9] =	ssyncadd.s32 $0xFFFFE000  }
0x77: {  	[spmem:s12] =	stream.indirect.scatter.add.f32 [tilespmem:s30], [sflag:$0x5], $0x80, s19, s3, $0xb8;
	[tilespmem:$0x1E800] =	vst v63  }
0x78: {  	_ =	swait.ge [sflag:s31], $0x2000  }
0x79: {  	[sflag:s31] =	ssyncset.done $0x0  }
0x7a: {  	s17 =	simm.s32 $0x14200;
	[sflag:s31] =	ssyncadd.s32 $0xFFFFE000  }
0x7b: {  	[tilespmem:s30], [sflag:$0x1] =	stream.indirect.gather [hbm4b:s15+s3], $0x80, s17, s3, $0xb8;
	[tilespmem:$0x1E800] =	vst v63  }
0x7c: {  	_ =	swait.ge [sflag:s11], $0x2000  }
0x7d: {  	[sflag:s11] =	ssyncset.done $0x0  }
0x7e: {  	s18 =	simm.s32 $0x15480;
	[sflag:s11] =	ssyncadd.s32 $0xFFFFE000  }
0x7f: {  	[spmem:s12] =	stream.indirect.scatter.add.f32 [tilespmem:s5], [sflag:$0x5], $0x80, s18, s3, $0xb8;
	[tilespmem:$0x1E800] =	vst v63  }
0x80: {  	_ =	swait.ge [sflag:s31], $0x2000  }
0x81: {  	[sflag:s31] =	ssyncset.done $0x0  }
0x82: {  	s19 =	simm.s32 $0x14280;
	[sflag:s31] =	ssyncadd.s32 $0xFFFFE000  }
0x83: {  	[tilespmem:s5], [sflag:$0x2] =	stream.indirect.gather [hbm4b:s15+s3], $0x80, s19, s3, $0xb8;
	[tilespmem:$0x1E800] =	vst v63  }
0x84: {  	_ =	swait.ge [sflag:s13], $0x2000  }
0x85: {  	[sflag:s13] =	ssyncset.done $0x0  }
0x86: {  	s17 =	simm.s32 $0x15500;
	[sflag:s13] =	ssyncadd.s32 $0xFFFFE000  }
0x87: {  	[spmem:s12] =	stream.indirect.scatter.add.f32 [tilespmem:s7], [sflag:$0x5], $0x80, s17, s3, $0xb8;
	[tilespmem:$0x1E800] =	vst v63  }
0x88: {  	_ =	swait.ge [sflag:s31], $0x2000  }
0x89: {  	[sflag:s31] =	ssyncset.done $0x0  }
0x8a: {  	s18 =	simm.s32 $0x14300;
	[sflag:s31] =	ssyncadd.s32 $0xFFFFE000  }
0x8b: {  	[tilespmem:s7], [sflag:$0x3] =	stream.indirect.gather [hbm4b:s15+s3], $0x80, s18, s3, $0xb8;
	[tilespmem:$0x1E800] =	vst v63  }
0x8c: {  	_ =	swait.ge [sflag:s14], $0x2000  }
0x8d: {  	[sflag:s14] =	ssyncset.done $0x0  }
0x8e: {  	s19 =	simm.s32 $0x15580;
	[sflag:s14] =	ssyncadd.s32 $0xFFFFE000  }
0x8f: {  	[spmem:s12] =	stream.indirect.scatter.add.f32 [tilespmem:s8], [sflag:$0x5], $0x80, s19, s3, $0xb8;
	[tilespmem:$0x1E800] =	vst v63  }
0x90: {  	_ =	swait.ge [sflag:s31], $0x2000  }
0x91: {  	s29 =	simm.s32 $0x1000;
	s6 =	simm.s32 $0x200;
	[sflag:s31] =	ssyncset.done $0x0  }
.LBB2_5:
0x92: {  	s19 =	sadd.s32 $0x14180, s6  }
0x93: {  	[sflag:s31] =	ssyncadd.s32 $0xFFFFE000;
	s17 =	smov.u32 s29;
	s18 =	sadd.s32 $0x800, s29  }
0x94: {  	[tilespmem:s8], [sflag:$0x4] =	stream.indirect.gather [hbm4b:s15+s3], $0x80, s19, s3, $0xb8;
	[tilespmem:$0x1E800] =	vst v63  }
0x95: {  	p0 =	sne.s32 s29, $0x3800;
	_ =	swait.ge [sflag:s9], $0x2000  }
0x96: {  	[sflag:s9] =	ssyncset.done $0x0  }
0x97: {  	s19 =	sadd.s32 $0x15400, s6;
	[sflag:s9] =	ssyncadd.s32 $0xFFFFE000  }
0x98: {  	[spmem:s12] =	stream.indirect.scatter.add.f32 [tilespmem:s30], [sflag:$0x5], $0x80, s19, s3, $0xb8;
	[tilespmem:$0x1E800] =	vst v63  }
0x99: {  	_ =	swait.ge [sflag:s31], $0x2000  }
0x9a: {  	[sflag:s31] =	ssyncset.done $0x0  }
0x9b: {  	s19 =	sadd.s32 $0x14200, s6;
	[sflag:s31] =	ssyncadd.s32 $0xFFFFE000  }
0x9c: {  	[tilespmem:s30], [sflag:$0x1] =	stream.indirect.gather [hbm4b:s15+s3], $0x80, s19, s3, $0xb8;
	[tilespmem:$0x1E800] =	vst v63  }
0x9d: {  	_ =	swait.ge [sflag:s11], $0x2000  }
0x9e: {  	[sflag:s11] =	ssyncset.done $0x0  }
0x9f: {  	s19 =	sadd.s32 $0x15480, s6;
	[sflag:s11] =	ssyncadd.s32 $0xFFFFE000  }
0xa0: {  	[spmem:s12] =	stream.indirect.scatter.add.f32 [tilespmem:s5], [sflag:$0x5], $0x80, s19, s3, $0xb8;
	[tilespmem:$0x1E800] =	vst v63  }
0xa1: {  	_ =	swait.ge [sflag:s31], $0x2000  }
0xa2: {  	[sflag:s31] =	ssyncset.done $0x0  }
0xa3: {  	s19 =	sadd.s32 $0x14280, s6;
	[sflag:s31] =	ssyncadd.s32 $0xFFFFE000  }
0xa4: {  	[tilespmem:s5], [sflag:$0x2] =	stream.indirect.gather [hbm4b:s15+s3], $0x80, s19, s3, $0xb8;
	[tilespmem:$0x1E800] =	vst v63  }
0xa5: {  	_ =	swait.ge [sflag:s13], $0x2000  }
0xa6: {  	[sflag:s13] =	ssyncset.done $0x0  }
0xa7: {  	s19 =	sadd.s32 $0x15500, s6;
	[sflag:s13] =	ssyncadd.s32 $0xFFFFE000  }
0xa8: {  	[spmem:s12] =	stream.indirect.scatter.add.f32 [tilespmem:s7], [sflag:$0x5], $0x80, s19, s3, $0xb8;
	[tilespmem:$0x1E800] =	vst v63  }
0xa9: {  	_ =	swait.ge [sflag:s31], $0x2000  }
0xaa: {  	[sflag:s31] =	ssyncset.done $0x0  }
0xab: {  	s19 =	sadd.s32 $0x14300, s6;
	[sflag:s31] =	ssyncadd.s32 $0xFFFFE000  }
0xac: {  	[tilespmem:s7], [sflag:$0x3] =	stream.indirect.gather [hbm4b:s15+s3], $0x80, s19, s3, $0xb8;
	[tilespmem:$0x1E800] =	vst v63  }
0xad: {  	_ =	swait.ge [sflag:s14], $0x2000  }
.Ltmp1:
0xae: {  	[sflag:s14] =	ssyncset.done $0x0;
	(pc) =	sbr.rel @p0 .LBB2_5-.Ltmp1, $4  }
0xaf: {  	s6 =	sadd.s32 $0x15580, s6;
	[sflag:s14] =	ssyncadd.s32 $0xFFFFE000  }
0xb0: {  	[spmem:s12] =	stream.indirect.scatter.add.f32 [tilespmem:s8], [sflag:$0x5], $0x80, s6, s3, $0xb8;
	[tilespmem:$0x1E800] =	vst v63  }
0xb1: {  	_ =	swait.ge [sflag:s31], $0x2000  }
0xb2: {  	s29 =	smov.u32 s18;
	s6 =	sshra.s32 s17, $0x2;
	[sflag:s31] =	ssyncset.done $0x0  }
0xb3: {  	s17 =	sadd.s32 $0x14180, s6;
	[sflag:s31] =	ssyncadd.s32 $0xFFFFE000  }
0xb4: {  	[tilespmem:s8], [sflag:$0x4] =	stream.indirect.gather [hbm4b:s15+s3], $0x80, s17, s3, $0xb8;
	[tilespmem:$0x1E800] =	vst v63  }
0xb5: {  	_ =	swait.ge [sflag:s9], $0x2000  }
0xb6: {  	[sflag:s9] =	ssyncset.done $0x0  }
0xb7: {  	s29 =	sadd.s32 $0x15400, s6;
	[sflag:s9] =	ssyncadd.s32 $0xFFFFE000  }
0xb8: {  	[spmem:s12] =	stream.indirect.scatter.add.f32 [tilespmem:s30], [sflag:$0x5], $0x80, s29, s3, $0xb8;
	[tilespmem:$0x1E800] =	vst v63  }
0xb9: {  	_ =	swait.ge [sflag:s31], $0x2000  }
0xba: {  	[sflag:s31] =	ssyncset.done $0x0  }
0xbb: {  	s18 =	sadd.s32 $0x14200, s6;
	[sflag:s31] =	ssyncadd.s32 $0xFFFFE000  }
0xbc: {  	[tilespmem:s30], [sflag:$0x1] =	stream.indirect.gather [hbm4b:s15+s3], $0x80, s18, s3, $0xb8;
	[tilespmem:$0x1E800] =	vst v63  }
0xbd: {  	_ =	swait.ge [sflag:s11], $0x2000  }
0xbe: {  	[sflag:s11] =	ssyncset.done $0x0  }
0xbf: {  	s19 =	sadd.s32 $0x15480, s6;
	[sflag:s11] =	ssyncadd.s32 $0xFFFFE000  }
0xc0: {  	[spmem:s12] =	stream.indirect.scatter.add.f32 [tilespmem:s5], [sflag:$0x5], $0x80, s19, s3, $0xb8;
	[tilespmem:$0x1E800] =	vst v63  }
0xc1: {  	_ =	swait.ge [sflag:s31], $0x2000  }
0xc2: {  	[sflag:s31] =	ssyncset.done $0x0  }
0xc3: {  	s29 =	sadd.s32 $0x14280, s6;
	[sflag:s31] =	ssyncadd.s32 $0xFFFFE000  }
0xc4: {  	[tilespmem:s5], [sflag:$0x2] =	stream.indirect.gather [hbm4b:s15+s3], $0x80, s29, s3, $0xb8;
	[tilespmem:$0x1E800] =	vst v63  }
0xc5: {  	_ =	swait.ge [sflag:s13], $0x2000  }
0xc6: {  	[sflag:s13] =	ssyncset.done $0x0  }
0xc7: {  	s18 =	sadd.s32 $0x15500, s6;
	[sflag:s13] =	ssyncadd.s32 $0xFFFFE000  }
0xc8: {  	[spmem:s12] =	stream.indirect.scatter.add.f32 [tilespmem:s7], [sflag:$0x5], $0x80, s18, s3, $0xb8;
	[tilespmem:$0x1E800] =	vst v63  }
0xc9: {  	_ =	swait.ge [sflag:s31], $0x2000  }
0xca: {  	[sflag:s31] =	ssyncset.done $0x0  }
0xcb: {  	s19 =	sadd.s32 $0x14300, s6;
	[sflag:s31] =	ssyncadd.s32 $0xFFFFE000  }
0xcc: {  	[tilespmem:s7], [sflag:$0x3] =	stream.indirect.gather [hbm4b:s15+s3], $0x80, s19, s3, $0xb8;
	[tilespmem:$0x1E800] =	vst v63  }
0xcd: {  	_ =	swait.ge [sflag:s14], $0x2000  }
0xce: {  	[sflag:s14] =	ssyncset.done $0x0  }
0xcf: {  	s29 =	sadd.s32 $0x15580, s6;
	[sflag:s14] =	ssyncadd.s32 $0xFFFFE000  }
0xd0: {  	[spmem:s12] =	stream.indirect.scatter.add.f32 [tilespmem:s8], [sflag:$0x5], $0x80, s29, s3, $0xb8;
	[tilespmem:$0x1E800] =	vst v63  }
0xd1: {  	_ =	swait.ge [sflag:s31], $0x2000  }
0xd2: {  	[sflag:s31] =	ssyncset.done $0x0  }
0xd3: {  	s17 =	simm.s32 $0x15180;
	[sflag:s31] =	ssyncadd.s32 $0xFFFFE000  }
0xd4: {  	[tilespmem:s8], [sflag:$0x4] =	stream.indirect.gather [hbm4b:s15+s3], $0x80, s17, s3, $0xb8;
	[tilespmem:$0x1E800] =	vst v63  }
0xd5: {  	_ =	swait.ge [sflag:s9], $0x2000  }
0xd6: {  	[sflag:s9] =	ssyncset.done $0x0  }
0xd7: {  	s18 =	simm.s32 $0x16400;
	[sflag:s9] =	ssyncadd.s32 $0xFFFFE000  }
0xd8: {  	[spmem:s12] =	stream.indirect.scatter.add.f32 [tilespmem:s30], [sflag:$0x5], $0x80, s18, s3, $0xb8;
	[tilespmem:$0x1E800] =	vst v63  }
0xd9: {  	_ =	swait.ge [sflag:s31], $0x2000  }
0xda: {  	[sflag:s31] =	ssyncset.done $0x0  }
0xdb: {  	s19 =	simm.s32 $0x15200;
	[sflag:s31] =	ssyncadd.s32 $0xFFFFE000  }
0xdc: {  	[tilespmem:s30], [sflag:$0x1] =	stream.indirect.gather [hbm4b:s15+s3], $0x80, s19, s3, $0xb8;
	[tilespmem:$0x1E800] =	vst v63  }
0xdd: {  	_ =	swait.ge [sflag:s11], $0x2000  }
0xde: {  	[sflag:s11] =	ssyncset.done $0x0  }
0xdf: {  	s29 =	simm.s32 $0x16480;
	[sflag:s11] =	ssyncadd.s32 $0xFFFFE000  }
0xe0: {  	[spmem:s12] =	stream.indirect.scatter.add.f32 [tilespmem:s5], [sflag:$0x5], $0x80, s29, s3, $0xb8;
	[tilespmem:$0x1E800] =	vst v63  }
0xe1: {  	_ =	swait.ge [sflag:s31], $0x2000  }
0xe2: {  	[sflag:s31] =	ssyncset.done $0x0  }
0xe3: {  	[sflag:s31] =	ssyncadd.s32 $0xFFFFE000  }
0xe4: {  	[tilespmem:s5], [sflag:$0x2] =	stream.indirect.gather [hbm4b:s15+s3], $0x80, s20, s3, $0xb8;
	[tilespmem:$0x1E800] =	vst v63  }
0xe5: {  	_ =	swait.ge [sflag:s13], $0x2000  }
0xe6: {  	[sflag:s13] =	ssyncset.done $0x0  }
0xe7: {  	[sflag:s13] =	ssyncadd.s32 $0xFFFFE000  }
0xe8: {  	[spmem:s12] =	stream.indirect.scatter.add.f32 [tilespmem:s7], [sflag:$0x5], $0x80, s21, s3, $0xb8;
	[tilespmem:$0x1E800] =	vst v63  }
0xe9: {  	_ =	swait.ge [sflag:s31], $0x2000  }
0xea: {  	[sflag:s31] =	ssyncset.done $0x0  }
0xeb: {  	[sflag:s31] =	ssyncadd.s32 $0xFFFFE000  }
0xec: {  	[tilespmem:s7], [sflag:$0x3] =	stream.indirect.gather [hbm4b:s15+s3], $0x80, s22, s3, $0xb8;
	[tilespmem:$0x1E800] =	vst v63  }
0xed: {  	_ =	swait.ge [sflag:s14], $0x2000  }
0xee: {  	[sflag:s14] =	ssyncset.done $0x0  }
0xef: {  	[sflag:s14] =	ssyncadd.s32 $0xFFFFE000  }
0xf0: {  	[spmem:s12] =	stream.indirect.scatter.add.f32 [tilespmem:s8], [sflag:$0x5], $0x80, s23, s3, $0xb8;
	[tilespmem:$0x1E800] =	vst v63  }
0xf1: {  	_ =	swait.ge [sflag:s31], $0x2000  }
0xf2: {  	[sflag:s31] =	ssyncset.done $0x0  }
0xf3: {  	[sflag:s31] =	ssyncadd.s32 $0xFFFFE000  }
0xf4: {  	[tilespmem:s8], [sflag:$0x4] =	stream.indirect.gather [hbm4b:s15+s3], $0x80, s24, s3, $0xb8;
	[tilespmem:$0x1E800] =	vst v63  }
0xf5: {  	_ =	swait.ge [sflag:s9], $0x2000  }
0xf6: {  	[sflag:s9] =	ssyncset.done $0x0  }
0xf7: {  	[sflag:s9] =	ssyncadd.s32 $0xFFFFE000  }
0xf8: {  	[spmem:s12] =	stream.indirect.scatter.add.f32 [tilespmem:s30], [sflag:$0x5], $0x80, s25, s3, $0xb8;
	[tilespmem:$0x1E800] =	vst v63  }
0xf9: {  	_ =	swait.ge [sflag:s31], $0x2000  }
0xfa: {  	[sflag:s31] =	ssyncset.done $0x0  }
0xfb: {  	[sflag:s31] =	ssyncadd.s32 $0xFFFFE000  }
0xfc: {  	_ =	swait.ge [sflag:s11], $0x2000  }
0xfd: {  	[sflag:s11] =	ssyncset.done $0x0  }
0xfe: {  	[sflag:s11] =	ssyncadd.s32 $0xFFFFE000  }
0xff: {  	[spmem:s12] =	stream.indirect.scatter.add.f32 [tilespmem:s5], [sflag:$0x5], $0x80, s26, s3, $0xb8;
	[tilespmem:$0x1E800] =	vst v63  }
0x100: {  	_ =	swait.ge [sflag:s31], $0x2000  }
0x101: {  	[sflag:s31] =	ssyncset.done $0x0  }
0x102: {  	[sflag:s31] =	ssyncadd.s32 $0xFFFFE000  }
0x103: {  	_ =	swait.ge [sflag:s13], $0x2000  }
0x104: {  	[sflag:s13] =	ssyncset.done $0x0  }
0x105: {  	[sflag:s13] =	ssyncadd.s32 $0xFFFFE000  }
0x106: {  	[spmem:s12] =	stream.indirect.scatter.add.f32 [tilespmem:s7], [sflag:$0x5], $0x80, s2, s3, $0xb8;
	[tilespmem:$0x1E800] =	vst v63  }
0x107: {  	_ =	swait.ge [sflag:s31], $0x2000  }
0x108: {  	[sflag:s31] =	ssyncset.done $0x0  }
0x109: {  	[sflag:s31] =	ssyncadd.s32 $0xFFFFE000  }
0x10a: {  	s4 =	sadd.s32 $0x1, s4;
	_ =	swait.ge [sflag:s14], $0x2000  }
0x10b: {  	p0 =	sne.s32 s4, $0x4;
	[sflag:s14] =	ssyncset.done $0x0  }
.Ltmp2:
0x10c: {  	[sflag:s14] =	ssyncadd.s32 $0xFFFFE000;
	(pc) =	sbr.rel @p0 .LBB2_4-.Ltmp2, $4  }
0x10d: {  	[spmem:s12] =	stream.indirect.scatter.add.f32 [tilespmem:s8], [sflag:$0x5], $0x80, s1, s3, $0xb8;
	[tilespmem:$0x1E800] =	vst v63  }
0x10e: {  	_ =	swait.ge [sflag:s31], $0x2000  }
0x10f: {  	[sflag:s31] =	ssyncset.done $0x0  }
0x110: {  	[sflag:s31] =	ssyncadd.s32 $0xFFFFE000  }
0x111: {  	[bflag:$0x0] =	sbarrier.arrive $0xFFFF  }
0x112: {  	s17 =	rddreg [dreg:$0xe]  }
0x113: {  	[tilespmem:s30], [sflag:$0x5] =	stream.linear.gather [spmem:s17], $0x2000, $0x38;
	[tilespmem:$0x1E800] =	vst v63  }
0x114: {  	_ =	swait.ge [sflag:s31], $0x2000  }
0x115: {  	[sflag:s31] =	ssyncset.done $0x0  }
0x116: {  	s0 =	simm.s32 $0x0;
	s4 =	rddreg [dreg:$0x4];
	[sflag:s31] =	ssyncadd.s32 $0xFFFFE000  }
0x117: {  	[hbm4b:s4+s0] =	stream.linear.scatter [tilespmem:s30], [sflag:$0x5], $0x2000, $0x38;
	[tilespmem:$0x1E800] =	vst v63  }
0x118: {  	_ =	swait.ge [sflag:s31], $0x2000  }
0x119: {  	[sflag:s31] =	ssyncset.done $0x0  }
0x11a: {  	s18 =	rddreg [dreg:$0xf];
	[sflag:s31] =	ssyncadd.s32 $0xFFFFE000  }
0x11b: {  	[tilespmem:s30], [sflag:$0x5] =	stream.linear.gather [spmem:s18], $0x2000, $0x38;
	[tilespmem:$0x1E800] =	vst v63  }
0x11c: {  	_ =	swait.ge [sflag:s31], $0x2000  }
0x11d: {  	[sflag:s31] =	ssyncset.done $0x0  }
0x11e: {  	s6 =	rddreg [dreg:$0x5];
	[sflag:s31] =	ssyncadd.s32 $0xFFFFE000  }
0x11f: {  	[hbm4b:s6+s0] =	stream.linear.scatter [tilespmem:s30], [sflag:$0x5], $0x2000, $0x38;
	[tilespmem:$0x1E800] =	vst v63  }
0x120: {  	_ =	swait.ge [sflag:s31], $0x2000  }
0x121: {  	[sflag:s31] =	ssyncset.done $0x0  }
0x122: {  	s6 =	rddreg [dreg:$0x10];
	[sflag:s31] =	ssyncadd.s32 $0xFFFFE000  }
0x123: {  	[tilespmem:s30], [sflag:$0x5] =	stream.linear.gather [spmem:s6], $0x2000, $0x38;
	[tilespmem:$0x1E800] =	vst v63  }
0x124: {  	_ =	swait.ge [sflag:s31], $0x2000  }
0x125: {  	[sflag:s31] =	ssyncset.done $0x0  }
0x126: {  	s19 =	rddreg [dreg:$0x6];
	[sflag:s31] =	ssyncadd.s32 $0xFFFFE000  }
0x127: {  	[hbm4b:s19+s0] =	stream.linear.scatter [tilespmem:s30], [sflag:$0x5], $0x2000, $0x38;
	[tilespmem:$0x1E800] =	vst v63  }
0x128: {  	_ =	swait.ge [sflag:s31], $0x2000  }
0x129: {  	[sflag:s31] =	ssyncset.done $0x0  }
0x12a: {  	s19 =	rddreg [dreg:$0x11];
	[sflag:s31] =	ssyncadd.s32 $0xFFFFE000  }
0x12b: {  	[tilespmem:s30], [sflag:$0x5] =	stream.linear.gather [spmem:s19], $0x2000, $0x38;
	[tilespmem:$0x1E800] =	vst v63  }
0x12c: {  	_ =	swait.ge [sflag:s31], $0x2000  }
0x12d: {  	[sflag:s31] =	ssyncset.done $0x0  }
0x12e: {  	s4 =	rddreg [dreg:$0x7];
	[sflag:s31] =	ssyncadd.s32 $0xFFFFE000  }
0x12f: {  	[hbm4b:s4+s0] =	stream.linear.scatter [tilespmem:s30], [sflag:$0x5], $0x2000, $0x38;
	[tilespmem:$0x1E800] =	vst v63  }
0x130: {  	_ =	swait.ge [sflag:s31], $0x2000  }
0x131: {  	[sflag:s31] =	ssyncset.done $0x0  }
0x132: {  	s29 =	rddreg [dreg:$0x12];
	[sflag:s31] =	ssyncadd.s32 $0xFFFFE000  }
0x133: {  	[tilespmem:s30], [sflag:$0x5] =	stream.linear.gather [spmem:s29], $0x2000, $0x38;
	[tilespmem:$0x1E800] =	vst v63  }
0x134: {  	_ =	swait.ge [sflag:s31], $0x2000  }
0x135: {  	[sflag:s31] =	ssyncset.done $0x0  }
0x136: {  	s4 =	rddreg [dreg:$0x8];
	[sflag:s31] =	ssyncadd.s32 $0xFFFFE000  }
0x137: {  	[hbm4b:s4+s0] =	stream.linear.scatter [tilespmem:s30], [sflag:$0x5], $0x2000, $0x38;
	[tilespmem:$0x1E800] =	vst v63  }
0x138: {  	_ =	swait.ge [sflag:s31], $0x2000  }
0x139: {  	[sflag:s31] =	ssyncset.done $0x0  }
0x13a: {  	s4 =	rddreg [dreg:$0x13];
	[sflag:s31] =	ssyncadd.s32 $0xFFFFE000  }
0x13b: {  	[tilespmem:s30], [sflag:$0x5] =	stream.linear.gather [spmem:s4], $0x2000, $0x38;
	[tilespmem:$0x1E800] =	vst v63  }
0x13c: {  	_ =	swait.ge [sflag:s31], $0x2000  }
0x13d: {  	[sflag:s31] =	ssyncset.done $0x0  }
0x13e: {  	s4 =	rddreg [dreg:$0x9];
	[sflag:s31] =	ssyncadd.s32 $0xFFFFE000  }
0x13f: {  	[hbm4b:s4+s0] =	stream.linear.scatter [tilespmem:s30], [sflag:$0x5], $0x2000, $0x38;
	[tilespmem:$0x1E800] =	vst v63  }
0x140: {  	_ =	swait.ge [sflag:s31], $0x2000  }
0x141: {  	[sflag:s31] =	ssyncset.done $0x0  }
0x142: {  	s4 =	rddreg [dreg:$0x14];
	[sflag:s31] =	ssyncadd.s32 $0xFFFFE000  }
0x143: {  	[tilespmem:s30], [sflag:$0x5] =	stream.linear.gather [spmem:s4], $0x2000, $0x38;
	[tilespmem:$0x1E800] =	vst v63  }
0x144: {  	_ =	swait.ge [sflag:s31], $0x2000  }
0x145: {  	[sflag:s31] =	ssyncset.done $0x0  }
0x146: {  	s4 =	rddreg [dreg:$0xa];
	[sflag:s31] =	ssyncadd.s32 $0xFFFFE000  }
0x147: {  	[hbm4b:s4+s0] =	stream.linear.scatter [tilespmem:s30], [sflag:$0x5], $0x2000, $0x38;
	[tilespmem:$0x1E800] =	vst v63  }
0x148: {  	_ =	swait.ge [sflag:s31], $0x2000  }
0x149: {  	[sflag:s31] =	ssyncset.done $0x0  }
0x14a: {  	s4 =	rddreg [dreg:$0x15];
	[sflag:s31] =	ssyncadd.s32 $0xFFFFE000  }
0x14b: {  	[tilespmem:s30], [sflag:$0x5] =	stream.linear.gather [spmem:s4], $0x2000, $0x38;
	[tilespmem:$0x1E800] =	vst v63  }
0x14c: {  	_ =	swait.ge [sflag:s31], $0x2000  }
0x14d: {  	[sflag:s31] =	ssyncset.done $0x0  }
0x14e: {  	s4 =	rddreg [dreg:$0xb];
	[sflag:s31] =	ssyncadd.s32 $0xFFFFE000  }
0x14f: {  	[hbm4b:s4+s0] =	stream.linear.scatter [tilespmem:s30], [sflag:$0x5], $0x2000, $0x38;
	[tilespmem:$0x1E800] =	vst v63  }
0x150: {  	_ =	swait.ge [sflag:s31], $0x2000  }
0x151: {  	[sflag:s31] =	ssyncset.done $0x0  }
0x152: {  	s4 =	rddreg [dreg:$0x16];
	[sflag:s31] =	ssyncadd.s32 $0xFFFFE000  }
0x153: {  	[tilespmem:s30], [sflag:$0x5] =	stream.linear.gather [spmem:s4], $0x2000, $0x38;
	[tilespmem:$0x1E800] =	vst v63  }
0x154: {  	_ =	swait.ge [sflag:s31], $0x2000  }
0x155: {  	[sflag:s31] =	ssyncset.done $0x0  }
0x156: {  	s4 =	rddreg [dreg:$0xc];
	[sflag:s31] =	ssyncadd.s32 $0xFFFFE000  }
0x157: {  	[hbm4b:s4+s0] =	stream.linear.scatter [tilespmem:s30], [sflag:$0x5], $0x2000, $0x38;
	[tilespmem:$0x1E800] =	vst v63  }
0x158: {  	_ =	swait.ge [sflag:s31], $0x2000  }
0x159: {  	[sflag:s31] =	ssyncset.done $0x0  }
0x15a: {  	s4 =	rddreg [dreg:$0x17];
	[sflag:s31] =	ssyncadd.s32 $0xFFFFE000  }
0x15b: {  	[tilespmem:s30], [sflag:$0x5] =	stream.linear.gather [spmem:s4], $0x2000, $0x38;
	[tilespmem:$0x1E800] =	vst v63  }
0x15c: {  	_ =	swait.ge [sflag:s31], $0x2000  }
0x15d: {  	[sflag:s31] =	ssyncset.done $0x0  }
0x15e: {  	s4 =	rddreg [dreg:$0xd];
	[sflag:s31] =	ssyncadd.s32 $0xFFFFE000  }
0x15f: {  	[hbm4b:s4+s0] =	stream.linear.scatter [tilespmem:s30], [sflag:$0x5], $0x2000, $0x38;
	[tilespmem:$0x1E800] =	vst v63  }
0x160: {  	_ =	swait.ge [sflag:s31], $0x2000  }
0x161: {  	s0 =	rddreg [dreg:$0x19]  }
0x162: {  	s4 =	sadd.s32 $0x1, s0;
	s0 =	rddreg [dreg:$0x18]  }
0x163: {  	p0 =	sne.s32 s4, s0  }
.Ltmp3:
0x164: {  	_ = 	snop;
	(pc) =	sbr.rel @p0 .LBB2_1-.Ltmp3, $3  }
0x165: {  	_ =	sdelay $0x1  }
0x166: {  	[sflag:s31] =	ssyncset.done $0x0  }
0x167: {  	[sflag:s31] =	ssyncadd.s32 $0xFFFFE000  }
0x168: {  	_ =	sfence.sel $0x180000  }
0x169: {  	[bflag:$0x0] =	sbarrier.arrive $0xFFFF  }
0x16a: {  	_ =	strace $0x9000004A  }
0x16b: {  	s0 =	stileid.u32;
	[bflag:$0x2] =	sbarrier.arrive $0xFFFF  }
0x16c: {  	p0 =	sne.s32 s0, $0x0;
	s0 =	rddreg [dreg:$0x3]  }
0x16d: {  	s0 =	sadd.s32 @!p0 $0x100000, s0  }
0x16e: {  	[sflag:s0] =	ssyncadd.tile.s32 @!p0 $0x1;
	_ =	shalt  }
.Lfunc_end2:
_tile_overlayer_lowered:
.L_overlay_start_2:
0x16f: {  	(tag) =	ssettag $0x2  }
0x170: {  	s0 =	rddreg [dreg:$0x0];
	s2 =	stileid.u32  }
0x171: {  	s1 =	rddreg [dreg:$0x1];
	p0 =	sne.s32 s2, $0x0  }
0x172: {  	s3 =	rddreg [dreg:$0x2];
	[bflag:$0x3] =	sbarrier.arrive $0xFFFF;
	s2 =	simm.s32 @!p0 $0x1C05  }
0x173: {  	[timem:s3], [sflag:s2] =	dma.local @!p0 [hbm:s0], s1  }
0x174: {  	s0 =	simm.s32 @!p0 $0x5  }
0x175: {  	_ =	swait.ge @!p0 [sflag:s0], s1  }
0x176: {  	s1 =	ssub.s32 @!p0 $0x0, s1;
	[sflag:s0] =	ssyncset.done @!p0 $0x0  }
0x177: {  	[sflag:s0] =	ssyncadd.s32 @!p0 s1  }
0x178: {  	[bflag:$0x3] =	sbarrier.arrive $0xFFFF  }
0x179: {  	_ =	shalt  }

// kernel: kernel.7.cloned.1.call-start
scs
__scs_entry_jumppad:
0x0: {  	(pc) =	sbr.rel $0x88, $3  }
0x1: {  	(tag) =	ssettag $0x0;
	lr =	simm.s32 $0x1  }
0x2: {  	[smem:$0x3F99] =	sst lr;
	_ =	strace $0xD0000000  }
0x3: {  	_ = 	snop  }
0x4: {  	_ = 	snop  }
0x5: {  	_ = 	snop  }
0x6: {  	_ = 	snop  }
0x7: {  	_ = 	snop  }
__scs_overlays_trampoline_lowered:
0x8: {  	[smem:$0x3FA8] =	sst s0  }
0x9: {  	[smem:$0x3FA9] =	sst s1  }
0xa: {  	[smem:$0x3FAA] =	sst s2  }
0xb: {  	[smem:$0x3FAB] =	sst s3  }
0xc: {  	[smem:$0x3FAC] =	sst s4  }
0xd: {  	[smem:$0x3FAD] =	sst s5  }
0xe: {  	[smem:$0x3FAE] =	sst s6  }
0xf: {  	[smem:$0x3FAF] =	sst s7  }
0x10: {  	[smem:$0x3FB0] =	sst s8  }
0x11: {  	[smem:$0x3FB1] =	sst s9;
	s0 =	simm.s32 @!p0 $0x0  }
0x12: {  	s1 =	sld [smem:$0x3F97];
	s0 =	simm.s32 @p0 $0x1  }
0x13: {  	[smem:$0x3FB2] =	sst s0;
	s0 =	simm.s32 @!p1 $0x0  }
0x14: {  	s2 =	sld [smem:$0x3F96];
	s0 =	simm.s32 @p1 $0x1  }
0x15: {  	[smem:$0x3FB3] =	sst s0;
	s0 =	simm.s32 @!p2 $0x0  }
0x16: {  	s3 =	sld [smem:$0x3FDB];
	s0 =	simm.s32 @p2 $0x1  }
0x17: {  	s4 =	simm.s32 $0x1BF5;
	[smem:$0x3FB5] =	sst s0  }
0x18: {  	s0 =	sld [smem:$0x3F98];
	_ =	swait.ge [sflag:s4], $0x0  }
0x19: {  	s7 =	sld [smem:$0x3F99]  }
0x1a: {  	s8 =	sadd.s32 $0xFFFFE003, lr  }
0x1b: {  	s9 =	sadd.s32 $0xFFFFFEF7, lr;
	s5 =	simm.s32 $0xFFFFFFFF;
	p2 =	slt.u32 s8, $0xFFFFF086  }
0x1c: {  	p1 =	slt.u32 s9, $0xF7A;
	s5 =	simm.s32 @!p2 $0x0  }
0x1d: {  	s5 =	simm.s32 @p1 $0x1;
	p0 =	seq.s32 s7, s2  }
0x1e: {  	s7 =	smul.u32 @!p0 $0xF7A, s2;
	p2 =	seq.s32 @!p0 s5, $0x0  }
0x1f: {  	s9 =	smul.u32 $0xF7A, s1;
	s8 =	simm.s32 @!p0 $0x1BF5;
	p2 =	por !p2, p0  }
0x20: {  	[sflag:s8] =	ssyncset.s32 @!p0 $0xFFFFF086;
	s6 =	sadd.s32 @!p0 s3, s7;
	s7 =	simm.s32 @!p0 $0x108  }
0x21: {  	s3 =	sadd.s32 s3, s9;
	s6 =	sadd.s32 @!p0 $0x88, s6;
	s7 =	simm.s32 @p2 $0x1082  }
0x22: {  	[simem:s7], [sflag:s8] =	dma.local @!p0 [hbm:s6], $0xF7A  }
0x23: {  	s9 =	sor.u32 $0xD0000000, s2;
	s6 =	simm.s32 $0x108;
	_ =	swait.ge @!p0 [sflag:s8], $0x0  }
0x24: {  	s3 =	sadd.s32 $0x88, s3;
	s6 =	simm.s32 @!p1 $0x1082;
	[sflag:s4] =	ssyncset.s32 $0xFFFFF086  }
0x25: {  	[simem:s6], [sflag:s4] =	dma.local [hbm:s3], $0xF7A  }
0x26: {  	[smem:$0x3F99] =	sst s1;
	(tag) =	ssettag s2;
	_ =	strace s9  }
0x27: {  	s1 =	sld [smem:$0x3FA9]  }
0x28: {  	s2 =	sld [smem:$0x3FAA]  }
0x29: {  	s4 =	sld [smem:$0x3FAC]  }
0x2a: {  	p0 =	seq.s32 s5, $0x0;
	s5 =	sld [smem:$0x3FAD]  }
0x2b: {  	s6 =	sld [smem:$0x3FAE]  }
0x2c: {  	s7 =	sld [smem:$0x3FAF]  }
0x2d: {  	s3 =	simm.s32 $0x108;
	s8 =	sld [smem:$0x3FB0]  }
0x2e: {  	s3 =	simm.s32 @!p0 $0x1082;
	s9 =	sld [smem:$0x3FB1]  }
0x2f: {  	lr =	sadd.s32 s0, s3;
	s0 =	sld [smem:$0x3FA8]  }
0x30: {  	s3 =	sld [smem:$0x3FAB]  }
0x31: {  	[smem:$0x3FB4] =	sst s10  }
0x32: {  	s10 =	sld [smem:$0x3FB2];
	_ =	sdelay $0x3  }
0x33: {  	p0 =	seq.s32 s10, $0x1;
	s10 =	sld [smem:$0x3FB4];
	_ =	sdelay $0x3  }
0x34: {  	[smem:$0x3FB4] =	sst s10  }
0x35: {  	s10 =	sld [smem:$0x3FB3];
	_ =	sdelay $0x3  }
0x36: {  	p1 =	seq.s32 s10, $0x1;
	s10 =	sld [smem:$0x3FB4];
	_ =	sdelay $0x3  }
0x37: {  	[smem:$0x3FB4] =	sst s10  }
0x38: {  	s10 =	sld [smem:$0x3FB5]  }
0x39: {  	_ = 	snop;
	(pc) =	sbr.ind lr, $3  }
0x3a: {  	_ = 	snop  }
0x3b: {  	_ = 	snop  }
0x3c: {  	p2 =	seq.s32 s10, $0x1;
	s10 =	sld [smem:$0x3FB4]  }
0x3d: {  	_ =	shalt  }
0x3e: {  	_ =	shalt  }
0x3f: {  	_ =	shalt  }
0x40: {  	_ =	shalt  }
0x41: {  	_ =	shalt  }
0x42: {  	_ =	shalt  }
0x43: {  	_ =	shalt  }
0x44: {  	_ =	shalt  }
0x45: {  	_ =	shalt  }
0x46: {  	_ =	shalt  }
0x47: {  	_ =	shalt  }
0x48: {  	_ =	shalt  }
0x49: {  	_ =	shalt  }
0x4a: {  	_ =	shalt  }
0x4b: {  	_ =	shalt  }
0x4c: {  	_ =	shalt  }
0x4d: {  	_ =	shalt  }
0x4e: {  	_ =	shalt  }
0x4f: {  	_ =	shalt  }
0x50: {  	_ =	shalt  }
0x51: {  	_ =	shalt  }
0x52: {  	_ =	shalt  }
0x53: {  	_ =	shalt  }
0x54: {  	_ =	shalt  }
0x55: {  	_ =	shalt  }
0x56: {  	_ =	shalt  }
0x57: {  	_ =	shalt  }
0x58: {  	_ =	shalt  }
0x59: {  	_ =	shalt  }
0x5a: {  	_ =	shalt  }
0x5b: {  	_ =	shalt  }
0x5c: {  	_ =	shalt  }
0x5d: {  	_ =	shalt  }
0x5e: {  	_ =	shalt  }
0x5f: {  	_ =	shalt  }
0x60: {  	_ =	shalt  }
0x61: {  	_ =	shalt  }
0x62: {  	_ =	shalt  }
0x63: {  	_ =	shalt  }
0x64: {  	_ =	shalt  }
0x65: {  	_ =	shalt  }
0x66: {  	_ =	shalt  }
0x67: {  	_ =	shalt  }
0x68: {  	_ =	shalt  }
0x69: {  	_ =	shalt  }
0x6a: {  	_ =	shalt  }
0x6b: {  	_ =	shalt  }
0x6c: {  	_ =	shalt  }
0x6d: {  	_ =	shalt  }
0x6e: {  	_ =	shalt  }
0x6f: {  	_ =	shalt  }
0x70: {  	_ =	shalt  }
0x71: {  	_ =	shalt  }
0x72: {  	_ =	shalt  }
0x73: {  	_ =	shalt  }
0x74: {  	_ =	shalt  }
0x75: {  	_ =	shalt  }
0x76: {  	_ =	shalt  }
0x77: {  	_ =	shalt  }
0x78: {  	_ =	shalt  }
0x79: {  	_ =	shalt  }
0x7a: {  	_ =	shalt  }
0x7b: {  	_ =	shalt  }
0x7c: {  	_ =	shalt  }
0x7d: {  	_ =	shalt  }
0x7e: {  	_ =	shalt  }
0x7f: {  	_ =	shalt  }
0x80: {  	_ =	shalt  }
0x81: {  	_ =	shalt  }
0x82: {  	_ =	shalt  }
0x83: {  	_ =	shalt  }
0x84: {  	_ =	shalt  }
0x85: {  	_ =	shalt  }
0x86: {  	_ =	shalt  }
0x87: {  	_ =	shalt  }
.Lfunc_end0:
.L_simem_size_0:
called_computation_lowered:
.L_overlay_start_0:
0x88: {  	s2 =	sld [smem:$0x3FD9]  }
0x89: {  	s3 =	sld [smem:$0x3FFE];
	_ =	sdelay $0x1  }
0x8a: {  	s1 =	srdreg.scid  }
0x8b: {  	s0 =	sand.u32 $0x1, s1  }
0x8c: {  	s17 =	sshll.u32 s0, $0xA;
	s2 =	sadd.s32 s3, s2  }
0x8d: {  	s2 =	sadd.s32 s2, s17  }
0x8e: {  	[smem:$0x3FC0] =	sst s2  }
0x8f: {  	_ = 	snop  }
0x90: {  	s2 =	sld [smem:$0x3FD0];
	(tm) =	ssettm $0x1  }
0x91: {  	s18 =	sld [smem:$0x3FFB];
	_ =	sdelay $0x3  }
0x92: {  	_ =	strace s18  }
0x93: {  	s3 =	sld [smem:$0x3FFC];
	_ =	sdelay $0x3  }
0x94: {  	_ =	strace s3  }
0x95: {  	s3 =	sld [smem:$0x3FFD];
	_ =	sdelay $0x3  }
0x96: {  	_ =	strace s3  }
0x97: {  	_ =	strace $0x8FFFFFFF  }
0x98: {  	s19 =	sld [smem:$0x3FDB];
	_ =	sdelay $0x1  }
0x99: {  	s4 =	simm.s32 $_scs_section_size  }
0x9a: {  	s5 =	simm.s32 $_size__tile_overlayer_lowered;
	s6 =	simm.s32 $_tile_overlayer_lowered  }
0x9b: {  	s22 =	simm.s32 $0x1BFF;
	s21 =	sshll.u32 s6, $0x1;
	s3 =	sadd.s32 s4, s19  }
0x9c: {  	s7 =	simm.s32 $0x0;
	s20 =	sshll.u32 s5, $0x1;
	s5 =	sadd.s32 s21, s3  }
0x9d: {  	[timem:s7], [sflag:s22] =	dma.local [hbm:s5], s20  }
0x9e: {  	_ =	swait.ge [sflag:s22], s20  }
0x9f: {  	s4 =	ssub.s32 $0x0, s20;
	[sflag:s22] =	ssyncset.done $0x0  }
0xa0: {  	[sflag:s22] =	ssyncadd.s32 s4;
	_ =	sdelay $0x1  }
0xa1: {  	s23 =	simm.s32 $0x1B8B  }
0xa2: {  	_ =	swait.ge [sflag:s23], $0x1  }
0xa3: {  	[sflag:s23] =	ssyncset.done $0x0  }
0xa4: {  	s25 =	simm.s32 $0x1B8E;
	s24 =	sld [smem:$0x3FFE];
	[sflag:s23] =	ssyncadd.s32 $0xFFFFFFFF  }
0xa5: {  	s26 =	simm.s32 $execute0_lowered;
	[smem:$0x3FD2] =	sst s25  }
0xa6: {  	s5 =	sshll.u32 s26, $0x1;
	_ =	strace $0x80000046;
	[dreg:$0x1] =	wrdreg $0xFFFFFFFF  }
0xa7: {  	s28 =	simm.s32 $_size_execute0_lowered;
	s3 =	sadd.s32 s3, s5;
	[dreg:$0x0] =	wrdreg $0x0  }
0xa8: {  	s5 =	sshll.u32 s28, $0x1;
	[dreg:$0x2] =	wrdreg s3  }
0xa9: {  	[dreg:$0x3] =	wrdreg s5  }
0xaa: {  	[dreg:$0x4] =	wrdreg $0xC0  }
0xab: {  	_ =	task [dreg:s7], $0x5FFFF  }
0xac: {  	[dreg:$0x1] =	wrdreg $0xFFFFFFFF  }
0xad: {  	[dreg:$0x0] =	wrdreg $0x60  }
0xae: {  	[dreg:$0x2] =	wrdreg s24  }
0xaf: {  	[dreg:$0x3] =	wrdreg s2  }
0xb0: {  	[dreg:$0x4] =	wrdreg $0x0  }
0xb1: {  	[dreg:$0x5] =	wrdreg $0x9  }
0xb2: {  	_ =	task.clear_ibuf [dreg:s7], $0x6FFFF;
	_ =	strace $0x90000046  }
0xb3: {  	s29 =	simm.s32 $0x9;
	_ =	strace $0x80000048  }
0xb4: {  	_ =	swait.ge [sflag:s29], $0x1  }
0xb5: {  	[sflag:s29] =	ssyncadd.s32 $0xFFFFFFFF  }
0xb6: {  	_ =	strace $0x90000048  }
0xb7: {  	_ =	sfence  }
0xb8: {  	s30 =	sld [smem:$0x0];
	_ =	sdelay $0x2  }
0xb9: {  	s31 =	sshll.u32 s1, $0xD;
	s1 =	sshrl.u32 s1, $0x2  }
0xba: {  	s3 =	sand.u32 $0x4000, s31;
	s1 =	sadd.s32 s1, s30  }
0xbb: {  	s0 =	sor.u32 s3, s0;
	s1 =	sshll.u32 s1, $0x11  }
0xbc: {  	s0 =	sor.u32 s1, s0  }
0xbd: {  	s0 =	sadd.s32 $0x8F2B, s0  }
0xbe: {  	[sflag:s0] =	ssyncadd.remote.s32 $0x1  }
0xbf: {  	_ =	sfence.sel $0xFFFF  }
0xc0: {  	[dreg:$0x0] =	wrdreg $0xFFFFFFFF;
	(pc) =	sbr.abs _section_cstart, $3  }
0xc1: {  	[dreg:$0x1] =	wrdreg $0xFFFFFFFF  }
0xc2: {  	_ =	task.clear_ibuf [dreg:s7], $0x2FFFF;
	_ =	strace $0x9FFFFFFF  }
0xc3: {  	(tm) =	ssettm $0x7FFFFFFF  }
tec
execute0_lowered:
.L_overlay_start_1:
0x0: {  	(tag) =	ssettag $0x1  }
0x1: {  	s0 =	srdreg.scid;
	s1 =	rddreg [dreg:$0x0];
	s3 =	simm.s32 $0x0  }
0x2: {  	s24 =	stileid.u32;
	s2 =	sand.u32 $0x1, s0;
	[smem:$0x7FF] =	sst s3  }
0x3: {  	s4 =	smul.u32 $0x14000, s24;
	s5 =	sadd.s32 $0x3E200, s1;
	s0 =	ssub.s32 $0x2, s2  }
0x4: {  	s6 =	sadd.s32 $0x8E200, s1;
	s8 =	smul.u32 $0x140000, s2;
	s25 =	sshrl.u32 s0, $0x1  }
0x5: {  	s3 =	sor.u32 $0x2000, s4;
	s7 =	sadd.s32 $0x4000, s4;
	s9 =	sadd.s32 $0x6000, s4  }
0x6: {  	s10 =	sadd.s32 $0x8000, s4;
	s11 =	sadd.s32 $0xA000, s4;
	s12 =	sadd.s32 $0xC000, s4  }
0x7: {  	s13 =	sadd.s32 $0xE000, s4;
	s15 =	sadd.s32 $0x10000, s4;
	s0 =	ssub.s32 s0, s25  }
0x8: {  	s14 =	sadd.s32 s4, s8;
	s4 =	sadd.s32 $0x12000, s4;
	s16 =	sadd.s32 s8, s3  }
0x9: {  	s17 =	sadd.s32 s8, s7;
	s18 =	sadd.s32 s8, s9;
	s14 =	sshrl.u32 s14, $0x3  }
0xa: {  	s19 =	sadd.s32 s8, s10;
	s16 =	sshrl.u32 s16, $0x3;
	s25 =	sadd.s32 s5, s14  }
0xb: {  	s20 =	sadd.s32 s8, s11;
	s26 =	sadd.s32 s5, s16;
	[dreg:$0x4] =	wrdreg s25  }
0xc: {  	s17 =	sshrl.u32 s17, $0x3;
	s14 =	sadd.s32 s6, s14;
	[dreg:$0x5] =	wrdreg s26  }
0xd: {  	s21 =	sadd.s32 s8, s12;
	s26 =	sadd.s32 s5, s17;
	[dreg:$0xe] =	wrdreg s14  }
0xe: {  	s18 =	sshrl.u32 s18, $0x3;
	s25 =	sadd.s32 s6, s16;
	[dreg:$0x6] =	wrdreg s26  }
0xf: {  	s19 =	sshrl.u32 s19, $0x3;
	s14 =	sadd.s32 s6, s18;
	[dreg:$0xf] =	wrdreg s25  }
0x10: {  	s22 =	sadd.s32 s8, s13;
	s16 =	sadd.s32 s6, s19;
	[dreg:$0x11] =	wrdreg s14  }
0x11: {  	s21 =	sshrl.u32 s21, $0x3;
	s26 =	sadd.s32 s5, s18;
	[dreg:$0x12] =	wrdreg s16  }
0x12: {  	s23 =	sadd.s32 s8, s15;
	s18 =	sadd.s32 s6, s21;
	[dreg:$0x7] =	wrdreg s26  }
0x13: {  	s22 =	sshrl.u32 s22, $0x3;
	s26 =	sadd.s32 s5, s19;
	[dreg:$0x14] =	wrdreg s18  }
0x14: {  	s20 =	sshrl.u32 s20, $0x3;
	s19 =	sadd.s32 s6, s22;
	[dreg:$0x8] =	wrdreg s26  }
0x15: {  	s8 =	sadd.s32 s8, s4;
	s26 =	sadd.s32 s5, s20;
	[dreg:$0x15] =	wrdreg s19  }
0x16: {  	s8 =	sshrl.u32 s8, $0x3;
	[dreg:$0x9] =	wrdreg s26;
	s26 =	sadd.s32 s5, s21  }
0x17: {  	s21 =	sadd.s32 s6, s8;
	[dreg:$0xa] =	wrdreg s26  }
0x18: {  	s23 =	sshrl.u32 s23, $0x3;
	s26 =	sadd.s32 s5, s22;
	[dreg:$0x17] =	wrdreg s21  }
0x19: {  	s2 =	sshll.u32 s2, $0x4;
	[dreg:$0xb] =	wrdreg s26;
	s26 =	sadd.s32 s5, s23  }
0x1a: {  	s0 =	smax.u32 s0, $0x1;
	s5 =	sadd.s32 s5, s8;
	[dreg:$0xc] =	wrdreg s26  }
0x1b: {  	s22 =	smul.u32 $0x50000, s24;
	[dreg:$0xd] =	wrdreg s5;
	s26 =	sadd.s32 s6, s17  }
0x1c: {  	s17 =	sadd.s32 s6, s20;
	s20 =	sadd.s32 s6, s23;
	s23 =	rddreg [dreg:$0x2]  }
0x1d: {  	s25 =	sadd.s32 $0x16200, s1;
	s6 =	sor.u32 s24, s2;
	[dreg:$0x10] =	wrdreg s26  }
0x1e: {  	s8 =	sshrl.u32 s22, $0x2;
	s2 =	simm.s32 $0x15300;
	[dreg:$0x13] =	wrdreg s17  }
0x1f: {  	s5 =	simm.s32 $0x16600;
	[dreg:$0x16] =	wrdreg s20;
	s26 =	sadd.s32 $0x2200, s1  }
0x20: {  	s18 =	sadd.s32 s8, s23;
	s21 =	sadd.s32 s3, s23;
	s11 =	sadd.s32 s11, s23  }
0x21: {  	s12 =	sadd.s32 s12, s23;
	_ =	strace $0x80000047;
	[dreg:$0x1d] =	wrdreg s11  }
0x22: {  	s30 =	smul.u32 $0x5000, s6;
	s16 =	sadd.s32 s13, s23;
	[dreg:$0x1e] =	wrdreg s12  }
0x23: {  	s28 =	sadd.s32 s7, s23;
	s17 =	sadd.s32 s15, s23;
	[dreg:$0x1f] =	wrdreg s16  }
0x24: {  	s29 =	sadd.s32 s9, s23;
	s19 =	sadd.s32 s4, s23;
	[smem:$0x7F7] =	sst s17  }
0x25: {  	s31 =	sadd.s32 s10, s23;
	s13 =	simm.s32 $0x5;
	[smem:$0x7F8] =	sst s19  }
0x26: {  	s15 =	simm.s32 $0x15400;
	s8 =	simm.s32 $0x1;
	[smem:$0x7F9] =	sst s0  }
0x27: {  	s9 =	simm.s32 $0x2;
	s10 =	simm.s32 $0x3;
	[dreg:$0x18] =	wrdreg s18  }
0x28: {  	s3 =	simm.s32 $0x16580;
	s4 =	simm.s32 $0x15380;
	[dreg:$0x19] =	wrdreg s21  }
0x29: {  	s7 =	simm.s32 $0x16680;
	s12 =	simm.s32 $0x16800;
	[dreg:$0x1a] =	wrdreg s28  }
0x2a: {  	s16 =	simm.s32 $0x40;
	[dreg:$0x1b] =	wrdreg s29;
	s14 =	sshrl.u32 s30, $0x3  }
0x2b: {  	s19 =	simm.s32 $0x18800;
	[dreg:$0x1c] =	wrdreg s31;
	s1 =	sadd.s32 s26, s14  }
0x2c: {  	s11 =	simm.s32 $0x4;
	s20 =	sadd.s32 $0x280, s1;
	[smem:$0x7FC] =	sst s1  }
0x2d: {  	s0 =	simm.s32 $0x16500;
	s22 =	sadd.s32 $0x500, s1;
	[smem:$0x7FA] =	sst s20  }
0x2e: {  	s17 =	simm.s32 $0x0;
	s24 =	sadd.s32 $0x780, s1;
	[smem:$0x7FB] =	sst s22  }
0x2f: {  	s14 =	simm.s32 $0x14000;
	s1 =	simm.s32 $0x16700;
	[smem:$0x7FD] =	sst s24  }
0x30: {  	v0 =	vimm.f32 $0.0e+00;
	v1 =	vimm.f32 $1.000000000e+00;
	s22 =	simm.s32 $0x1A800;
	s24 =	simm.s32 $0x1C800;
	s20 =	simm.s32 $0x16780  }
.LBB2_1:
0x31: {  	[smem:$0x7F6] =	sst s17;
	s6 =	simm.s32 $0x0;
	s17 =	simm.s32 $0x200  }
.LBB2_2:
0x32: {  	p0 =	sne.s32 s17, $0x7E00;
	[tilespmem:s6+$0x16870] =	vst v0  }
0x33: {  	[tilespmem:s6+$0x16800] =	vst v0  }
0x34: {  	[tilespmem:s6+$0x16810] =	vst v0  }
.Ltmp0:
0x35: {  	[tilespmem:s6+$0x16820] =	vst v0;
	(pc) =	sbr.rel @p0 .LBB2_2-.Ltmp0, $4  }
0x36: {  	[tilespmem:s6+$0x16830] =	vst v0  }
0x37: {  	[tilespmem:s6+$0x16840] =	vst v0  }
0x38: {  	[tilespmem:s6+$0x16850] =	vst v0  }
0x39: {  	[tilespmem:s6+$0x16860] =	vst v0;
	s6 =	sshra.s32 s17, $0x2;
	s17 =	sadd.s32 $0x200, s17  }
0x3a: {  	[tilespmem:s6+$0x16870] =	vst v0  }
0x3b: {  	[tilespmem:s6+$0x16800] =	vst v0  }
0x3c: {  	[tilespmem:s6+$0x16810] =	vst v0  }
0x3d: {  	[tilespmem:s6+$0x16820] =	vst v0  }
0x3e: {  	[tilespmem:s6+$0x16830] =	vst v0  }
0x3f: {  	[tilespmem:s6+$0x16840] =	vst v0  }
0x40: {  	[tilespmem:s6+$0x16850] =	vst v0  }
0x41: {  	[tilespmem:s6+$0x16860] =	vst v0  }
0x42: {  	[spmem:s18] =	stream.linear.scatter [tilespmem:s12], [sflag:$0x5], $0x2000, $0x38;
	[tilespmem:$0x1E800] =	vst v63  }
0x43: {  	_ =	swait.ge [sflag:s13], $0x2000  }
0x44: {  	[sflag:s13] =	ssyncset.done $0x0  }
0x45: {  	[sflag:s13] =	ssyncadd.s32 $0xFFFFE000  }
0x46: {  	[spmem:s21] =	stream.linear.scatter [tilespmem:s12], [sflag:$0x5], $0x2000, $0x38;
	[tilespmem:$0x1E800] =	vst v63  }
0x47: {  	_ =	swait.ge [sflag:s13], $0x2000  }
0x48: {  	[sflag:s13] =	ssyncset.done $0x0  }
0x49: {  	[sflag:s13] =	ssyncadd.s32 $0xFFFFE000  }
0x4a: {  	[spmem:s28] =	stream.linear.scatter [tilespmem:s12], [sflag:$0x5], $0x2000, $0x38;
	[tilespmem:$0x1E800] =	vst v63  }
0x4b: {  	_ =	swait.ge [sflag:s13], $0x2000  }
0x4c: {  	[sflag:s13] =	ssyncset.done $0x0  }
0x4d: {  	[sflag:s13] =	ssyncadd.s32 $0xFFFFE000  }
0x4e: {  	[spmem:s29] =	stream.linear.scatter [tilespmem:s12], [sflag:$0x5], $0x2000, $0x38;
	[tilespmem:$0x1E800] =	vst v63  }
0x4f: {  	_ =	swait.ge [sflag:s13], $0x2000  }
0x50: {  	[sflag:s13] =	ssyncset.done $0x0  }
0x51: {  	[sflag:s13] =	ssyncadd.s32 $0xFFFFE000  }
0x52: {  	[spmem:s31] =	stream.linear.scatter [tilespmem:s12], [sflag:$0x5], $0x2000, $0x38;
	[tilespmem:$0x1E800] =	vst v63  }
0x53: {  	_ =	swait.ge [sflag:s13], $0x2000  }
0x54: {  	[sflag:s13] =	ssyncset.done $0x0  }
0x55: {  	s18 =	rddreg [dreg:$0x1d];
	[sflag:s13] =	ssyncadd.s32 $0xFFFFE000  }
0x56: {  	[spmem:s18] =	stream.linear.scatter [tilespmem:s12], [sflag:$0x5], $0x2000, $0x38;
	[tilespmem:$0x1E800] =	vst v63  }
0x57: {  	_ =	swait.ge [sflag:s13], $0x2000  }
0x58: {  	[sflag:s13] =	ssyncset.done $0x0  }
0x59: {  	s21 =	rddreg [dreg:$0x1e];
	[sflag:s13] =	ssyncadd.s32 $0xFFFFE000  }
0x5a: {  	[spmem:s21] =	stream.linear.scatter [tilespmem:s12], [sflag:$0x5], $0x2000, $0x38;
	[tilespmem:$0x1E800] =	vst v63  }
0x5b: {  	_ =	swait.ge [sflag:s13], $0x2000  }
0x5c: {  	[sflag:s13] =	ssyncset.done $0x0  }
0x5d: {  	s28 =	rddreg [dreg:$0x1f];
	[sflag:s13] =	ssyncadd.s32 $0xFFFFE000  }
0x5e: {  	[spmem:s28] =	stream.linear.scatter [tilespmem:s12], [sflag:$0x5], $0x2000, $0x38;
	[tilespmem:$0x1E800] =	vst v63  }
0x5f: {  	_ =	swait.ge [sflag:s13], $0x2000  }
0x60: {  	s29 =	sld [smem:$0x7F7]  }
0x61: {  	[sflag:s13] =	ssyncset.done $0x0  }
0x62: {  	[sflag:s13] =	ssyncadd.s32 $0xFFFFE000  }
0x63: {  	[spmem:s29] =	stream.linear.scatter [tilespmem:s12], [sflag:$0x5], $0x2000, $0x38;
	[tilespmem:$0x1E800] =	vst v63  }
0x64: {  	_ =	swait.ge [sflag:s13], $0x2000  }
0x65: {  	s31 =	sld [smem:$0x7F8]  }
0x66: {  	[sflag:s13] =	ssyncset.done $0x0  }
0x67: {  	[sflag:s13] =	ssyncadd.s32 $0xFFFFE000  }
0x68: {  	[spmem:s31] =	stream.linear.scatter [tilespmem:s12], [sflag:$0x5], $0x2000, $0x38;
	[tilespmem:$0x1E800] =	vst v63  }
0x69: {  	_ =	swait.ge [sflag:s13], $0x2000  }
0x6a: {  	[sflag:s13] =	ssyncset.done $0x0  }
0x6b: {  	[sflag:s13] =	ssyncadd.s32 $0xFFFFE000  }
0x6c: {  	s17 =	simm.s32 $0x0;
	s21 =	simm.s32 $0x0;
	[bflag:$0x0] =	sbarrier.arrive $0xFFFF  }
.LBB2_4:
0x6d: {  	s6 =	smul.u32 $0x1400, s21;
	_ =	sdelay $0x1  }
0x6e: {  	s6 =	sadd.s32 s30, s6  }
0x6f: {  	s18 =	rddreg [dreg:$0x1];
	s6 =	sshrl.u32 s6, $0x3  }
0x70: {  	s28 =	sadd.s32 s18, s6  }
0x71: {  	[tilespmem:s14], [sflag:$0x5] =	stream.linear.gather [hbm4b:s28+s17], $0x1400, $0x38;
	[tilespmem:$0x1E800] =	vst v63  }
0x72: {  	_ =	swait.ge [sflag:s13], $0x1400  }
0x73: {  	[sflag:s13] =	ssyncset.done $0x0  }
0x74: {  	s6 =	sadd.s32 s26, s6;
	[sflag:s13] =	ssyncadd.s32 $0xFFFFEC00  }
0x75: {  	[tilespmem:s15], [sflag:$0x5] =	stream.linear.gather [hbm4b:s6+s17], $0x1400, $0x38;
	[tilespmem:$0x1E800] =	vst v63  }
0x76: {  	_ =	swait.ge [sflag:s13], $0x1400  }
0x77: {  	[sflag:s13] =	ssyncset.done $0x0  }
0x78: {  	[sflag:s13] =	ssyncadd.s32 $0xFFFFEC00  }
0x79: {  	[tilespmem:s12], [sflag:$0x1] =	stream.indirect.gather [hbm4b:s25+s16], $0x80, s14, s16, $0xb8;
	[tilespmem:$0x1E800] =	vst v63  }
0x7a: {  	s31 =	simm.s32 $0x14080  }
0x7b: {  	[tilespmem:s19], [sflag:$0x2] =	stream.indirect.gather [hbm4b:s25+s16], $0x80, s31, s16, $0xb8;
	[tilespmem:$0x1E800] =	vst v63  }
0x7c: {  	s18 =	simm.s32 $0x14100  }
0x7d: {  	[tilespmem:s22], [sflag:$0x3] =	stream.indirect.gather [hbm4b:s25+s16], $0x80, s18, s16, $0xb8;
	[tilespmem:$0x1E800] =	vst v63  }
0x7e: {  	s29 =	simm.s32 $0x14180  }
0x7f: {  	[tilespmem:s24], [sflag:$0x4] =	stream.indirect.gather [hbm4b:s25+s16], $0x80, s29, s16, $0xb8;
	[tilespmem:$0x1E800] =	vst v63  }
0x80: {  	_ =	swait.ge [sflag:s8], $0x2000  }
0x81: {  	[sflag:s8] =	ssyncset.done $0x0  }
0x82: {  	s31 =	simm.s32 $0x15400;
	[sflag:s8] =	ssyncadd.s32 $0xFFFFE000  }
0x83: {  	[spmem:s23] =	stream.indirect.scatter.add.f32 [tilespmem:s12], [sflag:$0x5], $0x80, s31, s16, $0xb8;
	[tilespmem:$0x1E800] =	vst v63  }
0x84: {  	_ =	swait.ge [sflag:s13], $0x2000  }
0x85: {  	[sflag:s13] =	ssyncset.done $0x0  }
0x86: {  	s18 =	simm.s32 $0x14200;
	[sflag:s13] =	ssyncadd.s32 $0xFFFFE000  }
0x87: {  	[tilespmem:s12], [sflag:$0x1] =	stream.indirect.gather [hbm4b:s25+s16], $0x80, s18, s16, $0xb8;
	[tilespmem:$0x1E800] =	vst v63  }
0x88: {  	_ =	swait.ge [sflag:s9], $0x2000  }
0x89: {  	[sflag:s9] =	ssyncset.done $0x0  }
0x8a: {  	s29 =	simm.s32 $0x15480;
	[sflag:s9] =	ssyncadd.s32 $0xFFFFE000  }
0x8b: {  	[spmem:s23] =	stream.indirect.scatter.add.f32 [tilespmem:s19], [sflag:$0x5], $0x80, s29, s16, $0xb8;
	[tilespmem:$0x1E800] =	vst v63  }
0x8c: {  	_ =	swait.ge [sflag:s13], $0x2000  }
0x8d: {  	[sflag:s13] =	ssyncset.done $0x0  }
0x8e: {  	s31 =	simm.s32 $0x14280;
	[sflag:s13] =	ssyncadd.s32 $0xFFFFE000  }
0x8f: {  	[tilespmem:s19], [sflag:$0x2] =	stream.indirect.gather [hbm4b:s25+s16], $0x80, s31, s16, $0xb8;
	[tilespmem:$0x1E800] =	vst v63  }
0x90: {  	_ =	swait.ge [sflag:s10], $0x2000  }
0x91: {  	[sflag:s10] =	ssyncset.done $0x0  }
0x92: {  	s18 =	simm.s32 $0x15500;
	[sflag:s10] =	ssyncadd.s32 $0xFFFFE000  }
0x93: {  	[spmem:s23] =	stream.indirect.scatter.add.f32 [tilespmem:s22], [sflag:$0x5], $0x80, s18, s16, $0xb8;
	[tilespmem:$0x1E800] =	vst v63  }
0x94: {  	_ =	swait.ge [sflag:s13], $0x2000  }
0x95: {  	[sflag:s13] =	ssyncset.done $0x0  }
0x96: {  	s29 =	simm.s32 $0x14300;
	[sflag:s13] =	ssyncadd.s32 $0xFFFFE000  }
0x97: {  	[tilespmem:s22], [sflag:$0x3] =	stream.indirect.gather [hbm4b:s25+s16], $0x80, s29, s16, $0xb8;
	[tilespmem:$0x1E800] =	vst v63  }
0x98: {  	_ =	swait.ge [sflag:s11], $0x2000  }
0x99: {  	[sflag:s11] =	ssyncset.done $0x0  }
0x9a: {  	s31 =	simm.s32 $0x15580;
	[sflag:s11] =	ssyncadd.s32 $0xFFFFE000  }
0x9b: {  	[spmem:s23] =	stream.indirect.scatter.add.f32 [tilespmem:s24], [sflag:$0x5], $0x80, s31, s16, $0xb8;
	[tilespmem:$0x1E800] =	vst v63  }
0x9c: {  	_ =	swait.ge [sflag:s13], $0x2000  }
0x9d: {  	s28 =	simm.s32 $0x1000;
	s6 =	simm.s32 $0x200;
	[sflag:s13] =	ssyncset.done $0x0  }
.LBB2_5:
0x9e: {  	s18 =	sadd.s32 $0x14180, s6  }
0x9f: {  	[sflag:s13] =	ssyncadd.s32 $0xFFFFE000;
	s29 =	smov.u32 s28;
	s31 =	sadd.s32 $0x800, s28  }
0xa0: {  	[tilespmem:s24], [sflag:$0x4] =	stream.indirect.gather [hbm4b:s25+s16], $0x80, s18, s16, $0xb8;
	[tilespmem:$0x1E800] =	vst v63  }
0xa1: {  	p0 =	sne.s32 s28, $0x3800;
	_ =	swait.ge [sflag:s8], $0x2000  }
0xa2: {  	[sflag:s8] =	ssyncset.done $0x0  }
0xa3: {  	s18 =	sadd.s32 $0x15400, s6;
	[sflag:s8] =	ssyncadd.s32 $0xFFFFE000  }
0xa4: {  	[spmem:s23] =	stream.indirect.scatter.add.f32 [tilespmem:s12], [sflag:$0x5], $0x80, s18, s16, $0xb8;
	[tilespmem:$0x1E800] =	vst v63  }
0xa5: {  	_ =	swait.ge [sflag:s13], $0x2000  }
0xa6: {  	[sflag:s13] =	ssyncset.done $0x0  }
0xa7: {  	s18 =	sadd.s32 $0x14200, s6;
	[sflag:s13] =	ssyncadd.s32 $0xFFFFE000  }
0xa8: {  	[tilespmem:s12], [sflag:$0x1] =	stream.indirect.gather [hbm4b:s25+s16], $0x80, s18, s16, $0xb8;
	[tilespmem:$0x1E800] =	vst v63  }
0xa9: {  	_ =	swait.ge [sflag:s9], $0x2000  }
0xaa: {  	[sflag:s9] =	ssyncset.done $0x0  }
0xab: {  	s18 =	sadd.s32 $0x15480, s6;
	[sflag:s9] =	ssyncadd.s32 $0xFFFFE000  }
0xac: {  	[spmem:s23] =	stream.indirect.scatter.add.f32 [tilespmem:s19], [sflag:$0x5], $0x80, s18, s16, $0xb8;
	[tilespmem:$0x1E800] =	vst v63  }
0xad: {  	_ =	swait.ge [sflag:s13], $0x2000  }
0xae: {  	[sflag:s13] =	ssyncset.done $0x0  }
0xaf: {  	s18 =	sadd.s32 $0x14280, s6;
	[sflag:s13] =	ssyncadd.s32 $0xFFFFE000  }
0xb0: {  	[tilespmem:s19], [sflag:$0x2] =	stream.indirect.gather [hbm4b:s25+s16], $0x80, s18, s16, $0xb8;
	[tilespmem:$0x1E800] =	vst v63  }
0xb1: {  	_ =	swait.ge [sflag:s10], $0x2000  }
0xb2: {  	[sflag:s10] =	ssyncset.done $0x0  }
0xb3: {  	s18 =	sadd.s32 $0x15500, s6;
	[sflag:s10] =	ssyncadd.s32 $0xFFFFE000  }
0xb4: {  	[spmem:s23] =	stream.indirect.scatter.add.f32 [tilespmem:s22], [sflag:$0x5], $0x80, s18, s16, $0xb8;
	[tilespmem:$0x1E800] =	vst v63  }
0xb5: {  	_ =	swait.ge [sflag:s13], $0x2000  }
0xb6: {  	[sflag:s13] =	ssyncset.done $0x0  }
0xb7: {  	s18 =	sadd.s32 $0x14300, s6;
	[sflag:s13] =	ssyncadd.s32 $0xFFFFE000  }
0xb8: {  	[tilespmem:s22], [sflag:$0x3] =	stream.indirect.gather [hbm4b:s25+s16], $0x80, s18, s16, $0xb8;
	[tilespmem:$0x1E800] =	vst v63  }
0xb9: {  	_ =	swait.ge [sflag:s11], $0x2000  }
.Ltmp1:
0xba: {  	[sflag:s11] =	ssyncset.done $0x0;
	(pc) =	sbr.rel @p0 .LBB2_5-.Ltmp1, $4  }
0xbb: {  	s6 =	sadd.s32 $0x15580, s6;
	[sflag:s11] =	ssyncadd.s32 $0xFFFFE000  }
0xbc: {  	[spmem:s23] =	stream.indirect.scatter.add.f32 [tilespmem:s24], [sflag:$0x5], $0x80, s6, s16, $0xb8;
	[tilespmem:$0x1E800] =	vst v63  }
0xbd: {  	_ =	swait.ge [sflag:s13], $0x2000  }
0xbe: {  	s28 =	smov.u32 s31;
	s6 =	sshra.s32 s29, $0x2;
	[sflag:s13] =	ssyncset.done $0x0  }
0xbf: {  	s18 =	sadd.s32 $0x14180, s6;
	[sflag:s13] =	ssyncadd.s32 $0xFFFFE000  }
0xc0: {  	[tilespmem:s24], [sflag:$0x4] =	stream.indirect.gather [hbm4b:s25+s16], $0x80, s18, s16, $0xb8;
	[tilespmem:$0x1E800] =	vst v63  }
0xc1: {  	_ =	swait.ge [sflag:s8], $0x2000  }
0xc2: {  	[sflag:s8] =	ssyncset.done $0x0  }
0xc3: {  	s29 =	sadd.s32 $0x15400, s6;
	[sflag:s8] =	ssyncadd.s32 $0xFFFFE000  }
0xc4: {  	[spmem:s23] =	stream.indirect.scatter.add.f32 [tilespmem:s12], [sflag:$0x5], $0x80, s29, s16, $0xb8;
	[tilespmem:$0x1E800] =	vst v63  }
0xc5: {  	_ =	swait.ge [sflag:s13], $0x2000  }
0xc6: {  	[sflag:s13] =	ssyncset.done $0x0  }
0xc7: {  	s31 =	sadd.s32 $0x14200, s6;
	[sflag:s13] =	ssyncadd.s32 $0xFFFFE000  }
0xc8: {  	[tilespmem:s12], [sflag:$0x1] =	stream.indirect.gather [hbm4b:s25+s16], $0x80, s31, s16, $0xb8;
	[tilespmem:$0x1E800] =	vst v63  }
0xc9: {  	_ =	swait.ge [sflag:s9], $0x2000  }
0xca: {  	[sflag:s9] =	ssyncset.done $0x0  }
0xcb: {  	s28 =	sadd.s32 $0x15480, s6;
	[sflag:s9] =	ssyncadd.s32 $0xFFFFE000  }
0xcc: {  	[spmem:s23] =	stream.indirect.scatter.add.f32 [tilespmem:s19], [sflag:$0x5], $0x80, s28, s16, $0xb8;
	[tilespmem:$0x1E800] =	vst v63  }
0xcd: {  	_ =	swait.ge [sflag:s13], $0x2000  }
0xce: {  	[sflag:s13] =	ssyncset.done $0x0  }
0xcf: {  	s29 =	sadd.s32 $0x14280, s6;
	[sflag:s13] =	ssyncadd.s32 $0xFFFFE000  }
0xd0: {  	[tilespmem:s19], [sflag:$0x2] =	stream.indirect.gather [hbm4b:s25+s16], $0x80, s29, s16, $0xb8;
	[tilespmem:$0x1E800] =	vst v63  }
0xd1: {  	_ =	swait.ge [sflag:s10], $0x2000  }
0xd2: {  	[sflag:s10] =	ssyncset.done $0x0  }
0xd3: {  	s31 =	sadd.s32 $0x15500, s6;
	[sflag:s10] =	ssyncadd.s32 $0xFFFFE000  }
0xd4: {  	[spmem:s23] =	stream.indirect.scatter.add.f32 [tilespmem:s22], [sflag:$0x5], $0x80, s31, s16, $0xb8;
	[tilespmem:$0x1E800] =	vst v63  }
0xd5: {  	_ =	swait.ge [sflag:s13], $0x2000  }
0xd6: {  	[sflag:s13] =	ssyncset.done $0x0  }
0xd7: {  	s28 =	sadd.s32 $0x14300, s6;
	[sflag:s13] =	ssyncadd.s32 $0xFFFFE000  }
0xd8: {  	[tilespmem:s22], [sflag:$0x3] =	stream.indirect.gather [hbm4b:s25+s16], $0x80, s28, s16, $0xb8;
	[tilespmem:$0x1E800] =	vst v63  }
0xd9: {  	_ =	swait.ge [sflag:s11], $0x2000  }
0xda: {  	[sflag:s11] =	ssyncset.done $0x0  }
0xdb: {  	s29 =	sadd.s32 $0x15580, s6;
	[sflag:s11] =	ssyncadd.s32 $0xFFFFE000  }
0xdc: {  	[spmem:s23] =	stream.indirect.scatter.add.f32 [tilespmem:s24], [sflag:$0x5], $0x80, s29, s16, $0xb8;
	[tilespmem:$0x1E800] =	vst v63  }
0xdd: {  	_ =	swait.ge [sflag:s13], $0x2000  }
0xde: {  	[sflag:s13] =	ssyncset.done $0x0  }
0xdf: {  	s31 =	simm.s32 $0x15180;
	[sflag:s13] =	ssyncadd.s32 $0xFFFFE000  }
0xe0: {  	[tilespmem:s24], [sflag:$0x4] =	stream.indirect.gather [hbm4b:s25+s16], $0x80, s31, s16, $0xb8;
	[tilespmem:$0x1E800] =	vst v63  }
0xe1: {  	_ =	swait.ge [sflag:s8], $0x2000  }
0xe2: {  	[sflag:s8] =	ssyncset.done $0x0  }
0xe3: {  	s18 =	simm.s32 $0x16400;
	[sflag:s8] =	ssyncadd.s32 $0xFFFFE000  }
0xe4: {  	[spmem:s23] =	stream.indirect.scatter.add.f32 [tilespmem:s12], [sflag:$0x5], $0x80, s18, s16, $0xb8;
	[tilespmem:$0x1E800] =	vst v63  }
0xe5: {  	_ =	swait.ge [sflag:s13], $0x2000  }
0xe6: {  	[sflag:s13] =	ssyncset.done $0x0  }
0xe7: {  	s28 =	simm.s32 $0x15200;
	[sflag:s13] =	ssyncadd.s32 $0xFFFFE000  }
0xe8: {  	[tilespmem:s12], [sflag:$0x1] =	stream.indirect.gather [hbm4b:s25+s16], $0x80, s28, s16, $0xb8;
	[tilespmem:$0x1E800] =	vst v63  }
0xe9: {  	_ =	swait.ge [sflag:s9], $0x2000  }
0xea: {  	[sflag:s9] =	ssyncset.done $0x0  }
0xeb: {  	s29 =	simm.s32 $0x16480;
	[sflag:s9] =	ssyncadd.s32 $0xFFFFE000  }
0xec: {  	[spmem:s23] =	stream.indirect.scatter.add.f32 [tilespmem:s19], [sflag:$0x5], $0x80, s29, s16, $0xb8;
	[tilespmem:$0x1E800] =	vst v63  }
0xed: {  	_ =	swait.ge [sflag:s13], $0x2000  }
0xee: {  	[sflag:s13] =	ssyncset.done $0x0  }
0xef: {  	s31 =	simm.s32 $0x15280;
	[sflag:s13] =	ssyncadd.s32 $0xFFFFE000  }
0xf0: {  	[tilespmem:s19], [sflag:$0x2] =	stream.indirect.gather [hbm4b:s25+s16], $0x80, s31, s16, $0xb8;
	[tilespmem:$0x1E800] =	vst v63  }
0xf1: {  	_ =	swait.ge [sflag:s10], $0x2000  }
0xf2: {  	[sflag:s10] =	ssyncset.done $0x0  }
0xf3: {  	[sflag:s10] =	ssyncadd.s32 $0xFFFFE000  }
0xf4: {  	[spmem:s23] =	stream.indirect.scatter.add.f32 [tilespmem:s22], [sflag:$0x5], $0x80, s0, s16, $0xb8;
	[tilespmem:$0x1E800] =	vst v63  }
0xf5: {  	_ =	swait.ge [sflag:s13], $0x2000  }
0xf6: {  	[sflag:s13] =	ssyncset.done $0x0  }
0xf7: {  	[sflag:s13] =	ssyncadd.s32 $0xFFFFE000  }
0xf8: {  	[tilespmem:s22], [sflag:$0x3] =	stream.indirect.gather [hbm4b:s25+s16], $0x80, s2, s16, $0xb8;
	[tilespmem:$0x1E800] =	vst v63  }
0xf9: {  	_ =	swait.ge [sflag:s11], $0x2000  }
0xfa: {  	[sflag:s11] =	ssyncset.done $0x0  }
0xfb: {  	[sflag:s11] =	ssyncadd.s32 $0xFFFFE000  }
0xfc: {  	[spmem:s23] =	stream.indirect.scatter.add.f32 [tilespmem:s24], [sflag:$0x5], $0x80, s3, s16, $0xb8;
	[tilespmem:$0x1E800] =	vst v63  }
0xfd: {  	_ =	swait.ge [sflag:s13], $0x2000  }
0xfe: {  	[sflag:s13] =	ssyncset.done $0x0  }
0xff: {  	[sflag:s13] =	ssyncadd.s32 $0xFFFFE000  }
0x100: {  	[tilespmem:s24], [sflag:$0x4] =	stream.indirect.gather [hbm4b:s25+s16], $0x80, s4, s16, $0xb8;
	[tilespmem:$0x1E800] =	vst v63  }
0x101: {  	_ =	swait.ge [sflag:s8], $0x2000  }
0x102: {  	[sflag:s8] =	ssyncset.done $0x0  }
0x103: {  	[sflag:s8] =	ssyncadd.s32 $0xFFFFE000  }
0x104: {  	[spmem:s23] =	stream.indirect.scatter.add.f32 [tilespmem:s12], [sflag:$0x5], $0x80, s5, s16, $0xb8;
	[tilespmem:$0x1E800] =	vst v63  }
0x105: {  	_ =	swait.ge [sflag:s13], $0x2000  }
0x106: {  	[sflag:s13] =	ssyncset.done $0x0  }
0x107: {  	[sflag:s13] =	ssyncadd.s32 $0xFFFFE000  }
0x108: {  	_ =	swait.ge [sflag:s9], $0x2000  }
0x109: {  	[sflag:s9] =	ssyncset.done $0x0  }
0x10a: {  	[sflag:s9] =	ssyncadd.s32 $0xFFFFE000  }
0x10b: {  	[spmem:s23] =	stream.indirect.scatter.add.f32 [tilespmem:s19], [sflag:$0x5], $0x80, s7, s16, $0xb8;
	[tilespmem:$0x1E800] =	vst v63  }
0x10c: {  	_ =	swait.ge [sflag:s13], $0x2000  }
0x10d: {  	[sflag:s13] =	ssyncset.done $0x0  }
0x10e: {  	[sflag:s13] =	ssyncadd.s32 $0xFFFFE000  }
0x10f: {  	_ =	swait.ge [sflag:s10], $0x2000  }
0x110: {  	[sflag:s10] =	ssyncset.done $0x0  }
0x111: {  	[sflag:s10] =	ssyncadd.s32 $0xFFFFE000  }
0x112: {  	[spmem:s23] =	stream.indirect.scatter.add.f32 [tilespmem:s22], [sflag:$0x5], $0x80, s1, s16, $0xb8;
	[tilespmem:$0x1E800] =	vst v63  }
0x113: {  	_ =	swait.ge [sflag:s13], $0x2000  }
0x114: {  	[sflag:s13] =	ssyncset.done $0x0  }
0x115: {  	[sflag:s13] =	ssyncadd.s32 $0xFFFFE000  }
0x116: {  	s21 =	sadd.s32 $0x1, s21;
	_ =	swait.ge [sflag:s11], $0x2000  }
0x117: {  	p0 =	sne.s32 s21, $0x4;
	[sflag:s11] =	ssyncset.done $0x0  }
.Ltmp2:
0x118: {  	[sflag:s11] =	ssyncadd.s32 $0xFFFFE000;
	(pc) =	sbr.rel @p0 .LBB2_4-.Ltmp2, $4  }
0x119: {  	[spmem:s23] =	stream.indirect.scatter.add.f32 [tilespmem:s24], [sflag:$0x5], $0x80, s20, s16, $0xb8;
	[tilespmem:$0x1E800] =	vst v63  }
0x11a: {  	_ =	swait.ge [sflag:s13], $0x2000  }
0x11b: {  	[sflag:s13] =	ssyncset.done $0x0  }
0x11c: {  	[sflag:s13] =	ssyncadd.s32 $0xFFFFE000  }
0x11d: {  	[bflag:$0x0] =	sbarrier.arrive $0xFFFF  }
0x11e: {  	s18 =	rddreg [dreg:$0x18]  }
0x11f: {  	[tilespmem:s12], [sflag:$0x5] =	stream.linear.gather [spmem:s18], $0x2000, $0x38;
	[tilespmem:$0x1E800] =	vst v63  }
0x120: {  	_ =	swait.ge [sflag:s13], $0x2000  }
0x121: {  	[sflag:s13] =	ssyncset.done $0x0  }
0x122: {  	s6 =	simm.s32 $0x0;
	s17 =	rddreg [dreg:$0x4];
	[sflag:s13] =	ssyncadd.s32 $0xFFFFE000  }
0x123: {  	[hbm4b:s17+s6] =	stream.linear.scatter [tilespmem:s12], [sflag:$0x5], $0x2000, $0x38;
	[tilespmem:$0x1E800] =	vst v63  }
0x124: {  	_ =	swait.ge [sflag:s13], $0x2000  }
0x125: {  	[sflag:s13] =	ssyncset.done $0x0  }
0x126: {  	s21 =	rddreg [dreg:$0x19];
	[sflag:s13] =	ssyncadd.s32 $0xFFFFE000  }
0x127: {  	[tilespmem:s12], [sflag:$0x5] =	stream.linear.gather [spmem:s21], $0x2000, $0x38;
	[tilespmem:$0x1E800] =	vst v63  }
0x128: {  	_ =	swait.ge [sflag:s13], $0x2000  }
0x129: {  	[sflag:s13] =	ssyncset.done $0x0  }
0x12a: {  	s17 =	rddreg [dreg:$0x5];
	[sflag:s13] =	ssyncadd.s32 $0xFFFFE000  }
0x12b: {  	[hbm4b:s17+s6] =	stream.linear.scatter [tilespmem:s12], [sflag:$0x5], $0x2000, $0x38;
	[tilespmem:$0x1E800] =	vst v63  }
0x12c: {  	_ =	swait.ge [sflag:s13], $0x2000  }
0x12d: {  	[sflag:s13] =	ssyncset.done $0x0  }
0x12e: {  	s28 =	rddreg [dreg:$0x1a];
	[sflag:s13] =	ssyncadd.s32 $0xFFFFE000  }
0x12f: {  	[tilespmem:s12], [sflag:$0x5] =	stream.linear.gather [spmem:s28], $0x2000, $0x38;
	[tilespmem:$0x1E800] =	vst v63  }
0x130: {  	_ =	swait.ge [sflag:s13], $0x2000  }
0x131: {  	[sflag:s13] =	ssyncset.done $0x0  }
0x132: {  	s17 =	rddreg [dreg:$0x6];
	[sflag:s13] =	ssyncadd.s32 $0xFFFFE000  }
0x133: {  	[hbm4b:s17+s6] =	stream.linear.scatter [tilespmem:s12], [sflag:$0x5], $0x2000, $0x38;
	[tilespmem:$0x1E800] =	vst v63  }
0x134: {  	_ =	swait.ge [sflag:s13], $0x2000  }
0x135: {  	[sflag:s13] =	ssyncset.done $0x0  }
0x136: {  	s29 =	rddreg [dreg:$0x1b];
	[sflag:s13] =	ssyncadd.s32 $0xFFFFE000  }
0x137: {  	[tilespmem:s12], [sflag:$0x5] =	stream.linear.gather [spmem:s29], $0x2000, $0x38;
	[tilespmem:$0x1E800] =	vst v63  }
0x138: {  	_ =	swait.ge [sflag:s13], $0x2000  }
0x139: {  	[sflag:s13] =	ssyncset.done $0x0  }
0x13a: {  	s17 =	rddreg [dreg:$0x7];
	[sflag:s13] =	ssyncadd.s32 $0xFFFFE000  }
0x13b: {  	[hbm4b:s17+s6] =	stream.linear.scatter [tilespmem:s12], [sflag:$0x5], $0x2000, $0x38;
	[tilespmem:$0x1E800] =	vst v63  }
0x13c: {  	_ =	swait.ge [sflag:s13], $0x2000  }
0x13d: {  	[sflag:s13] =	ssyncset.done $0x0  }
0x13e: {  	s31 =	rddreg [dreg:$0x1c];
	[sflag:s13] =	ssyncadd.s32 $0xFFFFE000  }
0x13f: {  	[tilespmem:s12], [sflag:$0x5] =	stream.linear.gather [spmem:s31], $0x2000, $0x38;
	[tilespmem:$0x1E800] =	vst v63  }
0x140: {  	_ =	swait.ge [sflag:s13], $0x2000  }
0x141: {  	[sflag:s13] =	ssyncset.done $0x0  }
0x142: {  	s17 =	rddreg [dreg:$0x8];
	[sflag:s13] =	ssyncadd.s32 $0xFFFFE000  }
0x143: {  	[hbm4b:s17+s6] =	stream.linear.scatter [tilespmem:s12], [sflag:$0x5], $0x2000, $0x38;
	[tilespmem:$0x1E800] =	vst v63  }
0x144: {  	_ =	swait.ge [sflag:s13], $0x2000  }
0x145: {  	[sflag:s13] =	ssyncset.done $0x0  }
0x146: {  	s17 =	rddreg [dreg:$0x1d];
	[sflag:s13] =	ssyncadd.s32 $0xFFFFE000  }
0x147: {  	[tilespmem:s12], [sflag:$0x5] =	stream.linear.gather [spmem:s17], $0x2000, $0x38;
	[tilespmem:$0x1E800] =	vst v63  }
0x148: {  	_ =	swait.ge [sflag:s13], $0x2000  }
0x149: {  	[sflag:s13] =	ssyncset.done $0x0  }
0x14a: {  	s17 =	rddreg [dreg:$0x9];
	[sflag:s13] =	ssyncadd.s32 $0xFFFFE000  }
0x14b: {  	[hbm4b:s17+s6] =	stream.linear.scatter [tilespmem:s12], [sflag:$0x5], $0x2000, $0x38;
	[tilespmem:$0x1E800] =	vst v63  }
0x14c: {  	_ =	swait.ge [sflag:s13], $0x2000  }
0x14d: {  	[sflag:s13] =	ssyncset.done $0x0  }
0x14e: {  	s17 =	rddreg [dreg:$0x1e];
	[sflag:s13] =	ssyncadd.s32 $0xFFFFE000  }
0x14f: {  	[tilespmem:s12], [sflag:$0x5] =	stream.linear.gather [spmem:s17], $0x2000, $0x38;
	[tilespmem:$0x1E800] =	vst v63  }
0x150: {  	_ =	swait.ge [sflag:s13], $0x2000  }
0x151: {  	[sflag:s13] =	ssyncset.done $0x0  }
0x152: {  	s17 =	rddreg [dreg:$0xa];
	[sflag:s13] =	ssyncadd.s32 $0xFFFFE000  }
0x153: {  	[hbm4b:s17+s6] =	stream.linear.scatter [tilespmem:s12], [sflag:$0x5], $0x2000, $0x38;
	[tilespmem:$0x1E800] =	vst v63  }
0x154: {  	_ =	swait.ge [sflag:s13], $0x2000  }
0x155: {  	[sflag:s13] =	ssyncset.done $0x0  }
0x156: {  	s17 =	rddreg [dreg:$0x1f];
	[sflag:s13] =	ssyncadd.s32 $0xFFFFE000  }
0x157: {  	[tilespmem:s12], [sflag:$0x5] =	stream.linear.gather [spmem:s17], $0x2000, $0x38;
	[tilespmem:$0x1E800] =	vst v63  }
0x158: {  	_ =	swait.ge [sflag:s13], $0x2000  }
0x159: {  	[sflag:s13] =	ssyncset.done $0x0  }
0x15a: {  	s17 =	rddreg [dreg:$0xb];
	[sflag:s13] =	ssyncadd.s32 $0xFFFFE000  }
0x15b: {  	[hbm4b:s17+s6] =	stream.linear.scatter [tilespmem:s12], [sflag:$0x5], $0x2000, $0x38;
	[tilespmem:$0x1E800] =	vst v63  }
0x15c: {  	_ =	swait.ge [sflag:s13], $0x2000  }
0x15d: {  	s17 =	sld [smem:$0x7F7]  }
0x15e: {  	[sflag:s13] =	ssyncset.done $0x0  }
0x15f: {  	[sflag:s13] =	ssyncadd.s32 $0xFFFFE000  }
0x160: {  	[tilespmem:s12], [sflag:$0x5] =	stream.linear.gather [spmem:s17], $0x2000, $0x38;
	[tilespmem:$0x1E800] =	vst v63  }
0x161: {  	_ =	swait.ge [sflag:s13], $0x2000  }
0x162: {  	[sflag:s13] =	ssyncset.done $0x0  }
0x163: {  	s17 =	rddreg [dreg:$0xc];
	[sflag:s13] =	ssyncadd.s32 $0xFFFFE000  }
0x164: {  	[hbm4b:s17+s6] =	stream.linear.scatter [tilespmem:s12], [sflag:$0x5], $0x2000, $0x38;
	[tilespmem:$0x1E800] =	vst v63  }
0x165: {  	_ =	swait.ge [sflag:s13], $0x2000  }
0x166: {  	s17 =	sld [smem:$0x7F8]  }
0x167: {  	[sflag:s13] =	ssyncset.done $0x0  }
0x168: {  	[sflag:s13] =	ssyncadd.s32 $0xFFFFE000  }
0x169: {  	[tilespmem:s12], [sflag:$0x5] =	stream.linear.gather [spmem:s17], $0x2000, $0x38;
	[tilespmem:$0x1E800] =	vst v63  }
0x16a: {  	_ =	swait.ge [sflag:s13], $0x2000  }
0x16b: {  	[sflag:s13] =	ssyncset.done $0x0  }
0x16c: {  	s17 =	rddreg [dreg:$0xd];
	[sflag:s13] =	ssyncadd.s32 $0xFFFFE000  }
0x16d: {  	[hbm4b:s17+s6] =	stream.linear.scatter [tilespmem:s12], [sflag:$0x5], $0x2000, $0x38;
	[tilespmem:$0x1E800] =	vst v63  }
0x16e: {  	_ =	swait.ge [sflag:s13], $0x2000  }
0x16f: {  	[sflag:s13] =	ssyncset.done $0x0  }
0x170: {  	s6 =	simm.s32 $0x0;
	s17 =	simm.s32 $0x200;
	[sflag:s13] =	ssyncadd.s32 $0xFFFFE000  }
.LBB2_8:
0x171: {  	p0 =	sne.s32 s17, $0x7E00;
	[tilespmem:s6+$0x16870] =	vst v0  }
0x172: {  	[tilespmem:s6+$0x16800] =	vst v0  }
0x173: {  	[tilespmem:s6+$0x16810] =	vst v0  }
.Ltmp3:
0x174: {  	[tilespmem:s6+$0x16820] =	vst v0;
	(pc) =	sbr.rel @p0 .LBB2_8-.Ltmp3, $4  }
0x175: {  	[tilespmem:s6+$0x16830] =	vst v0  }
0x176: {  	[tilespmem:s6+$0x16840] =	vst v0  }
0x177: {  	[tilespmem:s6+$0x16850] =	vst v0  }
0x178: {  	[tilespmem:s6+$0x16860] =	vst v0;
	s6 =	sshra.s32 s17, $0x2;
	s17 =	sadd.s32 $0x200, s17  }
0x179: {  	[tilespmem:s6+$0x16870] =	vst v0  }
0x17a: {  	[tilespmem:s6+$0x16800] =	vst v0  }
0x17b: {  	[tilespmem:s6+$0x16810] =	vst v0  }
0x17c: {  	[tilespmem:s6+$0x16820] =	vst v0  }
0x17d: {  	[tilespmem:s6+$0x16830] =	vst v0  }
0x17e: {  	[tilespmem:s6+$0x16840] =	vst v0  }
0x17f: {  	[tilespmem:s6+$0x16850] =	vst v0  }
0x180: {  	[tilespmem:s6+$0x16860] =	vst v0  }
0x181: {  	[bflag:$0x0] =	sbarrier.arrive $0xFFFF  }
0x182: {  	[spmem:s18] =	stream.linear.scatter [tilespmem:s12], [sflag:$0x5], $0x2000, $0x38;
	[tilespmem:$0x1E800] =	vst v63  }
0x183: {  	_ =	swait.ge [sflag:s13], $0x2000  }
0x184: {  	[sflag:s13] =	ssyncset.done $0x0  }
0x185: {  	[sflag:s13] =	ssyncadd.s32 $0xFFFFE000  }
0x186: {  	[spmem:s21] =	stream.linear.scatter [tilespmem:s12], [sflag:$0x5], $0x2000, $0x38;
	[tilespmem:$0x1E800] =	vst v63  }
0x187: {  	_ =	swait.ge [sflag:s13], $0x2000  }
0x188: {  	[sflag:s13] =	ssyncset.done $0x0  }
0x189: {  	[sflag:s13] =	ssyncadd.s32 $0xFFFFE000  }
0x18a: {  	[spmem:s28] =	stream.linear.scatter [tilespmem:s12], [sflag:$0x5], $0x2000, $0x38;
	[tilespmem:$0x1E800] =	vst v63  }
0x18b: {  	_ =	swait.ge [sflag:s13], $0x2000  }
0x18c: {  	[sflag:s13] =	ssyncset.done $0x0  }
0x18d: {  	[sflag:s13] =	ssyncadd.s32 $0xFFFFE000  }
0x18e: {  	[spmem:s29] =	stream.linear.scatter [tilespmem:s12], [sflag:$0x5], $0x2000, $0x38;
	[tilespmem:$0x1E800] =	vst v63  }
0x18f: {  	_ =	swait.ge [sflag:s13], $0x2000  }
0x190: {  	[sflag:s13] =	ssyncset.done $0x0  }
0x191: {  	[sflag:s13] =	ssyncadd.s32 $0xFFFFE000  }
0x192: {  	[spmem:s31] =	stream.linear.scatter [tilespmem:s12], [sflag:$0x5], $0x2000, $0x38;
	[tilespmem:$0x1E800] =	vst v63  }
0x193: {  	_ =	swait.ge [sflag:s13], $0x2000  }
0x194: {  	[sflag:s13] =	ssyncset.done $0x0  }
0x195: {  	s17 =	rddreg [dreg:$0x1d];
	[sflag:s13] =	ssyncadd.s32 $0xFFFFE000  }
0x196: {  	[spmem:s17] =	stream.linear.scatter [tilespmem:s12], [sflag:$0x5], $0x2000, $0x38;
	[tilespmem:$0x1E800] =	vst v63  }
0x197: {  	_ =	swait.ge [sflag:s13], $0x2000  }
0x198: {  	[sflag:s13] =	ssyncset.done $0x0  }
0x199: {  	s17 =	rddreg [dreg:$0x1e];
	[sflag:s13] =	ssyncadd.s32 $0xFFFFE000  }
0x19a: {  	[spmem:s17] =	stream.linear.scatter [tilespmem:s12], [sflag:$0x5], $0x2000, $0x38;
	[tilespmem:$0x1E800] =	vst v63  }
0x19b: {  	_ =	swait.ge [sflag:s13], $0x2000  }
0x19c: {  	[sflag:s13] =	ssyncset.done $0x0  }
0x19d: {  	s17 =	rddreg [dreg:$0x1f];
	[sflag:s13] =	ssyncadd.s32 $0xFFFFE000  }
0x19e: {  	[spmem:s17] =	stream.linear.scatter [tilespmem:s12], [sflag:$0x5], $0x2000, $0x38;
	[tilespmem:$0x1E800] =	vst v63  }
0x19f: {  	_ =	swait.ge [sflag:s13], $0x2000  }
0x1a0: {  	s17 =	sld [smem:$0x7F7]  }
0x1a1: {  	[sflag:s13] =	ssyncset.done $0x0  }
0x1a2: {  	[sflag:s13] =	ssyncadd.s32 $0xFFFFE000  }
0x1a3: {  	[spmem:s17] =	stream.linear.scatter [tilespmem:s12], [sflag:$0x5], $0x2000, $0x38;
	[tilespmem:$0x1E800] =	vst v63  }
0x1a4: {  	_ =	swait.ge [sflag:s13], $0x2000  }
0x1a5: {  	s17 =	sld [smem:$0x7F8]  }
0x1a6: {  	[sflag:s13] =	ssyncset.done $0x0  }
0x1a7: {  	[sflag:s13] =	ssyncadd.s32 $0xFFFFE000  }
0x1a8: {  	[spmem:s17] =	stream.linear.scatter [tilespmem:s12], [sflag:$0x5], $0x2000, $0x38;
	[tilespmem:$0x1E800] =	vst v63  }
0x1a9: {  	_ =	swait.ge [sflag:s13], $0x2000  }
0x1aa: {  	[sflag:s13] =	ssyncset.done $0x0  }
0x1ab: {  	s6 =	simm.s32 $0x0;
	s17 =	simm.s32 $0x200;
	[sflag:s13] =	ssyncadd.s32 $0xFFFFE000  }
.LBB2_10:
0x1ac: {  	p0 =	sne.s32 s17, $0x7E00;
	[tilespmem:s6+$0x18870] =	vst v1  }
0x1ad: {  	[tilespmem:s6+$0x18800] =	vst v1  }
0x1ae: {  	[tilespmem:s6+$0x18810] =	vst v1  }
.Ltmp4:
0x1af: {  	[tilespmem:s6+$0x18820] =	vst v1;
	(pc) =	sbr.rel @p0 .LBB2_10-.Ltmp4, $4  }
0x1b0: {  	[tilespmem:s6+$0x18830] =	vst v1  }
0x1b1: {  	[tilespmem:s6+$0x18840] =	vst v1  }
0x1b2: {  	[tilespmem:s6+$0x18850] =	vst v1  }
0x1b3: {  	[tilespmem:s6+$0x18860] =	vst v1;
	s6 =	sshra.s32 s17, $0x2;
	s17 =	sadd.s32 $0x200, s17  }
0x1b4: {  	[tilespmem:s6+$0x18870] =	vst v1  }
0x1b5: {  	[tilespmem:s6+$0x18800] =	vst v1  }
0x1b6: {  	[tilespmem:s6+$0x18810] =	vst v1  }
0x1b7: {  	[tilespmem:s6+$0x18820] =	vst v1  }
0x1b8: {  	[tilespmem:s6+$0x18830] =	vst v1  }
0x1b9: {  	[tilespmem:s6+$0x18840] =	vst v1  }
0x1ba: {  	[tilespmem:s6+$0x18850] =	vst v1  }
0x1bb: {  	[tilespmem:s6+$0x18860] =	vst v1  }
0x1bc: {  	[bflag:$0x0] =	sbarrier.arrive $0xFFFF  }
0x1bd: {  	s17 =	sld [smem:$0x7FC];
	_ =	sdelay $0x1  }
0x1be: {  	s6 =	simm.s32 $0x0  }
0x1bf: {  	[tilespmem:s15], [sflag:$0x5] =	stream.linear.gather [hbm4b:s17+s6], $0x1400, $0x38;
	[tilespmem:$0x1E800] =	vst v63  }
0x1c0: {  	_ =	swait.ge [sflag:s13], $0x1400  }
0x1c1: {  	[sflag:s13] =	ssyncset.done $0x0  }
0x1c2: {  	s17 =	simm.s32 $0x15400;
	[sflag:s13] =	ssyncadd.s32 $0xFFFFEC00  }
0x1c3: {  	[spmem:s23] =	stream.indirect.scatter.add.f32 [tilespmem:s19], [sflag:$0x5], $0x80, s17, s16, $0xb8;
	[tilespmem:$0x1E800] =	vst v63  }
0x1c4: {  	s6 =	simm.s32 $0x200;
	_ =	swait.ge [sflag:s13], $0x2000  }
.LBB2_12:
0x1c5: {  	s17 =	sshra.s32 s6, $0x2;
	[sflag:s13] =	ssyncset.done $0x0;
	p0 =	sne.s32 s6, $0x4E00  }
.Ltmp5:
0x1c6: {  	s17 =	sadd.s32 $0x15400, s17;
	[sflag:s13] =	ssyncadd.s32 $0xFFFFE000;
	(pc) =	sbr.rel @p0 .LBB2_12-.Ltmp5, $3  }
0x1c7: {  	[spmem:s23] =	stream.indirect.scatter.add.f32 [tilespmem:s19], [sflag:$0x5], $0x80, s17, s16, $0xb8;
	[tilespmem:$0x1E800] =	vst v63  }
0x1c8: {  	s6 =	sadd.s32 $0x200, s6;
	_ =	sdelay $0x1  }
0x1c9: {  	_ =	swait.ge [sflag:s13], $0x2000  }
0x1ca: {  	s17 =	sld [smem:$0x7FA]  }
0x1cb: {  	[sflag:s13] =	ssyncset.done $0x0  }
0x1cc: {  	s6 =	simm.s32 $0x0;
	[sflag:s13] =	ssyncadd.s32 $0xFFFFE000  }
0x1cd: {  	[tilespmem:s15], [sflag:$0x5] =	stream.linear.gather [hbm4b:s17+s6], $0x1400, $0x38;
	[tilespmem:$0x1E800] =	vst v63  }
0x1ce: {  	_ =	swait.ge [sflag:s13], $0x1400  }
0x1cf: {  	[sflag:s13] =	ssyncset.done $0x0  }
0x1d0: {  	s17 =	simm.s32 $0x15400;
	[sflag:s13] =	ssyncadd.s32 $0xFFFFEC00  }
0x1d1: {  	[spmem:s23] =	stream.indirect.scatter.add.f32 [tilespmem:s19], [sflag:$0x5], $0x80, s17, s16, $0xb8;
	[tilespmem:$0x1E800] =	vst v63  }
0x1d2: {  	s6 =	simm.s32 $0x200;
	_ =	swait.ge [sflag:s13], $0x2000  }
.LBB2_14:
0x1d3: {  	s17 =	sshra.s32 s6, $0x2;
	[sflag:s13] =	ssyncset.done $0x0;
	p0 =	sne.s32 s6, $0x4E00  }
.Ltmp6:
0x1d4: {  	s17 =	sadd.s32 $0x15400, s17;
	[sflag:s13] =	ssyncadd.s32 $0xFFFFE000;
	(pc) =	sbr.rel @p0 .LBB2_14-.Ltmp6, $3  }
0x1d5: {  	[spmem:s23] =	stream.indirect.scatter.add.f32 [tilespmem:s19], [sflag:$0x5], $0x80, s17, s16, $0xb8;
	[tilespmem:$0x1E800] =	vst v63  }
0x1d6: {  	s6 =	sadd.s32 $0x200, s6;
	_ =	sdelay $0x1  }
0x1d7: {  	_ =	swait.ge [sflag:s13], $0x2000  }
0x1d8: {  	s17 =	sld [smem:$0x7FB]  }
0x1d9: {  	[sflag:s13] =	ssyncset.done $0x0  }
0x1da: {  	s6 =	simm.s32 $0x0;
	[sflag:s13] =	ssyncadd.s32 $0xFFFFE000  }
0x1db: {  	[tilespmem:s15], [sflag:$0x5] =	stream.linear.gather [hbm4b:s17+s6], $0x1400, $0x38;
	[tilespmem:$0x1E800] =	vst v63  }
0x1dc: {  	_ =	swait.ge [sflag:s13], $0x1400  }
0x1dd: {  	[sflag:s13] =	ssyncset.done $0x0  }
0x1de: {  	s17 =	simm.s32 $0x15400;
	[sflag:s13] =	ssyncadd.s32 $0xFFFFEC00  }
0x1df: {  	[spmem:s23] =	stream.indirect.scatter.add.f32 [tilespmem:s19], [sflag:$0x5], $0x80, s17, s16, $0xb8;
	[tilespmem:$0x1E800] =	vst v63  }
0x1e0: {  	s6 =	simm.s32 $0x200;
	_ =	swait.ge [sflag:s13], $0x2000  }
.LBB2_16:
0x1e1: {  	s17 =	sshra.s32 s6, $0x2;
	[sflag:s13] =	ssyncset.done $0x0;
	p0 =	sne.s32 s6, $0x4E00  }
.Ltmp7:
0x1e2: {  	s17 =	sadd.s32 $0x15400, s17;
	[sflag:s13] =	ssyncadd.s32 $0xFFFFE000;
	(pc) =	sbr.rel @p0 .LBB2_16-.Ltmp7, $3  }
0x1e3: {  	[spmem:s23] =	stream.indirect.scatter.add.f32 [tilespmem:s19], [sflag:$0x5], $0x80, s17, s16, $0xb8;
	[tilespmem:$0x1E800] =	vst v63  }
0x1e4: {  	s6 =	sadd.s32 $0x200, s6;
	_ =	sdelay $0x1  }
0x1e5: {  	_ =	swait.ge [sflag:s13], $0x2000  }
0x1e6: {  	s17 =	sld [smem:$0x7FD]  }
0x1e7: {  	[sflag:s13] =	ssyncset.done $0x0  }
0x1e8: {  	s6 =	simm.s32 $0x0;
	[sflag:s13] =	ssyncadd.s32 $0xFFFFE000  }
0x1e9: {  	[tilespmem:s15], [sflag:$0x5] =	stream.linear.gather [hbm4b:s17+s6], $0x1400, $0x38;
	[tilespmem:$0x1E800] =	vst v63  }
0x1ea: {  	_ =	swait.ge [sflag:s13], $0x1400  }
0x1eb: {  	[sflag:s13] =	ssyncset.done $0x0  }
0x1ec: {  	s17 =	simm.s32 $0x15400;
	[sflag:s13] =	ssyncadd.s32 $0xFFFFEC00  }
0x1ed: {  	[spmem:s23] =	stream.indirect.scatter.add.f32 [tilespmem:s19], [sflag:$0x5], $0x80, s17, s16, $0xb8;
	[tilespmem:$0x1E800] =	vst v63  }
0x1ee: {  	s6 =	simm.s32 $0x200;
	_ =	swait.ge [sflag:s13], $0x2000  }
.LBB2_18:
0x1ef: {  	s17 =	sshra.s32 s6, $0x2;
	[sflag:s13] =	ssyncset.done $0x0;
	p0 =	sne.s32 s6, $0x4E00  }
.Ltmp8:
0x1f0: {  	s17 =	sadd.s32 $0x15400, s17;
	[sflag:s13] =	ssyncadd.s32 $0xFFFFE000;
	(pc) =	sbr.rel @p0 .LBB2_18-.Ltmp8, $3  }
0x1f1: {  	[spmem:s23] =	stream.indirect.scatter.add.f32 [tilespmem:s19], [sflag:$0x5], $0x80, s17, s16, $0xb8;
	[tilespmem:$0x1E800] =	vst v63  }
0x1f2: {  	s6 =	sadd.s32 $0x200, s6;
	_ =	sdelay $0x1  }
0x1f3: {  	_ =	swait.ge [sflag:s13], $0x2000  }
0x1f4: {  	[sflag:s13] =	ssyncset.done $0x0  }
0x1f5: {  	[sflag:s13] =	ssyncadd.s32 $0xFFFFE000  }
0x1f6: {  	[bflag:$0x0] =	sbarrier.arrive $0xFFFF  }
0x1f7: {  	[tilespmem:s12], [sflag:$0x5] =	stream.linear.gather [spmem:s18], $0x2000, $0x38;
	[tilespmem:$0x1E800] =	vst v63  }
0x1f8: {  	_ =	swait.ge [sflag:s13], $0x2000  }
0x1f9: {  	[sflag:s13] =	ssyncset.done $0x0  }
0x1fa: {  	s6 =	simm.s32 $0x0;
	s17 =	rddreg [dreg:$0xe];
	[sflag:s13] =	ssyncadd.s32 $0xFFFFE000  }
0x1fb: {  	[hbm4b:s17+s6] =	stream.linear.scatter [tilespmem:s12], [sflag:$0x5], $0x2000, $0x38;
	[tilespmem:$0x1E800] =	vst v63  }
0x1fc: {  	_ =	swait.ge [sflag:s13], $0x2000  }
0x1fd: {  	[sflag:s13] =	ssyncset.done $0x0  }
0x1fe: {  	[sflag:s13] =	ssyncadd.s32 $0xFFFFE000  }
0x1ff: {  	[tilespmem:s12], [sflag:$0x5] =	stream.linear.gather [spmem:s21], $0x2000, $0x38;
	[tilespmem:$0x1E800] =	vst v63  }
0x200: {  	_ =	swait.ge [sflag:s13], $0x2000  }
0x201: {  	[sflag:s13] =	ssyncset.done $0x0  }
0x202: {  	s17 =	rddreg [dreg:$0xf];
	[sflag:s13] =	ssyncadd.s32 $0xFFFFE000  }
0x203: {  	[hbm4b:s17+s6] =	stream.linear.scatter [tilespmem:s12], [sflag:$0x5], $0x2000, $0x38;
	[tilespmem:$0x1E800] =	vst v63  }
0x204: {  	_ =	swait.ge [sflag:s13], $0x2000  }
0x205: {  	[sflag:s13] =	ssyncset.done $0x0  }
0x206: {  	[sflag:s13] =	ssyncadd.s32 $0xFFFFE000  }
0x207: {  	[tilespmem:s12], [sflag:$0x5] =	stream.linear.gather [spmem:s28], $0x2000, $0x38;
	[tilespmem:$0x1E800] =	vst v63  }
0x208: {  	_ =	swait.ge [sflag:s13], $0x2000  }
0x209: {  	[sflag:s13] =	ssyncset.done $0x0  }
0x20a: {  	s17 =	rddreg [dreg:$0x10];
	[sflag:s13] =	ssyncadd.s32 $0xFFFFE000  }
0x20b: {  	[hbm4b:s17+s6] =	stream.linear.scatter [tilespmem:s12], [sflag:$0x5], $0x2000, $0x38;
	[tilespmem:$0x1E800] =	vst v63  }
0x20c: {  	_ =	swait.ge [sflag:s13], $0x2000  }
0x20d: {  	[sflag:s13] =	ssyncset.done $0x0  }
0x20e: {  	[sflag:s13] =	ssyncadd.s32 $0xFFFFE000  }
0x20f: {  	[tilespmem:s12], [sflag:$0x5] =	stream.linear.gather [spmem:s29], $0x2000, $0x38;
	[tilespmem:$0x1E800] =	vst v63  }
0x210: {  	_ =	swait.ge [sflag:s13], $0x2000  }
0x211: {  	[sflag:s13] =	ssyncset.done $0x0  }
0x212: {  	s17 =	rddreg [dreg:$0x11];
	[sflag:s13] =	ssyncadd.s32 $0xFFFFE000  }
0x213: {  	[hbm4b:s17+s6] =	stream.linear.scatter [tilespmem:s12], [sflag:$0x5], $0x2000, $0x38;
	[tilespmem:$0x1E800] =	vst v63  }
0x214: {  	_ =	swait.ge [sflag:s13], $0x2000  }
0x215: {  	[sflag:s13] =	ssyncset.done $0x0  }
0x216: {  	[sflag:s13] =	ssyncadd.s32 $0xFFFFE000  }
0x217: {  	[tilespmem:s12], [sflag:$0x5] =	stream.linear.gather [spmem:s31], $0x2000, $0x38;
	[tilespmem:$0x1E800] =	vst v63  }
0x218: {  	_ =	swait.ge [sflag:s13], $0x2000  }
0x219: {  	[sflag:s13] =	ssyncset.done $0x0  }
0x21a: {  	s17 =	rddreg [dreg:$0x12];
	[sflag:s13] =	ssyncadd.s32 $0xFFFFE000  }
0x21b: {  	[hbm4b:s17+s6] =	stream.linear.scatter [tilespmem:s12], [sflag:$0x5], $0x2000, $0x38;
	[tilespmem:$0x1E800] =	vst v63  }
0x21c: {  	_ =	swait.ge [sflag:s13], $0x2000  }
0x21d: {  	[sflag:s13] =	ssyncset.done $0x0  }
0x21e: {  	s17 =	rddreg [dreg:$0x1d];
	[sflag:s13] =	ssyncadd.s32 $0xFFFFE000  }
0x21f: {  	[tilespmem:s12], [sflag:$0x5] =	stream.linear.gather [spmem:s17], $0x2000, $0x38;
	[tilespmem:$0x1E800] =	vst v63  }
0x220: {  	_ =	swait.ge [sflag:s13], $0x2000  }
0x221: {  	[sflag:s13] =	ssyncset.done $0x0  }
0x222: {  	s17 =	rddreg [dreg:$0x13];
	[sflag:s13] =	ssyncadd.s32 $0xFFFFE000  }
0x223: {  	[hbm4b:s17+s6] =	stream.linear.scatter [tilespmem:s12], [sflag:$0x5], $0x2000, $0x38;
	[tilespmem:$0x1E800] =	vst v63  }
0x224: {  	_ =	swait.ge [sflag:s13], $0x2000  }
0x225: {  	[sflag:s13] =	ssyncset.done $0x0  }
0x226: {  	s17 =	rddreg [dreg:$0x1e];
	[sflag:s13] =	ssyncadd.s32 $0xFFFFE000  }
0x227: {  	[tilespmem:s12], [sflag:$0x5] =	stream.linear.gather [spmem:s17], $0x2000, $0x38;
	[tilespmem:$0x1E800] =	vst v63  }
0x228: {  	_ =	swait.ge [sflag:s13], $0x2000  }
0x229: {  	[sflag:s13] =	ssyncset.done $0x0  }
0x22a: {  	s17 =	rddreg [dreg:$0x14];
	[sflag:s13] =	ssyncadd.s32 $0xFFFFE000  }
0x22b: {  	[hbm4b:s17+s6] =	stream.linear.scatter [tilespmem:s12], [sflag:$0x5], $0x2000, $0x38;
	[tilespmem:$0x1E800] =	vst v63  }
0x22c: {  	_ =	swait.ge [sflag:s13], $0x2000  }
0x22d: {  	[sflag:s13] =	ssyncset.done $0x0  }
0x22e: {  	s17 =	rddreg [dreg:$0x1f];
	[sflag:s13] =	ssyncadd.s32 $0xFFFFE000  }
0x22f: {  	[tilespmem:s12], [sflag:$0x5] =	stream.linear.gather [spmem:s17], $0x2000, $0x38;
	[tilespmem:$0x1E800] =	vst v63  }
0x230: {  	_ =	swait.ge [sflag:s13], $0x2000  }
0x231: {  	[sflag:s13] =	ssyncset.done $0x0  }
0x232: {  	s17 =	rddreg [dreg:$0x15];
	[sflag:s13] =	ssyncadd.s32 $0xFFFFE000  }
0x233: {  	[hbm4b:s17+s6] =	stream.linear.scatter [tilespmem:s12], [sflag:$0x5], $0x2000, $0x38;
	[tilespmem:$0x1E800] =	vst v63  }
0x234: {  	_ =	swait.ge [sflag:s13], $0x2000  }
0x235: {  	s17 =	sld [smem:$0x7F7]  }
0x236: {  	[sflag:s13] =	ssyncset.done $0x0  }
0x237: {  	[sflag:s13] =	ssyncadd.s32 $0xFFFFE000  }
0x238: {  	[tilespmem:s12], [sflag:$0x5] =	stream.linear.gather [spmem:s17], $0x2000, $0x38;
	[tilespmem:$0x1E800] =	vst v63  }
0x239: {  	_ =	swait.ge [sflag:s13], $0x2000  }
0x23a: {  	[sflag:s13] =	ssyncset.done $0x0  }
0x23b: {  	s17 =	rddreg [dreg:$0x16];
	[sflag:s13] =	ssyncadd.s32 $0xFFFFE000  }
0x23c: {  	[hbm4b:s17+s6] =	stream.linear.scatter [tilespmem:s12], [sflag:$0x5], $0x2000, $0x38;
	[tilespmem:$0x1E800] =	vst v63  }
0x23d: {  	_ =	swait.ge [sflag:s13], $0x2000  }
0x23e: {  	s17 =	sld [smem:$0x7F8]  }
0x23f: {  	[sflag:s13] =	ssyncset.done $0x0  }
0x240: {  	[sflag:s13] =	ssyncadd.s32 $0xFFFFE000  }
0x241: {  	[tilespmem:s12], [sflag:$0x5] =	stream.linear.gather [spmem:s17], $0x2000, $0x38;
	[tilespmem:$0x1E800] =	vst v63  }
0x242: {  	_ =	swait.ge [sflag:s13], $0x2000  }
0x243: {  	[sflag:s13] =	ssyncset.done $0x0  }
0x244: {  	s17 =	rddreg [dreg:$0x17];
	[sflag:s13] =	ssyncadd.s32 $0xFFFFE000  }
0x245: {  	[hbm4b:s17+s6] =	stream.linear.scatter [tilespmem:s12], [sflag:$0x5], $0x2000, $0x38;
	[tilespmem:$0x1E800] =	vst v63  }
0x246: {  	_ =	swait.ge [sflag:s13], $0x2000  }
0x247: {  	s6 =	sld [smem:$0x7F6];
	_ =	sdelay $0x2  }
0x248: {  	s17 =	sadd.s32 $0x1, s6;
	s6 =	sld [smem:$0x7F9];
	_ =	sdelay $0x2  }
0x249: {  	p0 =	sne.s32 s17, s6  }
.Ltmp9:
0x24a: {  	_ = 	snop;
	(pc) =	sbr.rel @p0 .LBB2_1-.Ltmp9, $3  }
0x24b: {  	_ =	sdelay $0x1  }
0x24c: {  	[sflag:s13] =	ssyncset.done $0x0  }
0x24d: {  	[sflag:s13] =	ssyncadd.s32 $0xFFFFE000  }
0x24e: {  	_ =	sfence.sel $0x180000  }
0x24f: {  	[bflag:$0x0] =	sbarrier.arrive $0xFFFF  }
0x250: {  	_ =	strace $0x90000047  }
0x251: {  	s0 =	stileid.u32;
	[bflag:$0x2] =	sbarrier.arrive $0xFFFF  }
0x252: {  	p0 =	sne.s32 s0, $0x0;
	s0 =	rddreg [dreg:$0x3]  }
0x253: {  	s0 =	sadd.s32 @!p0 $0x100000, s0  }
0x254: {  	[sflag:s0] =	ssyncadd.tile.s32 @!p0 $0x1;
	_ =	shalt  }
.Lfunc_end2:
_tile_overlayer_lowered:
.L_overlay_start_2:
0x255: {  	(tag) =	ssettag $0x2  }
0x256: {  	s0 =	rddreg [dreg:$0x0];
	s2 =	stileid.u32  }
0x257: {  	s1 =	rddreg [dreg:$0x1];
	p0 =	sne.s32 s2, $0x0  }
0x258: {  	s3 =	rddreg [dreg:$0x2];
	[bflag:$0x3] =	sbarrier.arrive $0xFFFF;
	s2 =	simm.s32 @!p0 $0x1C05  }
0x259: {  	[timem:s3], [sflag:s2] =	dma.local @!p0 [hbm:s0], s1  }
0x25a: {  	s0 =	simm.s32 @!p0 $0x5  }
0x25b: {  	_ =	swait.ge @!p0 [sflag:s0], s1  }
0x25c: {  	s1 =	ssub.s32 @!p0 $0x0, s1;
	[sflag:s0] =	ssyncset.done @!p0 $0x0  }
0x25d: {  	[sflag:s0] =	ssyncadd.s32 @!p0 s1  }
0x25e: {  	[bflag:$0x3] =	sbarrier.arrive $0xFFFF  }
0x25f: {  	_ =	shalt  }

</sc_bundles>
